<compile_context>
chip_gen: v7x
topology: tpu7x:2x2x1
jax: 0.10.2.dev20260603
libtpu: 0.0.44.dev20260713+nightly
codegen_flags: <defaults>
</compile_context>

<pallas_src>
import functools

import jax
import jax.numpy as jnp
from jax import lax
from jax.experimental import pallas as pl
from jax.experimental.pallas import tpu as pltpu
from jax.experimental.pallas import tpu_sc as plsc

NC = 2
NS = 16
NW = NC * NS
CH = 128

_SC_PARAMS = pltpu.CompilerParams(use_tc_tiling_on_sc=False)


def _sc_degree(ep, zeros8, ones8, R, iters):
    rpt = R // NS
    mesh = plsc.VectorSubcoreMesh(core_axis_name="c", subcore_axis_name="s")
    K = 8
    rounds = iters // K

    @functools.partial(
        pl.kernel,
        out_type=jax.ShapeDtypeStruct((NC, R, 8), jnp.float32),
        mesh=mesh,
        scratch_types=[
            pltpu.VMEM((iters, CH), jnp.int32),
            pltpu.VMEM((K, CH), jnp.int32),
            pltpu.VMEM((CH, 8), jnp.float32),
            pltpu.VMEM((rpt, 8), jnp.float32),
            pltpu.VMEM_SHARED((R, 8), jnp.float32),
            pltpu.SemaphoreType.DMA,
        ],
        compiler_params=_SC_PARAMS,
    )
    def k(ep_hbm, zeros_hbm, ones_hbm, out_hbm, ep_v, idxd32, ones_v,
          chunk_v, hist, sem):
        cid = lax.axis_index("c")
        sid = lax.axis_index("s")
        wid = sid * NC + cid
        row = pl.ds(sid * rpt, rpt)
        pltpu.sync_copy(zeros_hbm.at[row], chunk_v)
        pltpu.sync_copy(chunk_v, hist.at[row])
        pltpu.sync_copy(ep_hbm.at[pl.ds(wid * iters, iters)], ep_v)
        pltpu.sync_copy(ones_hbm, ones_v)
        plsc.subcore_barrier()

        def body(g, carry):
            for b in range(K):
                for j in range(CH // 16):
                    v = ep_v[g * K + b, pl.ds(j * 16, 16)]
                    idxd32[b, pl.ds(j * 16, 16)] = v >> 16
                pltpu.async_copy(
                    ones_v, hist.at[idxd32.at[b]], sem, add=True)
            for b in range(K):
                pltpu.make_async_copy(
                    ones_v, hist.at[idxd32.at[0]], sem).wait()
            return carry

        lax.fori_loop(0, rounds, body, 0)
        plsc.subcore_barrier()
        pltpu.sync_copy(hist.at[row], chunk_v)
        pltpu.sync_copy(chunk_v, out_hbm.at[cid, row])

    return k(ep, zeros8, ones8)


def _sc_edge_pass(ep, table, zeros, R, W, shift, cpt, nb):
    rpt = R // NS
    mesh = plsc.VectorSubcoreMesh(core_axis_name="c", subcore_axis_name="s")
    NB = nb

    @functools.partial(
        pl.kernel,
        out_type=jax.ShapeDtypeStruct((NC, R, W), jnp.float32),
        mesh=mesh,
        scratch_types=(
            [pltpu.VMEM((cpt, CH), jnp.int32),
             pltpu.VMEM((NB, CH), jnp.int32),
             pltpu.VMEM((NB, CH), jnp.int32)]
            + [pltpu.VMEM((CH, W), jnp.float32) for _ in range(NB)]
            + [pltpu.VMEM_SHARED((R, W), jnp.float32),
               pltpu.VMEM_SHARED((R, W), jnp.float32)]
            + [pltpu.SemaphoreType.DMA for _ in range(2 * NB)]
        ),
        compiler_params=_SC_PARAMS,
    )
    def k(ep_hbm, table_hbm, zeros_hbm, out_hbm,
          ep_v, idxs32, idxd32, *bufs_and_sems):
        rows = bufs_and_sems[:NB]
        acc = bufs_and_sems[NB]
        table_sh = bufs_and_sems[NB + 1]
        semg = bufs_and_sems[NB + 2:NB + 2 + NB]
        sems = bufs_and_sems[NB + 2 + NB:]
        cid = lax.axis_index("c")
        sid = lax.axis_index("s")
        wid = sid * NC + cid
        row = pl.ds(sid * rpt, rpt)

        chunks = []
        o = 0
        while o < rpt:
            c = min(CH, rpt - o)
            chunks.append((o, c))
            o += c
        pltpu.sync_copy(table_hbm.at[row], table_sh.at[row])
        pltpu.sync_copy(zeros_hbm, rows[0])
        for (o, c) in chunks:
            pltpu.sync_copy(rows[0].at[pl.ds(0, c)],
                            acc.at[pl.ds(sid * rpt + o, c)])
        pltpu.sync_copy(ep_hbm.at[pl.ds(wid * cpt, cpt)], ep_v)
        plsc.subcore_barrier()

        def widen(b, i):
            for j in range(CH // 16):
                v = ep_v[i, pl.ds(j * 16, 16)]
                lo = v & 0xFFFF
                hi = v >> 16
                if shift:
                    lo = lo >> 1
                    hi = hi >> 1
                idxs32[b, pl.ds(j * 16, 16)] = lo
                idxd32[b, pl.ds(j * 16, 16)] = hi

        def body(g, carry):
            for b in range(NB):
                @pl.when(g > 0)
                def _drain():
                    pltpu.make_async_copy(
                        rows[b], acc.at[idxd32.at[0]], sems[b]).wait()
                widen(b, g * NB + b)
                pltpu.async_copy(
                    table_sh.at[idxs32.at[b]], rows[b], semg[b])
            for b in range(NB):
                pltpu.make_async_copy(
                    table_sh.at[idxs32.at[0]], rows[b], semg[b]).wait()
                pltpu.async_copy(
                    rows[b], acc.at[idxd32.at[b]], sems[b], add=True)
            return carry

        lax.fori_loop(0, cpt // NB, body, 0)
        for b in range(NB):
            pltpu.make_async_copy(
                rows[b], acc.at[idxd32.at[0]], sems[b]).wait()
        plsc.subcore_barrier()
        live = {}
        for z, (o, c) in enumerate(chunks):
            sl = pl.ds(sid * rpt + o, c)
            b = z % NB
            if b in live:
                pltpu.make_async_copy(
                    rows[b].at[pl.ds(0, live[b])],
                    out_hbm.at[cid, pl.ds(0, live[b])], semg[b]).wait()
            pltpu.sync_copy(acc.at[sl], rows[b].at[pl.ds(0, c)])
            pltpu.async_copy(rows[b].at[pl.ds(0, c)],
                             out_hbm.at[cid, sl], semg[b])
            live[b] = c
        for b, c in live.items():
            pltpu.make_async_copy(
                rows[b].at[pl.ds(0, c)],
                out_hbm.at[cid, pl.ds(0, c)], semg[b]).wait()

    return k(ep, table, zeros)


def _tc_prep_enc(x_pad, W, degp, B=640):
    R, D = x_pad.shape
    H = W.shape[1]

    def body(x_ref, w_ref, d_ref, o_ref):
        dinv = lax.rsqrt(d_ref[0, :, 0:1] + d_ref[1, :, 0:1] + 1.0)
        o_ref[...] = jnp.dot(x_ref[...], w_ref[...],
                             preferred_element_type=jnp.float32) * dinv

    return pl.pallas_call(
        body,
        grid=(R // B,),
        in_specs=[
            pl.BlockSpec((B, D), lambda i: (i, 0)),
            pl.BlockSpec((D, H), lambda i: (0, 0)),
            pl.BlockSpec((2, B, 8), lambda i: (0, i, 0)),
        ],
        out_specs=pl.BlockSpec((B, H), lambda i: (i, 0)),
        out_shape=jax.ShapeDtypeStruct((R, H), jnp.float32),
    )(x_pad, W, degp)


def _tc_mid(a0v, hsv, degv, W, b, B=640):
    Rc, H2 = hsv.shape
    H = H2 // 2
    D = W.shape[1]

    def body(a_ref, hs_ref, d_ref, w_ref, b_ref, o_ref):
        dl = d_ref[0, :, 0:1] + d_ref[1, :, 0:1] + 1.0
        dr = d_ref[0, :, 8:9] + d_ref[1, :, 8:9] + 1.0
        sl_ = (a_ref[0, :, :H] + a_ref[1, :, :H] + hs_ref[:, :H])
        sr_ = (a_ref[0, :, H:] + a_ref[1, :, H:] + hs_ref[:, H:])
        hl = jnp.maximum(sl_ * lax.rsqrt(dl) + b_ref[...], 0.0)
        hr = jnp.maximum(sr_ * lax.rsqrt(dr) + b_ref[...], 0.0)
        xc = 0.5 * (hl + hr)
        degc = dl + dr - 1.0
        o_ref[...] = jnp.dot(xc, w_ref[...],
                             preferred_element_type=jnp.float32) * lax.rsqrt(degc)

    return pl.pallas_call(
        body,
        grid=(Rc // B,),
        in_specs=[
            pl.BlockSpec((2, B, H2), lambda i: (0, i, 0)),
            pl.BlockSpec((B, H2), lambda i: (i, 0)),
            pl.BlockSpec((2, B, 16), lambda i: (0, i, 0)),
            pl.BlockSpec((H, D), lambda i: (0, 0)),
            pl.BlockSpec((1, H), lambda i: (0, 0)),
        ],
        out_specs=pl.BlockSpec((B, D), lambda i: (i, 0)),
        out_shape=jax.ShapeDtypeStruct((Rc, D), jnp.float32),
    )(a0v, hsv, degv, W, b)


def _tc_final(accc, hds, degv, b, B=640):
    Rc, D = hds.shape

    def body(a_ref, hds_ref, d_ref, b_ref, o_ref):
        dl = d_ref[0, :, 0:1] + d_ref[1, :, 0:1] + 1.0
        dr = d_ref[0, :, 8:9] + d_ref[1, :, 8:9] + 1.0
        degc = dl + dr - 1.0
        xd = ((a_ref[0] + a_ref[1] + hds_ref[...]) * lax.rsqrt(degc)
              + b_ref[...])
        o_ref[:, :D] = xd
        o_ref[:, D:] = xd

    return pl.pallas_call(
        body,
        grid=(Rc // B,),
        in_specs=[
            pl.BlockSpec((2, B, D), lambda i: (0, i, 0)),
            pl.BlockSpec((B, D), lambda i: (i, 0)),
            pl.BlockSpec((2, B, 16), lambda i: (0, i, 0)),
            pl.BlockSpec((1, D), lambda i: (0, 0)),
        ],
        out_specs=pl.BlockSpec((B, 2 * D), lambda i: (i, 0)),
        out_shape=jax.ShapeDtypeStruct((Rc, 2 * D), jnp.float32),
    )(accc, hds, degv, b)


def kernel(x, edge_index, batch, W_enc, b_enc, W_dec, b_dec):
    N, D = x.shape
    H = W_enc.shape[1]
    E = edge_index.shape[1]
    Nc = N // 2

    Rc = ((Nc + 1 + 255) // 256) * 256
    R = 2 * Rc
    S = -(-(-(-E // CH)) // (NS * 8)) * 8
    cpt = -(-(-(-S // NC)) // 4) * 4
    iters = NS * S // NW
    C_pad = max(NS * S, NW * cpt)
    pad_e = C_pad * CH - E

    epk = edge_index[0] | (edge_index[1] << 16)
    ep = jnp.concatenate(
        [epk, jnp.full((pad_e,), N | (N << 16), jnp.int32)]).reshape(-1, CH)

    zeros8 = jnp.zeros((R, 8), jnp.float32)
    ones8 = jnp.zeros((CH, 8), jnp.float32).at[:, 0].set(1.0)
    zf = jnp.zeros((CH, H), jnp.float32)
    zc = jnp.zeros((CH, D), jnp.float32)
    x_pad = jnp.concatenate([x, jnp.zeros((R - N, D), x.dtype)])

    degp = _sc_degree(ep, zeros8, ones8, R, iters)
    hs = _tc_prep_enc(x_pad, W_enc, degp)
    accf = _sc_edge_pass(ep, hs, zf, R, H, False, cpt, 4)

    degv = degp.reshape(NC, Rc, 16)
    hds = _tc_mid(accf.reshape(NC, Rc, 2 * H),
                  hs.reshape(Rc, 2 * H), degv, W_dec, b_enc.reshape(1, H))
    accc = _sc_edge_pass(ep, hds, zc, Rc, D, True, cpt, 2)
    outd = _tc_final(accc, hds, degv, b_dec.reshape(1, D))

    return outd[:Nc].reshape(N, D)

# --- scband reference (transcript-rebuilt; emitter-appended) ---
"""Pipeline reference for scband-cmgautoencoder-90117003805173 (READ-ONLY COPY).

The authoritative reference and input builder live on the scoring server;
editing this copy changes nothing except your own understanding.
"""

import jax, jax.numpy as jnp
import numpy as np

N = 10000
E = 320000
D = 128
H = 64


def setup_inputs(seed: int = 0) -> dict:
    key = jax.random.key(seed)
    k1, k2, k3, k4 = jax.random.split(key, 4)
    x = jax.random.normal(k1, (N, D), dtype=jnp.float32)
    edge_index = jax.random.randint(k2, (2, E), 0, N, dtype=jnp.int32)
    batch = jnp.zeros((N,), dtype=jnp.int32)
    W_enc = jax.random.normal(k3, (D, H), dtype=jnp.float32) * 0.05
    b_enc = jnp.zeros((H,), dtype=jnp.float32)
    W_dec = jax.random.normal(k4, (H, D), dtype=jnp.float32) * 0.05
    b_dec = jnp.zeros((D,), dtype=jnp.float32)
    return {"x": x, "edge_index": edge_index, "batch": batch,
            "W_enc": W_enc, "b_enc": b_enc, "W_dec": W_dec, "b_dec": b_dec}


def gcn_conv(x, edge_index, W, b, n):
    # GCNConv: D^{-1/2} (A + I) D^{-1/2} X W + b
    src = edge_index[0]
    dst = edge_index[1]
    loops = jnp.arange(n, dtype=src.dtype)
    src = jnp.concatenate([src, loops])
    dst = jnp.concatenate([dst, loops])
    deg = jnp.zeros((n,), dtype=x.dtype).at[dst].add(1.0)
    dinv = 1.0 / jnp.sqrt(deg)
    norm = dinv[src] * dinv[dst]
    h = x @ W
    msg = h[src] * norm[:, None]
    out = jax.ops.segment_sum(msg, dst, num_segments=n)
    return out + b


def reference(x, edge_index, batch, W_enc, b_enc, W_dec, b_dec):
    n = x.shape[0]
    # encoder GCN + relu
    h = jax.nn.relu(gcn_conv(x, edge_index, W_enc, b_enc, n))
    # CMGPooling: cluster assignment P (pairwise coarsening), mean-pool per cluster
    assign = jnp.arange(n, dtype=jnp.int32) // 2
    nc = n // 2
    counts = jax.ops.segment_sum(jnp.ones((n,), dtype=h.dtype), assign, num_segments=nc)
    x_c = jax.ops.segment_sum(h, assign, num_segments=nc) / counts[:, None]
    edge_index_c = assign[edge_index]
    batch_c = batch[0::2]
    # decoder GCN on coarse graph
    x_d = gcn_conv(x_c, edge_index_c, W_dec, b_dec, nc)
    # CMGUnpooling: x_rec = P @ x_d (gather by assignment)
    x_rec = x_d[assign]
    return x_rec

if __name__ == "__main__":
    import jax
    _d = setup_inputs()
    print(jax.jit(kernel)(*tuple(_d.values())))

</pallas_src>

<mosaic_0001>
#map = affine_map<(d0, d1) -> (0, 0)>
#map1 = affine_map<(d0, d1) -> (0, 0, 0)>
module attributes {stable_mosaic.version = 14 : i64} {
  func.func @k(%arg0: i32, %arg1: i32, %arg2: memref<2560x128xi32, #tpu.memory_space<hbm>>, %arg3: memref<5120x128xf32, #tpu.memory_space<hbm>>, %arg4: memref<128x128xf32, #tpu.memory_space<hbm>>, %arg5: memref<2x5120x128xf32, #tpu.memory_space<hbm>>, %arg6: memref<80x128xi32, #tpu.memory_space<vmem>>, %arg7: memref<2x128xi32, #tpu.memory_space<vmem>>, %arg8: memref<2x128xi32, #tpu.memory_space<vmem>>, %arg9: memref<128x128xf32, #tpu.memory_space<vmem>>, %arg10: memref<128x128xf32, #tpu.memory_space<vmem>>, %arg11: memref<5120x128xf32, #tpu.memory_space<vmem_shared>>, %arg12: memref<5120x128xf32, #tpu.memory_space<vmem_shared>>, %arg13: memref<!tpu.dma_semaphore, #tpu.memory_space<semaphore_mem>>, %arg14: memref<!tpu.dma_semaphore, #tpu.memory_space<semaphore_mem>>, %arg15: memref<!tpu.dma_semaphore, #tpu.memory_space<semaphore_mem>>, %arg16: memref<!tpu.dma_semaphore, #tpu.memory_space<semaphore_mem>>) attributes {dimension_semantics = [#tpu.dimension_semantics<core_parallel>, #tpu.dimension_semantics<subcore_parallel>], iteration_bounds = array<i64: 2, 16>, scalar_prefetch = 0 : i64, scratch_operands = 11 : i64, tpu.core_type = #tpu.core_type<sc_vector_subcore>, window_params = [{transform_indices = #map}, {transform_indices = #map}, {transform_indices = #map}, {transform_indices = #map1}]} {
    %mul3A = arith.constant 2 : i32
    %mul3A_0 = arith.muli %arg1, %mul3A : i32
    %add3A = arith.addi %mul3A_0, %arg0 : i32
    %mul3A_1 = arith.constant 320 : i32
    %mul3A_2 = arith.muli %arg1, %mul3A_1 : i32
    "tpu.region"() ({
      %run_scoped3A = tpu.sem_alloc : memref<!tpu.dma_semaphore, #tpu.memory_space<semaphore_mem>>
      %dma_start3A_125 = arith.constant 0 : i32
      %dma_start3A_126 = tpu.memref_slice %arg12[%mul3A_2, %dma_start3A_125] : memref<5120x128xf32, #tpu.memory_space<vmem_shared>> -> memref<320x128xf32, #tpu.memory_space<vmem_shared>>
      %dma_start3A_127 = arith.constant 0 : i32
      %dma_start3A_128 = tpu.memref_slice %arg3[%mul3A_2, %dma_start3A_127] : memref<5120x128xf32, #tpu.memory_space<hbm>> -> memref<320x128xf32, #tpu.memory_space<hbm>>
      tpu.enqueue_dma source(%dma_start3A_128 : memref<320x128xf32, #tpu.memory_space<hbm>>) target(%dma_start3A_126 : memref<320x128xf32, #tpu.memory_space<vmem_shared>>) target_semaphore(%run_scoped3A : memref<!tpu.dma_semaphore, #tpu.memory_space<semaphore_mem>>)
      %dma_wait3A_129 = arith.constant 0 : i32
      %dma_wait3A_130 = tpu.memref_slice %arg12[%mul3A_2, %dma_wait3A_129] : memref<5120x128xf32, #tpu.memory_space<vmem_shared>> -> memref<320x128xf32, #tpu.memory_space<vmem_shared>>
      %dma_wait3A_131 = arith.constant 0 : i32
      %dma_wait3A_132 = tpu.memref_slice %arg3[%mul3A_2, %dma_wait3A_131] : memref<5120x128xf32, #tpu.memory_space<hbm>> -> memref<320x128xf32, #tpu.memory_space<hbm>>
      tpu.wait_dma2 semaphore(%run_scoped3A : memref<!tpu.dma_semaphore, #tpu.memory_space<semaphore_mem>>) src(%dma_wait3A_132 : memref<320x128xf32, #tpu.memory_space<hbm>>) dst(%dma_wait3A_130 : memref<320x128xf32, #tpu.memory_space<vmem_shared>>)
      tpu.yield
    }) : () -> ()
    "tpu.region"() ({
      %run_scoped3A = tpu.sem_alloc : memref<!tpu.dma_semaphore, #tpu.memory_space<semaphore_mem>>
      tpu.enqueue_dma source(%arg4 : memref<128x128xf32, #tpu.memory_space<hbm>>) target(%arg9 : memref<128x128xf32, #tpu.memory_space<vmem>>) target_semaphore(%run_scoped3A : memref<!tpu.dma_semaphore, #tpu.memory_space<semaphore_mem>>)
      tpu.wait_dma2 semaphore(%run_scoped3A : memref<!tpu.dma_semaphore, #tpu.memory_space<semaphore_mem>>) src(%arg4 : memref<128x128xf32, #tpu.memory_space<hbm>>) dst(%arg9 : memref<128x128xf32, #tpu.memory_space<vmem>>)
      tpu.yield
    }) : () -> ()
    %mul3A_3 = arith.constant 320 : i32
    %mul3A_4 = arith.muli %arg1, %mul3A_3 : i32
    %add3A_5 = arith.constant 0 : i32
    %add3A_6 = arith.addi %mul3A_4, %add3A_5 : i32
    "tpu.region"() ({
      %run_scoped3A = tpu.sem_alloc : memref<!tpu.dma_semaphore, #tpu.memory_space<semaphore_mem>>
      %dma_start3A_125 = arith.constant 0 : i32
      %dma_start3A_126 = arith.constant 0 : i32
      %dma_start3A_127 = tpu.memref_slice %arg9[%dma_start3A_125, %dma_start3A_126] : memref<128x128xf32, #tpu.memory_space<vmem>> -> memref<128x128xf32, #tpu.memory_space<vmem>>
      %dma_start3A_128 = arith.constant 0 : i32
      %dma_start3A_129 = tpu.memref_slice %arg11[%add3A_6, %dma_start3A_128] : memref<5120x128xf32, #tpu.memory_space<vmem_shared>> -> memref<128x128xf32, #tpu.memory_space<vmem_shared>>
      %dma_start3A_130 = arith.constant 0 : i32
      %dma_start3A_131 = tpu.memref_slice %arg11[%add3A_6, %dma_start3A_130] : memref<5120x128xf32, #tpu.memory_space<vmem_shared>> -> memref<128x128xf32, #tpu.memory_space<vmem_shared>>
      %dma_start3A_132 = arith.constant 0 : i32
      %dma_start3A_133 = arith.constant 0 : i32
      %dma_start3A_134 = tpu.memref_slice %arg9[%dma_start3A_132, %dma_start3A_133] : memref<128x128xf32, #tpu.memory_space<vmem>> -> memref<128x128xf32, #tpu.memory_space<vmem>>
      tpu.enqueue_dma source(%dma_start3A_134 : memref<128x128xf32, #tpu.memory_space<vmem>>) target(%dma_start3A_131 : memref<128x128xf32, #tpu.memory_space<vmem_shared>>) target_semaphore(%run_scoped3A : memref<!tpu.dma_semaphore, #tpu.memory_space<semaphore_mem>>)
      %dma_wait3A_135 = arith.constant 0 : i32
      %dma_wait3A_136 = arith.constant 0 : i32
      %dma_wait3A_137 = tpu.memref_slice %arg9[%dma_wait3A_135, %dma_wait3A_136] : memref<128x128xf32, #tpu.memory_space<vmem>> -> memref<128x128xf32, #tpu.memory_space<vmem>>
      %dma_wait3A_138 = arith.constant 0 : i32
      %dma_wait3A_139 = tpu.memref_slice %arg11[%add3A_6, %dma_wait3A_138] : memref<5120x128xf32, #tpu.memory_space<vmem_shared>> -> memref<128x128xf32, #tpu.memory_space<vmem_shared>>
      %dma_wait3A_140 = arith.constant 0 : i32
      %dma_wait3A_141 = tpu.memref_slice %arg11[%add3A_6, %dma_wait3A_140] : memref<5120x128xf32, #tpu.memory_space<vmem_shared>> -> memref<128x128xf32, #tpu.memory_space<vmem_shared>>
      %dma_wait3A_142 = arith.constant 0 : i32
      %dma_wait3A_143 = arith.constant 0 : i32
      %dma_wait3A_144 = tpu.memref_slice %arg9[%dma_wait3A_142, %dma_wait3A_143] : memref<128x128xf32, #tpu.memory_space<vmem>> -> memref<128x128xf32, #tpu.memory_space<vmem>>
      tpu.wait_dma2 semaphore(%run_scoped3A : memref<!tpu.dma_semaphore, #tpu.memory_space<semaphore_mem>>) src(%dma_wait3A_144 : memref<128x128xf32, #tpu.memory_space<vmem>>) dst(%dma_wait3A_141 : memref<128x128xf32, #tpu.memory_space<vmem_shared>>)
      tpu.yield
    }) : () -> ()
    %mul3A_7 = arith.constant 320 : i32
    %mul3A_8 = arith.muli %arg1, %mul3A_7 : i32
    %add3A_9 = arith.constant 128 : i32
    %add3A_10 = arith.addi %mul3A_8, %add3A_9 : i32
    "tpu.region"() ({
      %run_scoped3A = tpu.sem_alloc : memref<!tpu.dma_semaphore, #tpu.memory_space<semaphore_mem>>
      %dma_start3A_125 = arith.constant 0 : i32
      %dma_start3A_126 = arith.constant 0 : i32
      %dma_start3A_127 = tpu.memref_slice %arg9[%dma_start3A_125, %dma_start3A_126] : memref<128x128xf32, #tpu.memory_space<vmem>> -> memref<128x128xf32, #tpu.memory_space<vmem>>
      %dma_start3A_128 = arith.constant 0 : i32
      %dma_start3A_129 = tpu.memref_slice %arg11[%add3A_10, %dma_start3A_128] : memref<5120x128xf32, #tpu.memory_space<vmem_shared>> -> memref<128x128xf32, #tpu.memory_space<vmem_shared>>
      %dma_start3A_130 = arith.constant 0 : i32
      %dma_start3A_131 = tpu.memref_slice %arg11[%add3A_10, %dma_start3A_130] : memref<5120x128xf32, #tpu.memory_space<vmem_shared>> -> memref<128x128xf32, #tpu.memory_space<vmem_shared>>
      %dma_start3A_132 = arith.constant 0 : i32
      %dma_start3A_133 = arith.constant 0 : i32
      %dma_start3A_134 = tpu.memref_slice %arg9[%dma_start3A_132, %dma_start3A_133] : memref<128x128xf32, #tpu.memory_space<vmem>> -> memref<128x128xf32, #tpu.memory_space<vmem>>
      tpu.enqueue_dma source(%dma_start3A_134 : memref<128x128xf32, #tpu.memory_space<vmem>>) target(%dma_start3A_131 : memref<128x128xf32, #tpu.memory_space<vmem_shared>>) target_semaphore(%run_scoped3A : memref<!tpu.dma_semaphore, #tpu.memory_space<semaphore_mem>>)
      %dma_wait3A_135 = arith.constant 0 : i32
      %dma_wait3A_136 = arith.constant 0 : i32
      %dma_wait3A_137 = tpu.memref_slice %arg9[%dma_wait3A_135, %dma_wait3A_136] : memref<128x128xf32, #tpu.memory_space<vmem>> -> memref<128x128xf32, #tpu.memory_space<vmem>>
      %dma_wait3A_138 = arith.constant 0 : i32
      %dma_wait3A_139 = tpu.memref_slice %arg11[%add3A_10, %dma_wait3A_138] : memref<5120x128xf32, #tpu.memory_space<vmem_shared>> -> memref<128x128xf32, #tpu.memory_space<vmem_shared>>
      %dma_wait3A_140 = arith.constant 0 : i32
      %dma_wait3A_141 = tpu.memref_slice %arg11[%add3A_10, %dma_wait3A_140] : memref<5120x128xf32, #tpu.memory_space<vmem_shared>> -> memref<128x128xf32, #tpu.memory_space<vmem_shared>>
      %dma_wait3A_142 = arith.constant 0 : i32
      %dma_wait3A_143 = arith.constant 0 : i32
      %dma_wait3A_144 = tpu.memref_slice %arg9[%dma_wait3A_142, %dma_wait3A_143] : memref<128x128xf32, #tpu.memory_space<vmem>> -> memref<128x128xf32, #tpu.memory_space<vmem>>
      tpu.wait_dma2 semaphore(%run_scoped3A : memref<!tpu.dma_semaphore, #tpu.memory_space<semaphore_mem>>) src(%dma_wait3A_144 : memref<128x128xf32, #tpu.memory_space<vmem>>) dst(%dma_wait3A_141 : memref<128x128xf32, #tpu.memory_space<vmem_shared>>)
      tpu.yield
    }) : () -> ()
    %mul3A_11 = arith.constant 320 : i32
    %mul3A_12 = arith.muli %arg1, %mul3A_11 : i32
    %add3A_13 = arith.constant 256 : i32
    %add3A_14 = arith.addi %mul3A_12, %add3A_13 : i32
    "tpu.region"() ({
      %run_scoped3A = tpu.sem_alloc : memref<!tpu.dma_semaphore, #tpu.memory_space<semaphore_mem>>
      %dma_start3A_125 = arith.constant 0 : i32
      %dma_start3A_126 = arith.constant 0 : i32
      %dma_start3A_127 = tpu.memref_slice %arg9[%dma_start3A_125, %dma_start3A_126] : memref<128x128xf32, #tpu.memory_space<vmem>> -> memref<64x128xf32, #tpu.memory_space<vmem>>
      %dma_start3A_128 = arith.constant 0 : i32
      %dma_start3A_129 = tpu.memref_slice %arg11[%add3A_14, %dma_start3A_128] : memref<5120x128xf32, #tpu.memory_space<vmem_shared>> -> memref<64x128xf32, #tpu.memory_space<vmem_shared>>
      %dma_start3A_130 = arith.constant 0 : i32
      %dma_start3A_131 = tpu.memref_slice %arg11[%add3A_14, %dma_start3A_130] : memref<5120x128xf32, #tpu.memory_space<vmem_shared>> -> memref<64x128xf32, #tpu.memory_space<vmem_shared>>
      %dma_start3A_132 = arith.constant 0 : i32
      %dma_start3A_133 = arith.constant 0 : i32
      %dma_start3A_134 = tpu.memref_slice %arg9[%dma_start3A_132, %dma_start3A_133] : memref<128x128xf32, #tpu.memory_space<vmem>> -> memref<64x128xf32, #tpu.memory_space<vmem>>
      tpu.enqueue_dma source(%dma_start3A_134 : memref<64x128xf32, #tpu.memory_space<vmem>>) target(%dma_start3A_131 : memref<64x128xf32, #tpu.memory_space<vmem_shared>>) target_semaphore(%run_scoped3A : memref<!tpu.dma_semaphore, #tpu.memory_space<semaphore_mem>>)
      %dma_wait3A_135 = arith.constant 0 : i32
      %dma_wait3A_136 = arith.constant 0 : i32
      %dma_wait3A_137 = tpu.memref_slice %arg9[%dma_wait3A_135, %dma_wait3A_136] : memref<128x128xf32, #tpu.memory_space<vmem>> -> memref<64x128xf32, #tpu.memory_space<vmem>>
      %dma_wait3A_138 = arith.constant 0 : i32
      %dma_wait3A_139 = tpu.memref_slice %arg11[%add3A_14, %dma_wait3A_138] : memref<5120x128xf32, #tpu.memory_space<vmem_shared>> -> memref<64x128xf32, #tpu.memory_space<vmem_shared>>
      %dma_wait3A_140 = arith.constant 0 : i32
      %dma_wait3A_141 = tpu.memref_slice %arg11[%add3A_14, %dma_wait3A_140] : memref<5120x128xf32, #tpu.memory_space<vmem_shared>> -> memref<64x128xf32, #tpu.memory_space<vmem_shared>>
      %dma_wait3A_142 = arith.constant 0 : i32
      %dma_wait3A_143 = arith.constant 0 : i32
      %dma_wait3A_144 = tpu.memref_slice %arg9[%dma_wait3A_142, %dma_wait3A_143] : memref<128x128xf32, #tpu.memory_space<vmem>> -> memref<64x128xf32, #tpu.memory_space<vmem>>
      tpu.wait_dma2 semaphore(%run_scoped3A : memref<!tpu.dma_semaphore, #tpu.memory_space<semaphore_mem>>) src(%dma_wait3A_144 : memref<64x128xf32, #tpu.memory_space<vmem>>) dst(%dma_wait3A_141 : memref<64x128xf32, #tpu.memory_space<vmem_shared>>)
      tpu.yield
    }) : () -> ()
    %mul3A_15 = arith.constant 80 : i32
    %mul3A_16 = arith.muli %add3A, %mul3A_15 : i32
    "tpu.region"() ({
      %run_scoped3A = tpu.sem_alloc : memref<!tpu.dma_semaphore, #tpu.memory_space<semaphore_mem>>
      %dma_start3A_125 = arith.constant 0 : i32
      %dma_start3A_126 = tpu.memref_slice %arg2[%mul3A_16, %dma_start3A_125] : memref<2560x128xi32, #tpu.memory_space<hbm>> -> memref<80x128xi32, #tpu.memory_space<hbm>>
      %dma_start3A_127 = arith.constant 0 : i32
      %dma_start3A_128 = tpu.memref_slice %arg2[%mul3A_16, %dma_start3A_127] : memref<2560x128xi32, #tpu.memory_space<hbm>> -> memref<80x128xi32, #tpu.memory_space<hbm>>
      tpu.enqueue_dma source(%dma_start3A_128 : memref<80x128xi32, #tpu.memory_space<hbm>>) target(%arg6 : memref<80x128xi32, #tpu.memory_space<vmem>>) target_semaphore(%run_scoped3A : memref<!tpu.dma_semaphore, #tpu.memory_space<semaphore_mem>>)
      %dma_wait3A_129 = arith.constant 0 : i32
      %dma_wait3A_130 = tpu.memref_slice %arg2[%mul3A_16, %dma_wait3A_129] : memref<2560x128xi32, #tpu.memory_space<hbm>> -> memref<80x128xi32, #tpu.memory_space<hbm>>
      %dma_wait3A_131 = arith.constant 0 : i32
      %dma_wait3A_132 = tpu.memref_slice %arg2[%mul3A_16, %dma_wait3A_131] : memref<2560x128xi32, #tpu.memory_space<hbm>> -> memref<80x128xi32, #tpu.memory_space<hbm>>
      tpu.wait_dma2 semaphore(%run_scoped3A : memref<!tpu.dma_semaphore, #tpu.memory_space<semaphore_mem>>) src(%dma_wait3A_132 : memref<80x128xi32, #tpu.memory_space<hbm>>) dst(%arg6 : memref<80x128xi32, #tpu.memory_space<vmem>>)
      tpu.yield
    }) : () -> ()
    %barrier3A = arith.constant 0 : index
    tpu.barrier barrier_id(%barrier3A)
    %scan3A = arith.constant 0 : i32
    %scan3A_17 = arith.constant 0 : i32
    %scan3A_18 = arith.constant 40 : i32
    %scan3A_19 = arith.addi %scan3A_17, %scan3A_18 : i32
    %scan3A_20 = arith.constant 1 : i32
    scf.for %scan3A_125 = %scan3A_17 to %scan3A_19 step %scan3A_20  : i32 {
      %gt3A = arith.constant 0 : i32
      %gt3A_126 = arith.cmpi sgt, %scan3A_125, %gt3A : i32
      %convert_element_type3A = arith.extui %gt3A_126 : i1 to i32
      %cond3A = arith.constant 0 : i32
      %cond3A_127 = arith.cmpi ne, %convert_element_type3A, %cond3A : i32
      scf.if %cond3A_127 {
        %dma_wait3A_627 = arith.constant 0 : i32
        %dma_wait3A_628 = arith.constant 0 : i32
        %dma_wait3A_629 = tpu.memref_slice %arg8[%dma_wait3A_627, %dma_wait3A_628] : memref<2x128xi32, #tpu.memory_space<vmem>> -> memref<1x128xi32, #tpu.memory_space<vmem>>
        %dma_wait3A_630 = tpu.memref_squeeze %dma_wait3A_629 : memref<1x128xi32, #tpu.memory_space<vmem>> -> memref<128xi32, #tpu.memory_space<vmem>>
        %dma_wait3A_631 = arith.constant 0 : i32
        %dma_wait3A_632 = arith.constant 0 : i32
        %dma_wait3A_633 = tpu.memref_slice %arg11[%dma_wait3A_631, %dma_wait3A_632] : memref<5120x128xf32, #tpu.memory_space<vmem_shared>> -> memref<5120x128xf32, #tpu.memory_space<vmem_shared>>
        tpu.wait_indirect_dma semaphore(%arg15 : memref<!tpu.dma_semaphore, #tpu.memory_space<semaphore_mem>>) src(%arg9 : memref<128x128xf32, #tpu.memory_space<vmem>>) dst(%dma_wait3A_633 : memref<5120x128xf32, #tpu.memory_space<vmem_shared>>)
      } else {
      }
      %mul3A_128 = arith.constant 2 : i32
      %mul3A_129 = arith.muli %scan3A_125, %mul3A_128 : i32
      %add3A_130 = arith.constant 0 : i32
      %add3A_131 = arith.addi %mul3A_129, %add3A_130 : i32
      %get3A = arith.index_cast %add3A_131 : i32 to index
      %get3A_132 = arith.constant 0 : index
      %get3A_133 = tpu.vector_load %arg6[%get3A, %get3A_132] {strides = array<i32>} : memref<80x128xi32, #tpu.memory_space<vmem>>, vector<1x16xi32>,
      %get3A_134 = vector.shape_cast %get3A_133 : vector<1x16xi32> to vector<16xi32>
      %and3A = arith.constant 65535 : i32
      %and3A_135 = vector.broadcast %and3A : i32 to vector<16xi32>
      %and3A_136 = arith.andi %get3A_134, %and3A_135 : vector<16xi32>
      %shift_right_arithmetic3A = arith.constant 16 : i32
      %shift_right_arithmetic3A_137 = vector.broadcast %shift_right_arithmetic3A : i32 to vector<16xi32>
      %shift_right_arithmetic3A_138 = arith.shrsi %get3A_134, %shift_right_arithmetic3A_137 : vector<16xi32>
      %shift_right_arithmetic3A_139 = arith.constant 1 : i32
      %shift_right_arithmetic3A_140 = vector.broadcast %shift_right_arithmetic3A_139 : i32 to vector<16xi32>
      %shift_right_arithmetic3A_141 = arith.shrsi %and3A_136, %shift_right_arithmetic3A_140 : vector<16xi32>
      %shift_right_arithmetic3A_142 = arith.constant 1 : i32
      %shift_right_arithmetic3A_143 = vector.broadcast %shift_right_arithmetic3A_142 : i32 to vector<16xi32>
      %shift_right_arithmetic3A_144 = arith.shrsi %shift_right_arithmetic3A_138, %shift_right_arithmetic3A_143 : vector<16xi32>
      %swap3A = arith.constant 0 : i32
      %swap3A_145 = arith.index_cast %swap3A : i32 to index
      %swap3A_146 = arith.constant 0 : index
      %swap3A_147 = tpu.vector_load %arg7[%swap3A_145, %swap3A_146] {strides = array<i32>} : memref<2x128xi32, #tpu.memory_space<vmem>>, vector<1x16xi32>,
      %swap3A_148 = vector.shape_cast %swap3A_147 : vector<1x16xi32> to vector<16xi32>
      %swap3A_149 = vector.shape_cast %shift_right_arithmetic3A_141 : vector<16xi32> to vector<1x16xi32>
      tpu.vector_store %arg7[%swap3A_145, %swap3A_146], %swap3A_149 {strides = array<i32>} : memref<2x128xi32, #tpu.memory_space<vmem>>, vector<1x16xi32>,
      %swap3A_150 = arith.constant 0 : i32
      %swap3A_151 = arith.index_cast %swap3A_150 : i32 to index
      %swap3A_152 = arith.constant 0 : index
      %swap3A_153 = tpu.vector_load %arg8[%swap3A_151, %swap3A_152] {strides = array<i32>} : memref<2x128xi32, #tpu.memory_space<vmem>>, vector<1x16xi32>,
      %swap3A_154 = vector.shape_cast %swap3A_153 : vector<1x16xi32> to vector<16xi32>
      %swap3A_155 = vector.shape_cast %shift_right_arithmetic3A_144 : vector<16xi32> to vector<1x16xi32>
      tpu.vector_store %arg8[%swap3A_151, %swap3A_152], %swap3A_155 {strides = array<i32>} : memref<2x128xi32, #tpu.memory_space<vmem>>, vector<1x16xi32>,
      %get3A_156 = arith.index_cast %add3A_131 : i32 to index
      %get3A_157 = arith.constant 16 : index
      %get3A_158 = tpu.vector_load %arg6[%get3A_156, %get3A_157] {strides = array<i32>} : memref<80x128xi32, #tpu.memory_space<vmem>>, vector<1x16xi32>,
      %get3A_159 = vector.shape_cast %get3A_158 : vector<1x16xi32> to vector<16xi32>
      %and3A_160 = arith.constant 65535 : i32
      %and3A_161 = vector.broadcast %and3A_160 : i32 to vector<16xi32>
      %and3A_162 = arith.andi %get3A_159, %and3A_161 : vector<16xi32>
      %shift_right_arithmetic3A_163 = arith.constant 16 : i32
      %shift_right_arithmetic3A_164 = vector.broadcast %shift_right_arithmetic3A_163 : i32 to vector<16xi32>
      %shift_right_arithmetic3A_165 = arith.shrsi %get3A_159, %shift_right_arithmetic3A_164 : vector<16xi32>
      %shift_right_arithmetic3A_166 = arith.constant 1 : i32
      %shift_right_arithmetic3A_167 = vector.broadcast %shift_right_arithmetic3A_166 : i32 to vector<16xi32>
      %shift_right_arithmetic3A_168 = arith.shrsi %and3A_162, %shift_right_arithmetic3A_167 : vector<16xi32>
      %shift_right_arithmetic3A_169 = arith.constant 1 : i32
      %shift_right_arithmetic3A_170 = vector.broadcast %shift_right_arithmetic3A_169 : i32 to vector<16xi32>
      %shift_right_arithmetic3A_171 = arith.shrsi %shift_right_arithmetic3A_165, %shift_right_arithmetic3A_170 : vector<16xi32>
      %swap3A_172 = arith.constant 0 : i32
      %swap3A_173 = arith.index_cast %swap3A_172 : i32 to index
      %swap3A_174 = arith.constant 16 : index
      %swap3A_175 = tpu.vector_load %arg7[%swap3A_173, %swap3A_174] {strides = array<i32>} : memref<2x128xi32, #tpu.memory_space<vmem>>, vector<1x16xi32>,
      %swap3A_176 = vector.shape_cast %swap3A_175 : vector<1x16xi32> to vector<16xi32>
      %swap3A_177 = vector.shape_cast %shift_right_arithmetic3A_168 : vector<16xi32> to vector<1x16xi32>
      tpu.vector_store %arg7[%swap3A_173, %swap3A_174], %swap3A_177 {strides = array<i32>} : memref<2x128xi32, #tpu.memory_space<vmem>>, vector<1x16xi32>,
      %swap3A_178 = arith.constant 0 : i32
      %swap3A_179 = arith.index_cast %swap3A_178 : i32 to index
      %swap3A_180 = arith.constant 16 : index
      %swap3A_181 = tpu.vector_load %arg8[%swap3A_179, %swap3A_180] {strides = array<i32>} : memref<2x128xi32, #tpu.memory_space<vmem>>, vector<1x16xi32>,
      %swap3A_182 = vector.shape_cast %swap3A_181 : vector<1x16xi32> to vector<16xi32>
      %swap3A_183 = vector.shape_cast %shift_right_arithmetic3A_171 : vector<16xi32> to vector<1x16xi32>
      tpu.vector_store %arg8[%swap3A_179, %swap3A_180], %swap3A_183 {strides = array<i32>} : memref<2x128xi32, #tpu.memory_space<vmem>>, vector<1x16xi32>,
      %get3A_184 = arith.index_cast %add3A_131 : i32 to index
      %get3A_185 = arith.constant 32 : index
      %get3A_186 = tpu.vector_load %arg6[%get3A_184, %get3A_185] {strides = array<i32>} : memref<80x128xi32, #tpu.memory_space<vmem>>, vector<1x16xi32>,
      %get3A_187 = vector.shape_cast %get3A_186 : vector<1x16xi32> to vector<16xi32>
      %and3A_188 = arith.constant 65535 : i32
      %and3A_189 = vector.broadcast %and3A_188 : i32 to vector<16xi32>
      %and3A_190 = arith.andi %get3A_187, %and3A_189 : vector<16xi32>
      %shift_right_arithmetic3A_191 = arith.constant 16 : i32
      %shift_right_arithmetic3A_192 = vector.broadcast %shift_right_arithmetic3A_191 : i32 to vector<16xi32>
      %shift_right_arithmetic3A_193 = arith.shrsi %get3A_187, %shift_right_arithmetic3A_192 : vector<16xi32>
      %shift_right_arithmetic3A_194 = arith.constant 1 : i32
      %shift_right_arithmetic3A_195 = vector.broadcast %shift_right_arithmetic3A_194 : i32 to vector<16xi32>
      %shift_right_arithmetic3A_196 = arith.shrsi %and3A_190, %shift_right_arithmetic3A_195 : vector<16xi32>
      %shift_right_arithmetic3A_197 = arith.constant 1 : i32
      %shift_right_arithmetic3A_198 = vector.broadcast %shift_right_arithmetic3A_197 : i32 to vector<16xi32>
      %shift_right_arithmetic3A_199 = arith.shrsi %shift_right_arithmetic3A_193, %shift_right_arithmetic3A_198 : vector<16xi32>
      %swap3A_200 = arith.constant 0 : i32
      %swap3A_201 = arith.index_cast %swap3A_200 : i32 to index
      %swap3A_202 = arith.constant 32 : index
      %swap3A_203 = tpu.vector_load %arg7[%swap3A_201, %swap3A_202] {strides = array<i32>} : memref<2x128xi32, #tpu.memory_space<vmem>>, vector<1x16xi32>,
      %swap3A_204 = vector.shape_cast %swap3A_203 : vector<1x16xi32> to vector<16xi32>
      %swap3A_205 = vector.shape_cast %shift_right_arithmetic3A_196 : vector<16xi32> to vector<1x16xi32>
      tpu.vector_store %arg7[%swap3A_201, %swap3A_202], %swap3A_205 {strides = array<i32>} : memref<2x128xi32, #tpu.memory_space<vmem>>, vector<1x16xi32>,
      %swap3A_206 = arith.constant 0 : i32
      %swap3A_207 = arith.index_cast %swap3A_206 : i32 to index
      %swap3A_208 = arith.constant 32 : index
      %swap3A_209 = tpu.vector_load %arg8[%swap3A_207, %swap3A_208] {strides = array<i32>} : memref<2x128xi32, #tpu.memory_space<vmem>>, vector<1x16xi32>,
      %swap3A_210 = vector.shape_cast %swap3A_209 : vector<1x16xi32> to vector<16xi32>
      %swap3A_211 = vector.shape_cast %shift_right_arithmetic3A_199 : vector<16xi32> to vector<1x16xi32>
      tpu.vector_store %arg8[%swap3A_207, %swap3A_208], %swap3A_211 {strides = array<i32>} : memref<2x128xi32, #tpu.memory_space<vmem>>, vector<1x16xi32>,
      %get3A_212 = arith.index_cast %add3A_131 : i32 to index
      %get3A_213 = arith.constant 48 : index
      %get3A_214 = tpu.vector_load %arg6[%get3A_212, %get3A_213] {strides = array<i32>} : memref<80x128xi32, #tpu.memory_space<vmem>>, vector<1x16xi32>,
      %get3A_215 = vector.shape_cast %get3A_214 : vector<1x16xi32> to vector<16xi32>
      %and3A_216 = arith.constant 65535 : i32
      %and3A_217 = vector.broadcast %and3A_216 : i32 to vector<16xi32>
      %and3A_218 = arith.andi %get3A_215, %and3A_217 : vector<16xi32>
      %shift_right_arithmetic3A_219 = arith.constant 16 : i32
      %shift_right_arithmetic3A_220 = vector.broadcast %shift_right_arithmetic3A_219 : i32 to vector<16xi32>
      %shift_right_arithmetic3A_221 = arith.shrsi %get3A_215, %shift_right_arithmetic3A_220 : vector<16xi32>
      %shift_right_arithmetic3A_222 = arith.constant 1 : i32
      %shift_right_arithmetic3A_223 = vector.broadcast %shift_right_arithmetic3A_222 : i32 to vector<16xi32>
      %shift_right_arithmetic3A_224 = arith.shrsi %and3A_218, %shift_right_arithmetic3A_223 : vector<16xi32>
      %shift_right_arithmetic3A_225 = arith.constant 1 : i32
      %shift_right_arithmetic3A_226 = vector.broadcast %shift_right_arithmetic3A_225 : i32 to vector<16xi32>
      %shift_right_arithmetic3A_227 = arith.shrsi %shift_right_arithmetic3A_221, %shift_right_arithmetic3A_226 : vector<16xi32>
      %swap3A_228 = arith.constant 0 : i32
      %swap3A_229 = arith.index_cast %swap3A_228 : i32 to index
      %swap3A_230 = arith.constant 48 : index
      %swap3A_231 = tpu.vector_load %arg7[%swap3A_229, %swap3A_230] {strides = array<i32>} : memref<2x128xi32, #tpu.memory_space<vmem>>, vector<1x16xi32>,
      %swap3A_232 = vector.shape_cast %swap3A_231 : vector<1x16xi32> to vector<16xi32>
      %swap3A_233 = vector.shape_cast %shift_right_arithmetic3A_224 : vector<16xi32> to vector<1x16xi32>
      tpu.vector_store %arg7[%swap3A_229, %swap3A_230], %swap3A_233 {strides = array<i32>} : memref<2x128xi32, #tpu.memory_space<vmem>>, vector<1x16xi32>,
      %swap3A_234 = arith.constant 0 : i32
      %swap3A_235 = arith.index_cast %swap3A_234 : i32 to index
      %swap3A_236 = arith.constant 48 : index
      %swap3A_237 = tpu.vector_load %arg8[%swap3A_235, %swap3A_236] {strides = array<i32>} : memref<2x128xi32, #tpu.memory_space<vmem>>, vector<1x16xi32>,
      %swap3A_238 = vector.shape_cast %swap3A_237 : vector<1x16xi32> to vector<16xi32>
      %swap3A_239 = vector.shape_cast %shift_right_arithmetic3A_227 : vector<16xi32> to vector<1x16xi32>
      tpu.vector_store %arg8[%swap3A_235, %swap3A_236], %swap3A_239 {strides = array<i32>} : memref<2x128xi32, #tpu.memory_space<vmem>>, vector<1x16xi32>,
      %get3A_240 = arith.index_cast %add3A_131 : i32 to index
      %get3A_241 = arith.constant 64 : index
      %get3A_242 = tpu.vector_load %arg6[%get3A_240, %get3A_241] {strides = array<i32>} : memref<80x128xi32, #tpu.memory_space<vmem>>, vector<1x16xi32>,
      %get3A_243 = vector.shape_cast %get3A_242 : vector<1x16xi32> to vector<16xi32>
      %and3A_244 = arith.constant 65535 : i32
      %and3A_245 = vector.broadcast %and3A_244 : i32 to vector<16xi32>
      %and3A_246 = arith.andi %get3A_243, %and3A_245 : vector<16xi32>
      %shift_right_arithmetic3A_247 = arith.constant 16 : i32
      %shift_right_arithmetic3A_248 = vector.broadcast %shift_right_arithmetic3A_247 : i32 to vector<16xi32>
      %shift_right_arithmetic3A_249 = arith.shrsi %get3A_243, %shift_right_arithmetic3A_248 : vector<16xi32>
      %shift_right_arithmetic3A_250 = arith.constant 1 : i32
      %shift_right_arithmetic3A_251 = vector.broadcast %shift_right_arithmetic3A_250 : i32 to vector<16xi32>
      %shift_right_arithmetic3A_252 = arith.shrsi %and3A_246, %shift_right_arithmetic3A_251 : vector<16xi32>
      %shift_right_arithmetic3A_253 = arith.constant 1 : i32
      %shift_right_arithmetic3A_254 = vector.broadcast %shift_right_arithmetic3A_253 : i32 to vector<16xi32>
      %shift_right_arithmetic3A_255 = arith.shrsi %shift_right_arithmetic3A_249, %shift_right_arithmetic3A_254 : vector<16xi32>
      %swap3A_256 = arith.constant 0 : i32
      %swap3A_257 = arith.index_cast %swap3A_256 : i32 to index
      %swap3A_258 = arith.constant 64 : index
      %swap3A_259 = tpu.vector_load %arg7[%swap3A_257, %swap3A_258] {strides = array<i32>} : memref<2x128xi32, #tpu.memory_space<vmem>>, vector<1x16xi32>,
      %swap3A_260 = vector.shape_cast %swap3A_259 : vector<1x16xi32> to vector<16xi32>
      %swap3A_261 = vector.shape_cast %shift_right_arithmetic3A_252 : vector<16xi32> to vector<1x16xi32>
      tpu.vector_store %arg7[%swap3A_257, %swap3A_258], %swap3A_261 {strides = array<i32>} : memref<2x128xi32, #tpu.memory_space<vmem>>, vector<1x16xi32>,
      %swap3A_262 = arith.constant 0 : i32
      %swap3A_263 = arith.index_cast %swap3A_262 : i32 to index
      %swap3A_264 = arith.constant 64 : index
      %swap3A_265 = tpu.vector_load %arg8[%swap3A_263, %swap3A_264] {strides = array<i32>} : memref<2x128xi32, #tpu.memory_space<vmem>>, vector<1x16xi32>,
      %swap3A_266 = vector.shape_cast %swap3A_265 : vector<1x16xi32> to vector<16xi32>
      %swap3A_267 = vector.shape_cast %shift_right_arithmetic3A_255 : vector<16xi32> to vector<1x16xi32>
      tpu.vector_store %arg8[%swap3A_263, %swap3A_264], %swap3A_267 {strides = array<i32>} : memref<2x128xi32, #tpu.memory_space<vmem>>, vector<1x16xi32>,
      %get3A_268 = arith.index_cast %add3A_131 : i32 to index
      %get3A_269 = arith.constant 80 : index
      %get3A_270 = tpu.vector_load %arg6[%get3A_268, %get3A_269] {strides = array<i32>} : memref<80x128xi32, #tpu.memory_space<vmem>>, vector<1x16xi32>,
      %get3A_271 = vector.shape_cast %get3A_270 : vector<1x16xi32> to vector<16xi32>
      %and3A_272 = arith.constant 65535 : i32
      %and3A_273 = vector.broadcast %and3A_272 : i32 to vector<16xi32>
      %and3A_274 = arith.andi %get3A_271, %and3A_273 : vector<16xi32>
      %shift_right_arithmetic3A_275 = arith.constant 16 : i32
      %shift_right_arithmetic3A_276 = vector.broadcast %shift_right_arithmetic3A_275 : i32 to vector<16xi32>
      %shift_right_arithmetic3A_277 = arith.shrsi %get3A_271, %shift_right_arithmetic3A_276 : vector<16xi32>
      %shift_right_arithmetic3A_278 = arith.constant 1 : i32
      %shift_right_arithmetic3A_279 = vector.broadcast %shift_right_arithmetic3A_278 : i32 to vector<16xi32>
      %shift_right_arithmetic3A_280 = arith.shrsi %and3A_274, %shift_right_arithmetic3A_279 : vector<16xi32>
      %shift_right_arithmetic3A_281 = arith.constant 1 : i32
      %shift_right_arithmetic3A_282 = vector.broadcast %shift_right_arithmetic3A_281 : i32 to vector<16xi32>
      %shift_right_arithmetic3A_283 = arith.shrsi %shift_right_arithmetic3A_277, %shift_right_arithmetic3A_282 : vector<16xi32>
      %swap3A_284 = arith.constant 0 : i32
      %swap3A_285 = arith.index_cast %swap3A_284 : i32 to index
      %swap3A_286 = arith.constant 80 : index
      %swap3A_287 = tpu.vector_load %arg7[%swap3A_285, %swap3A_286] {strides = array<i32>} : memref<2x128xi32, #tpu.memory_space<vmem>>, vector<1x16xi32>,
      %swap3A_288 = vector.shape_cast %swap3A_287 : vector<1x16xi32> to vector<16xi32>
      %swap3A_289 = vector.shape_cast %shift_right_arithmetic3A_280 : vector<16xi32> to vector<1x16xi32>
      tpu.vector_store %arg7[%swap3A_285, %swap3A_286], %swap3A_289 {strides = array<i32>} : memref<2x128xi32, #tpu.memory_space<vmem>>, vector<1x16xi32>,
      %swap3A_290 = arith.constant 0 : i32
      %swap3A_291 = arith.index_cast %swap3A_290 : i32 to index
      %swap3A_292 = arith.constant 80 : index
      %swap3A_293 = tpu.vector_load %arg8[%swap3A_291, %swap3A_292] {strides = array<i32>} : memref<2x128xi32, #tpu.memory_space<vmem>>, vector<1x16xi32>,
      %swap3A_294 = vector.shape_cast %swap3A_293 : vector<1x16xi32> to vector<16xi32>
      %swap3A_295 = vector.shape_cast %shift_right_arithmetic3A_283 : vector<16xi32> to vector<1x16xi32>
      tpu.vector_store %arg8[%swap3A_291, %swap3A_292], %swap3A_295 {strides = array<i32>} : memref<2x128xi32, #tpu.memory_space<vmem>>, vector<1x16xi32>,
      %get3A_296 = arith.index_cast %add3A_131 : i32 to index
      %get3A_297 = arith.constant 96 : index
      %get3A_298 = tpu.vector_load %arg6[%get3A_296, %get3A_297] {strides = array<i32>} : memref<80x128xi32, #tpu.memory_space<vmem>>, vector<1x16xi32>,
      %get3A_299 = vector.shape_cast %get3A_298 : vector<1x16xi32> to vector<16xi32>
      %and3A_300 = arith.constant 65535 : i32
      %and3A_301 = vector.broadcast %and3A_300 : i32 to vector<16xi32>
      %and3A_302 = arith.andi %get3A_299, %and3A_301 : vector<16xi32>
      %shift_right_arithmetic3A_303 = arith.constant 16 : i32
      %shift_right_arithmetic3A_304 = vector.broadcast %shift_right_arithmetic3A_303 : i32 to vector<16xi32>
      %shift_right_arithmetic3A_305 = arith.shrsi %get3A_299, %shift_right_arithmetic3A_304 : vector<16xi32>
      %shift_right_arithmetic3A_306 = arith.constant 1 : i32
      %shift_right_arithmetic3A_307 = vector.broadcast %shift_right_arithmetic3A_306 : i32 to vector<16xi32>
      %shift_right_arithmetic3A_308 = arith.shrsi %and3A_302, %shift_right_arithmetic3A_307 : vector<16xi32>
      %shift_right_arithmetic3A_309 = arith.constant 1 : i32
      %shift_right_arithmetic3A_310 = vector.broadcast %shift_right_arithmetic3A_309 : i32 to vector<16xi32>
      %shift_right_arithmetic3A_311 = arith.shrsi %shift_right_arithmetic3A_305, %shift_right_arithmetic3A_310 : vector<16xi32>
      %swap3A_312 = arith.constant 0 : i32
      %swap3A_313 = arith.index_cast %swap3A_312 : i32 to index
      %swap3A_314 = arith.constant 96 : index
      %swap3A_315 = tpu.vector_load %arg7[%swap3A_313, %swap3A_314] {strides = array<i32>} : memref<2x128xi32, #tpu.memory_space<vmem>>, vector<1x16xi32>,
      %swap3A_316 = vector.shape_cast %swap3A_315 : vector<1x16xi32> to vector<16xi32>
      %swap3A_317 = vector.shape_cast %shift_right_arithmetic3A_308 : vector<16xi32> to vector<1x16xi32>
      tpu.vector_store %arg7[%swap3A_313, %swap3A_314], %swap3A_317 {strides = array<i32>} : memref<2x128xi32, #tpu.memory_space<vmem>>, vector<1x16xi32>,
      %swap3A_318 = arith.constant 0 : i32
      %swap3A_319 = arith.index_cast %swap3A_318 : i32 to index
      %swap3A_320 = arith.constant 96 : index
      %swap3A_321 = tpu.vector_load %arg8[%swap3A_319, %swap3A_320] {strides = array<i32>} : memref<2x128xi32, #tpu.memory_space<vmem>>, vector<1x16xi32>,
      %swap3A_322 = vector.shape_cast %swap3A_321 : vector<1x16xi32> to vector<16xi32>
      %swap3A_323 = vector.shape_cast %shift_right_arithmetic3A_311 : vector<16xi32> to vector<1x16xi32>
      tpu.vector_store %arg8[%swap3A_319, %swap3A_320], %swap3A_323 {strides = array<i32>} : memref<2x128xi32, #tpu.memory_space<vmem>>, vector<1x16xi32>,
      %get3A_324 = arith.index_cast %add3A_131 : i32 to index
      %get3A_325 = arith.constant 112 : index
      %get3A_326 = tpu.vector_load %arg6[%get3A_324, %get3A_325] {strides = array<i32>} : memref<80x128xi32, #tpu.memory_space<vmem>>, vector<1x16xi32>,
      %get3A_327 = vector.shape_cast %get3A_326 : vector<1x16xi32> to vector<16xi32>
      %and3A_328 = arith.constant 65535 : i32
      %and3A_329 = vector.broadcast %and3A_328 : i32 to vector<16xi32>
      %and3A_330 = arith.andi %get3A_327, %and3A_329 : vector<16xi32>
      %shift_right_arithmetic3A_331 = arith.constant 16 : i32
      %shift_right_arithmetic3A_332 = vector.broadcast %shift_right_arithmetic3A_331 : i32 to vector<16xi32>
      %shift_right_arithmetic3A_333 = arith.shrsi %get3A_327, %shift_right_arithmetic3A_332 : vector<16xi32>
      %shift_right_arithmetic3A_334 = arith.constant 1 : i32
      %shift_right_arithmetic3A_335 = vector.broadcast %shift_right_arithmetic3A_334 : i32 to vector<16xi32>
      %shift_right_arithmetic3A_336 = arith.shrsi %and3A_330, %shift_right_arithmetic3A_335 : vector<16xi32>
      %shift_right_arithmetic3A_337 = arith.constant 1 : i32
      %shift_right_arithmetic3A_338 = vector.broadcast %shift_right_arithmetic3A_337 : i32 to vector<16xi32>
      %shift_right_arithmetic3A_339 = arith.shrsi %shift_right_arithmetic3A_333, %shift_right_arithmetic3A_338 : vector<16xi32>
      %swap3A_340 = arith.constant 0 : i32
      %swap3A_341 = arith.index_cast %swap3A_340 : i32 to index
      %swap3A_342 = arith.constant 112 : index
      %swap3A_343 = tpu.vector_load %arg7[%swap3A_341, %swap3A_342] {strides = array<i32>} : memref<2x128xi32, #tpu.memory_space<vmem>>, vector<1x16xi32>,
      %swap3A_344 = vector.shape_cast %swap3A_343 : vector<1x16xi32> to vector<16xi32>
      %swap3A_345 = vector.shape_cast %shift_right_arithmetic3A_336 : vector<16xi32> to vector<1x16xi32>
      tpu.vector_store %arg7[%swap3A_341, %swap3A_342], %swap3A_345 {strides = array<i32>} : memref<2x128xi32, #tpu.memory_space<vmem>>, vector<1x16xi32>,
      %swap3A_346 = arith.constant 0 : i32
      %swap3A_347 = arith.index_cast %swap3A_346 : i32 to index
      %swap3A_348 = arith.constant 112 : index
      %swap3A_349 = tpu.vector_load %arg8[%swap3A_347, %swap3A_348] {strides = array<i32>} : memref<2x128xi32, #tpu.memory_space<vmem>>, vector<1x16xi32>,
      %swap3A_350 = vector.shape_cast %swap3A_349 : vector<1x16xi32> to vector<16xi32>
      %swap3A_351 = vector.shape_cast %shift_right_arithmetic3A_339 : vector<16xi32> to vector<1x16xi32>
      tpu.vector_store %arg8[%swap3A_347, %swap3A_348], %swap3A_351 {strides = array<i32>} : memref<2x128xi32, #tpu.memory_space<vmem>>, vector<1x16xi32>,
      %dma_start3A_352 = arith.constant 0 : i32
      %dma_start3A_353 = arith.constant 0 : i32
      %dma_start3A_354 = tpu.memref_slice %arg7[%dma_start3A_352, %dma_start3A_353] : memref<2x128xi32, #tpu.memory_space<vmem>> -> memref<1x128xi32, #tpu.memory_space<vmem>>
      %dma_start3A_355 = tpu.memref_squeeze %dma_start3A_354 : memref<1x128xi32, #tpu.memory_space<vmem>> -> memref<128xi32, #tpu.memory_space<vmem>>
      %dma_start3A_356 = arith.constant 0 : i32
      %dma_start3A_357 = arith.constant 0 : i32
      %dma_start3A_358 = tpu.memref_slice %arg12[%dma_start3A_356, %dma_start3A_357] : memref<5120x128xf32, #tpu.memory_space<vmem_shared>> -> memref<5120x128xf32, #tpu.memory_space<vmem_shared>>
      tpu.enqueue_indirect_dma source(%dma_start3A_358 : memref<5120x128xf32, #tpu.memory_space<vmem_shared>>) target(%arg9 : memref<128x128xf32, #tpu.memory_space<vmem>>) offsets(%dma_start3A_355 : memref<128xi32, #tpu.memory_space<vmem>>) semaphore(%arg13 : memref<!tpu.dma_semaphore, #tpu.memory_space<semaphore_mem>>)
      %gt3A_359 = arith.constant 0 : i32
      %gt3A_360 = arith.cmpi sgt, %scan3A_125, %gt3A_359 : i32
      %convert_element_type3A_361 = arith.extui %gt3A_360 : i1 to i32
      %cond3A_362 = arith.constant 0 : i32
      %cond3A_363 = arith.cmpi ne, %convert_element_type3A_361, %cond3A_362 : i32
      scf.if %cond3A_363 {
        %dma_wait3A_627 = arith.constant 0 : i32
        %dma_wait3A_628 = arith.constant 0 : i32
        %dma_wait3A_629 = tpu.memref_slice %arg8[%dma_wait3A_627, %dma_wait3A_628] : memref<2x128xi32, #tpu.memory_space<vmem>> -> memref<1x128xi32, #tpu.memory_space<vmem>>
        %dma_wait3A_630 = tpu.memref_squeeze %dma_wait3A_629 : memref<1x128xi32, #tpu.memory_space<vmem>> -> memref<128xi32, #tpu.memory_space<vmem>>
        %dma_wait3A_631 = arith.constant 0 : i32
        %dma_wait3A_632 = arith.constant 0 : i32
        %dma_wait3A_633 = tpu.memref_slice %arg11[%dma_wait3A_631, %dma_wait3A_632] : memref<5120x128xf32, #tpu.memory_space<vmem_shared>> -> memref<5120x128xf32, #tpu.memory_space<vmem_shared>>
        tpu.wait_indirect_dma semaphore(%arg16 : memref<!tpu.dma_semaphore, #tpu.memory_space<semaphore_mem>>) src(%arg10 : memref<128x128xf32, #tpu.memory_space<vmem>>) dst(%dma_wait3A_633 : memref<5120x128xf32, #tpu.memory_space<vmem_shared>>)
      } else {
      }
      %mul3A_364 = arith.constant 2 : i32
      %mul3A_365 = arith.muli %scan3A_125, %mul3A_364 : i32
      %add3A_366 = arith.constant 1 : i32
      %add3A_367 = arith.addi %mul3A_365, %add3A_366 : i32
      %get3A_368 = arith.index_cast %add3A_367 : i32 to index
      %get3A_369 = arith.constant 0 : index
      %get3A_370 = tpu.vector_load %arg6[%get3A_368, %get3A_369] {strides = array<i32>} : memref<80x128xi32, #tpu.memory_space<vmem>>, vector<1x16xi32>,
      %get3A_371 = vector.shape_cast %get3A_370 : vector<1x16xi32> to vector<16xi32>
      %and3A_372 = arith.constant 65535 : i32
      %and3A_373 = vector.broadcast %and3A_372 : i32 to vector<16xi32>
      %and3A_374 = arith.andi %get3A_371, %and3A_373 : vector<16xi32>
      %shift_right_arithmetic3A_375 = arith.constant 16 : i32
      %shift_right_arithmetic3A_376 = vector.broadcast %shift_right_arithmetic3A_375 : i32 to vector<16xi32>
      %shift_right_arithmetic3A_377 = arith.shrsi %get3A_371, %shift_right_arithmetic3A_376 : vector<16xi32>
      %shift_right_arithmetic3A_378 = arith.constant 1 : i32
      %shift_right_arithmetic3A_379 = vector.broadcast %shift_right_arithmetic3A_378 : i32 to vector<16xi32>
      %shift_right_arithmetic3A_380 = arith.shrsi %and3A_374, %shift_right_arithmetic3A_379 : vector<16xi32>
      %shift_right_arithmetic3A_381 = arith.constant 1 : i32
      %shift_right_arithmetic3A_382 = vector.broadcast %shift_right_arithmetic3A_381 : i32 to vector<16xi32>
      %shift_right_arithmetic3A_383 = arith.shrsi %shift_right_arithmetic3A_377, %shift_right_arithmetic3A_382 : vector<16xi32>
      %swap3A_384 = arith.constant 1 : i32
      %swap3A_385 = arith.index_cast %swap3A_384 : i32 to index
      %swap3A_386 = arith.constant 0 : index
      %swap3A_387 = tpu.vector_load %arg7[%swap3A_385, %swap3A_386] {strides = array<i32>} : memref<2x128xi32, #tpu.memory_space<vmem>>, vector<1x16xi32>,
      %swap3A_388 = vector.shape_cast %swap3A_387 : vector<1x16xi32> to vector<16xi32>
      %swap3A_389 = vector.shape_cast %shift_right_arithmetic3A_380 : vector<16xi32> to vector<1x16xi32>
      tpu.vector_store %arg7[%swap3A_385, %swap3A_386], %swap3A_389 {strides = array<i32>} : memref<2x128xi32, #tpu.memory_space<vmem>>, vector<1x16xi32>,
      %swap3A_390 = arith.constant 1 : i32
      %swap3A_391 = arith.index_cast %swap3A_390 : i32 to index
      %swap3A_392 = arith.constant 0 : index
      %swap3A_393 = tpu.vector_load %arg8[%swap3A_391, %swap3A_392] {strides = array<i32>} : memref<2x128xi32, #tpu.memory_space<vmem>>, vector<1x16xi32>,
      %swap3A_394 = vector.shape_cast %swap3A_393 : vector<1x16xi32> to vector<16xi32>
      %swap3A_395 = vector.shape_cast %shift_right_arithmetic3A_383 : vector<16xi32> to vector<1x16xi32>
      tpu.vector_store %arg8[%swap3A_391, %swap3A_392], %swap3A_395 {strides = array<i32>} : memref<2x128xi32, #tpu.memory_space<vmem>>, vector<1x16xi32>,
      %get3A_396 = arith.index_cast %add3A_367 : i32 to index
      %get3A_397 = arith.constant 16 : index
      %get3A_398 = tpu.vector_load %arg6[%get3A_396, %get3A_397] {strides = array<i32>} : memref<80x128xi32, #tpu.memory_space<vmem>>, vector<1x16xi32>,
      %get3A_399 = vector.shape_cast %get3A_398 : vector<1x16xi32> to vector<16xi32>
      %and3A_400 = arith.constant 65535 : i32
      %and3A_401 = vector.broadcast %and3A_400 : i32 to vector<16xi32>
      %and3A_402 = arith.andi %get3A_399, %and3A_401 : vector<16xi32>
      %shift_right_arithmetic3A_403 = arith.constant 16 : i32
      %shift_right_arithmetic3A_404 = vector.broadcast %shift_right_arithmetic3A_403 : i32 to vector<16xi32>
      %shift_right_arithmetic3A_405 = arith.shrsi %get3A_399, %shift_right_arithmetic3A_404 : vector<16xi32>
      %shift_right_arithmetic3A_406 = arith.constant 1 : i32
      %shift_right_arithmetic3A_407 = vector.broadcast %shift_right_arithmetic3A_406 : i32 to vector<16xi32>
      %shift_right_arithmetic3A_408 = arith.shrsi %and3A_402, %shift_right_arithmetic3A_407 : vector<16xi32>
      %shift_right_arithmetic3A_409 = arith.constant 1 : i32
      %shift_right_arithmetic3A_410 = vector.broadcast %shift_right_arithmetic3A_409 : i32 to vector<16xi32>
      %shift_right_arithmetic3A_411 = arith.shrsi %shift_right_arithmetic3A_405, %shift_right_arithmetic3A_410 : vector<16xi32>
      %swap3A_412 = arith.constant 1 : i32
      %swap3A_413 = arith.index_cast %swap3A_412 : i32 to index
      %swap3A_414 = arith.constant 16 : index
      %swap3A_415 = tpu.vector_load %arg7[%swap3A_413, %swap3A_414] {strides = array<i32>} : memref<2x128xi32, #tpu.memory_space<vmem>>, vector<1x16xi32>,
      %swap3A_416 = vector.shape_cast %swap3A_415 : vector<1x16xi32> to vector<16xi32>
      %swap3A_417 = vector.shape_cast %shift_right_arithmetic3A_408 : vector<16xi32> to vector<1x16xi32>
      tpu.vector_store %arg7[%swap3A_413, %swap3A_414], %swap3A_417 {strides = array<i32>} : memref<2x128xi32, #tpu.memory_space<vmem>>, vector<1x16xi32>,
      %swap3A_418 = arith.constant 1 : i32
      %swap3A_419 = arith.index_cast %swap3A_418 : i32 to index
      %swap3A_420 = arith.constant 16 : index
      %swap3A_421 = tpu.vector_load %arg8[%swap3A_419, %swap3A_420] {strides = array<i32>} : memref<2x128xi32, #tpu.memory_space<vmem>>, vector<1x16xi32>,
      %swap3A_422 = vector.shape_cast %swap3A_421 : vector<1x16xi32> to vector<16xi32>
      %swap3A_423 = vector.shape_cast %shift_right_arithmetic3A_411 : vector<16xi32> to vector<1x16xi32>
      tpu.vector_store %arg8[%swap3A_419, %swap3A_420], %swap3A_423 {strides = array<i32>} : memref<2x128xi32, #tpu.memory_space<vmem>>, vector<1x16xi32>,
      %get3A_424 = arith.index_cast %add3A_367 : i32 to index
      %get3A_425 = arith.constant 32 : index
      %get3A_426 = tpu.vector_load %arg6[%get3A_424, %get3A_425] {strides = array<i32>} : memref<80x128xi32, #tpu.memory_space<vmem>>, vector<1x16xi32>,
      %get3A_427 = vector.shape_cast %get3A_426 : vector<1x16xi32> to vector<16xi32>
      %and3A_428 = arith.constant 65535 : i32
      %and3A_429 = vector.broadcast %and3A_428 : i32 to vector<16xi32>
      %and3A_430 = arith.andi %get3A_427, %and3A_429 : vector<16xi32>
      %shift_right_arithmetic3A_431 = arith.constant 16 : i32
      %shift_right_arithmetic3A_432 = vector.broadcast %shift_right_arithmetic3A_431 : i32 to vector<16xi32>
      %shift_right_arithmetic3A_433 = arith.shrsi %get3A_427, %shift_right_arithmetic3A_432 : vector<16xi32>
      %shift_right_arithmetic3A_434 = arith.constant 1 : i32
      %shift_right_arithmetic3A_435 = vector.broadcast %shift_right_arithmetic3A_434 : i32 to vector<16xi32>
      %shift_right_arithmetic3A_436 = arith.shrsi %and3A_430, %shift_right_arithmetic3A_435 : vector<16xi32>
      %shift_right_arithmetic3A_437 = arith.constant 1 : i32
      %shift_right_arithmetic3A_438 = vector.broadcast %shift_right_arithmetic3A_437 : i32 to vector<16xi32>
      %shift_right_arithmetic3A_439 = arith.shrsi %shift_right_arithmetic3A_433, %shift_right_arithmetic3A_438 : vector<16xi32>
      %swap3A_440 = arith.constant 1 : i32
      %swap3A_441 = arith.index_cast %swap3A_440 : i32 to index
      %swap3A_442 = arith.constant 32 : index
      %swap3A_443 = tpu.vector_load %arg7[%swap3A_441, %swap3A_442] {strides = array<i32>} : memref<2x128xi32, #tpu.memory_space<vmem>>, vector<1x16xi32>,
      %swap3A_444 = vector.shape_cast %swap3A_443 : vector<1x16xi32> to vector<16xi32>
      %swap3A_445 = vector.shape_cast %shift_right_arithmetic3A_436 : vector<16xi32> to vector<1x16xi32>
      tpu.vector_store %arg7[%swap3A_441, %swap3A_442], %swap3A_445 {strides = array<i32>} : memref<2x128xi32, #tpu.memory_space<vmem>>, vector<1x16xi32>,
      %swap3A_446 = arith.constant 1 : i32
      %swap3A_447 = arith.index_cast %swap3A_446 : i32 to index
      %swap3A_448 = arith.constant 32 : index
      %swap3A_449 = tpu.vector_load %arg8[%swap3A_447, %swap3A_448] {strides = array<i32>} : memref<2x128xi32, #tpu.memory_space<vmem>>, vector<1x16xi32>,
      %swap3A_450 = vector.shape_cast %swap3A_449 : vector<1x16xi32> to vector<16xi32>
      %swap3A_451 = vector.shape_cast %shift_right_arithmetic3A_439 : vector<16xi32> to vector<1x16xi32>
      tpu.vector_store %arg8[%swap3A_447, %swap3A_448], %swap3A_451 {strides = array<i32>} : memref<2x128xi32, #tpu.memory_space<vmem>>, vector<1x16xi32>,
      %get3A_452 = arith.index_cast %add3A_367 : i32 to index
      %get3A_453 = arith.constant 48 : index
      %get3A_454 = tpu.vector_load %arg6[%get3A_452, %get3A_453] {strides = array<i32>} : memref<80x128xi32, #tpu.memory_space<vmem>>, vector<1x16xi32>,
      %get3A_455 = vector.shape_cast %get3A_454 : vector<1x16xi32> to vector<16xi32>
      %and3A_456 = arith.constant 65535 : i32
      %and3A_457 = vector.broadcast %and3A_456 : i32 to vector<16xi32>
      %and3A_458 = arith.andi %get3A_455, %and3A_457 : vector<16xi32>
      %shift_right_arithmetic3A_459 = arith.constant 16 : i32
      %shift_right_arithmetic3A_460 = vector.broadcast %shift_right_arithmetic3A_459 : i32 to vector<16xi32>
      %shift_right_arithmetic3A_461 = arith.shrsi %get3A_455, %shift_right_arithmetic3A_460 : vector<16xi32>
      %shift_right_arithmetic3A_462 = arith.constant 1 : i32
      %shift_right_arithmetic3A_463 = vector.broadcast %shift_right_arithmetic3A_462 : i32 to vector<16xi32>
      %shift_right_arithmetic3A_464 = arith.shrsi %and3A_458, %shift_right_arithmetic3A_463 : vector<16xi32>
      %shift_right_arithmetic3A_465 = arith.constant 1 : i32
      %shift_right_arithmetic3A_466 = vector.broadcast %shift_right_arithmetic3A_465 : i32 to vector<16xi32>
      %shift_right_arithmetic3A_467 = arith.shrsi %shift_right_arithmetic3A_461, %shift_right_arithmetic3A_466 : vector<16xi32>
      %swap3A_468 = arith.constant 1 : i32
      %swap3A_469 = arith.index_cast %swap3A_468 : i32 to index
      %swap3A_470 = arith.constant 48 : index
      %swap3A_471 = tpu.vector_load %arg7[%swap3A_469, %swap3A_470] {strides = array<i32>} : memref<2x128xi32, #tpu.memory_space<vmem>>, vector<1x16xi32>,
      %swap3A_472 = vector.shape_cast %swap3A_471 : vector<1x16xi32> to vector<16xi32>
      %swap3A_473 = vector.shape_cast %shift_right_arithmetic3A_464 : vector<16xi32> to vector<1x16xi32>
      tpu.vector_store %arg7[%swap3A_469, %swap3A_470], %swap3A_473 {strides = array<i32>} : memref<2x128xi32, #tpu.memory_space<vmem>>, vector<1x16xi32>,
      %swap3A_474 = arith.constant 1 : i32
      %swap3A_475 = arith.index_cast %swap3A_474 : i32 to index
      %swap3A_476 = arith.constant 48 : index
      %swap3A_477 = tpu.vector_load %arg8[%swap3A_475, %swap3A_476] {strides = array<i32>} : memref<2x128xi32, #tpu.memory_space<vmem>>, vector<1x16xi32>,
      %swap3A_478 = vector.shape_cast %swap3A_477 : vector<1x16xi32> to vector<16xi32>
      %swap3A_479 = vector.shape_cast %shift_right_arithmetic3A_467 : vector<16xi32> to vector<1x16xi32>
      tpu.vector_store %arg8[%swap3A_475, %swap3A_476], %swap3A_479 {strides = array<i32>} : memref<2x128xi32, #tpu.memory_space<vmem>>, vector<1x16xi32>,
      %get3A_480 = arith.index_cast %add3A_367 : i32 to index
      %get3A_481 = arith.constant 64 : index
      %get3A_482 = tpu.vector_load %arg6[%get3A_480, %get3A_481] {strides = array<i32>} : memref<80x128xi32, #tpu.memory_space<vmem>>, vector<1x16xi32>,
      %get3A_483 = vector.shape_cast %get3A_482 : vector<1x16xi32> to vector<16xi32>
      %and3A_484 = arith.constant 65535 : i32
      %and3A_485 = vector.broadcast %and3A_484 : i32 to vector<16xi32>
      %and3A_486 = arith.andi %get3A_483, %and3A_485 : vector<16xi32>
      %shift_right_arithmetic3A_487 = arith.constant 16 : i32
      %shift_right_arithmetic3A_488 = vector.broadcast %shift_right_arithmetic3A_487 : i32 to vector<16xi32>
      %shift_right_arithmetic3A_489 = arith.shrsi %get3A_483, %shift_right_arithmetic3A_488 : vector<16xi32>
      %shift_right_arithmetic3A_490 = arith.constant 1 : i32
      %shift_right_arithmetic3A_491 = vector.broadcast %shift_right_arithmetic3A_490 : i32 to vector<16xi32>
      %shift_right_arithmetic3A_492 = arith.shrsi %and3A_486, %shift_right_arithmetic3A_491 : vector<16xi32>
      %shift_right_arithmetic3A_493 = arith.constant 1 : i32
      %shift_right_arithmetic3A_494 = vector.broadcast %shift_right_arithmetic3A_493 : i32 to vector<16xi32>
      %shift_right_arithmetic3A_495 = arith.shrsi %shift_right_arithmetic3A_489, %shift_right_arithmetic3A_494 : vector<16xi32>
      %swap3A_496 = arith.constant 1 : i32
      %swap3A_497 = arith.index_cast %swap3A_496 : i32 to index
      %swap3A_498 = arith.constant 64 : index
      %swap3A_499 = tpu.vector_load %arg7[%swap3A_497, %swap3A_498] {strides = array<i32>} : memref<2x128xi32, #tpu.memory_space<vmem>>, vector<1x16xi32>,
      %swap3A_500 = vector.shape_cast %swap3A_499 : vector<1x16xi32> to vector<16xi32>
      %swap3A_501 = vector.shape_cast %shift_right_arithmetic3A_492 : vector<16xi32> to vector<1x16xi32>
      tpu.vector_store %arg7[%swap3A_497, %swap3A_498], %swap3A_501 {strides = array<i32>} : memref<2x128xi32, #tpu.memory_space<vmem>>, vector<1x16xi32>,
      %swap3A_502 = arith.constant 1 : i32
      %swap3A_503 = arith.index_cast %swap3A_502 : i32 to index
      %swap3A_504 = arith.constant 64 : index
      %swap3A_505 = tpu.vector_load %arg8[%swap3A_503, %swap3A_504] {strides = array<i32>} : memref<2x128xi32, #tpu.memory_space<vmem>>, vector<1x16xi32>,
      %swap3A_506 = vector.shape_cast %swap3A_505 : vector<1x16xi32> to vector<16xi32>
      %swap3A_507 = vector.shape_cast %shift_right_arithmetic3A_495 : vector<16xi32> to vector<1x16xi32>
      tpu.vector_store %arg8[%swap3A_503, %swap3A_504], %swap3A_507 {strides = array<i32>} : memref<2x128xi32, #tpu.memory_space<vmem>>, vector<1x16xi32>,
      %get3A_508 = arith.index_cast %add3A_367 : i32 to index
      %get3A_509 = arith.constant 80 : index
      %get3A_510 = tpu.vector_load %arg6[%get3A_508, %get3A_509] {strides = array<i32>} : memref<80x128xi32, #tpu.memory_space<vmem>>, vector<1x16xi32>,
      %get3A_511 = vector.shape_cast %get3A_510 : vector<1x16xi32> to vector<16xi32>
      %and3A_512 = arith.constant 65535 : i32
      %and3A_513 = vector.broadcast %and3A_512 : i32 to vector<16xi32>
      %and3A_514 = arith.andi %get3A_511, %and3A_513 : vector<16xi32>
      %shift_right_arithmetic3A_515 = arith.constant 16 : i32
      %shift_right_arithmetic3A_516 = vector.broadcast %shift_right_arithmetic3A_515 : i32 to vector<16xi32>
      %shift_right_arithmetic3A_517 = arith.shrsi %get3A_511, %shift_right_arithmetic3A_516 : vector<16xi32>
      %shift_right_arithmetic3A_518 = arith.constant 1 : i32
      %shift_right_arithmetic3A_519 = vector.broadcast %shift_right_arithmetic3A_518 : i32 to vector<16xi32>
      %shift_right_arithmetic3A_520 = arith.shrsi %and3A_514, %shift_right_arithmetic3A_519 : vector<16xi32>
      %shift_right_arithmetic3A_521 = arith.constant 1 : i32
      %shift_right_arithmetic3A_522 = vector.broadcast %shift_right_arithmetic3A_521 : i32 to vector<16xi32>
      %shift_right_arithmetic3A_523 = arith.shrsi %shift_right_arithmetic3A_517, %shift_right_arithmetic3A_522 : vector<16xi32>
      %swap3A_524 = arith.constant 1 : i32
      %swap3A_525 = arith.index_cast %swap3A_524 : i32 to index
      %swap3A_526 = arith.constant 80 : index
      %swap3A_527 = tpu.vector_load %arg7[%swap3A_525, %swap3A_526] {strides = array<i32>} : memref<2x128xi32, #tpu.memory_space<vmem>>, vector<1x16xi32>,
      %swap3A_528 = vector.shape_cast %swap3A_527 : vector<1x16xi32> to vector<16xi32>
      %swap3A_529 = vector.shape_cast %shift_right_arithmetic3A_520 : vector<16xi32> to vector<1x16xi32>
      tpu.vector_store %arg7[%swap3A_525, %swap3A_526], %swap3A_529 {strides = array<i32>} : memref<2x128xi32, #tpu.memory_space<vmem>>, vector<1x16xi32>,
      %swap3A_530 = arith.constant 1 : i32
      %swap3A_531 = arith.index_cast %swap3A_530 : i32 to index
      %swap3A_532 = arith.constant 80 : index
      %swap3A_533 = tpu.vector_load %arg8[%swap3A_531, %swap3A_532] {strides = array<i32>} : memref<2x128xi32, #tpu.memory_space<vmem>>, vector<1x16xi32>,
      %swap3A_534 = vector.shape_cast %swap3A_533 : vector<1x16xi32> to vector<16xi32>
      %swap3A_535 = vector.shape_cast %shift_right_arithmetic3A_523 : vector<16xi32> to vector<1x16xi32>
      tpu.vector_store %arg8[%swap3A_531, %swap3A_532], %swap3A_535 {strides = array<i32>} : memref<2x128xi32, #tpu.memory_space<vmem>>, vector<1x16xi32>,
      %get3A_536 = arith.index_cast %add3A_367 : i32 to index
      %get3A_537 = arith.constant 96 : index
      %get3A_538 = tpu.vector_load %arg6[%get3A_536, %get3A_537] {strides = array<i32>} : memref<80x128xi32, #tpu.memory_space<vmem>>, vector<1x16xi32>,
      %get3A_539 = vector.shape_cast %get3A_538 : vector<1x16xi32> to vector<16xi32>
      %and3A_540 = arith.constant 65535 : i32
      %and3A_541 = vector.broadcast %and3A_540 : i32 to vector<16xi32>
      %and3A_542 = arith.andi %get3A_539, %and3A_541 : vector<16xi32>
      %shift_right_arithmetic3A_543 = arith.constant 16 : i32
      %shift_right_arithmetic3A_544 = vector.broadcast %shift_right_arithmetic3A_543 : i32 to vector<16xi32>
      %shift_right_arithmetic3A_545 = arith.shrsi %get3A_539, %shift_right_arithmetic3A_544 : vector<16xi32>
      %shift_right_arithmetic3A_546 = arith.constant 1 : i32
      %shift_right_arithmetic3A_547 = vector.broadcast %shift_right_arithmetic3A_546 : i32 to vector<16xi32>
      %shift_right_arithmetic3A_548 = arith.shrsi %and3A_542, %shift_right_arithmetic3A_547 : vector<16xi32>
      %shift_right_arithmetic3A_549 = arith.constant 1 : i32
      %shift_right_arithmetic3A_550 = vector.broadcast %shift_right_arithmetic3A_549 : i32 to vector<16xi32>
      %shift_right_arithmetic3A_551 = arith.shrsi %shift_right_arithmetic3A_545, %shift_right_arithmetic3A_550 : vector<16xi32>
      %swap3A_552 = arith.constant 1 : i32
      %swap3A_553 = arith.index_cast %swap3A_552 : i32 to index
      %swap3A_554 = arith.constant 96 : index
      %swap3A_555 = tpu.vector_load %arg7[%swap3A_553, %swap3A_554] {strides = array<i32>} : memref<2x128xi32, #tpu.memory_space<vmem>>, vector<1x16xi32>,
      %swap3A_556 = vector.shape_cast %swap3A_555 : vector<1x16xi32> to vector<16xi32>
      %swap3A_557 = vector.shape_cast %shift_right_arithmetic3A_548 : vector<16xi32> to vector<1x16xi32>
      tpu.vector_store %arg7[%swap3A_553, %swap3A_554], %swap3A_557 {strides = array<i32>} : memref<2x128xi32, #tpu.memory_space<vmem>>, vector<1x16xi32>,
      %swap3A_558 = arith.constant 1 : i32
      %swap3A_559 = arith.index_cast %swap3A_558 : i32 to index
      %swap3A_560 = arith.constant 96 : index
      %swap3A_561 = tpu.vector_load %arg8[%swap3A_559, %swap3A_560] {strides = array<i32>} : memref<2x128xi32, #tpu.memory_space<vmem>>, vector<1x16xi32>,
      %swap3A_562 = vector.shape_cast %swap3A_561 : vector<1x16xi32> to vector<16xi32>
      %swap3A_563 = vector.shape_cast %shift_right_arithmetic3A_551 : vector<16xi32> to vector<1x16xi32>
      tpu.vector_store %arg8[%swap3A_559, %swap3A_560], %swap3A_563 {strides = array<i32>} : memref<2x128xi32, #tpu.memory_space<vmem>>, vector<1x16xi32>,
      %get3A_564 = arith.index_cast %add3A_367 : i32 to index
      %get3A_565 = arith.constant 112 : index
      %get3A_566 = tpu.vector_load %arg6[%get3A_564, %get3A_565] {strides = array<i32>} : memref<80x128xi32, #tpu.memory_space<vmem>>, vector<1x16xi32>,
      %get3A_567 = vector.shape_cast %get3A_566 : vector<1x16xi32> to vector<16xi32>
      %and3A_568 = arith.constant 65535 : i32
      %and3A_569 = vector.broadcast %and3A_568 : i32 to vector<16xi32>
      %and3A_570 = arith.andi %get3A_567, %and3A_569 : vector<16xi32>
      %shift_right_arithmetic3A_571 = arith.constant 16 : i32
      %shift_right_arithmetic3A_572 = vector.broadcast %shift_right_arithmetic3A_571 : i32 to vector<16xi32>
      %shift_right_arithmetic3A_573 = arith.shrsi %get3A_567, %shift_right_arithmetic3A_572 : vector<16xi32>
      %shift_right_arithmetic3A_574 = arith.constant 1 : i32
      %shift_right_arithmetic3A_575 = vector.broadcast %shift_right_arithmetic3A_574 : i32 to vector<16xi32>
      %shift_right_arithmetic3A_576 = arith.shrsi %and3A_570, %shift_right_arithmetic3A_575 : vector<16xi32>
      %shift_right_arithmetic3A_577 = arith.constant 1 : i32
      %shift_right_arithmetic3A_578 = vector.broadcast %shift_right_arithmetic3A_577 : i32 to vector<16xi32>
      %shift_right_arithmetic3A_579 = arith.shrsi %shift_right_arithmetic3A_573, %shift_right_arithmetic3A_578 : vector<16xi32>
      %swap3A_580 = arith.constant 1 : i32
      %swap3A_581 = arith.index_cast %swap3A_580 : i32 to index
      %swap3A_582 = arith.constant 112 : index
      %swap3A_583 = tpu.vector_load %arg7[%swap3A_581, %swap3A_582] {strides = array<i32>} : memref<2x128xi32, #tpu.memory_space<vmem>>, vector<1x16xi32>,
      %swap3A_584 = vector.shape_cast %swap3A_583 : vector<1x16xi32> to vector<16xi32>
      %swap3A_585 = vector.shape_cast %shift_right_arithmetic3A_576 : vector<16xi32> to vector<1x16xi32>
      tpu.vector_store %arg7[%swap3A_581, %swap3A_582], %swap3A_585 {strides = array<i32>} : memref<2x128xi32, #tpu.memory_space<vmem>>, vector<1x16xi32>,
      %swap3A_586 = arith.constant 1 : i32
      %swap3A_587 = arith.index_cast %swap3A_586 : i32 to index
      %swap3A_588 = arith.constant 112 : index
      %swap3A_589 = tpu.vector_load %arg8[%swap3A_587, %swap3A_588] {strides = array<i32>} : memref<2x128xi32, #tpu.memory_space<vmem>>, vector<1x16xi32>,
      %swap3A_590 = vector.shape_cast %swap3A_589 : vector<1x16xi32> to vector<16xi32>
      %swap3A_591 = vector.shape_cast %shift_right_arithmetic3A_579 : vector<16xi32> to vector<1x16xi32>
      tpu.vector_store %arg8[%swap3A_587, %swap3A_588], %swap3A_591 {strides = array<i32>} : memref<2x128xi32, #tpu.memory_space<vmem>>, vector<1x16xi32>,
      %dma_start3A_592 = arith.constant 1 : i32
      %dma_start3A_593 = arith.constant 0 : i32
      %dma_start3A_594 = tpu.memref_slice %arg7[%dma_start3A_592, %dma_start3A_593] : memref<2x128xi32, #tpu.memory_space<vmem>> -> memref<1x128xi32, #tpu.memory_space<vmem>>
      %dma_start3A_595 = tpu.memref_squeeze %dma_start3A_594 : memref<1x128xi32, #tpu.memory_space<vmem>> -> memref<128xi32, #tpu.memory_space<vmem>>
      %dma_start3A_596 = arith.constant 0 : i32
      %dma_start3A_597 = arith.constant 0 : i32
      %dma_start3A_598 = tpu.memref_slice %arg12[%dma_start3A_596, %dma_start3A_597] : memref<5120x128xf32, #tpu.memory_space<vmem_shared>> -> memref<5120x128xf32, #tpu.memory_space<vmem_shared>>
      tpu.enqueue_indirect_dma source(%dma_start3A_598 : memref<5120x128xf32, #tpu.memory_space<vmem_shared>>) target(%arg10 : memref<128x128xf32, #tpu.memory_space<vmem>>) offsets(%dma_start3A_595 : memref<128xi32, #tpu.memory_space<vmem>>) semaphore(%arg14 : memref<!tpu.dma_semaphore, #tpu.memory_space<semaphore_mem>>)
      %dma_wait3A_599 = arith.constant 0 : i32
      %dma_wait3A_600 = arith.constant 0 : i32
      %dma_wait3A_601 = tpu.memref_slice %arg7[%dma_wait3A_599, %dma_wait3A_600] : memref<2x128xi32, #tpu.memory_space<vmem>> -> memref<1x128xi32, #tpu.memory_space<vmem>>
      %dma_wait3A_602 = tpu.memref_squeeze %dma_wait3A_601 : memref<1x128xi32, #tpu.memory_space<vmem>> -> memref<128xi32, #tpu.memory_space<vmem>>
      %dma_wait3A_603 = arith.constant 0 : i32
      %dma_wait3A_604 = arith.constant 0 : i32
      %dma_wait3A_605 = tpu.memref_slice %arg12[%dma_wait3A_603, %dma_wait3A_604] : memref<5120x128xf32, #tpu.memory_space<vmem_shared>> -> memref<5120x128xf32, #tpu.memory_space<vmem_shared>>
      tpu.wait_indirect_dma semaphore(%arg13 : memref<!tpu.dma_semaphore, #tpu.memory_space<semaphore_mem>>) src(%dma_wait3A_605 : memref<5120x128xf32, #tpu.memory_space<vmem_shared>>) dst(%arg9 : memref<128x128xf32, #tpu.memory_space<vmem>>)
      %dma_start3A_606 = arith.constant 0 : i32
      %dma_start3A_607 = arith.constant 0 : i32
      %dma_start3A_608 = tpu.memref_slice %arg8[%dma_start3A_606, %dma_start3A_607] : memref<2x128xi32, #tpu.memory_space<vmem>> -> memref<1x128xi32, #tpu.memory_space<vmem>>
      %dma_start3A_609 = tpu.memref_squeeze %dma_start3A_608 : memref<1x128xi32, #tpu.memory_space<vmem>> -> memref<128xi32, #tpu.memory_space<vmem>>
      %dma_start3A_610 = arith.constant 0 : i32
      %dma_start3A_611 = arith.constant 0 : i32
      %dma_start3A_612 = tpu.memref_slice %arg11[%dma_start3A_610, %dma_start3A_611] : memref<5120x128xf32, #tpu.memory_space<vmem_shared>> -> memref<5120x128xf32, #tpu.memory_space<vmem_shared>>
      tpu.enqueue_indirect_dma source(%arg9 : memref<128x128xf32, #tpu.memory_space<vmem>>) target(%dma_start3A_612 : memref<5120x128xf32, #tpu.memory_space<vmem_shared>>) offsets(%dma_start3A_609 : memref<128xi32, #tpu.memory_space<vmem>>) semaphore(%arg15 : memref<!tpu.dma_semaphore, #tpu.memory_space<semaphore_mem>>) {add = true}
      %dma_wait3A_613 = arith.constant 0 : i32
      %dma_wait3A_614 = arith.constant 0 : i32
      %dma_wait3A_615 = tpu.memref_slice %arg7[%dma_wait3A_613, %dma_wait3A_614] : memref<2x128xi32, #tpu.memory_space<vmem>> -> memref<1x128xi32, #tpu.memory_space<vmem>>
      %dma_wait3A_616 = tpu.memref_squeeze %dma_wait3A_615 : memref<1x128xi32, #tpu.memory_space<vmem>> -> memref<128xi32, #tpu.memory_space<vmem>>
      %dma_wait3A_617 = arith.constant 0 : i32
      %dma_wait3A_618 = arith.constant 0 : i32
      %dma_wait3A_619 = tpu.memref_slice %arg12[%dma_wait3A_617, %dma_wait3A_618] : memref<5120x128xf32, #tpu.memory_space<vmem_shared>> -> memref<5120x128xf32, #tpu.memory_space<vmem_shared>>
      tpu.wait_indirect_dma semaphore(%arg14 : memref<!tpu.dma_semaphore, #tpu.memory_space<semaphore_mem>>) src(%dma_wait3A_619 : memref<5120x128xf32, #tpu.memory_space<vmem_shared>>) dst(%arg10 : memref<128x128xf32, #tpu.memory_space<vmem>>)
      %dma_start3A_620 = arith.constant 1 : i32
      %dma_start3A_621 = arith.constant 0 : i32
      %dma_start3A_622 = tpu.memref_slice %arg8[%dma_start3A_620, %dma_start3A_621] : memref<2x128xi32, #tpu.memory_space<vmem>> -> memref<1x128xi32, #tpu.memory_space<vmem>>
      %dma_start3A_623 = tpu.memref_squeeze %dma_start3A_622 : memref<1x128xi32, #tpu.memory_space<vmem>> -> memref<128xi32, #tpu.memory_space<vmem>>
      %dma_start3A_624 = arith.constant 0 : i32
      %dma_start3A_625 = arith.constant 0 : i32
      %dma_start3A_626 = tpu.memref_slice %arg11[%dma_start3A_624, %dma_start3A_625] : memref<5120x128xf32, #tpu.memory_space<vmem_shared>> -> memref<5120x128xf32, #tpu.memory_space<vmem_shared>>
      tpu.enqueue_indirect_dma source(%arg10 : memref<128x128xf32, #tpu.memory_space<vmem>>) target(%dma_start3A_626 : memref<5120x128xf32, #tpu.memory_space<vmem_shared>>) offsets(%dma_start3A_623 : memref<128xi32, #tpu.memory_space<vmem>>) semaphore(%arg16 : memref<!tpu.dma_semaphore, #tpu.memory_space<semaphore_mem>>) {add = true}
    }
    %scan3A_21 = arith.constant 40 : i32
    %dma_wait3A = arith.constant 0 : i32
    %dma_wait3A_22 = arith.constant 0 : i32
    %dma_wait3A_23 = tpu.memref_slice %arg8[%dma_wait3A, %dma_wait3A_22] : memref<2x128xi32, #tpu.memory_space<vmem>> -> memref<1x128xi32, #tpu.memory_space<vmem>>
    %dma_wait3A_24 = tpu.memref_squeeze %dma_wait3A_23 : memref<1x128xi32, #tpu.memory_space<vmem>> -> memref<128xi32, #tpu.memory_space<vmem>>
    %dma_wait3A_25 = arith.constant 0 : i32
    %dma_wait3A_26 = arith.constant 0 : i32
    %dma_wait3A_27 = tpu.memref_slice %arg11[%dma_wait3A_25, %dma_wait3A_26] : memref<5120x128xf32, #tpu.memory_space<vmem_shared>> -> memref<5120x128xf32, #tpu.memory_space<vmem_shared>>
    tpu.wait_indirect_dma semaphore(%arg15 : memref<!tpu.dma_semaphore, #tpu.memory_space<semaphore_mem>>) src(%arg9 : memref<128x128xf32, #tpu.memory_space<vmem>>) dst(%dma_wait3A_27 : memref<5120x128xf32, #tpu.memory_space<vmem_shared>>)
    %dma_wait3A_28 = arith.constant 0 : i32
    %dma_wait3A_29 = arith.constant 0 : i32
    %dma_wait3A_30 = tpu.memref_slice %arg8[%dma_wait3A_28, %dma_wait3A_29] : memref<2x128xi32, #tpu.memory_space<vmem>> -> memref<1x128xi32, #tpu.memory_space<vmem>>
    %dma_wait3A_31 = tpu.memref_squeeze %dma_wait3A_30 : memref<1x128xi32, #tpu.memory_space<vmem>> -> memref<128xi32, #tpu.memory_space<vmem>>
    %dma_wait3A_32 = arith.constant 0 : i32
    %dma_wait3A_33 = arith.constant 0 : i32
    %dma_wait3A_34 = tpu.memref_slice %arg11[%dma_wait3A_32, %dma_wait3A_33] : memref<5120x128xf32, #tpu.memory_space<vmem_shared>> -> memref<5120x128xf32, #tpu.memory_space<vmem_shared>>
    tpu.wait_indirect_dma semaphore(%arg16 : memref<!tpu.dma_semaphore, #tpu.memory_space<semaphore_mem>>) src(%arg10 : memref<128x128xf32, #tpu.memory_space<vmem>>) dst(%dma_wait3A_34 : memref<5120x128xf32, #tpu.memory_space<vmem_shared>>)
    %barrier3A_35 = arith.constant 0 : index
    tpu.barrier barrier_id(%barrier3A_35)
    %mul3A_36 = arith.constant 320 : i32
    %mul3A_37 = arith.muli %arg1, %mul3A_36 : i32
    %add3A_38 = arith.constant 0 : i32
    %add3A_39 = arith.addi %mul3A_37, %add3A_38 : i32
    "tpu.region"() ({
      %run_scoped3A = tpu.sem_alloc : memref<!tpu.dma_semaphore, #tpu.memory_space<semaphore_mem>>
      %dma_start3A_125 = arith.constant 0 : i32
      %dma_start3A_126 = arith.constant 0 : i32
      %dma_start3A_127 = tpu.memref_slice %arg9[%dma_start3A_125, %dma_start3A_126] : memref<128x128xf32, #tpu.memory_space<vmem>> -> memref<128x128xf32, #tpu.memory_space<vmem>>
      %dma_start3A_128 = arith.constant 0 : i32
      %dma_start3A_129 = tpu.memref_slice %arg11[%add3A_39, %dma_start3A_128] : memref<5120x128xf32, #tpu.memory_space<vmem_shared>> -> memref<128x128xf32, #tpu.memory_space<vmem_shared>>
      %dma_start3A_130 = arith.constant 0 : i32
      %dma_start3A_131 = arith.constant 0 : i32
      %dma_start3A_132 = tpu.memref_slice %arg9[%dma_start3A_130, %dma_start3A_131] : memref<128x128xf32, #tpu.memory_space<vmem>> -> memref<128x128xf32, #tpu.memory_space<vmem>>
      %dma_start3A_133 = arith.constant 0 : i32
      %dma_start3A_134 = tpu.memref_slice %arg11[%add3A_39, %dma_start3A_133] : memref<5120x128xf32, #tpu.memory_space<vmem_shared>> -> memref<128x128xf32, #tpu.memory_space<vmem_shared>>
      tpu.enqueue_dma source(%dma_start3A_134 : memref<128x128xf32, #tpu.memory_space<vmem_shared>>) target(%dma_start3A_132 : memref<128x128xf32, #tpu.memory_space<vmem>>) target_semaphore(%run_scoped3A : memref<!tpu.dma_semaphore, #tpu.memory_space<semaphore_mem>>)
      %dma_wait3A_135 = arith.constant 0 : i32
      %dma_wait3A_136 = arith.constant 0 : i32
      %dma_wait3A_137 = tpu.memref_slice %arg9[%dma_wait3A_135, %dma_wait3A_136] : memref<128x128xf32, #tpu.memory_space<vmem>> -> memref<128x128xf32, #tpu.memory_space<vmem>>
      %dma_wait3A_138 = arith.constant 0 : i32
      %dma_wait3A_139 = tpu.memref_slice %arg11[%add3A_39, %dma_wait3A_138] : memref<5120x128xf32, #tpu.memory_space<vmem_shared>> -> memref<128x128xf32, #tpu.memory_space<vmem_shared>>
      %dma_wait3A_140 = arith.constant 0 : i32
      %dma_wait3A_141 = arith.constant 0 : i32
      %dma_wait3A_142 = tpu.memref_slice %arg9[%dma_wait3A_140, %dma_wait3A_141] : memref<128x128xf32, #tpu.memory_space<vmem>> -> memref<128x128xf32, #tpu.memory_space<vmem>>
      %dma_wait3A_143 = arith.constant 0 : i32
      %dma_wait3A_144 = tpu.memref_slice %arg11[%add3A_39, %dma_wait3A_143] : memref<5120x128xf32, #tpu.memory_space<vmem_shared>> -> memref<128x128xf32, #tpu.memory_space<vmem_shared>>
      tpu.wait_dma2 semaphore(%run_scoped3A : memref<!tpu.dma_semaphore, #tpu.memory_space<semaphore_mem>>) src(%dma_wait3A_144 : memref<128x128xf32, #tpu.memory_space<vmem_shared>>) dst(%dma_wait3A_142 : memref<128x128xf32, #tpu.memory_space<vmem>>)
      tpu.yield
    }) : () -> ()
    %dma_start3A = arith.constant 0 : i32
    %dma_start3A_40 = arith.constant 0 : i32
    %dma_start3A_41 = tpu.memref_slice %arg9[%dma_start3A, %dma_start3A_40] : memref<128x128xf32, #tpu.memory_space<vmem>> -> memref<128x128xf32, #tpu.memory_space<vmem>>
    %dma_start3A_42 = arith.constant 0 : i32
    %dma_start3A_43 = tpu.memref_slice %arg5[%arg0, %add3A_39, %dma_start3A_42] : memref<2x5120x128xf32, #tpu.memory_space<hbm>> -> memref<1x128x128xf32, #tpu.memory_space<hbm>>
    %dma_start3A_44 = tpu.memref_squeeze %dma_start3A_43 : memref<1x128x128xf32, #tpu.memory_space<hbm>> -> memref<128x128xf32, #tpu.memory_space<hbm>>
    %dma_start3A_45 = arith.constant 0 : i32
    %dma_start3A_46 = tpu.memref_slice %arg5[%arg0, %add3A_39, %dma_start3A_45] : memref<2x5120x128xf32, #tpu.memory_space<hbm>> -> memref<1x128x128xf32, #tpu.memory_space<hbm>>
    %dma_start3A_47 = tpu.memref_squeeze %dma_start3A_46 : memref<1x128x128xf32, #tpu.memory_space<hbm>> -> memref<128x128xf32, #tpu.memory_space<hbm>>
    %dma_start3A_48 = arith.constant 0 : i32
    %dma_start3A_49 = arith.constant 0 : i32
    %dma_start3A_50 = tpu.memref_slice %arg9[%dma_start3A_48, %dma_start3A_49] : memref<128x128xf32, #tpu.memory_space<vmem>> -> memref<128x128xf32, #tpu.memory_space<vmem>>
    tpu.enqueue_dma source(%dma_start3A_50 : memref<128x128xf32, #tpu.memory_space<vmem>>) target(%dma_start3A_47 : memref<128x128xf32, #tpu.memory_space<hbm>>) target_semaphore(%arg13 : memref<!tpu.dma_semaphore, #tpu.memory_space<semaphore_mem>>)
    %mul3A_51 = arith.constant 320 : i32
    %mul3A_52 = arith.muli %arg1, %mul3A_51 : i32
    %add3A_53 = arith.constant 128 : i32
    %add3A_54 = arith.addi %mul3A_52, %add3A_53 : i32
    "tpu.region"() ({
      %run_scoped3A = tpu.sem_alloc : memref<!tpu.dma_semaphore, #tpu.memory_space<semaphore_mem>>
      %dma_start3A_125 = arith.constant 0 : i32
      %dma_start3A_126 = arith.constant 0 : i32
      %dma_start3A_127 = tpu.memref_slice %arg10[%dma_start3A_125, %dma_start3A_126] : memref<128x128xf32, #tpu.memory_space<vmem>> -> memref<128x128xf32, #tpu.memory_space<vmem>>
      %dma_start3A_128 = arith.constant 0 : i32
      %dma_start3A_129 = tpu.memref_slice %arg11[%add3A_54, %dma_start3A_128] : memref<5120x128xf32, #tpu.memory_space<vmem_shared>> -> memref<128x128xf32, #tpu.memory_space<vmem_shared>>
      %dma_start3A_130 = arith.constant 0 : i32
      %dma_start3A_131 = arith.constant 0 : i32
      %dma_start3A_132 = tpu.memref_slice %arg10[%dma_start3A_130, %dma_start3A_131] : memref<128x128xf32, #tpu.memory_space<vmem>> -> memref<128x128xf32, #tpu.memory_space<vmem>>
      %dma_start3A_133 = arith.constant 0 : i32
      %dma_start3A_134 = tpu.memref_slice %arg11[%add3A_54, %dma_start3A_133] : memref<5120x128xf32, #tpu.memory_space<vmem_shared>> -> memref<128x128xf32, #tpu.memory_space<vmem_shared>>
      tpu.enqueue_dma source(%dma_start3A_134 : memref<128x128xf32, #tpu.memory_space<vmem_shared>>) target(%dma_start3A_132 : memref<128x128xf32, #tpu.memory_space<vmem>>) target_semaphore(%run_scoped3A : memref<!tpu.dma_semaphore, #tpu.memory_space<semaphore_mem>>)
      %dma_wait3A_135 = arith.constant 0 : i32
      %dma_wait3A_136 = arith.constant 0 : i32
      %dma_wait3A_137 = tpu.memref_slice %arg10[%dma_wait3A_135, %dma_wait3A_136] : memref<128x128xf32, #tpu.memory_space<vmem>> -> memref<128x128xf32, #tpu.memory_space<vmem>>
      %dma_wait3A_138 = arith.constant 0 : i32
      %dma_wait3A_139 = tpu.memref_slice %arg11[%add3A_54, %dma_wait3A_138] : memref<5120x128xf32, #tpu.memory_space<vmem_shared>> -> memref<128x128xf32, #tpu.memory_space<vmem_shared>>
      %dma_wait3A_140 = arith.constant 0 : i32
      %dma_wait3A_141 = arith.constant 0 : i32
      %dma_wait3A_142 = tpu.memref_slice %arg10[%dma_wait3A_140, %dma_wait3A_141] : memref<128x128xf32, #tpu.memory_space<vmem>> -> memref<128x128xf32, #tpu.memory_space<vmem>>
      %dma_wait3A_143 = arith.constant 0 : i32
      %dma_wait3A_144 = tpu.memref_slice %arg11[%add3A_54, %dma_wait3A_143] : memref<5120x128xf32, #tpu.memory_space<vmem_shared>> -> memref<128x128xf32, #tpu.memory_space<vmem_shared>>
      tpu.wait_dma2 semaphore(%run_scoped3A : memref<!tpu.dma_semaphore, #tpu.memory_space<semaphore_mem>>) src(%dma_wait3A_144 : memref<128x128xf32, #tpu.memory_space<vmem_shared>>) dst(%dma_wait3A_142 : memref<128x128xf32, #tpu.memory_space<vmem>>)
      tpu.yield
    }) : () -> ()
    %dma_start3A_55 = arith.constant 0 : i32
    %dma_start3A_56 = arith.constant 0 : i32
    %dma_start3A_57 = tpu.memref_slice %arg10[%dma_start3A_55, %dma_start3A_56] : memref<128x128xf32, #tpu.memory_space<vmem>> -> memref<128x128xf32, #tpu.memory_space<vmem>>
    %dma_start3A_58 = arith.constant 0 : i32
    %dma_start3A_59 = tpu.memref_slice %arg5[%arg0, %add3A_54, %dma_start3A_58] : memref<2x5120x128xf32, #tpu.memory_space<hbm>> -> memref<1x128x128xf32, #tpu.memory_space<hbm>>
    %dma_start3A_60 = tpu.memref_squeeze %dma_start3A_59 : memref<1x128x128xf32, #tpu.memory_space<hbm>> -> memref<128x128xf32, #tpu.memory_space<hbm>>
    %dma_start3A_61 = arith.constant 0 : i32
    %dma_start3A_62 = tpu.memref_slice %arg5[%arg0, %add3A_54, %dma_start3A_61] : memref<2x5120x128xf32, #tpu.memory_space<hbm>> -> memref<1x128x128xf32, #tpu.memory_space<hbm>>
    %dma_start3A_63 = tpu.memref_squeeze %dma_start3A_62 : memref<1x128x128xf32, #tpu.memory_space<hbm>> -> memref<128x128xf32, #tpu.memory_space<hbm>>
    %dma_start3A_64 = arith.constant 0 : i32
    %dma_start3A_65 = arith.constant 0 : i32
    %dma_start3A_66 = tpu.memref_slice %arg10[%dma_start3A_64, %dma_start3A_65] : memref<128x128xf32, #tpu.memory_space<vmem>> -> memref<128x128xf32, #tpu.memory_space<vmem>>
    tpu.enqueue_dma source(%dma_start3A_66 : memref<128x128xf32, #tpu.memory_space<vmem>>) target(%dma_start3A_63 : memref<128x128xf32, #tpu.memory_space<hbm>>) target_semaphore(%arg14 : memref<!tpu.dma_semaphore, #tpu.memory_space<semaphore_mem>>)
    %mul3A_67 = arith.constant 320 : i32
    %mul3A_68 = arith.muli %arg1, %mul3A_67 : i32
    %add3A_69 = arith.constant 256 : i32
    %add3A_70 = arith.addi %mul3A_68, %add3A_69 : i32
    %dma_wait3A_71 = arith.constant 0 : i32
    %dma_wait3A_72 = arith.constant 0 : i32
    %dma_wait3A_73 = tpu.memref_slice %arg9[%dma_wait3A_71, %dma_wait3A_72] : memref<128x128xf32, #tpu.memory_space<vmem>> -> memref<128x128xf32, #tpu.memory_space<vmem>>
    %dma_wait3A_74 = arith.constant 0 : i32
    %dma_wait3A_75 = arith.constant 0 : i32
    %dma_wait3A_76 = tpu.memref_slice %arg5[%arg0, %dma_wait3A_74, %dma_wait3A_75] : memref<2x5120x128xf32, #tpu.memory_space<hbm>> -> memref<1x128x128xf32, #tpu.memory_space<hbm>>
    %dma_wait3A_77 = tpu.memref_squeeze %dma_wait3A_76 : memref<1x128x128xf32, #tpu.memory_space<hbm>> -> memref<128x128xf32, #tpu.memory_space<hbm>>
    %dma_wait3A_78 = arith.constant 0 : i32
    %dma_wait3A_79 = arith.constant 0 : i32
    %dma_wait3A_80 = tpu.memref_slice %arg5[%arg0, %dma_wait3A_78, %dma_wait3A_79] : memref<2x5120x128xf32, #tpu.memory_space<hbm>> -> memref<1x128x128xf32, #tpu.memory_space<hbm>>
    %dma_wait3A_81 = tpu.memref_squeeze %dma_wait3A_80 : memref<1x128x128xf32, #tpu.memory_space<hbm>> -> memref<128x128xf32, #tpu.memory_space<hbm>>
    %dma_wait3A_82 = arith.constant 0 : i32
    %dma_wait3A_83 = arith.constant 0 : i32
    %dma_wait3A_84 = tpu.memref_slice %arg9[%dma_wait3A_82, %dma_wait3A_83] : memref<128x128xf32, #tpu.memory_space<vmem>> -> memref<128x128xf32, #tpu.memory_space<vmem>>
    tpu.wait_dma2 semaphore(%arg13 : memref<!tpu.dma_semaphore, #tpu.memory_space<semaphore_mem>>) src(%dma_wait3A_84 : memref<128x128xf32, #tpu.memory_space<vmem>>) dst(%dma_wait3A_81 : memref<128x128xf32, #tpu.memory_space<hbm>>)
    "tpu.region"() ({
      %run_scoped3A = tpu.sem_alloc : memref<!tpu.dma_semaphore, #tpu.memory_space<semaphore_mem>>
      %dma_start3A_125 = arith.constant 0 : i32
      %dma_start3A_126 = arith.constant 0 : i32
      %dma_start3A_127 = tpu.memref_slice %arg9[%dma_start3A_125, %dma_start3A_126] : memref<128x128xf32, #tpu.memory_space<vmem>> -> memref<64x128xf32, #tpu.memory_space<vmem>>
      %dma_start3A_128 = arith.constant 0 : i32
      %dma_start3A_129 = tpu.memref_slice %arg11[%add3A_70, %dma_start3A_128] : memref<5120x128xf32, #tpu.memory_space<vmem_shared>> -> memref<64x128xf32, #tpu.memory_space<vmem_shared>>
      %dma_start3A_130 = arith.constant 0 : i32
      %dma_start3A_131 = arith.constant 0 : i32
      %dma_start3A_132 = tpu.memref_slice %arg9[%dma_start3A_130, %dma_start3A_131] : memref<128x128xf32, #tpu.memory_space<vmem>> -> memref<64x128xf32, #tpu.memory_space<vmem>>
      %dma_start3A_133 = arith.constant 0 : i32
      %dma_start3A_134 = tpu.memref_slice %arg11[%add3A_70, %dma_start3A_133] : memref<5120x128xf32, #tpu.memory_space<vmem_shared>> -> memref<64x128xf32, #tpu.memory_space<vmem_shared>>
      tpu.enqueue_dma source(%dma_start3A_134 : memref<64x128xf32, #tpu.memory_space<vmem_shared>>) target(%dma_start3A_132 : memref<64x128xf32, #tpu.memory_space<vmem>>) target_semaphore(%run_scoped3A : memref<!tpu.dma_semaphore, #tpu.memory_space<semaphore_mem>>)
      %dma_wait3A_135 = arith.constant 0 : i32
      %dma_wait3A_136 = arith.constant 0 : i32
      %dma_wait3A_137 = tpu.memref_slice %arg9[%dma_wait3A_135, %dma_wait3A_136] : memref<128x128xf32, #tpu.memory_space<vmem>> -> memref<64x128xf32, #tpu.memory_space<vmem>>
      %dma_wait3A_138 = arith.constant 0 : i32
      %dma_wait3A_139 = tpu.memref_slice %arg11[%add3A_70, %dma_wait3A_138] : memref<5120x128xf32, #tpu.memory_space<vmem_shared>> -> memref<64x128xf32, #tpu.memory_space<vmem_shared>>
      %dma_wait3A_140 = arith.constant 0 : i32
      %dma_wait3A_141 = arith.constant 0 : i32
      %dma_wait3A_142 = tpu.memref_slice %arg9[%dma_wait3A_140, %dma_wait3A_141] : memref<128x128xf32, #tpu.memory_space<vmem>> -> memref<64x128xf32, #tpu.memory_space<vmem>>
      %dma_wait3A_143 = arith.constant 0 : i32
      %dma_wait3A_144 = tpu.memref_slice %arg11[%add3A_70, %dma_wait3A_143] : memref<5120x128xf32, #tpu.memory_space<vmem_shared>> -> memref<64x128xf32, #tpu.memory_space<vmem_shared>>
      tpu.wait_dma2 semaphore(%run_scoped3A : memref<!tpu.dma_semaphore, #tpu.memory_space<semaphore_mem>>) src(%dma_wait3A_144 : memref<64x128xf32, #tpu.memory_space<vmem_shared>>) dst(%dma_wait3A_142 : memref<64x128xf32, #tpu.memory_space<vmem>>)
      tpu.yield
    }) : () -> ()
    %dma_start3A_85 = arith.constant 0 : i32
    %dma_start3A_86 = arith.constant 0 : i32
    %dma_start3A_87 = tpu.memref_slice %arg9[%dma_start3A_85, %dma_start3A_86] : memref<128x128xf32, #tpu.memory_space<vmem>> -> memref<64x128xf32, #tpu.memory_space<vmem>>
    %dma_start3A_88 = arith.constant 0 : i32
    %dma_start3A_89 = tpu.memref_slice %arg5[%arg0, %add3A_70, %dma_start3A_88] : memref<2x5120x128xf32, #tpu.memory_space<hbm>> -> memref<1x64x128xf32, #tpu.memory_space<hbm>>
    %dma_start3A_90 = tpu.memref_squeeze %dma_start3A_89 : memref<1x64x128xf32, #tpu.memory_space<hbm>> -> memref<64x128xf32, #tpu.memory_space<hbm>>
    %dma_start3A_91 = arith.constant 0 : i32
    %dma_start3A_92 = tpu.memref_slice %arg5[%arg0, %add3A_70, %dma_start3A_91] : memref<2x5120x128xf32, #tpu.memory_space<hbm>> -> memref<1x64x128xf32, #tpu.memory_space<hbm>>
    %dma_start3A_93 = tpu.memref_squeeze %dma_start3A_92 : memref<1x64x128xf32, #tpu.memory_space<hbm>> -> memref<64x128xf32, #tpu.memory_space<hbm>>
    %dma_start3A_94 = arith.constant 0 : i32
    %dma_start3A_95 = arith.constant 0 : i32
    %dma_start3A_96 = tpu.memref_slice %arg9[%dma_start3A_94, %dma_start3A_95] : memref<128x128xf32, #tpu.memory_space<vmem>> -> memref<64x128xf32, #tpu.memory_space<vmem>>
    tpu.enqueue_dma source(%dma_start3A_96 : memref<64x128xf32, #tpu.memory_space<vmem>>) target(%dma_start3A_93 : memref<64x128xf32, #tpu.memory_space<hbm>>) target_semaphore(%arg13 : memref<!tpu.dma_semaphore, #tpu.memory_space<semaphore_mem>>)
    %dma_wait3A_97 = arith.constant 0 : i32
    %dma_wait3A_98 = arith.constant 0 : i32
    %dma_wait3A_99 = tpu.memref_slice %arg9[%dma_wait3A_97, %dma_wait3A_98] : memref<128x128xf32, #tpu.memory_space<vmem>> -> memref<64x128xf32, #tpu.memory_space<vmem>>
    %dma_wait3A_100 = arith.constant 0 : i32
    %dma_wait3A_101 = arith.constant 0 : i32
    %dma_wait3A_102 = tpu.memref_slice %arg5[%arg0, %dma_wait3A_100, %dma_wait3A_101] : memref<2x5120x128xf32, #tpu.memory_space<hbm>> -> memref<1x64x128xf32, #tpu.memory_space<hbm>>
    %dma_wait3A_103 = tpu.memref_squeeze %dma_wait3A_102 : memref<1x64x128xf32, #tpu.memory_space<hbm>> -> memref<64x128xf32, #tpu.memory_space<hbm>>
    %dma_wait3A_104 = arith.constant 0 : i32
    %dma_wait3A_105 = arith.constant 0 : i32
    %dma_wait3A_106 = tpu.memref_slice %arg5[%arg0, %dma_wait3A_104, %dma_wait3A_105] : memref<2x5120x128xf32, #tpu.memory_space<hbm>> -> memref<1x64x128xf32, #tpu.memory_space<hbm>>
    %dma_wait3A_107 = tpu.memref_squeeze %dma_wait3A_106 : memref<1x64x128xf32, #tpu.memory_space<hbm>> -> memref<64x128xf32, #tpu.memory_space<hbm>>
    %dma_wait3A_108 = arith.constant 0 : i32
    %dma_wait3A_109 = arith.constant 0 : i32
    %dma_wait3A_110 = tpu.memref_slice %arg9[%dma_wait3A_108, %dma_wait3A_109] : memref<128x128xf32, #tpu.memory_space<vmem>> -> memref<64x128xf32, #tpu.memory_space<vmem>>
    tpu.wait_dma2 semaphore(%arg13 : memref<!tpu.dma_semaphore, #tpu.memory_space<semaphore_mem>>) src(%dma_wait3A_110 : memref<64x128xf32, #tpu.memory_space<vmem>>) dst(%dma_wait3A_107 : memref<64x128xf32, #tpu.memory_space<hbm>>)
    %dma_wait3A_111 = arith.constant 0 : i32
    %dma_wait3A_112 = arith.constant 0 : i32
    %dma_wait3A_113 = tpu.memref_slice %arg10[%dma_wait3A_111, %dma_wait3A_112] : memref<128x128xf32, #tpu.memory_space<vmem>> -> memref<128x128xf32, #tpu.memory_space<vmem>>
    %dma_wait3A_114 = arith.constant 0 : i32
    %dma_wait3A_115 = arith.constant 0 : i32
    %dma_wait3A_116 = tpu.memref_slice %arg5[%arg0, %dma_wait3A_114, %dma_wait3A_115] : memref<2x5120x128xf32, #tpu.memory_space<hbm>> -> memref<1x128x128xf32, #tpu.memory_space<hbm>>
    %dma_wait3A_117 = tpu.memref_squeeze %dma_wait3A_116 : memref<1x128x128xf32, #tpu.memory_space<hbm>> -> memref<128x128xf32, #tpu.memory_space<hbm>>
    %dma_wait3A_118 = arith.constant 0 : i32
    %dma_wait3A_119 = arith.constant 0 : i32
    %dma_wait3A_120 = tpu.memref_slice %arg5[%arg0, %dma_wait3A_118, %dma_wait3A_119] : memref<2x5120x128xf32, #tpu.memory_space<hbm>> -> memref<1x128x128xf32, #tpu.memory_space<hbm>>
    %dma_wait3A_121 = tpu.memref_squeeze %dma_wait3A_120 : memref<1x128x128xf32, #tpu.memory_space<hbm>> -> memref<128x128xf32, #tpu.memory_space<hbm>>
    %dma_wait3A_122 = arith.constant 0 : i32
    %dma_wait3A_123 = arith.constant 0 : i32
    %dma_wait3A_124 = tpu.memref_slice %arg10[%dma_wait3A_122, %dma_wait3A_123] : memref<128x128xf32, #tpu.memory_space<vmem>> -> memref<128x128xf32, #tpu.memory_space<vmem>>
    tpu.wait_dma2 semaphore(%arg14 : memref<!tpu.dma_semaphore, #tpu.memory_space<semaphore_mem>>) src(%dma_wait3A_124 : memref<128x128xf32, #tpu.memory_space<vmem>>) dst(%dma_wait3A_121 : memref<128x128xf32, #tpu.memory_space<hbm>>)
    return
  }
}

#map = affine_map<(d0, d1) -> (0, 0)>
#map1 = affine_map<(d0, d1) -> (0, 0, 0)>
module attributes {stable_mosaic.version = 14 : i64} {
  func.func @k(%arg0: i32, %arg1: i32, %arg2: memref<2560x128xi32, #tpu.memory_space<hbm>>, %arg3: memref<10240x8xf32, #tpu.memory_space<hbm>>, %arg4: memref<128x8xf32, #tpu.memory_space<hbm>>, %arg5: memref<2x10240x8xf32, #tpu.memory_space<hbm>>, %arg6: memref<80x128xi32, #tpu.memory_space<vmem>>, %arg7: memref<8x128xi32, #tpu.memory_space<vmem>>, %arg8: memref<128x8xf32, #tpu.memory_space<vmem>>, %arg9: memref<640x8xf32, #tpu.memory_space<vmem>>, %arg10: memref<10240x8xf32, #tpu.memory_space<vmem_shared>>, %arg11: memref<!tpu.dma_semaphore, #tpu.memory_space<semaphore_mem>>) attributes {dimension_semantics = [#tpu.dimension_semantics<core_parallel>, #tpu.dimension_semantics<subcore_parallel>], iteration_bounds = array<i64: 2, 16>, scalar_prefetch = 0 : i64, scratch_operands = 6 : i64, tpu.core_type = #tpu.core_type<sc_vector_subcore>, window_params = [{transform_indices = #map}, {transform_indices = #map}, {transform_indices = #map}, {transform_indices = #map1}]} {
    %mul3A = arith.constant 2 : i32
    %mul3A_0 = arith.muli %arg1, %mul3A : i32
    %add3A = arith.addi %mul3A_0, %arg0 : i32
    %mul3A_1 = arith.constant 640 : i32
    %mul3A_2 = arith.muli %arg1, %mul3A_1 : i32
    "tpu.region"() ({
      %run_scoped3A = tpu.sem_alloc : memref<!tpu.dma_semaphore, #tpu.memory_space<semaphore_mem>>
      %dma_start3A = arith.constant 0 : i32
      %dma_start3A_11 = tpu.memref_slice %arg3[%mul3A_2, %dma_start3A] : memref<10240x8xf32, #tpu.memory_space<hbm>> -> memref<640x8xf32, #tpu.memory_space<hbm>>
      %dma_start3A_12 = arith.constant 0 : i32
      %dma_start3A_13 = tpu.memref_slice %arg3[%mul3A_2, %dma_start3A_12] : memref<10240x8xf32, #tpu.memory_space<hbm>> -> memref<640x8xf32, #tpu.memory_space<hbm>>
      tpu.enqueue_dma source(%dma_start3A_13 : memref<640x8xf32, #tpu.memory_space<hbm>>) target(%arg9 : memref<640x8xf32, #tpu.memory_space<vmem>>) target_semaphore(%run_scoped3A : memref<!tpu.dma_semaphore, #tpu.memory_space<semaphore_mem>>)
      %dma_wait3A = arith.constant 0 : i32
      %dma_wait3A_14 = tpu.memref_slice %arg3[%mul3A_2, %dma_wait3A] : memref<10240x8xf32, #tpu.memory_space<hbm>> -> memref<640x8xf32, #tpu.memory_space<hbm>>
      %dma_wait3A_15 = arith.constant 0 : i32
      %dma_wait3A_16 = tpu.memref_slice %arg3[%mul3A_2, %dma_wait3A_15] : memref<10240x8xf32, #tpu.memory_space<hbm>> -> memref<640x8xf32, #tpu.memory_space<hbm>>
      tpu.wait_dma2 semaphore(%run_scoped3A : memref<!tpu.dma_semaphore, #tpu.memory_space<semaphore_mem>>) src(%dma_wait3A_16 : memref<640x8xf32, #tpu.memory_space<hbm>>) dst(%arg9 : memref<640x8xf32, #tpu.memory_space<vmem>>)
      tpu.yield
    }) : () -> ()
    "tpu.region"() ({
      %run_scoped3A = tpu.sem_alloc : memref<!tpu.dma_semaphore, #tpu.memory_space<semaphore_mem>>
      %dma_start3A = arith.constant 0 : i32
      %dma_start3A_11 = tpu.memref_slice %arg10[%mul3A_2, %dma_start3A] : memref<10240x8xf32, #tpu.memory_space<vmem_shared>> -> memref<640x8xf32, #tpu.memory_space<vmem_shared>>
      %dma_start3A_12 = arith.constant 0 : i32
      %dma_start3A_13 = tpu.memref_slice %arg10[%mul3A_2, %dma_start3A_12] : memref<10240x8xf32, #tpu.memory_space<vmem_shared>> -> memref<640x8xf32, #tpu.memory_space<vmem_shared>>
      tpu.enqueue_dma source(%arg9 : memref<640x8xf32, #tpu.memory_space<vmem>>) target(%dma_start3A_13 : memref<640x8xf32, #tpu.memory_space<vmem_shared>>) target_semaphore(%run_scoped3A : memref<!tpu.dma_semaphore, #tpu.memory_space<semaphore_mem>>)
      %dma_wait3A = arith.constant 0 : i32
      %dma_wait3A_14 = tpu.memref_slice %arg10[%mul3A_2, %dma_wait3A] : memref<10240x8xf32, #tpu.memory_space<vmem_shared>> -> memref<640x8xf32, #tpu.memory_space<vmem_shared>>
      %dma_wait3A_15 = arith.constant 0 : i32
      %dma_wait3A_16 = tpu.memref_slice %arg10[%mul3A_2, %dma_wait3A_15] : memref<10240x8xf32, #tpu.memory_space<vmem_shared>> -> memref<640x8xf32, #tpu.memory_space<vmem_shared>>
      tpu.wait_dma2 semaphore(%run_scoped3A : memref<!tpu.dma_semaphore, #tpu.memory_space<semaphore_mem>>) src(%arg9 : memref<640x8xf32, #tpu.memory_space<vmem>>) dst(%dma_wait3A_16 : memref<640x8xf32, #tpu.memory_space<vmem_shared>>)
      tpu.yield
    }) : () -> ()
    %mul3A_3 = arith.constant 80 : i32
    %mul3A_4 = arith.muli %add3A, %mul3A_3 : i32
    "tpu.region"() ({
      %run_scoped3A = tpu.sem_alloc : memref<!tpu.dma_semaphore, #tpu.memory_space<semaphore_mem>>
      %dma_start3A = arith.constant 0 : i32
      %dma_start3A_11 = tpu.memref_slice %arg2[%mul3A_4, %dma_start3A] : memref<2560x128xi32, #tpu.memory_space<hbm>> -> memref<80x128xi32, #tpu.memory_space<hbm>>
      %dma_start3A_12 = arith.constant 0 : i32
      %dma_start3A_13 = tpu.memref_slice %arg2[%mul3A_4, %dma_start3A_12] : memref<2560x128xi32, #tpu.memory_space<hbm>> -> memref<80x128xi32, #tpu.memory_space<hbm>>
      tpu.enqueue_dma source(%dma_start3A_13 : memref<80x128xi32, #tpu.memory_space<hbm>>) target(%arg6 : memref<80x128xi32, #tpu.memory_space<vmem>>) target_semaphore(%run_scoped3A : memref<!tpu.dma_semaphore, #tpu.memory_space<semaphore_mem>>)
      %dma_wait3A = arith.constant 0 : i32
      %dma_wait3A_14 = tpu.memref_slice %arg2[%mul3A_4, %dma_wait3A] : memref<2560x128xi32, #tpu.memory_space<hbm>> -> memref<80x128xi32, #tpu.memory_space<hbm>>
      %dma_wait3A_15 = arith.constant 0 : i32
      %dma_wait3A_16 = tpu.memref_slice %arg2[%mul3A_4, %dma_wait3A_15] : memref<2560x128xi32, #tpu.memory_space<hbm>> -> memref<80x128xi32, #tpu.memory_space<hbm>>
      tpu.wait_dma2 semaphore(%run_scoped3A : memref<!tpu.dma_semaphore, #tpu.memory_space<semaphore_mem>>) src(%dma_wait3A_16 : memref<80x128xi32, #tpu.memory_space<hbm>>) dst(%arg6 : memref<80x128xi32, #tpu.memory_space<vmem>>)
      tpu.yield
    }) : () -> ()
    "tpu.region"() ({
      %run_scoped3A = tpu.sem_alloc : memref<!tpu.dma_semaphore, #tpu.memory_space<semaphore_mem>>
      tpu.enqueue_dma source(%arg4 : memref<128x8xf32, #tpu.memory_space<hbm>>) target(%arg8 : memref<128x8xf32, #tpu.memory_space<vmem>>) target_semaphore(%run_scoped3A : memref<!tpu.dma_semaphore, #tpu.memory_space<semaphore_mem>>)
      tpu.wait_dma2 semaphore(%run_scoped3A : memref<!tpu.dma_semaphore, #tpu.memory_space<semaphore_mem>>) src(%arg4 : memref<128x8xf32, #tpu.memory_space<hbm>>) dst(%arg8 : memref<128x8xf32, #tpu.memory_space<vmem>>)
      tpu.yield
    }) : () -> ()
    %barrier3A = arith.constant 0 : index
    tpu.barrier barrier_id(%barrier3A)
    %scan3A = arith.constant 0 : i32
    %scan3A_5 = arith.constant 0 : i32
    %scan3A_6 = arith.constant 10 : i32
    %scan3A_7 = arith.addi %scan3A_5, %scan3A_6 : i32
    %scan3A_8 = arith.constant 1 : i32
    scf.for %scan3A_11 = %scan3A_5 to %scan3A_7 step %scan3A_8  : i32 {
      %mul3A_12 = arith.constant 8 : i32
      %mul3A_13 = arith.muli %scan3A_11, %mul3A_12 : i32
      %add3A_14 = arith.constant 0 : i32
      %add3A_15 = arith.addi %mul3A_13, %add3A_14 : i32
      %get3A = arith.index_cast %add3A_15 : i32 to index
      %get3A_16 = arith.constant 0 : index
      %get3A_17 = tpu.vector_load %arg6[%get3A, %get3A_16] {strides = array<i32>} : memref<80x128xi32, #tpu.memory_space<vmem>>, vector<1x16xi32>,
      %get3A_18 = vector.shape_cast %get3A_17 : vector<1x16xi32> to vector<16xi32>
      %shift_right_arithmetic3A = arith.constant 16 : i32
      %shift_right_arithmetic3A_19 = vector.broadcast %shift_right_arithmetic3A : i32 to vector<16xi32>
      %shift_right_arithmetic3A_20 = arith.shrsi %get3A_18, %shift_right_arithmetic3A_19 : vector<16xi32>
      %swap3A = arith.constant 0 : i32
      %swap3A_21 = arith.index_cast %swap3A : i32 to index
      %swap3A_22 = arith.constant 0 : index
      %swap3A_23 = tpu.vector_load %arg7[%swap3A_21, %swap3A_22] {strides = array<i32>} : memref<8x128xi32, #tpu.memory_space<vmem>>, vector<1x16xi32>,
      %swap3A_24 = vector.shape_cast %swap3A_23 : vector<1x16xi32> to vector<16xi32>
      %swap3A_25 = vector.shape_cast %shift_right_arithmetic3A_20 : vector<16xi32> to vector<1x16xi32>
      tpu.vector_store %arg7[%swap3A_21, %swap3A_22], %swap3A_25 {strides = array<i32>} : memref<8x128xi32, #tpu.memory_space<vmem>>, vector<1x16xi32>,
      %mul3A_26 = arith.constant 8 : i32
      %mul3A_27 = arith.muli %scan3A_11, %mul3A_26 : i32
      %add3A_28 = arith.constant 0 : i32
      %add3A_29 = arith.addi %mul3A_27, %add3A_28 : i32
      %get3A_30 = arith.index_cast %add3A_29 : i32 to index
      %get3A_31 = arith.constant 16 : index
      %get3A_32 = tpu.vector_load %arg6[%get3A_30, %get3A_31] {strides = array<i32>} : memref<80x128xi32, #tpu.memory_space<vmem>>, vector<1x16xi32>,
      %get3A_33 = vector.shape_cast %get3A_32 : vector<1x16xi32> to vector<16xi32>
      %shift_right_arithmetic3A_34 = arith.constant 16 : i32
      %shift_right_arithmetic3A_35 = vector.broadcast %shift_right_arithmetic3A_34 : i32 to vector<16xi32>
      %shift_right_arithmetic3A_36 = arith.shrsi %get3A_33, %shift_right_arithmetic3A_35 : vector<16xi32>
      %swap3A_37 = arith.constant 0 : i32
      %swap3A_38 = arith.index_cast %swap3A_37 : i32 to index
      %swap3A_39 = arith.constant 16 : index
      %swap3A_40 = tpu.vector_load %arg7[%swap3A_38, %swap3A_39] {strides = array<i32>} : memref<8x128xi32, #tpu.memory_space<vmem>>, vector<1x16xi32>,
      %swap3A_41 = vector.shape_cast %swap3A_40 : vector<1x16xi32> to vector<16xi32>
      %swap3A_42 = vector.shape_cast %shift_right_arithmetic3A_36 : vector<16xi32> to vector<1x16xi32>
      tpu.vector_store %arg7[%swap3A_38, %swap3A_39], %swap3A_42 {strides = array<i32>} : memref<8x128xi32, #tpu.memory_space<vmem>>, vector<1x16xi32>,
      %mul3A_43 = arith.constant 8 : i32
      %mul3A_44 = arith.muli %scan3A_11, %mul3A_43 : i32
      %add3A_45 = arith.constant 0 : i32
      %add3A_46 = arith.addi %mul3A_44, %add3A_45 : i32
      %get3A_47 = arith.index_cast %add3A_46 : i32 to index
      %get3A_48 = arith.constant 32 : index
      %get3A_49 = tpu.vector_load %arg6[%get3A_47, %get3A_48] {strides = array<i32>} : memref<80x128xi32, #tpu.memory_space<vmem>>, vector<1x16xi32>,
      %get3A_50 = vector.shape_cast %get3A_49 : vector<1x16xi32> to vector<16xi32>
      %shift_right_arithmetic3A_51 = arith.constant 16 : i32
      %shift_right_arithmetic3A_52 = vector.broadcast %shift_right_arithmetic3A_51 : i32 to vector<16xi32>
      %shift_right_arithmetic3A_53 = arith.shrsi %get3A_50, %shift_right_arithmetic3A_52 : vector<16xi32>
      %swap3A_54 = arith.constant 0 : i32
      %swap3A_55 = arith.index_cast %swap3A_54 : i32 to index
      %swap3A_56 = arith.constant 32 : index
      %swap3A_57 = tpu.vector_load %arg7[%swap3A_55, %swap3A_56] {strides = array<i32>} : memref<8x128xi32, #tpu.memory_space<vmem>>, vector<1x16xi32>,
      %swap3A_58 = vector.shape_cast %swap3A_57 : vector<1x16xi32> to vector<16xi32>
      %swap3A_59 = vector.shape_cast %shift_right_arithmetic3A_53 : vector<16xi32> to vector<1x16xi32>
      tpu.vector_store %arg7[%swap3A_55, %swap3A_56], %swap3A_59 {strides = array<i32>} : memref<8x128xi32, #tpu.memory_space<vmem>>, vector<1x16xi32>,
      %mul3A_60 = arith.constant 8 : i32
      %mul3A_61 = arith.muli %scan3A_11, %mul3A_60 : i32
      %add3A_62 = arith.constant 0 : i32
      %add3A_63 = arith.addi %mul3A_61, %add3A_62 : i32
      %get3A_64 = arith.index_cast %add3A_63 : i32 to index
      %get3A_65 = arith.constant 48 : index
      %get3A_66 = tpu.vector_load %arg6[%get3A_64, %get3A_65] {strides = array<i32>} : memref<80x128xi32, #tpu.memory_space<vmem>>, vector<1x16xi32>,
      %get3A_67 = vector.shape_cast %get3A_66 : vector<1x16xi32> to vector<16xi32>
      %shift_right_arithmetic3A_68 = arith.constant 16 : i32
      %shift_right_arithmetic3A_69 = vector.broadcast %shift_right_arithmetic3A_68 : i32 to vector<16xi32>
      %shift_right_arithmetic3A_70 = arith.shrsi %get3A_67, %shift_right_arithmetic3A_69 : vector<16xi32>
      %swap3A_71 = arith.constant 0 : i32
      %swap3A_72 = arith.index_cast %swap3A_71 : i32 to index
      %swap3A_73 = arith.constant 48 : index
      %swap3A_74 = tpu.vector_load %arg7[%swap3A_72, %swap3A_73] {strides = array<i32>} : memref<8x128xi32, #tpu.memory_space<vmem>>, vector<1x16xi32>,
      %swap3A_75 = vector.shape_cast %swap3A_74 : vector<1x16xi32> to vector<16xi32>
      %swap3A_76 = vector.shape_cast %shift_right_arithmetic3A_70 : vector<16xi32> to vector<1x16xi32>
      tpu.vector_store %arg7[%swap3A_72, %swap3A_73], %swap3A_76 {strides = array<i32>} : memref<8x128xi32, #tpu.memory_space<vmem>>, vector<1x16xi32>,
      %mul3A_77 = arith.constant 8 : i32
      %mul3A_78 = arith.muli %scan3A_11, %mul3A_77 : i32
      %add3A_79 = arith.constant 0 : i32
      %add3A_80 = arith.addi %mul3A_78, %add3A_79 : i32
      %get3A_81 = arith.index_cast %add3A_80 : i32 to index
      %get3A_82 = arith.constant 64 : index
      %get3A_83 = tpu.vector_load %arg6[%get3A_81, %get3A_82] {strides = array<i32>} : memref<80x128xi32, #tpu.memory_space<vmem>>, vector<1x16xi32>,
      %get3A_84 = vector.shape_cast %get3A_83 : vector<1x16xi32> to vector<16xi32>
      %shift_right_arithmetic3A_85 = arith.constant 16 : i32
      %shift_right_arithmetic3A_86 = vector.broadcast %shift_right_arithmetic3A_85 : i32 to vector<16xi32>
      %shift_right_arithmetic3A_87 = arith.shrsi %get3A_84, %shift_right_arithmetic3A_86 : vector<16xi32>
      %swap3A_88 = arith.constant 0 : i32
      %swap3A_89 = arith.index_cast %swap3A_88 : i32 to index
      %swap3A_90 = arith.constant 64 : index
      %swap3A_91 = tpu.vector_load %arg7[%swap3A_89, %swap3A_90] {strides = array<i32>} : memref<8x128xi32, #tpu.memory_space<vmem>>, vector<1x16xi32>,
      %swap3A_92 = vector.shape_cast %swap3A_91 : vector<1x16xi32> to vector<16xi32>
      %swap3A_93 = vector.shape_cast %shift_right_arithmetic3A_87 : vector<16xi32> to vector<1x16xi32>
      tpu.vector_store %arg7[%swap3A_89, %swap3A_90], %swap3A_93 {strides = array<i32>} : memref<8x128xi32, #tpu.memory_space<vmem>>, vector<1x16xi32>,
      %mul3A_94 = arith.constant 8 : i32
      %mul3A_95 = arith.muli %scan3A_11, %mul3A_94 : i32
      %add3A_96 = arith.constant 0 : i32
      %add3A_97 = arith.addi %mul3A_95, %add3A_96 : i32
      %get3A_98 = arith.index_cast %add3A_97 : i32 to index
      %get3A_99 = arith.constant 80 : index
      %get3A_100 = tpu.vector_load %arg6[%get3A_98, %get3A_99] {strides = array<i32>} : memref<80x128xi32, #tpu.memory_space<vmem>>, vector<1x16xi32>,
      %get3A_101 = vector.shape_cast %get3A_100 : vector<1x16xi32> to vector<16xi32>
      %shift_right_arithmetic3A_102 = arith.constant 16 : i32
      %shift_right_arithmetic3A_103 = vector.broadcast %shift_right_arithmetic3A_102 : i32 to vector<16xi32>
      %shift_right_arithmetic3A_104 = arith.shrsi %get3A_101, %shift_right_arithmetic3A_103 : vector<16xi32>
      %swap3A_105 = arith.constant 0 : i32
      %swap3A_106 = arith.index_cast %swap3A_105 : i32 to index
      %swap3A_107 = arith.constant 80 : index
      %swap3A_108 = tpu.vector_load %arg7[%swap3A_106, %swap3A_107] {strides = array<i32>} : memref<8x128xi32, #tpu.memory_space<vmem>>, vector<1x16xi32>,
      %swap3A_109 = vector.shape_cast %swap3A_108 : vector<1x16xi32> to vector<16xi32>
      %swap3A_110 = vector.shape_cast %shift_right_arithmetic3A_104 : vector<16xi32> to vector<1x16xi32>
      tpu.vector_store %arg7[%swap3A_106, %swap3A_107], %swap3A_110 {strides = array<i32>} : memref<8x128xi32, #tpu.memory_space<vmem>>, vector<1x16xi32>,
      %mul3A_111 = arith.constant 8 : i32
      %mul3A_112 = arith.muli %scan3A_11, %mul3A_111 : i32
      %add3A_113 = arith.constant 0 : i32
      %add3A_114 = arith.addi %mul3A_112, %add3A_113 : i32
      %get3A_115 = arith.index_cast %add3A_114 : i32 to index
      %get3A_116 = arith.constant 96 : index
      %get3A_117 = tpu.vector_load %arg6[%get3A_115, %get3A_116] {strides = array<i32>} : memref<80x128xi32, #tpu.memory_space<vmem>>, vector<1x16xi32>,
      %get3A_118 = vector.shape_cast %get3A_117 : vector<1x16xi32> to vector<16xi32>
      %shift_right_arithmetic3A_119 = arith.constant 16 : i32
      %shift_right_arithmetic3A_120 = vector.broadcast %shift_right_arithmetic3A_119 : i32 to vector<16xi32>
      %shift_right_arithmetic3A_121 = arith.shrsi %get3A_118, %shift_right_arithmetic3A_120 : vector<16xi32>
      %swap3A_122 = arith.constant 0 : i32
      %swap3A_123 = arith.index_cast %swap3A_122 : i32 to index
      %swap3A_124 = arith.constant 96 : index
      %swap3A_125 = tpu.vector_load %arg7[%swap3A_123, %swap3A_124] {strides = array<i32>} : memref<8x128xi32, #tpu.memory_space<vmem>>, vector<1x16xi32>,
      %swap3A_126 = vector.shape_cast %swap3A_125 : vector<1x16xi32> to vector<16xi32>
      %swap3A_127 = vector.shape_cast %shift_right_arithmetic3A_121 : vector<16xi32> to vector<1x16xi32>
      tpu.vector_store %arg7[%swap3A_123, %swap3A_124], %swap3A_127 {strides = array<i32>} : memref<8x128xi32, #tpu.memory_space<vmem>>, vector<1x16xi32>,
      %mul3A_128 = arith.constant 8 : i32
      %mul3A_129 = arith.muli %scan3A_11, %mul3A_128 : i32
      %add3A_130 = arith.constant 0 : i32
      %add3A_131 = arith.addi %mul3A_129, %add3A_130 : i32
      %get3A_132 = arith.index_cast %add3A_131 : i32 to index
      %get3A_133 = arith.constant 112 : index
      %get3A_134 = tpu.vector_load %arg6[%get3A_132, %get3A_133] {strides = array<i32>} : memref<80x128xi32, #tpu.memory_space<vmem>>, vector<1x16xi32>,
      %get3A_135 = vector.shape_cast %get3A_134 : vector<1x16xi32> to vector<16xi32>
      %shift_right_arithmetic3A_136 = arith.constant 16 : i32
      %shift_right_arithmetic3A_137 = vector.broadcast %shift_right_arithmetic3A_136 : i32 to vector<16xi32>
      %shift_right_arithmetic3A_138 = arith.shrsi %get3A_135, %shift_right_arithmetic3A_137 : vector<16xi32>
      %swap3A_139 = arith.constant 0 : i32
      %swap3A_140 = arith.index_cast %swap3A_139 : i32 to index
      %swap3A_141 = arith.constant 112 : index
      %swap3A_142 = tpu.vector_load %arg7[%swap3A_140, %swap3A_141] {strides = array<i32>} : memref<8x128xi32, #tpu.memory_space<vmem>>, vector<1x16xi32>,
      %swap3A_143 = vector.shape_cast %swap3A_142 : vector<1x16xi32> to vector<16xi32>
      %swap3A_144 = vector.shape_cast %shift_right_arithmetic3A_138 : vector<16xi32> to vector<1x16xi32>
      tpu.vector_store %arg7[%swap3A_140, %swap3A_141], %swap3A_144 {strides = array<i32>} : memref<8x128xi32, #tpu.memory_space<vmem>>, vector<1x16xi32>,
      %dma_start3A = arith.constant 0 : i32
      %dma_start3A_145 = arith.constant 0 : i32
      %dma_start3A_146 = tpu.memref_slice %arg7[%dma_start3A, %dma_start3A_145] : memref<8x128xi32, #tpu.memory_space<vmem>> -> memref<1x128xi32, #tpu.memory_space<vmem>>
      %dma_start3A_147 = tpu.memref_squeeze %dma_start3A_146 : memref<1x128xi32, #tpu.memory_space<vmem>> -> memref<128xi32, #tpu.memory_space<vmem>>
      %dma_start3A_148 = arith.constant 0 : i32
      %dma_start3A_149 = arith.constant 0 : i32
      %dma_start3A_150 = tpu.memref_slice %arg10[%dma_start3A_148, %dma_start3A_149] : memref<10240x8xf32, #tpu.memory_space<vmem_shared>> -> memref<10240x8xf32, #tpu.memory_space<vmem_shared>>
      tpu.enqueue_indirect_dma source(%arg8 : memref<128x8xf32, #tpu.memory_space<vmem>>) target(%dma_start3A_150 : memref<10240x8xf32, #tpu.memory_space<vmem_shared>>) offsets(%dma_start3A_147 : memref<128xi32, #tpu.memory_space<vmem>>) semaphore(%arg11 : memref<!tpu.dma_semaphore, #tpu.memory_space<semaphore_mem>>) {add = true}
      %mul3A_151 = arith.constant 8 : i32
      %mul3A_152 = arith.muli %scan3A_11, %mul3A_151 : i32
      %add3A_153 = arith.constant 1 : i32
      %add3A_154 = arith.addi %mul3A_152, %add3A_153 : i32
      %get3A_155 = arith.index_cast %add3A_154 : i32 to index
      %get3A_156 = arith.constant 0 : index
      %get3A_157 = tpu.vector_load %arg6[%get3A_155, %get3A_156] {strides = array<i32>} : memref<80x128xi32, #tpu.memory_space<vmem>>, vector<1x16xi32>,
      %get3A_158 = vector.shape_cast %get3A_157 : vector<1x16xi32> to vector<16xi32>
      %shift_right_arithmetic3A_159 = arith.constant 16 : i32
      %shift_right_arithmetic3A_160 = vector.broadcast %shift_right_arithmetic3A_159 : i32 to vector<16xi32>
      %shift_right_arithmetic3A_161 = arith.shrsi %get3A_158, %shift_right_arithmetic3A_160 : vector<16xi32>
      %swap3A_162 = arith.constant 1 : i32
      %swap3A_163 = arith.index_cast %swap3A_162 : i32 to index
      %swap3A_164 = arith.constant 0 : index
      %swap3A_165 = tpu.vector_load %arg7[%swap3A_163, %swap3A_164] {strides = array<i32>} : memref<8x128xi32, #tpu.memory_space<vmem>>, vector<1x16xi32>,
      %swap3A_166 = vector.shape_cast %swap3A_165 : vector<1x16xi32> to vector<16xi32>
      %swap3A_167 = vector.shape_cast %shift_right_arithmetic3A_161 : vector<16xi32> to vector<1x16xi32>
      tpu.vector_store %arg7[%swap3A_163, %swap3A_164], %swap3A_167 {strides = array<i32>} : memref<8x128xi32, #tpu.memory_space<vmem>>, vector<1x16xi32>,
      %mul3A_168 = arith.constant 8 : i32
      %mul3A_169 = arith.muli %scan3A_11, %mul3A_168 : i32
      %add3A_170 = arith.constant 1 : i32
      %add3A_171 = arith.addi %mul3A_169, %add3A_170 : i32
      %get3A_172 = arith.index_cast %add3A_171 : i32 to index
      %get3A_173 = arith.constant 16 : index
      %get3A_174 = tpu.vector_load %arg6[%get3A_172, %get3A_173] {strides = array<i32>} : memref<80x128xi32, #tpu.memory_space<vmem>>, vector<1x16xi32>,
      %get3A_175 = vector.shape_cast %get3A_174 : vector<1x16xi32> to vector<16xi32>
      %shift_right_arithmetic3A_176 = arith.constant 16 : i32
      %shift_right_arithmetic3A_177 = vector.broadcast %shift_right_arithmetic3A_176 : i32 to vector<16xi32>
      %shift_right_arithmetic3A_178 = arith.shrsi %get3A_175, %shift_right_arithmetic3A_177 : vector<16xi32>
      %swap3A_179 = arith.constant 1 : i32
      %swap3A_180 = arith.index_cast %swap3A_179 : i32 to index
      %swap3A_181 = arith.constant 16 : index
      %swap3A_182 = tpu.vector_load %arg7[%swap3A_180, %swap3A_181] {strides = array<i32>} : memref<8x128xi32, #tpu.memory_space<vmem>>, vector<1x16xi32>,
      %swap3A_183 = vector.shape_cast %swap3A_182 : vector<1x16xi32> to vector<16xi32>
      %swap3A_184 = vector.shape_cast %shift_right_arithmetic3A_178 : vector<16xi32> to vector<1x16xi32>
      tpu.vector_store %arg7[%swap3A_180, %swap3A_181], %swap3A_184 {strides = array<i32>} : memref<8x128xi32, #tpu.memory_space<vmem>>, vector<1x16xi32>,
      %mul3A_185 = arith.constant 8 : i32
      %mul3A_186 = arith.muli %scan3A_11, %mul3A_185 : i32
      %add3A_187 = arith.constant 1 : i32
      %add3A_188 = arith.addi %mul3A_186, %add3A_187 : i32
      %get3A_189 = arith.index_cast %add3A_188 : i32 to index
      %get3A_190 = arith.constant 32 : index
      %get3A_191 = tpu.vector_load %arg6[%get3A_189, %get3A_190] {strides = array<i32>} : memref<80x128xi32, #tpu.memory_space<vmem>>, vector<1x16xi32>,
      %get3A_192 = vector.shape_cast %get3A_191 : vector<1x16xi32> to vector<16xi32>
      %shift_right_arithmetic3A_193 = arith.constant 16 : i32
      %shift_right_arithmetic3A_194 = vector.broadcast %shift_right_arithmetic3A_193 : i32 to vector<16xi32>
      %shift_right_arithmetic3A_195 = arith.shrsi %get3A_192, %shift_right_arithmetic3A_194 : vector<16xi32>
      %swap3A_196 = arith.constant 1 : i32
      %swap3A_197 = arith.index_cast %swap3A_196 : i32 to index
      %swap3A_198 = arith.constant 32 : index
      %swap3A_199 = tpu.vector_load %arg7[%swap3A_197, %swap3A_198] {strides = array<i32>} : memref<8x128xi32, #tpu.memory_space<vmem>>, vector<1x16xi32>,
      %swap3A_200 = vector.shape_cast %swap3A_199 : vector<1x16xi32> to vector<16xi32>
      %swap3A_201 = vector.shape_cast %shift_right_arithmetic3A_195 : vector<16xi32> to vector<1x16xi32>
      tpu.vector_store %arg7[%swap3A_197, %swap3A_198], %swap3A_201 {strides = array<i32>} : memref<8x128xi32, #tpu.memory_space<vmem>>, vector<1x16xi32>,
      %mul3A_202 = arith.constant 8 : i32
      %mul3A_203 = arith.muli %scan3A_11, %mul3A_202 : i32
      %add3A_204 = arith.constant 1 : i32
      %add3A_205 = arith.addi %mul3A_203, %add3A_204 : i32
      %get3A_206 = arith.index_cast %add3A_205 : i32 to index
      %get3A_207 = arith.constant 48 : index
      %get3A_208 = tpu.vector_load %arg6[%get3A_206, %get3A_207] {strides = array<i32>} : memref<80x128xi32, #tpu.memory_space<vmem>>, vector<1x16xi32>,
      %get3A_209 = vector.shape_cast %get3A_208 : vector<1x16xi32> to vector<16xi32>
      %shift_right_arithmetic3A_210 = arith.constant 16 : i32
      %shift_right_arithmetic3A_211 = vector.broadcast %shift_right_arithmetic3A_210 : i32 to vector<16xi32>
      %shift_right_arithmetic3A_212 = arith.shrsi %get3A_209, %shift_right_arithmetic3A_211 : vector<16xi32>
      %swap3A_213 = arith.constant 1 : i32
      %swap3A_214 = arith.index_cast %swap3A_213 : i32 to index
      %swap3A_215 = arith.constant 48 : index
      %swap3A_216 = tpu.vector_load %arg7[%swap3A_214, %swap3A_215] {strides = array<i32>} : memref<8x128xi32, #tpu.memory_space<vmem>>, vector<1x16xi32>,
      %swap3A_217 = vector.shape_cast %swap3A_216 : vector<1x16xi32> to vector<16xi32>
      %swap3A_218 = vector.shape_cast %shift_right_arithmetic3A_212 : vector<16xi32> to vector<1x16xi32>
      tpu.vector_store %arg7[%swap3A_214, %swap3A_215], %swap3A_218 {strides = array<i32>} : memref<8x128xi32, #tpu.memory_space<vmem>>, vector<1x16xi32>,
      %mul3A_219 = arith.constant 8 : i32
      %mul3A_220 = arith.muli %scan3A_11, %mul3A_219 : i32
      %add3A_221 = arith.constant 1 : i32
      %add3A_222 = arith.addi %mul3A_220, %add3A_221 : i32
      %get3A_223 = arith.index_cast %add3A_222 : i32 to index
      %get3A_224 = arith.constant 64 : index
      %get3A_225 = tpu.vector_load %arg6[%get3A_223, %get3A_224] {strides = array<i32>} : memref<80x128xi32, #tpu.memory_space<vmem>>, vector<1x16xi32>,
      %get3A_226 = vector.shape_cast %get3A_225 : vector<1x16xi32> to vector<16xi32>
      %shift_right_arithmetic3A_227 = arith.constant 16 : i32
      %shift_right_arithmetic3A_228 = vector.broadcast %shift_right_arithmetic3A_227 : i32 to vector<16xi32>
      %shift_right_arithmetic3A_229 = arith.shrsi %get3A_226, %shift_right_arithmetic3A_228 : vector<16xi32>
      %swap3A_230 = arith.constant 1 : i32
      %swap3A_231 = arith.index_cast %swap3A_230 : i32 to index
      %swap3A_232 = arith.constant 64 : index
      %swap3A_233 = tpu.vector_load %arg7[%swap3A_231, %swap3A_232] {strides = array<i32>} : memref<8x128xi32, #tpu.memory_space<vmem>>, vector<1x16xi32>,
      %swap3A_234 = vector.shape_cast %swap3A_233 : vector<1x16xi32> to vector<16xi32>
      %swap3A_235 = vector.shape_cast %shift_right_arithmetic3A_229 : vector<16xi32> to vector<1x16xi32>
      tpu.vector_store %arg7[%swap3A_231, %swap3A_232], %swap3A_235 {strides = array<i32>} : memref<8x128xi32, #tpu.memory_space<vmem>>, vector<1x16xi32>,
      %mul3A_236 = arith.constant 8 : i32
      %mul3A_237 = arith.muli %scan3A_11, %mul3A_236 : i32
      %add3A_238 = arith.constant 1 : i32
      %add3A_239 = arith.addi %mul3A_237, %add3A_238 : i32
      %get3A_240 = arith.index_cast %add3A_239 : i32 to index
      %get3A_241 = arith.constant 80 : index
      %get3A_242 = tpu.vector_load %arg6[%get3A_240, %get3A_241] {strides = array<i32>} : memref<80x128xi32, #tpu.memory_space<vmem>>, vector<1x16xi32>,
      %get3A_243 = vector.shape_cast %get3A_242 : vector<1x16xi32> to vector<16xi32>
      %shift_right_arithmetic3A_244 = arith.constant 16 : i32
      %shift_right_arithmetic3A_245 = vector.broadcast %shift_right_arithmetic3A_244 : i32 to vector<16xi32>
      %shift_right_arithmetic3A_246 = arith.shrsi %get3A_243, %shift_right_arithmetic3A_245 : vector<16xi32>
      %swap3A_247 = arith.constant 1 : i32
      %swap3A_248 = arith.index_cast %swap3A_247 : i32 to index
      %swap3A_249 = arith.constant 80 : index
      %swap3A_250 = tpu.vector_load %arg7[%swap3A_248, %swap3A_249] {strides = array<i32>} : memref<8x128xi32, #tpu.memory_space<vmem>>, vector<1x16xi32>,
      %swap3A_251 = vector.shape_cast %swap3A_250 : vector<1x16xi32> to vector<16xi32>
      %swap3A_252 = vector.shape_cast %shift_right_arithmetic3A_246 : vector<16xi32> to vector<1x16xi32>
      tpu.vector_store %arg7[%swap3A_248, %swap3A_249], %swap3A_252 {strides = array<i32>} : memref<8x128xi32, #tpu.memory_space<vmem>>, vector<1x16xi32>,
      %mul3A_253 = arith.constant 8 : i32
      %mul3A_254 = arith.muli %scan3A_11, %mul3A_253 : i32
      %add3A_255 = arith.constant 1 : i32
      %add3A_256 = arith.addi %mul3A_254, %add3A_255 : i32
      %get3A_257 = arith.index_cast %add3A_256 : i32 to index
      %get3A_258 = arith.constant 96 : index
      %get3A_259 = tpu.vector_load %arg6[%get3A_257, %get3A_258] {strides = array<i32>} : memref<80x128xi32, #tpu.memory_space<vmem>>, vector<1x16xi32>,
      %get3A_260 = vector.shape_cast %get3A_259 : vector<1x16xi32> to vector<16xi32>
      %shift_right_arithmetic3A_261 = arith.constant 16 : i32
      %shift_right_arithmetic3A_262 = vector.broadcast %shift_right_arithmetic3A_261 : i32 to vector<16xi32>
      %shift_right_arithmetic3A_263 = arith.shrsi %get3A_260, %shift_right_arithmetic3A_262 : vector<16xi32>
      %swap3A_264 = arith.constant 1 : i32
      %swap3A_265 = arith.index_cast %swap3A_264 : i32 to index
      %swap3A_266 = arith.constant 96 : index
      %swap3A_267 = tpu.vector_load %arg7[%swap3A_265, %swap3A_266] {strides = array<i32>} : memref<8x128xi32, #tpu.memory_space<vmem>>, vector<1x16xi32>,
      %swap3A_268 = vector.shape_cast %swap3A_267 : vector<1x16xi32> to vector<16xi32>
      %swap3A_269 = vector.shape_cast %shift_right_arithmetic3A_263 : vector<16xi32> to vector<1x16xi32>
      tpu.vector_store %arg7[%swap3A_265, %swap3A_266], %swap3A_269 {strides = array<i32>} : memref<8x128xi32, #tpu.memory_space<vmem>>, vector<1x16xi32>,
      %mul3A_270 = arith.constant 8 : i32
      %mul3A_271 = arith.muli %scan3A_11, %mul3A_270 : i32
      %add3A_272 = arith.constant 1 : i32
      %add3A_273 = arith.addi %mul3A_271, %add3A_272 : i32
      %get3A_274 = arith.index_cast %add3A_273 : i32 to index
      %get3A_275 = arith.constant 112 : index
      %get3A_276 = tpu.vector_load %arg6[%get3A_274, %get3A_275] {strides = array<i32>} : memref<80x128xi32, #tpu.memory_space<vmem>>, vector<1x16xi32>,
      %get3A_277 = vector.shape_cast %get3A_276 : vector<1x16xi32> to vector<16xi32>
      %shift_right_arithmetic3A_278 = arith.constant 16 : i32
      %shift_right_arithmetic3A_279 = vector.broadcast %shift_right_arithmetic3A_278 : i32 to vector<16xi32>
      %shift_right_arithmetic3A_280 = arith.shrsi %get3A_277, %shift_right_arithmetic3A_279 : vector<16xi32>
      %swap3A_281 = arith.constant 1 : i32
      %swap3A_282 = arith.index_cast %swap3A_281 : i32 to index
      %swap3A_283 = arith.constant 112 : index
      %swap3A_284 = tpu.vector_load %arg7[%swap3A_282, %swap3A_283] {strides = array<i32>} : memref<8x128xi32, #tpu.memory_space<vmem>>, vector<1x16xi32>,
      %swap3A_285 = vector.shape_cast %swap3A_284 : vector<1x16xi32> to vector<16xi32>
      %swap3A_286 = vector.shape_cast %shift_right_arithmetic3A_280 : vector<16xi32> to vector<1x16xi32>
      tpu.vector_store %arg7[%swap3A_282, %swap3A_283], %swap3A_286 {strides = array<i32>} : memref<8x128xi32, #tpu.memory_space<vmem>>, vector<1x16xi32>,
      %dma_start3A_287 = arith.constant 1 : i32
      %dma_start3A_288 = arith.constant 0 : i32
      %dma_start3A_289 = tpu.memref_slice %arg7[%dma_start3A_287, %dma_start3A_288] : memref<8x128xi32, #tpu.memory_space<vmem>> -> memref<1x128xi32, #tpu.memory_space<vmem>>
      %dma_start3A_290 = tpu.memref_squeeze %dma_start3A_289 : memref<1x128xi32, #tpu.memory_space<vmem>> -> memref<128xi32, #tpu.memory_space<vmem>>
      %dma_start3A_291 = arith.constant 0 : i32
      %dma_start3A_292 = arith.constant 0 : i32
      %dma_start3A_293 = tpu.memref_slice %arg10[%dma_start3A_291, %dma_start3A_292] : memref<10240x8xf32, #tpu.memory_space<vmem_shared>> -> memref<10240x8xf32, #tpu.memory_space<vmem_shared>>
      tpu.enqueue_indirect_dma source(%arg8 : memref<128x8xf32, #tpu.memory_space<vmem>>) target(%dma_start3A_293 : memref<10240x8xf32, #tpu.memory_space<vmem_shared>>) offsets(%dma_start3A_290 : memref<128xi32, #tpu.memory_space<vmem>>) semaphore(%arg11 : memref<!tpu.dma_semaphore, #tpu.memory_space<semaphore_mem>>) {add = true}
      %mul3A_294 = arith.constant 8 : i32
      %mul3A_295 = arith.muli %scan3A_11, %mul3A_294 : i32
      %add3A_296 = arith.constant 2 : i32
      %add3A_297 = arith.addi %mul3A_295, %add3A_296 : i32
      %get3A_298 = arith.index_cast %add3A_297 : i32 to index
      %get3A_299 = arith.constant 0 : index
      %get3A_300 = tpu.vector_load %arg6[%get3A_298, %get3A_299] {strides = array<i32>} : memref<80x128xi32, #tpu.memory_space<vmem>>, vector<1x16xi32>,
      %get3A_301 = vector.shape_cast %get3A_300 : vector<1x16xi32> to vector<16xi32>
      %shift_right_arithmetic3A_302 = arith.constant 16 : i32
      %shift_right_arithmetic3A_303 = vector.broadcast %shift_right_arithmetic3A_302 : i32 to vector<16xi32>
      %shift_right_arithmetic3A_304 = arith.shrsi %get3A_301, %shift_right_arithmetic3A_303 : vector<16xi32>
      %swap3A_305 = arith.constant 2 : i32
      %swap3A_306 = arith.index_cast %swap3A_305 : i32 to index
      %swap3A_307 = arith.constant 0 : index
      %swap3A_308 = tpu.vector_load %arg7[%swap3A_306, %swap3A_307] {strides = array<i32>} : memref<8x128xi32, #tpu.memory_space<vmem>>, vector<1x16xi32>,
      %swap3A_309 = vector.shape_cast %swap3A_308 : vector<1x16xi32> to vector<16xi32>
      %swap3A_310 = vector.shape_cast %shift_right_arithmetic3A_304 : vector<16xi32> to vector<1x16xi32>
      tpu.vector_store %arg7[%swap3A_306, %swap3A_307], %swap3A_310 {strides = array<i32>} : memref<8x128xi32, #tpu.memory_space<vmem>>, vector<1x16xi32>,
      %mul3A_311 = arith.constant 8 : i32
      %mul3A_312 = arith.muli %scan3A_11, %mul3A_311 : i32
      %add3A_313 = arith.constant 2 : i32
      %add3A_314 = arith.addi %mul3A_312, %add3A_313 : i32
      %get3A_315 = arith.index_cast %add3A_314 : i32 to index
      %get3A_316 = arith.constant 16 : index
      %get3A_317 = tpu.vector_load %arg6[%get3A_315, %get3A_316] {strides = array<i32>} : memref<80x128xi32, #tpu.memory_space<vmem>>, vector<1x16xi32>,
      %get3A_318 = vector.shape_cast %get3A_317 : vector<1x16xi32> to vector<16xi32>
      %shift_right_arithmetic3A_319 = arith.constant 16 : i32
      %shift_right_arithmetic3A_320 = vector.broadcast %shift_right_arithmetic3A_319 : i32 to vector<16xi32>
      %shift_right_arithmetic3A_321 = arith.shrsi %get3A_318, %shift_right_arithmetic3A_320 : vector<16xi32>
      %swap3A_322 = arith.constant 2 : i32
      %swap3A_323 = arith.index_cast %swap3A_322 : i32 to index
      %swap3A_324 = arith.constant 16 : index
      %swap3A_325 = tpu.vector_load %arg7[%swap3A_323, %swap3A_324] {strides = array<i32>} : memref<8x128xi32, #tpu.memory_space<vmem>>, vector<1x16xi32>,
      %swap3A_326 = vector.shape_cast %swap3A_325 : vector<1x16xi32> to vector<16xi32>
      %swap3A_327 = vector.shape_cast %shift_right_arithmetic3A_321 : vector<16xi32> to vector<1x16xi32>
      tpu.vector_store %arg7[%swap3A_323, %swap3A_324], %swap3A_327 {strides = array<i32>} : memref<8x128xi32, #tpu.memory_space<vmem>>, vector<1x16xi32>,
      %mul3A_328 = arith.constant 8 : i32
      %mul3A_329 = arith.muli %scan3A_11, %mul3A_328 : i32
      %add3A_330 = arith.constant 2 : i32
      %add3A_331 = arith.addi %mul3A_329, %add3A_330 : i32
      %get3A_332 = arith.index_cast %add3A_331 : i32 to index
      %get3A_333 = arith.constant 32 : index
      %get3A_334 = tpu.vector_load %arg6[%get3A_332, %get3A_333] {strides = array<i32>} : memref<80x128xi32, #tpu.memory_space<vmem>>, vector<1x16xi32>,
      %get3A_335 = vector.shape_cast %get3A_334 : vector<1x16xi32> to vector<16xi32>
      %shift_right_arithmetic3A_336 = arith.constant 16 : i32
      %shift_right_arithmetic3A_337 = vector.broadcast %shift_right_arithmetic3A_336 : i32 to vector<16xi32>
      %shift_right_arithmetic3A_338 = arith.shrsi %get3A_335, %shift_right_arithmetic3A_337 : vector<16xi32>
      %swap3A_339 = arith.constant 2 : i32
      %swap3A_340 = arith.index_cast %swap3A_339 : i32 to index
      %swap3A_341 = arith.constant 32 : index
      %swap3A_342 = tpu.vector_load %arg7[%swap3A_340, %swap3A_341] {strides = array<i32>} : memref<8x128xi32, #tpu.memory_space<vmem>>, vector<1x16xi32>,
      %swap3A_343 = vector.shape_cast %swap3A_342 : vector<1x16xi32> to vector<16xi32>
      %swap3A_344 = vector.shape_cast %shift_right_arithmetic3A_338 : vector<16xi32> to vector<1x16xi32>
      tpu.vector_store %arg7[%swap3A_340, %swap3A_341], %swap3A_344 {strides = array<i32>} : memref<8x128xi32, #tpu.memory_space<vmem>>, vector<1x16xi32>,
      %mul3A_345 = arith.constant 8 : i32
      %mul3A_346 = arith.muli %scan3A_11, %mul3A_345 : i32
      %add3A_347 = arith.constant 2 : i32
      %add3A_348 = arith.addi %mul3A_346, %add3A_347 : i32
      %get3A_349 = arith.index_cast %add3A_348 : i32 to index
      %get3A_350 = arith.constant 48 : index
      %get3A_351 = tpu.vector_load %arg6[%get3A_349, %get3A_350] {strides = array<i32>} : memref<80x128xi32, #tpu.memory_space<vmem>>, vector<1x16xi32>,
      %get3A_352 = vector.shape_cast %get3A_351 : vector<1x16xi32> to vector<16xi32>
      %shift_right_arithmetic3A_353 = arith.constant 16 : i32
      %shift_right_arithmetic3A_354 = vector.broadcast %shift_right_arithmetic3A_353 : i32 to vector<16xi32>
      %shift_right_arithmetic3A_355 = arith.shrsi %get3A_352, %shift_right_arithmetic3A_354 : vector<16xi32>
      %swap3A_356 = arith.constant 2 : i32
      %swap3A_357 = arith.index_cast %swap3A_356 : i32 to index
      %swap3A_358 = arith.constant 48 : index
      %swap3A_359 = tpu.vector_load %arg7[%swap3A_357, %swap3A_358] {strides = array<i32>} : memref<8x128xi32, #tpu.memory_space<vmem>>, vector<1x16xi32>,
      %swap3A_360 = vector.shape_cast %swap3A_359 : vector<1x16xi32> to vector<16xi32>
      %swap3A_361 = vector.shape_cast %shift_right_arithmetic3A_355 : vector<16xi32> to vector<1x16xi32>
      tpu.vector_store %arg7[%swap3A_357, %swap3A_358], %swap3A_361 {strides = array<i32>} : memref<8x128xi32, #tpu.memory_space<vmem>>, vector<1x16xi32>,
      %mul3A_362 = arith.constant 8 : i32
      %mul3A_363 = arith.muli %scan3A_11, %mul3A_362 : i32
      %add3A_364 = arith.constant 2 : i32
      %add3A_365 = arith.addi %mul3A_363, %add3A_364 : i32
      %get3A_366 = arith.index_cast %add3A_365 : i32 to index
      %get3A_367 = arith.constant 64 : index
      %get3A_368 = tpu.vector_load %arg6[%get3A_366, %get3A_367] {strides = array<i32>} : memref<80x128xi32, #tpu.memory_space<vmem>>, vector<1x16xi32>,
      %get3A_369 = vector.shape_cast %get3A_368 : vector<1x16xi32> to vector<16xi32>
      %shift_right_arithmetic3A_370 = arith.constant 16 : i32
      %shift_right_arithmetic3A_371 = vector.broadcast %shift_right_arithmetic3A_370 : i32 to vector<16xi32>
      %shift_right_arithmetic3A_372 = arith.shrsi %get3A_369, %shift_right_arithmetic3A_371 : vector<16xi32>
      %swap3A_373 = arith.constant 2 : i32
      %swap3A_374 = arith.index_cast %swap3A_373 : i32 to index
      %swap3A_375 = arith.constant 64 : index
      %swap3A_376 = tpu.vector_load %arg7[%swap3A_374, %swap3A_375] {strides = array<i32>} : memref<8x128xi32, #tpu.memory_space<vmem>>, vector<1x16xi32>,
      %swap3A_377 = vector.shape_cast %swap3A_376 : vector<1x16xi32> to vector<16xi32>
      %swap3A_378 = vector.shape_cast %shift_right_arithmetic3A_372 : vector<16xi32> to vector<1x16xi32>
      tpu.vector_store %arg7[%swap3A_374, %swap3A_375], %swap3A_378 {strides = array<i32>} : memref<8x128xi32, #tpu.memory_space<vmem>>, vector<1x16xi32>,
      %mul3A_379 = arith.constant 8 : i32
      %mul3A_380 = arith.muli %scan3A_11, %mul3A_379 : i32
      %add3A_381 = arith.constant 2 : i32
      %add3A_382 = arith.addi %mul3A_380, %add3A_381 : i32
      %get3A_383 = arith.index_cast %add3A_382 : i32 to index
      %get3A_384 = arith.constant 80 : index
      %get3A_385 = tpu.vector_load %arg6[%get3A_383, %get3A_384] {strides = array<i32>} : memref<80x128xi32, #tpu.memory_space<vmem>>, vector<1x16xi32>,
      %get3A_386 = vector.shape_cast %get3A_385 : vector<1x16xi32> to vector<16xi32>
      %shift_right_arithmetic3A_387 = arith.constant 16 : i32
      %shift_right_arithmetic3A_388 = vector.broadcast %shift_right_arithmetic3A_387 : i32 to vector<16xi32>
      %shift_right_arithmetic3A_389 = arith.shrsi %get3A_386, %shift_right_arithmetic3A_388 : vector<16xi32>
      %swap3A_390 = arith.constant 2 : i32
      %swap3A_391 = arith.index_cast %swap3A_390 : i32 to index
      %swap3A_392 = arith.constant 80 : index
      %swap3A_393 = tpu.vector_load %arg7[%swap3A_391, %swap3A_392] {strides = array<i32>} : memref<8x128xi32, #tpu.memory_space<vmem>>, vector<1x16xi32>,
      %swap3A_394 = vector.shape_cast %swap3A_393 : vector<1x16xi32> to vector<16xi32>
      %swap3A_395 = vector.shape_cast %shift_right_arithmetic3A_389 : vector<16xi32> to vector<1x16xi32>
      tpu.vector_store %arg7[%swap3A_391, %swap3A_392], %swap3A_395 {strides = array<i32>} : memref<8x128xi32, #tpu.memory_space<vmem>>, vector<1x16xi32>,
      %mul3A_396 = arith.constant 8 : i32
      %mul3A_397 = arith.muli %scan3A_11, %mul3A_396 : i32
      %add3A_398 = arith.constant 2 : i32
      %add3A_399 = arith.addi %mul3A_397, %add3A_398 : i32
      %get3A_400 = arith.index_cast %add3A_399 : i32 to index
      %get3A_401 = arith.constant 96 : index
      %get3A_402 = tpu.vector_load %arg6[%get3A_400, %get3A_401] {strides = array<i32>} : memref<80x128xi32, #tpu.memory_space<vmem>>, vector<1x16xi32>,
      %get3A_403 = vector.shape_cast %get3A_402 : vector<1x16xi32> to vector<16xi32>
      %shift_right_arithmetic3A_404 = arith.constant 16 : i32
      %shift_right_arithmetic3A_405 = vector.broadcast %shift_right_arithmetic3A_404 : i32 to vector<16xi32>
      %shift_right_arithmetic3A_406 = arith.shrsi %get3A_403, %shift_right_arithmetic3A_405 : vector<16xi32>
      %swap3A_407 = arith.constant 2 : i32
      %swap3A_408 = arith.index_cast %swap3A_407 : i32 to index
      %swap3A_409 = arith.constant 96 : index
      %swap3A_410 = tpu.vector_load %arg7[%swap3A_408, %swap3A_409] {strides = array<i32>} : memref<8x128xi32, #tpu.memory_space<vmem>>, vector<1x16xi32>,
      %swap3A_411 = vector.shape_cast %swap3A_410 : vector<1x16xi32> to vector<16xi32>
      %swap3A_412 = vector.shape_cast %shift_right_arithmetic3A_406 : vector<16xi32> to vector<1x16xi32>
      tpu.vector_store %arg7[%swap3A_408, %swap3A_409], %swap3A_412 {strides = array<i32>} : memref<8x128xi32, #tpu.memory_space<vmem>>, vector<1x16xi32>,
      %mul3A_413 = arith.constant 8 : i32
      %mul3A_414 = arith.muli %scan3A_11, %mul3A_413 : i32
      %add3A_415 = arith.constant 2 : i32
      %add3A_416 = arith.addi %mul3A_414, %add3A_415 : i32
      %get3A_417 = arith.index_cast %add3A_416 : i32 to index
      %get3A_418 = arith.constant 112 : index
      %get3A_419 = tpu.vector_load %arg6[%get3A_417, %get3A_418] {strides = array<i32>} : memref<80x128xi32, #tpu.memory_space<vmem>>, vector<1x16xi32>,
      %get3A_420 = vector.shape_cast %get3A_419 : vector<1x16xi32> to vector<16xi32>
      %shift_right_arithmetic3A_421 = arith.constant 16 : i32
      %shift_right_arithmetic3A_422 = vector.broadcast %shift_right_arithmetic3A_421 : i32 to vector<16xi32>
      %shift_right_arithmetic3A_423 = arith.shrsi %get3A_420, %shift_right_arithmetic3A_422 : vector<16xi32>
      %swap3A_424 = arith.constant 2 : i32
      %swap3A_425 = arith.index_cast %swap3A_424 : i32 to index
      %swap3A_426 = arith.constant 112 : index
      %swap3A_427 = tpu.vector_load %arg7[%swap3A_425, %swap3A_426] {strides = array<i32>} : memref<8x128xi32, #tpu.memory_space<vmem>>, vector<1x16xi32>,
      %swap3A_428 = vector.shape_cast %swap3A_427 : vector<1x16xi32> to vector<16xi32>
      %swap3A_429 = vector.shape_cast %shift_right_arithmetic3A_423 : vector<16xi32> to vector<1x16xi32>
      tpu.vector_store %arg7[%swap3A_425, %swap3A_426], %swap3A_429 {strides = array<i32>} : memref<8x128xi32, #tpu.memory_space<vmem>>, vector<1x16xi32>,
      %dma_start3A_430 = arith.constant 2 : i32
      %dma_start3A_431 = arith.constant 0 : i32
      %dma_start3A_432 = tpu.memref_slice %arg7[%dma_start3A_430, %dma_start3A_431] : memref<8x128xi32, #tpu.memory_space<vmem>> -> memref<1x128xi32, #tpu.memory_space<vmem>>
      %dma_start3A_433 = tpu.memref_squeeze %dma_start3A_432 : memref<1x128xi32, #tpu.memory_space<vmem>> -> memref<128xi32, #tpu.memory_space<vmem>>
      %dma_start3A_434 = arith.constant 0 : i32
      %dma_start3A_435 = arith.constant 0 : i32
      %dma_start3A_436 = tpu.memref_slice %arg10[%dma_start3A_434, %dma_start3A_435] : memref<10240x8xf32, #tpu.memory_space<vmem_shared>> -> memref<10240x8xf32, #tpu.memory_space<vmem_shared>>
      tpu.enqueue_indirect_dma source(%arg8 : memref<128x8xf32, #tpu.memory_space<vmem>>) target(%dma_start3A_436 : memref<10240x8xf32, #tpu.memory_space<vmem_shared>>) offsets(%dma_start3A_433 : memref<128xi32, #tpu.memory_space<vmem>>) semaphore(%arg11 : memref<!tpu.dma_semaphore, #tpu.memory_space<semaphore_mem>>) {add = true}
      %mul3A_437 = arith.constant 8 : i32
      %mul3A_438 = arith.muli %scan3A_11, %mul3A_437 : i32
      %add3A_439 = arith.constant 3 : i32
      %add3A_440 = arith.addi %mul3A_438, %add3A_439 : i32
      %get3A_441 = arith.index_cast %add3A_440 : i32 to index
      %get3A_442 = arith.constant 0 : index
      %get3A_443 = tpu.vector_load %arg6[%get3A_441, %get3A_442] {strides = array<i32>} : memref<80x128xi32, #tpu.memory_space<vmem>>, vector<1x16xi32>,
      %get3A_444 = vector.shape_cast %get3A_443 : vector<1x16xi32> to vector<16xi32>
      %shift_right_arithmetic3A_445 = arith.constant 16 : i32
      %shift_right_arithmetic3A_446 = vector.broadcast %shift_right_arithmetic3A_445 : i32 to vector<16xi32>
      %shift_right_arithmetic3A_447 = arith.shrsi %get3A_444, %shift_right_arithmetic3A_446 : vector<16xi32>
      %swap3A_448 = arith.constant 3 : i32
      %swap3A_449 = arith.index_cast %swap3A_448 : i32 to index
      %swap3A_450 = arith.constant 0 : index
      %swap3A_451 = tpu.vector_load %arg7[%swap3A_449, %swap3A_450] {strides = array<i32>} : memref<8x128xi32, #tpu.memory_space<vmem>>, vector<1x16xi32>,
      %swap3A_452 = vector.shape_cast %swap3A_451 : vector<1x16xi32> to vector<16xi32>
      %swap3A_453 = vector.shape_cast %shift_right_arithmetic3A_447 : vector<16xi32> to vector<1x16xi32>
      tpu.vector_store %arg7[%swap3A_449, %swap3A_450], %swap3A_453 {strides = array<i32>} : memref<8x128xi32, #tpu.memory_space<vmem>>, vector<1x16xi32>,
      %mul3A_454 = arith.constant 8 : i32
      %mul3A_455 = arith.muli %scan3A_11, %mul3A_454 : i32
      %add3A_456 = arith.constant 3 : i32
      %add3A_457 = arith.addi %mul3A_455, %add3A_456 : i32
      %get3A_458 = arith.index_cast %add3A_457 : i32 to index
      %get3A_459 = arith.constant 16 : index
      %get3A_460 = tpu.vector_load %arg6[%get3A_458, %get3A_459] {strides = array<i32>} : memref<80x128xi32, #tpu.memory_space<vmem>>, vector<1x16xi32>,
      %get3A_461 = vector.shape_cast %get3A_460 : vector<1x16xi32> to vector<16xi32>
      %shift_right_arithmetic3A_462 = arith.constant 16 : i32
      %shift_right_arithmetic3A_463 = vector.broadcast %shift_right_arithmetic3A_462 : i32 to vector<16xi32>
      %shift_right_arithmetic3A_464 = arith.shrsi %get3A_461, %shift_right_arithmetic3A_463 : vector<16xi32>
      %swap3A_465 = arith.constant 3 : i32
      %swap3A_466 = arith.index_cast %swap3A_465 : i32 to index
      %swap3A_467 = arith.constant 16 : index
      %swap3A_468 = tpu.vector_load %arg7[%swap3A_466, %swap3A_467] {strides = array<i32>} : memref<8x128xi32, #tpu.memory_space<vmem>>, vector<1x16xi32>,
      %swap3A_469 = vector.shape_cast %swap3A_468 : vector<1x16xi32> to vector<16xi32>
      %swap3A_470 = vector.shape_cast %shift_right_arithmetic3A_464 : vector<16xi32> to vector<1x16xi32>
      tpu.vector_store %arg7[%swap3A_466, %swap3A_467], %swap3A_470 {strides = array<i32>} : memref<8x128xi32, #tpu.memory_space<vmem>>, vector<1x16xi32>,
      %mul3A_471 = arith.constant 8 : i32
      %mul3A_472 = arith.muli %scan3A_11, %mul3A_471 : i32
      %add3A_473 = arith.constant 3 : i32
      %add3A_474 = arith.addi %mul3A_472, %add3A_473 : i32
      %get3A_475 = arith.index_cast %add3A_474 : i32 to index
      %get3A_476 = arith.constant 32 : index
      %get3A_477 = tpu.vector_load %arg6[%get3A_475, %get3A_476] {strides = array<i32>} : memref<80x128xi32, #tpu.memory_space<vmem>>, vector<1x16xi32>,
      %get3A_478 = vector.shape_cast %get3A_477 : vector<1x16xi32> to vector<16xi32>
      %shift_right_arithmetic3A_479 = arith.constant 16 : i32
      %shift_right_arithmetic3A_480 = vector.broadcast %shift_right_arithmetic3A_479 : i32 to vector<16xi32>
      %shift_right_arithmetic3A_481 = arith.shrsi %get3A_478, %shift_right_arithmetic3A_480 : vector<16xi32>
      %swap3A_482 = arith.constant 3 : i32
      %swap3A_483 = arith.index_cast %swap3A_482 : i32 to index
      %swap3A_484 = arith.constant 32 : index
      %swap3A_485 = tpu.vector_load %arg7[%swap3A_483, %swap3A_484] {strides = array<i32>} : memref<8x128xi32, #tpu.memory_space<vmem>>, vector<1x16xi32>,
      %swap3A_486 = vector.shape_cast %swap3A_485 : vector<1x16xi32> to vector<16xi32>
      %swap3A_487 = vector.shape_cast %shift_right_arithmetic3A_481 : vector<16xi32> to vector<1x16xi32>
      tpu.vector_store %arg7[%swap3A_483, %swap3A_484], %swap3A_487 {strides = array<i32>} : memref<8x128xi32, #tpu.memory_space<vmem>>, vector<1x16xi32>,
      %mul3A_488 = arith.constant 8 : i32
      %mul3A_489 = arith.muli %scan3A_11, %mul3A_488 : i32
      %add3A_490 = arith.constant 3 : i32
      %add3A_491 = arith.addi %mul3A_489, %add3A_490 : i32
      %get3A_492 = arith.index_cast %add3A_491 : i32 to index
      %get3A_493 = arith.constant 48 : index
      %get3A_494 = tpu.vector_load %arg6[%get3A_492, %get3A_493] {strides = array<i32>} : memref<80x128xi32, #tpu.memory_space<vmem>>, vector<1x16xi32>,
      %get3A_495 = vector.shape_cast %get3A_494 : vector<1x16xi32> to vector<16xi32>
      %shift_right_arithmetic3A_496 = arith.constant 16 : i32
      %shift_right_arithmetic3A_497 = vector.broadcast %shift_right_arithmetic3A_496 : i32 to vector<16xi32>
      %shift_right_arithmetic3A_498 = arith.shrsi %get3A_495, %shift_right_arithmetic3A_497 : vector<16xi32>
      %swap3A_499 = arith.constant 3 : i32
      %swap3A_500 = arith.index_cast %swap3A_499 : i32 to index
      %swap3A_501 = arith.constant 48 : index
      %swap3A_502 = tpu.vector_load %arg7[%swap3A_500, %swap3A_501] {strides = array<i32>} : memref<8x128xi32, #tpu.memory_space<vmem>>, vector<1x16xi32>,
      %swap3A_503 = vector.shape_cast %swap3A_502 : vector<1x16xi32> to vector<16xi32>
      %swap3A_504 = vector.shape_cast %shift_right_arithmetic3A_498 : vector<16xi32> to vector<1x16xi32>
      tpu.vector_store %arg7[%swap3A_500, %swap3A_501], %swap3A_504 {strides = array<i32>} : memref<8x128xi32, #tpu.memory_space<vmem>>, vector<1x16xi32>,
      %mul3A_505 = arith.constant 8 : i32
      %mul3A_506 = arith.muli %scan3A_11, %mul3A_505 : i32
      %add3A_507 = arith.constant 3 : i32
      %add3A_508 = arith.addi %mul3A_506, %add3A_507 : i32
      %get3A_509 = arith.index_cast %add3A_508 : i32 to index
      %get3A_510 = arith.constant 64 : index
      %get3A_511 = tpu.vector_load %arg6[%get3A_509, %get3A_510] {strides = array<i32>} : memref<80x128xi32, #tpu.memory_space<vmem>>, vector<1x16xi32>,
      %get3A_512 = vector.shape_cast %get3A_511 : vector<1x16xi32> to vector<16xi32>
      %shift_right_arithmetic3A_513 = arith.constant 16 : i32
      %shift_right_arithmetic3A_514 = vector.broadcast %shift_right_arithmetic3A_513 : i32 to vector<16xi32>
      %shift_right_arithmetic3A_515 = arith.shrsi %get3A_512, %shift_right_arithmetic3A_514 : vector<16xi32>
      %swap3A_516 = arith.constant 3 : i32
      %swap3A_517 = arith.index_cast %swap3A_516 : i32 to index
      %swap3A_518 = arith.constant 64 : index
      %swap3A_519 = tpu.vector_load %arg7[%swap3A_517, %swap3A_518] {strides = array<i32>} : memref<8x128xi32, #tpu.memory_space<vmem>>, vector<1x16xi32>,
      %swap3A_520 = vector.shape_cast %swap3A_519 : vector<1x16xi32> to vector<16xi32>
      %swap3A_521 = vector.shape_cast %shift_right_arithmetic3A_515 : vector<16xi32> to vector<1x16xi32>
      tpu.vector_store %arg7[%swap3A_517, %swap3A_518], %swap3A_521 {strides = array<i32>} : memref<8x128xi32, #tpu.memory_space<vmem>>, vector<1x16xi32>,
      %mul3A_522 = arith.constant 8 : i32
      %mul3A_523 = arith.muli %scan3A_11, %mul3A_522 : i32
      %add3A_524 = arith.constant 3 : i32
      %add3A_525 = arith.addi %mul3A_523, %add3A_524 : i32
      %get3A_526 = arith.index_cast %add3A_525 : i32 to index
      %get3A_527 = arith.constant 80 : index
      %get3A_528 = tpu.vector_load %arg6[%get3A_526, %get3A_527] {strides = array<i32>} : memref<80x128xi32, #tpu.memory_space<vmem>>, vector<1x16xi32>,
      %get3A_529 = vector.shape_cast %get3A_528 : vector<1x16xi32> to vector<16xi32>
      %shift_right_arithmetic3A_530 = arith.constant 16 : i32
      %shift_right_arithmetic3A_531 = vector.broadcast %shift_right_arithmetic3A_530 : i32 to vector<16xi32>
      %shift_right_arithmetic3A_532 = arith.shrsi %get3A_529, %shift_right_arithmetic3A_531 : vector<16xi32>
      %swap3A_533 = arith.constant 3 : i32
      %swap3A_534 = arith.index_cast %swap3A_533 : i32 to index
      %swap3A_535 = arith.constant 80 : index
      %swap3A_536 = tpu.vector_load %arg7[%swap3A_534, %swap3A_535] {strides = array<i32>} : memref<8x128xi32, #tpu.memory_space<vmem>>, vector<1x16xi32>,
      %swap3A_537 = vector.shape_cast %swap3A_536 : vector<1x16xi32> to vector<16xi32>
      %swap3A_538 = vector.shape_cast %shift_right_arithmetic3A_532 : vector<16xi32> to vector<1x16xi32>
      tpu.vector_store %arg7[%swap3A_534, %swap3A_535], %swap3A_538 {strides = array<i32>} : memref<8x128xi32, #tpu.memory_space<vmem>>, vector<1x16xi32>,
      %mul3A_539 = arith.constant 8 : i32
      %mul3A_540 = arith.muli %scan3A_11, %mul3A_539 : i32
      %add3A_541 = arith.constant 3 : i32
      %add3A_542 = arith.addi %mul3A_540, %add3A_541 : i32
      %get3A_543 = arith.index_cast %add3A_542 : i32 to index
      %get3A_544 = arith.constant 96 : index
      %get3A_545 = tpu.vector_load %arg6[%get3A_543, %get3A_544] {strides = array<i32>} : memref<80x128xi32, #tpu.memory_space<vmem>>, vector<1x16xi32>,
      %get3A_546 = vector.shape_cast %get3A_545 : vector<1x16xi32> to vector<16xi32>
      %shift_right_arithmetic3A_547 = arith.constant 16 : i32
      %shift_right_arithmetic3A_548 = vector.broadcast %shift_right_arithmetic3A_547 : i32 to vector<16xi32>
      %shift_right_arithmetic3A_549 = arith.shrsi %get3A_546, %shift_right_arithmetic3A_548 : vector<16xi32>
      %swap3A_550 = arith.constant 3 : i32
      %swap3A_551 = arith.index_cast %swap3A_550 : i32 to index
      %swap3A_552 = arith.constant 96 : index
      %swap3A_553 = tpu.vector_load %arg7[%swap3A_551, %swap3A_552] {strides = array<i32>} : memref<8x128xi32, #tpu.memory_space<vmem>>, vector<1x16xi32>,
      %swap3A_554 = vector.shape_cast %swap3A_553 : vector<1x16xi32> to vector<16xi32>
      %swap3A_555 = vector.shape_cast %shift_right_arithmetic3A_549 : vector<16xi32> to vector<1x16xi32>
      tpu.vector_store %arg7[%swap3A_551, %swap3A_552], %swap3A_555 {strides = array<i32>} : memref<8x128xi32, #tpu.memory_space<vmem>>, vector<1x16xi32>,
      %mul3A_556 = arith.constant 8 : i32
      %mul3A_557 = arith.muli %scan3A_11, %mul3A_556 : i32
      %add3A_558 = arith.constant 3 : i32
      %add3A_559 = arith.addi %mul3A_557, %add3A_558 : i32
      %get3A_560 = arith.index_cast %add3A_559 : i32 to index
      %get3A_561 = arith.constant 112 : index
      %get3A_562 = tpu.vector_load %arg6[%get3A_560, %get3A_561] {strides = array<i32>} : memref<80x128xi32, #tpu.memory_space<vmem>>, vector<1x16xi32>,
      %get3A_563 = vector.shape_cast %get3A_562 : vector<1x16xi32> to vector<16xi32>
      %shift_right_arithmetic3A_564 = arith.constant 16 : i32
      %shift_right_arithmetic3A_565 = vector.broadcast %shift_right_arithmetic3A_564 : i32 to vector<16xi32>
      %shift_right_arithmetic3A_566 = arith.shrsi %get3A_563, %shift_right_arithmetic3A_565 : vector<16xi32>
      %swap3A_567 = arith.constant 3 : i32
      %swap3A_568 = arith.index_cast %swap3A_567 : i32 to index
      %swap3A_569 = arith.constant 112 : index
      %swap3A_570 = tpu.vector_load %arg7[%swap3A_568, %swap3A_569] {strides = array<i32>} : memref<8x128xi32, #tpu.memory_space<vmem>>, vector<1x16xi32>,
      %swap3A_571 = vector.shape_cast %swap3A_570 : vector<1x16xi32> to vector<16xi32>
      %swap3A_572 = vector.shape_cast %shift_right_arithmetic3A_566 : vector<16xi32> to vector<1x16xi32>
      tpu.vector_store %arg7[%swap3A_568, %swap3A_569], %swap3A_572 {strides = array<i32>} : memref<8x128xi32, #tpu.memory_space<vmem>>, vector<1x16xi32>,
      %dma_start3A_573 = arith.constant 3 : i32
      %dma_start3A_574 = arith.constant 0 : i32
      %dma_start3A_575 = tpu.memref_slice %arg7[%dma_start3A_573, %dma_start3A_574] : memref<8x128xi32, #tpu.memory_space<vmem>> -> memref<1x128xi32, #tpu.memory_space<vmem>>
      %dma_start3A_576 = tpu.memref_squeeze %dma_start3A_575 : memref<1x128xi32, #tpu.memory_space<vmem>> -> memref<128xi32, #tpu.memory_space<vmem>>
      %dma_start3A_577 = arith.constant 0 : i32
      %dma_start3A_578 = arith.constant 0 : i32
      %dma_start3A_579 = tpu.memref_slice %arg10[%dma_start3A_577, %dma_start3A_578] : memref<10240x8xf32, #tpu.memory_space<vmem_shared>> -> memref<10240x8xf32, #tpu.memory_space<vmem_shared>>
      tpu.enqueue_indirect_dma source(%arg8 : memref<128x8xf32, #tpu.memory_space<vmem>>) target(%dma_start3A_579 : memref<10240x8xf32, #tpu.memory_space<vmem_shared>>) offsets(%dma_start3A_576 : memref<128xi32, #tpu.memory_space<vmem>>) semaphore(%arg11 : memref<!tpu.dma_semaphore, #tpu.memory_space<semaphore_mem>>) {add = true}
      %mul3A_580 = arith.constant 8 : i32
      %mul3A_581 = arith.muli %scan3A_11, %mul3A_580 : i32
      %add3A_582 = arith.constant 4 : i32
      %add3A_583 = arith.addi %mul3A_581, %add3A_582 : i32
      %get3A_584 = arith.index_cast %add3A_583 : i32 to index
      %get3A_585 = arith.constant 0 : index
      %get3A_586 = tpu.vector_load %arg6[%get3A_584, %get3A_585] {strides = array<i32>} : memref<80x128xi32, #tpu.memory_space<vmem>>, vector<1x16xi32>,
      %get3A_587 = vector.shape_cast %get3A_586 : vector<1x16xi32> to vector<16xi32>
      %shift_right_arithmetic3A_588 = arith.constant 16 : i32
      %shift_right_arithmetic3A_589 = vector.broadcast %shift_right_arithmetic3A_588 : i32 to vector<16xi32>
      %shift_right_arithmetic3A_590 = arith.shrsi %get3A_587, %shift_right_arithmetic3A_589 : vector<16xi32>
      %swap3A_591 = arith.constant 4 : i32
      %swap3A_592 = arith.index_cast %swap3A_591 : i32 to index
      %swap3A_593 = arith.constant 0 : index
      %swap3A_594 = tpu.vector_load %arg7[%swap3A_592, %swap3A_593] {strides = array<i32>} : memref<8x128xi32, #tpu.memory_space<vmem>>, vector<1x16xi32>,
      %swap3A_595 = vector.shape_cast %swap3A_594 : vector<1x16xi32> to vector<16xi32>
      %swap3A_596 = vector.shape_cast %shift_right_arithmetic3A_590 : vector<16xi32> to vector<1x16xi32>
      tpu.vector_store %arg7[%swap3A_592, %swap3A_593], %swap3A_596 {strides = array<i32>} : memref<8x128xi32, #tpu.memory_space<vmem>>, vector<1x16xi32>,
      %mul3A_597 = arith.constant 8 : i32
      %mul3A_598 = arith.muli %scan3A_11, %mul3A_597 : i32
      %add3A_599 = arith.constant 4 : i32
      %add3A_600 = arith.addi %mul3A_598, %add3A_599 : i32
      %get3A_601 = arith.index_cast %add3A_600 : i32 to index
      %get3A_602 = arith.constant 16 : index
      %get3A_603 = tpu.vector_load %arg6[%get3A_601, %get3A_602] {strides = array<i32>} : memref<80x128xi32, #tpu.memory_space<vmem>>, vector<1x16xi32>,
      %get3A_604 = vector.shape_cast %get3A_603 : vector<1x16xi32> to vector<16xi32>
      %shift_right_arithmetic3A_605 = arith.constant 16 : i32
      %shift_right_arithmetic3A_606 = vector.broadcast %shift_right_arithmetic3A_605 : i32 to vector<16xi32>
      %shift_right_arithmetic3A_607 = arith.shrsi %get3A_604, %shift_right_arithmetic3A_606 : vector<16xi32>
      %swap3A_608 = arith.constant 4 : i32
      %swap3A_609 = arith.index_cast %swap3A_608 : i32 to index
      %swap3A_610 = arith.constant 16 : index
      %swap3A_611 = tpu.vector_load %arg7[%swap3A_609, %swap3A_610] {strides = array<i32>} : memref<8x128xi32, #tpu.memory_space<vmem>>, vector<1x16xi32>,
      %swap3A_612 = vector.shape_cast %swap3A_611 : vector<1x16xi32> to vector<16xi32>
      %swap3A_613 = vector.shape_cast %shift_right_arithmetic3A_607 : vector<16xi32> to vector<1x16xi32>
      tpu.vector_store %arg7[%swap3A_609, %swap3A_610], %swap3A_613 {strides = array<i32>} : memref<8x128xi32, #tpu.memory_space<vmem>>, vector<1x16xi32>,
      %mul3A_614 = arith.constant 8 : i32
      %mul3A_615 = arith.muli %scan3A_11, %mul3A_614 : i32
      %add3A_616 = arith.constant 4 : i32
      %add3A_617 = arith.addi %mul3A_615, %add3A_616 : i32
      %get3A_618 = arith.index_cast %add3A_617 : i32 to index
      %get3A_619 = arith.constant 32 : index
      %get3A_620 = tpu.vector_load %arg6[%get3A_618, %get3A_619] {strides = array<i32>} : memref<80x128xi32, #tpu.memory_space<vmem>>, vector<1x16xi32>,
      %get3A_621 = vector.shape_cast %get3A_620 : vector<1x16xi32> to vector<16xi32>
      %shift_right_arithmetic3A_622 = arith.constant 16 : i32
      %shift_right_arithmetic3A_623 = vector.broadcast %shift_right_arithmetic3A_622 : i32 to vector<16xi32>
      %shift_right_arithmetic3A_624 = arith.shrsi %get3A_621, %shift_right_arithmetic3A_623 : vector<16xi32>
      %swap3A_625 = arith.constant 4 : i32
      %swap3A_626 = arith.index_cast %swap3A_625 : i32 to index
      %swap3A_627 = arith.constant 32 : index
      %swap3A_628 = tpu.vector_load %arg7[%swap3A_626, %swap3A_627] {strides = array<i32>} : memref<8x128xi32, #tpu.memory_space<vmem>>, vector<1x16xi32>,
      %swap3A_629 = vector.shape_cast %swap3A_628 : vector<1x16xi32> to vector<16xi32>
      %swap3A_630 = vector.shape_cast %shift_right_arithmetic3A_624 : vector<16xi32> to vector<1x16xi32>
      tpu.vector_store %arg7[%swap3A_626, %swap3A_627], %swap3A_630 {strides = array<i32>} : memref<8x128xi32, #tpu.memory_space<vmem>>, vector<1x16xi32>,
      %mul3A_631 = arith.constant 8 : i32
      %mul3A_632 = arith.muli %scan3A_11, %mul3A_631 : i32
      %add3A_633 = arith.constant 4 : i32
      %add3A_634 = arith.addi %mul3A_632, %add3A_633 : i32
      %get3A_635 = arith.index_cast %add3A_634 : i32 to index
      %get3A_636 = arith.constant 48 : index
      %get3A_637 = tpu.vector_load %arg6[%get3A_635, %get3A_636] {strides = array<i32>} : memref<80x128xi32, #tpu.memory_space<vmem>>, vector<1x16xi32>,
      %get3A_638 = vector.shape_cast %get3A_637 : vector<1x16xi32> to vector<16xi32>
      %shift_right_arithmetic3A_639 = arith.constant 16 : i32
      %shift_right_arithmetic3A_640 = vector.broadcast %shift_right_arithmetic3A_639 : i32 to vector<16xi32>
      %shift_right_arithmetic3A_641 = arith.shrsi %get3A_638, %shift_right_arithmetic3A_640 : vector<16xi32>
      %swap3A_642 = arith.constant 4 : i32
      %swap3A_643 = arith.index_cast %swap3A_642 : i32 to index
      %swap3A_644 = arith.constant 48 : index
      %swap3A_645 = tpu.vector_load %arg7[%swap3A_643, %swap3A_644] {strides = array<i32>} : memref<8x128xi32, #tpu.memory_space<vmem>>, vector<1x16xi32>,
      %swap3A_646 = vector.shape_cast %swap3A_645 : vector<1x16xi32> to vector<16xi32>
      %swap3A_647 = vector.shape_cast %shift_right_arithmetic3A_641 : vector<16xi32> to vector<1x16xi32>
      tpu.vector_store %arg7[%swap3A_643, %swap3A_644], %swap3A_647 {strides = array<i32>} : memref<8x128xi32, #tpu.memory_space<vmem>>, vector<1x16xi32>,
      %mul3A_648 = arith.constant 8 : i32
      %mul3A_649 = arith.muli %scan3A_11, %mul3A_648 : i32
      %add3A_650 = arith.constant 4 : i32
      %add3A_651 = arith.addi %mul3A_649, %add3A_650 : i32
      %get3A_652 = arith.index_cast %add3A_651 : i32 to index
      %get3A_653 = arith.constant 64 : index
      %get3A_654 = tpu.vector_load %arg6[%get3A_652, %get3A_653] {strides = array<i32>} : memref<80x128xi32, #tpu.memory_space<vmem>>, vector<1x16xi32>,
      %get3A_655 = vector.shape_cast %get3A_654 : vector<1x16xi32> to vector<16xi32>
      %shift_right_arithmetic3A_656 = arith.constant 16 : i32
      %shift_right_arithmetic3A_657 = vector.broadcast %shift_right_arithmetic3A_656 : i32 to vector<16xi32>
      %shift_right_arithmetic3A_658 = arith.shrsi %get3A_655, %shift_right_arithmetic3A_657 : vector<16xi32>
      %swap3A_659 = arith.constant 4 : i32
      %swap3A_660 = arith.index_cast %swap3A_659 : i32 to index
      %swap3A_661 = arith.constant 64 : index
      %swap3A_662 = tpu.vector_load %arg7[%swap3A_660, %swap3A_661] {strides = array<i32>} : memref<8x128xi32, #tpu.memory_space<vmem>>, vector<1x16xi32>,
      %swap3A_663 = vector.shape_cast %swap3A_662 : vector<1x16xi32> to vector<16xi32>
      %swap3A_664 = vector.shape_cast %shift_right_arithmetic3A_658 : vector<16xi32> to vector<1x16xi32>
      tpu.vector_store %arg7[%swap3A_660, %swap3A_661], %swap3A_664 {strides = array<i32>} : memref<8x128xi32, #tpu.memory_space<vmem>>, vector<1x16xi32>,
      %mul3A_665 = arith.constant 8 : i32
      %mul3A_666 = arith.muli %scan3A_11, %mul3A_665 : i32
      %add3A_667 = arith.constant 4 : i32
      %add3A_668 = arith.addi %mul3A_666, %add3A_667 : i32
      %get3A_669 = arith.index_cast %add3A_668 : i32 to index
      %get3A_670 = arith.constant 80 : index
      %get3A_671 = tpu.vector_load %arg6[%get3A_669, %get3A_670] {strides = array<i32>} : memref<80x128xi32, #tpu.memory_space<vmem>>, vector<1x16xi32>,
      %get3A_672 = vector.shape_cast %get3A_671 : vector<1x16xi32> to vector<16xi32>
      %shift_right_arithmetic3A_673 = arith.constant 16 : i32
      %shift_right_arithmetic3A_674 = vector.broadcast %shift_right_arithmetic3A_673 : i32 to vector<16xi32>
      %shift_right_arithmetic3A_675 = arith.shrsi %get3A_672, %shift_right_arithmetic3A_674 : vector<16xi32>
      %swap3A_676 = arith.constant 4 : i32
      %swap3A_677 = arith.index_cast %swap3A_676 : i32 to index
      %swap3A_678 = arith.constant 80 : index
      %swap3A_679 = tpu.vector_load %arg7[%swap3A_677, %swap3A_678] {strides = array<i32>} : memref<8x128xi32, #tpu.memory_space<vmem>>, vector<1x16xi32>,
      %swap3A_680 = vector.shape_cast %swap3A_679 : vector<1x16xi32> to vector<16xi32>
      %swap3A_681 = vector.shape_cast %shift_right_arithmetic3A_675 : vector<16xi32> to vector<1x16xi32>
      tpu.vector_store %arg7[%swap3A_677, %swap3A_678], %swap3A_681 {strides = array<i32>} : memref<8x128xi32, #tpu.memory_space<vmem>>, vector<1x16xi32>,
      %mul3A_682 = arith.constant 8 : i32
      %mul3A_683 = arith.muli %scan3A_11, %mul3A_682 : i32
      %add3A_684 = arith.constant 4 : i32
      %add3A_685 = arith.addi %mul3A_683, %add3A_684 : i32
      %get3A_686 = arith.index_cast %add3A_685 : i32 to index
      %get3A_687 = arith.constant 96 : index
      %get3A_688 = tpu.vector_load %arg6[%get3A_686, %get3A_687] {strides = array<i32>} : memref<80x128xi32, #tpu.memory_space<vmem>>, vector<1x16xi32>,
      %get3A_689 = vector.shape_cast %get3A_688 : vector<1x16xi32> to vector<16xi32>
      %shift_right_arithmetic3A_690 = arith.constant 16 : i32
      %shift_right_arithmetic3A_691 = vector.broadcast %shift_right_arithmetic3A_690 : i32 to vector<16xi32>
      %shift_right_arithmetic3A_692 = arith.shrsi %get3A_689, %shift_right_arithmetic3A_691 : vector<16xi32>
      %swap3A_693 = arith.constant 4 : i32
      %swap3A_694 = arith.index_cast %swap3A_693 : i32 to index
      %swap3A_695 = arith.constant 96 : index
      %swap3A_696 = tpu.vector_load %arg7[%swap3A_694, %swap3A_695] {strides = array<i32>} : memref<8x128xi32, #tpu.memory_space<vmem>>, vector<1x16xi32>,
      %swap3A_697 = vector.shape_cast %swap3A_696 : vector<1x16xi32> to vector<16xi32>
      %swap3A_698 = vector.shape_cast %shift_right_arithmetic3A_692 : vector<16xi32> to vector<1x16xi32>
      tpu.vector_store %arg7[%swap3A_694, %swap3A_695], %swap3A_698 {strides = array<i32>} : memref<8x128xi32, #tpu.memory_space<vmem>>, vector<1x16xi32>,
      %mul3A_699 = arith.constant 8 : i32
      %mul3A_700 = arith.muli %scan3A_11, %mul3A_699 : i32
      %add3A_701 = arith.constant 4 : i32
      %add3A_702 = arith.addi %mul3A_700, %add3A_701 : i32
      %get3A_703 = arith.index_cast %add3A_702 : i32 to index
      %get3A_704 = arith.constant 112 : index
      %get3A_705 = tpu.vector_load %arg6[%get3A_703, %get3A_704] {strides = array<i32>} : memref<80x128xi32, #tpu.memory_space<vmem>>, vector<1x16xi32>,
      %get3A_706 = vector.shape_cast %get3A_705 : vector<1x16xi32> to vector<16xi32>
      %shift_right_arithmetic3A_707 = arith.constant 16 : i32
      %shift_right_arithmetic3A_708 = vector.broadcast %shift_right_arithmetic3A_707 : i32 to vector<16xi32>
      %shift_right_arithmetic3A_709 = arith.shrsi %get3A_706, %shift_right_arithmetic3A_708 : vector<16xi32>
      %swap3A_710 = arith.constant 4 : i32
      %swap3A_711 = arith.index_cast %swap3A_710 : i32 to index
      %swap3A_712 = arith.constant 112 : index
      %swap3A_713 = tpu.vector_load %arg7[%swap3A_711, %swap3A_712] {strides = array<i32>} : memref<8x128xi32, #tpu.memory_space<vmem>>, vector<1x16xi32>,
      %swap3A_714 = vector.shape_cast %swap3A_713 : vector<1x16xi32> to vector<16xi32>
      %swap3A_715 = vector.shape_cast %shift_right_arithmetic3A_709 : vector<16xi32> to vector<1x16xi32>
      tpu.vector_store %arg7[%swap3A_711, %swap3A_712], %swap3A_715 {strides = array<i32>} : memref<8x128xi32, #tpu.memory_space<vmem>>, vector<1x16xi32>,
      %dma_start3A_716 = arith.constant 4 : i32
      %dma_start3A_717 = arith.constant 0 : i32
      %dma_start3A_718 = tpu.memref_slice %arg7[%dma_start3A_716, %dma_start3A_717] : memref<8x128xi32, #tpu.memory_space<vmem>> -> memref<1x128xi32, #tpu.memory_space<vmem>>
      %dma_start3A_719 = tpu.memref_squeeze %dma_start3A_718 : memref<1x128xi32, #tpu.memory_space<vmem>> -> memref<128xi32, #tpu.memory_space<vmem>>
      %dma_start3A_720 = arith.constant 0 : i32
      %dma_start3A_721 = arith.constant 0 : i32
      %dma_start3A_722 = tpu.memref_slice %arg10[%dma_start3A_720, %dma_start3A_721] : memref<10240x8xf32, #tpu.memory_space<vmem_shared>> -> memref<10240x8xf32, #tpu.memory_space<vmem_shared>>
      tpu.enqueue_indirect_dma source(%arg8 : memref<128x8xf32, #tpu.memory_space<vmem>>) target(%dma_start3A_722 : memref<10240x8xf32, #tpu.memory_space<vmem_shared>>) offsets(%dma_start3A_719 : memref<128xi32, #tpu.memory_space<vmem>>) semaphore(%arg11 : memref<!tpu.dma_semaphore, #tpu.memory_space<semaphore_mem>>) {add = true}
      %mul3A_723 = arith.constant 8 : i32
      %mul3A_724 = arith.muli %scan3A_11, %mul3A_723 : i32
      %add3A_725 = arith.constant 5 : i32
      %add3A_726 = arith.addi %mul3A_724, %add3A_725 : i32
      %get3A_727 = arith.index_cast %add3A_726 : i32 to index
      %get3A_728 = arith.constant 0 : index
      %get3A_729 = tpu.vector_load %arg6[%get3A_727, %get3A_728] {strides = array<i32>} : memref<80x128xi32, #tpu.memory_space<vmem>>, vector<1x16xi32>,
      %get3A_730 = vector.shape_cast %get3A_729 : vector<1x16xi32> to vector<16xi32>
      %shift_right_arithmetic3A_731 = arith.constant 16 : i32
      %shift_right_arithmetic3A_732 = vector.broadcast %shift_right_arithmetic3A_731 : i32 to vector<16xi32>
      %shift_right_arithmetic3A_733 = arith.shrsi %get3A_730, %shift_right_arithmetic3A_732 : vector<16xi32>
      %swap3A_734 = arith.constant 5 : i32
      %swap3A_735 = arith.index_cast %swap3A_734 : i32 to index
      %swap3A_736 = arith.constant 0 : index
      %swap3A_737 = tpu.vector_load %arg7[%swap3A_735, %swap3A_736] {strides = array<i32>} : memref<8x128xi32, #tpu.memory_space<vmem>>, vector<1x16xi32>,
      %swap3A_738 = vector.shape_cast %swap3A_737 : vector<1x16xi32> to vector<16xi32>
      %swap3A_739 = vector.shape_cast %shift_right_arithmetic3A_733 : vector<16xi32> to vector<1x16xi32>
      tpu.vector_store %arg7[%swap3A_735, %swap3A_736], %swap3A_739 {strides = array<i32>} : memref<8x128xi32, #tpu.memory_space<vmem>>, vector<1x16xi32>,
      %mul3A_740 = arith.constant 8 : i32
      %mul3A_741 = arith.muli %scan3A_11, %mul3A_740 : i32
      %add3A_742 = arith.constant 5 : i32
      %add3A_743 = arith.addi %mul3A_741, %add3A_742 : i32
      %get3A_744 = arith.index_cast %add3A_743 : i32 to index
      %get3A_745 = arith.constant 16 : index
      %get3A_746 = tpu.vector_load %arg6[%get3A_744, %get3A_745] {strides = array<i32>} : memref<80x128xi32, #tpu.memory_space<vmem>>, vector<1x16xi32>,
      %get3A_747 = vector.shape_cast %get3A_746 : vector<1x16xi32> to vector<16xi32>
      %shift_right_arithmetic3A_748 = arith.constant 16 : i32
      %shift_right_arithmetic3A_749 = vector.broadcast %shift_right_arithmetic3A_748 : i32 to vector<16xi32>
      %shift_right_arithmetic3A_750 = arith.shrsi %get3A_747, %shift_right_arithmetic3A_749 : vector<16xi32>
      %swap3A_751 = arith.constant 5 : i32
      %swap3A_752 = arith.index_cast %swap3A_751 : i32 to index
      %swap3A_753 = arith.constant 16 : index
      %swap3A_754 = tpu.vector_load %arg7[%swap3A_752, %swap3A_753] {strides = array<i32>} : memref<8x128xi32, #tpu.memory_space<vmem>>, vector<1x16xi32>,
      %swap3A_755 = vector.shape_cast %swap3A_754 : vector<1x16xi32> to vector<16xi32>
      %swap3A_756 = vector.shape_cast %shift_right_arithmetic3A_750 : vector<16xi32> to vector<1x16xi32>
      tpu.vector_store %arg7[%swap3A_752, %swap3A_753], %swap3A_756 {strides = array<i32>} : memref<8x128xi32, #tpu.memory_space<vmem>>, vector<1x16xi32>,
      %mul3A_757 = arith.constant 8 : i32
      %mul3A_758 = arith.muli %scan3A_11, %mul3A_757 : i32
      %add3A_759 = arith.constant 5 : i32
      %add3A_760 = arith.addi %mul3A_758, %add3A_759 : i32
      %get3A_761 = arith.index_cast %add3A_760 : i32 to index
      %get3A_762 = arith.constant 32 : index
      %get3A_763 = tpu.vector_load %arg6[%get3A_761, %get3A_762] {strides = array<i32>} : memref<80x128xi32, #tpu.memory_space<vmem>>, vector<1x16xi32>,
      %get3A_764 = vector.shape_cast %get3A_763 : vector<1x16xi32> to vector<16xi32>
      %shift_right_arithmetic3A_765 = arith.constant 16 : i32
      %shift_right_arithmetic3A_766 = vector.broadcast %shift_right_arithmetic3A_765 : i32 to vector<16xi32>
      %shift_right_arithmetic3A_767 = arith.shrsi %get3A_764, %shift_right_arithmetic3A_766 : vector<16xi32>
      %swap3A_768 = arith.constant 5 : i32
      %swap3A_769 = arith.index_cast %swap3A_768 : i32 to index
      %swap3A_770 = arith.constant 32 : index
      %swap3A_771 = tpu.vector_load %arg7[%swap3A_769, %swap3A_770] {strides = array<i32>} : memref<8x128xi32, #tpu.memory_space<vmem>>, vector<1x16xi32>,
      %swap3A_772 = vector.shape_cast %swap3A_771 : vector<1x16xi32> to vector<16xi32>
      %swap3A_773 = vector.shape_cast %shift_right_arithmetic3A_767 : vector<16xi32> to vector<1x16xi32>
      tpu.vector_store %arg7[%swap3A_769, %swap3A_770], %swap3A_773 {strides = array<i32>} : memref<8x128xi32, #tpu.memory_space<vmem>>, vector<1x16xi32>,
      %mul3A_774 = arith.constant 8 : i32
      %mul3A_775 = arith.muli %scan3A_11, %mul3A_774 : i32
      %add3A_776 = arith.constant 5 : i32
      %add3A_777 = arith.addi %mul3A_775, %add3A_776 : i32
      %get3A_778 = arith.index_cast %add3A_777 : i32 to index
      %get3A_779 = arith.constant 48 : index
      %get3A_780 = tpu.vector_load %arg6[%get3A_778, %get3A_779] {strides = array<i32>} : memref<80x128xi32, #tpu.memory_space<vmem>>, vector<1x16xi32>,
      %get3A_781 = vector.shape_cast %get3A_780 : vector<1x16xi32> to vector<16xi32>
      %shift_right_arithmetic3A_782 = arith.constant 16 : i32
      %shift_right_arithmetic3A_783 = vector.broadcast %shift_right_arithmetic3A_782 : i32 to vector<16xi32>
      %shift_right_arithmetic3A_784 = arith.shrsi %get3A_781, %shift_right_arithmetic3A_783 : vector<16xi32>
      %swap3A_785 = arith.constant 5 : i32
      %swap3A_786 = arith.index_cast %swap3A_785 : i32 to index
      %swap3A_787 = arith.constant 48 : index
      %swap3A_788 = tpu.vector_load %arg7[%swap3A_786, %swap3A_787] {strides = array<i32>} : memref<8x128xi32, #tpu.memory_space<vmem>>, vector<1x16xi32>,
      %swap3A_789 = vector.shape_cast %swap3A_788 : vector<1x16xi32> to vector<16xi32>
      %swap3A_790 = vector.shape_cast %shift_right_arithmetic3A_784 : vector<16xi32> to vector<1x16xi32>
      tpu.vector_store %arg7[%swap3A_786, %swap3A_787], %swap3A_790 {strides = array<i32>} : memref<8x128xi32, #tpu.memory_space<vmem>>, vector<1x16xi32>,
      %mul3A_791 = arith.constant 8 : i32
      %mul3A_792 = arith.muli %scan3A_11, %mul3A_791 : i32
      %add3A_793 = arith.constant 5 : i32
      %add3A_794 = arith.addi %mul3A_792, %add3A_793 : i32
      %get3A_795 = arith.index_cast %add3A_794 : i32 to index
      %get3A_796 = arith.constant 64 : index
      %get3A_797 = tpu.vector_load %arg6[%get3A_795, %get3A_796] {strides = array<i32>} : memref<80x128xi32, #tpu.memory_space<vmem>>, vector<1x16xi32>,
      %get3A_798 = vector.shape_cast %get3A_797 : vector<1x16xi32> to vector<16xi32>
      %shift_right_arithmetic3A_799 = arith.constant 16 : i32
      %shift_right_arithmetic3A_800 = vector.broadcast %shift_right_arithmetic3A_799 : i32 to vector<16xi32>
      %shift_right_arithmetic3A_801 = arith.shrsi %get3A_798, %shift_right_arithmetic3A_800 : vector<16xi32>
      %swap3A_802 = arith.constant 5 : i32
      %swap3A_803 = arith.index_cast %swap3A_802 : i32 to index
      %swap3A_804 = arith.constant 64 : index
      %swap3A_805 = tpu.vector_load %arg7[%swap3A_803, %swap3A_804] {strides = array<i32>} : memref<8x128xi32, #tpu.memory_space<vmem>>, vector<1x16xi32>,
      %swap3A_806 = vector.shape_cast %swap3A_805 : vector<1x16xi32> to vector<16xi32>
      %swap3A_807 = vector.shape_cast %shift_right_arithmetic3A_801 : vector<16xi32> to vector<1x16xi32>
      tpu.vector_store %arg7[%swap3A_803, %swap3A_804], %swap3A_807 {strides = array<i32>} : memref<8x128xi32, #tpu.memory_space<vmem>>, vector<1x16xi32>,
      %mul3A_808 = arith.constant 8 : i32
      %mul3A_809 = arith.muli %scan3A_11, %mul3A_808 : i32
      %add3A_810 = arith.constant 5 : i32
      %add3A_811 = arith.addi %mul3A_809, %add3A_810 : i32
      %get3A_812 = arith.index_cast %add3A_811 : i32 to index
      %get3A_813 = arith.constant 80 : index
      %get3A_814 = tpu.vector_load %arg6[%get3A_812, %get3A_813] {strides = array<i32>} : memref<80x128xi32, #tpu.memory_space<vmem>>, vector<1x16xi32>,
      %get3A_815 = vector.shape_cast %get3A_814 : vector<1x16xi32> to vector<16xi32>
      %shift_right_arithmetic3A_816 = arith.constant 16 : i32
      %shift_right_arithmetic3A_817 = vector.broadcast %shift_right_arithmetic3A_816 : i32 to vector<16xi32>
      %shift_right_arithmetic3A_818 = arith.shrsi %get3A_815, %shift_right_arithmetic3A_817 : vector<16xi32>
      %swap3A_819 = arith.constant 5 : i32
      %swap3A_820 = arith.index_cast %swap3A_819 : i32 to index
      %swap3A_821 = arith.constant 80 : index
      %swap3A_822 = tpu.vector_load %arg7[%swap3A_820, %swap3A_821] {strides = array<i32>} : memref<8x128xi32, #tpu.memory_space<vmem>>, vector<1x16xi32>,
      %swap3A_823 = vector.shape_cast %swap3A_822 : vector<1x16xi32> to vector<16xi32>
      %swap3A_824 = vector.shape_cast %shift_right_arithmetic3A_818 : vector<16xi32> to vector<1x16xi32>
      tpu.vector_store %arg7[%swap3A_820, %swap3A_821], %swap3A_824 {strides = array<i32>} : memref<8x128xi32, #tpu.memory_space<vmem>>, vector<1x16xi32>,
      %mul3A_825 = arith.constant 8 : i32
      %mul3A_826 = arith.muli %scan3A_11, %mul3A_825 : i32
      %add3A_827 = arith.constant 5 : i32
      %add3A_828 = arith.addi %mul3A_826, %add3A_827 : i32
      %get3A_829 = arith.index_cast %add3A_828 : i32 to index
      %get3A_830 = arith.constant 96 : index
      %get3A_831 = tpu.vector_load %arg6[%get3A_829, %get3A_830] {strides = array<i32>} : memref<80x128xi32, #tpu.memory_space<vmem>>, vector<1x16xi32>,
      %get3A_832 = vector.shape_cast %get3A_831 : vector<1x16xi32> to vector<16xi32>
      %shift_right_arithmetic3A_833 = arith.constant 16 : i32
      %shift_right_arithmetic3A_834 = vector.broadcast %shift_right_arithmetic3A_833 : i32 to vector<16xi32>
      %shift_right_arithmetic3A_835 = arith.shrsi %get3A_832, %shift_right_arithmetic3A_834 : vector<16xi32>
      %swap3A_836 = arith.constant 5 : i32
      %swap3A_837 = arith.index_cast %swap3A_836 : i32 to index
      %swap3A_838 = arith.constant 96 : index
      %swap3A_839 = tpu.vector_load %arg7[%swap3A_837, %swap3A_838] {strides = array<i32>} : memref<8x128xi32, #tpu.memory_space<vmem>>, vector<1x16xi32>,
      %swap3A_840 = vector.shape_cast %swap3A_839 : vector<1x16xi32> to vector<16xi32>
      %swap3A_841 = vector.shape_cast %shift_right_arithmetic3A_835 : vector<16xi32> to vector<1x16xi32>
      tpu.vector_store %arg7[%swap3A_837, %swap3A_838], %swap3A_841 {strides = array<i32>} : memref<8x128xi32, #tpu.memory_space<vmem>>, vector<1x16xi32>,
      %mul3A_842 = arith.constant 8 : i32
      %mul3A_843 = arith.muli %scan3A_11, %mul3A_842 : i32
      %add3A_844 = arith.constant 5 : i32
      %add3A_845 = arith.addi %mul3A_843, %add3A_844 : i32
      %get3A_846 = arith.index_cast %add3A_845 : i32 to index
      %get3A_847 = arith.constant 112 : index
      %get3A_848 = tpu.vector_load %arg6[%get3A_846, %get3A_847] {strides = array<i32>} : memref<80x128xi32, #tpu.memory_space<vmem>>, vector<1x16xi32>,
      %get3A_849 = vector.shape_cast %get3A_848 : vector<1x16xi32> to vector<16xi32>
      %shift_right_arithmetic3A_850 = arith.constant 16 : i32
      %shift_right_arithmetic3A_851 = vector.broadcast %shift_right_arithmetic3A_850 : i32 to vector<16xi32>
      %shift_right_arithmetic3A_852 = arith.shrsi %get3A_849, %shift_right_arithmetic3A_851 : vector<16xi32>
      %swap3A_853 = arith.constant 5 : i32
      %swap3A_854 = arith.index_cast %swap3A_853 : i32 to index
      %swap3A_855 = arith.constant 112 : index
      %swap3A_856 = tpu.vector_load %arg7[%swap3A_854, %swap3A_855] {strides = array<i32>} : memref<8x128xi32, #tpu.memory_space<vmem>>, vector<1x16xi32>,
      %swap3A_857 = vector.shape_cast %swap3A_856 : vector<1x16xi32> to vector<16xi32>
      %swap3A_858 = vector.shape_cast %shift_right_arithmetic3A_852 : vector<16xi32> to vector<1x16xi32>
      tpu.vector_store %arg7[%swap3A_854, %swap3A_855], %swap3A_858 {strides = array<i32>} : memref<8x128xi32, #tpu.memory_space<vmem>>, vector<1x16xi32>,
      %dma_start3A_859 = arith.constant 5 : i32
      %dma_start3A_860 = arith.constant 0 : i32
      %dma_start3A_861 = tpu.memref_slice %arg7[%dma_start3A_859, %dma_start3A_860] : memref<8x128xi32, #tpu.memory_space<vmem>> -> memref<1x128xi32, #tpu.memory_space<vmem>>
      %dma_start3A_862 = tpu.memref_squeeze %dma_start3A_861 : memref<1x128xi32, #tpu.memory_space<vmem>> -> memref<128xi32, #tpu.memory_space<vmem>>
      %dma_start3A_863 = arith.constant 0 : i32
      %dma_start3A_864 = arith.constant 0 : i32
      %dma_start3A_865 = tpu.memref_slice %arg10[%dma_start3A_863, %dma_start3A_864] : memref<10240x8xf32, #tpu.memory_space<vmem_shared>> -> memref<10240x8xf32, #tpu.memory_space<vmem_shared>>
      tpu.enqueue_indirect_dma source(%arg8 : memref<128x8xf32, #tpu.memory_space<vmem>>) target(%dma_start3A_865 : memref<10240x8xf32, #tpu.memory_space<vmem_shared>>) offsets(%dma_start3A_862 : memref<128xi32, #tpu.memory_space<vmem>>) semaphore(%arg11 : memref<!tpu.dma_semaphore, #tpu.memory_space<semaphore_mem>>) {add = true}
      %mul3A_866 = arith.constant 8 : i32
      %mul3A_867 = arith.muli %scan3A_11, %mul3A_866 : i32
      %add3A_868 = arith.constant 6 : i32
      %add3A_869 = arith.addi %mul3A_867, %add3A_868 : i32
      %get3A_870 = arith.index_cast %add3A_869 : i32 to index
      %get3A_871 = arith.constant 0 : index
      %get3A_872 = tpu.vector_load %arg6[%get3A_870, %get3A_871] {strides = array<i32>} : memref<80x128xi32, #tpu.memory_space<vmem>>, vector<1x16xi32>,
      %get3A_873 = vector.shape_cast %get3A_872 : vector<1x16xi32> to vector<16xi32>
      %shift_right_arithmetic3A_874 = arith.constant 16 : i32
      %shift_right_arithmetic3A_875 = vector.broadcast %shift_right_arithmetic3A_874 : i32 to vector<16xi32>
      %shift_right_arithmetic3A_876 = arith.shrsi %get3A_873, %shift_right_arithmetic3A_875 : vector<16xi32>
      %swap3A_877 = arith.constant 6 : i32
      %swap3A_878 = arith.index_cast %swap3A_877 : i32 to index
      %swap3A_879 = arith.constant 0 : index
      %swap3A_880 = tpu.vector_load %arg7[%swap3A_878, %swap3A_879] {strides = array<i32>} : memref<8x128xi32, #tpu.memory_space<vmem>>, vector<1x16xi32>,
      %swap3A_881 = vector.shape_cast %swap3A_880 : vector<1x16xi32> to vector<16xi32>
      %swap3A_882 = vector.shape_cast %shift_right_arithmetic3A_876 : vector<16xi32> to vector<1x16xi32>
      tpu.vector_store %arg7[%swap3A_878, %swap3A_879], %swap3A_882 {strides = array<i32>} : memref<8x128xi32, #tpu.memory_space<vmem>>, vector<1x16xi32>,
      %mul3A_883 = arith.constant 8 : i32
      %mul3A_884 = arith.muli %scan3A_11, %mul3A_883 : i32
      %add3A_885 = arith.constant 6 : i32
      %add3A_886 = arith.addi %mul3A_884, %add3A_885 : i32
      %get3A_887 = arith.index_cast %add3A_886 : i32 to index
      %get3A_888 = arith.constant 16 : index
      %get3A_889 = tpu.vector_load %arg6[%get3A_887, %get3A_888] {strides = array<i32>} : memref<80x128xi32, #tpu.memory_space<vmem>>, vector<1x16xi32>,
      %get3A_890 = vector.shape_cast %get3A_889 : vector<1x16xi32> to vector<16xi32>
      %shift_right_arithmetic3A_891 = arith.constant 16 : i32
      %shift_right_arithmetic3A_892 = vector.broadcast %shift_right_arithmetic3A_891 : i32 to vector<16xi32>
      %shift_right_arithmetic3A_893 = arith.shrsi %get3A_890, %shift_right_arithmetic3A_892 : vector<16xi32>
      %swap3A_894 = arith.constant 6 : i32
      %swap3A_895 = arith.index_cast %swap3A_894 : i32 to index
      %swap3A_896 = arith.constant 16 : index
      %swap3A_897 = tpu.vector_load %arg7[%swap3A_895, %swap3A_896] {strides = array<i32>} : memref<8x128xi32, #tpu.memory_space<vmem>>, vector<1x16xi32>,
      %swap3A_898 = vector.shape_cast %swap3A_897 : vector<1x16xi32> to vector<16xi32>
      %swap3A_899 = vector.shape_cast %shift_right_arithmetic3A_893 : vector<16xi32> to vector<1x16xi32>
      tpu.vector_store %arg7[%swap3A_895, %swap3A_896], %swap3A_899 {strides = array<i32>} : memref<8x128xi32, #tpu.memory_space<vmem>>, vector<1x16xi32>,
      %mul3A_900 = arith.constant 8 : i32
      %mul3A_901 = arith.muli %scan3A_11, %mul3A_900 : i32
      %add3A_902 = arith.constant 6 : i32
      %add3A_903 = arith.addi %mul3A_901, %add3A_902 : i32
      %get3A_904 = arith.index_cast %add3A_903 : i32 to index
      %get3A_905 = arith.constant 32 : index
      %get3A_906 = tpu.vector_load %arg6[%get3A_904, %get3A_905] {strides = array<i32>} : memref<80x128xi32, #tpu.memory_space<vmem>>, vector<1x16xi32>,
      %get3A_907 = vector.shape_cast %get3A_906 : vector<1x16xi32> to vector<16xi32>
      %shift_right_arithmetic3A_908 = arith.constant 16 : i32
      %shift_right_arithmetic3A_909 = vector.broadcast %shift_right_arithmetic3A_908 : i32 to vector<16xi32>
      %shift_right_arithmetic3A_910 = arith.shrsi %get3A_907, %shift_right_arithmetic3A_909 : vector<16xi32>
      %swap3A_911 = arith.constant 6 : i32
      %swap3A_912 = arith.index_cast %swap3A_911 : i32 to index
      %swap3A_913 = arith.constant 32 : index
      %swap3A_914 = tpu.vector_load %arg7[%swap3A_912, %swap3A_913] {strides = array<i32>} : memref<8x128xi32, #tpu.memory_space<vmem>>, vector<1x16xi32>,
      %swap3A_915 = vector.shape_cast %swap3A_914 : vector<1x16xi32> to vector<16xi32>
      %swap3A_916 = vector.shape_cast %shift_right_arithmetic3A_910 : vector<16xi32> to vector<1x16xi32>
      tpu.vector_store %arg7[%swap3A_912, %swap3A_913], %swap3A_916 {strides = array<i32>} : memref<8x128xi32, #tpu.memory_space<vmem>>, vector<1x16xi32>,
      %mul3A_917 = arith.constant 8 : i32
      %mul3A_918 = arith.muli %scan3A_11, %mul3A_917 : i32
      %add3A_919 = arith.constant 6 : i32
      %add3A_920 = arith.addi %mul3A_918, %add3A_919 : i32
      %get3A_921 = arith.index_cast %add3A_920 : i32 to index
      %get3A_922 = arith.constant 48 : index
      %get3A_923 = tpu.vector_load %arg6[%get3A_921, %get3A_922] {strides = array<i32>} : memref<80x128xi32, #tpu.memory_space<vmem>>, vector<1x16xi32>,
      %get3A_924 = vector.shape_cast %get3A_923 : vector<1x16xi32> to vector<16xi32>
      %shift_right_arithmetic3A_925 = arith.constant 16 : i32
      %shift_right_arithmetic3A_926 = vector.broadcast %shift_right_arithmetic3A_925 : i32 to vector<16xi32>
      %shift_right_arithmetic3A_927 = arith.shrsi %get3A_924, %shift_right_arithmetic3A_926 : vector<16xi32>
      %swap3A_928 = arith.constant 6 : i32
      %swap3A_929 = arith.index_cast %swap3A_928 : i32 to index
      %swap3A_930 = arith.constant 48 : index
      %swap3A_931 = tpu.vector_load %arg7[%swap3A_929, %swap3A_930] {strides = array<i32>} : memref<8x128xi32, #tpu.memory_space<vmem>>, vector<1x16xi32>,
      %swap3A_932 = vector.shape_cast %swap3A_931 : vector<1x16xi32> to vector<16xi32>
      %swap3A_933 = vector.shape_cast %shift_right_arithmetic3A_927 : vector<16xi32> to vector<1x16xi32>
      tpu.vector_store %arg7[%swap3A_929, %swap3A_930], %swap3A_933 {strides = array<i32>} : memref<8x128xi32, #tpu.memory_space<vmem>>, vector<1x16xi32>,
      %mul3A_934 = arith.constant 8 : i32
      %mul3A_935 = arith.muli %scan3A_11, %mul3A_934 : i32
      %add3A_936 = arith.constant 6 : i32
      %add3A_937 = arith.addi %mul3A_935, %add3A_936 : i32
      %get3A_938 = arith.index_cast %add3A_937 : i32 to index
      %get3A_939 = arith.constant 64 : index
      %get3A_940 = tpu.vector_load %arg6[%get3A_938, %get3A_939] {strides = array<i32>} : memref<80x128xi32, #tpu.memory_space<vmem>>, vector<1x16xi32>,
      %get3A_941 = vector.shape_cast %get3A_940 : vector<1x16xi32> to vector<16xi32>
      %shift_right_arithmetic3A_942 = arith.constant 16 : i32
      %shift_right_arithmetic3A_943 = vector.broadcast %shift_right_arithmetic3A_942 : i32 to vector<16xi32>
      %shift_right_arithmetic3A_944 = arith.shrsi %get3A_941, %shift_right_arithmetic3A_943 : vector<16xi32>
      %swap3A_945 = arith.constant 6 : i32
      %swap3A_946 = arith.index_cast %swap3A_945 : i32 to index
      %swap3A_947 = arith.constant 64 : index
      %swap3A_948 = tpu.vector_load %arg7[%swap3A_946, %swap3A_947] {strides = array<i32>} : memref<8x128xi32, #tpu.memory_space<vmem>>, vector<1x16xi32>,
      %swap3A_949 = vector.shape_cast %swap3A_948 : vector<1x16xi32> to vector<16xi32>
      %swap3A_950 = vector.shape_cast %shift_right_arithmetic3A_944 : vector<16xi32> to vector<1x16xi32>
      tpu.vector_store %arg7[%swap3A_946, %swap3A_947], %swap3A_950 {strides = array<i32>} : memref<8x128xi32, #tpu.memory_space<vmem>>, vector<1x16xi32>,
      %mul3A_951 = arith.constant 8 : i32
      %mul3A_952 = arith.muli %scan3A_11, %mul3A_951 : i32
      %add3A_953 = arith.constant 6 : i32
      %add3A_954 = arith.addi %mul3A_952, %add3A_953 : i32
      %get3A_955 = arith.index_cast %add3A_954 : i32 to index
      %get3A_956 = arith.constant 80 : index
      %get3A_957 = tpu.vector_load %arg6[%get3A_955, %get3A_956] {strides = array<i32>} : memref<80x128xi32, #tpu.memory_space<vmem>>, vector<1x16xi32>,
      %get3A_958 = vector.shape_cast %get3A_957 : vector<1x16xi32> to vector<16xi32>
      %shift_right_arithmetic3A_959 = arith.constant 16 : i32
      %shift_right_arithmetic3A_960 = vector.broadcast %shift_right_arithmetic3A_959 : i32 to vector<16xi32>
      %shift_right_arithmetic3A_961 = arith.shrsi %get3A_958, %shift_right_arithmetic3A_960 : vector<16xi32>
      %swap3A_962 = arith.constant 6 : i32
      %swap3A_963 = arith.index_cast %swap3A_962 : i32 to index
      %swap3A_964 = arith.constant 80 : index
      %swap3A_965 = tpu.vector_load %arg7[%swap3A_963, %swap3A_964] {strides = array<i32>} : memref<8x128xi32, #tpu.memory_space<vmem>>, vector<1x16xi32>,
      %swap3A_966 = vector.shape_cast %swap3A_965 : vector<1x16xi32> to vector<16xi32>
      %swap3A_967 = vector.shape_cast %shift_right_arithmetic3A_961 : vector<16xi32> to vector<1x16xi32>
      tpu.vector_store %arg7[%swap3A_963, %swap3A_964], %swap3A_967 {strides = array<i32>} : memref<8x128xi32, #tpu.memory_space<vmem>>, vector<1x16xi32>,
      %mul3A_968 = arith.constant 8 : i32
      %mul3A_969 = arith.muli %scan3A_11, %mul3A_968 : i32
      %add3A_970 = arith.constant 6 : i32
      %add3A_971 = arith.addi %mul3A_969, %add3A_970 : i32
      %get3A_972 = arith.index_cast %add3A_971 : i32 to index
      %get3A_973 = arith.constant 96 : index
      %get3A_974 = tpu.vector_load %arg6[%get3A_972, %get3A_973] {strides = array<i32>} : memref<80x128xi32, #tpu.memory_space<vmem>>, vector<1x16xi32>,
      %get3A_975 = vector.shape_cast %get3A_974 : vector<1x16xi32> to vector<16xi32>
      %shift_right_arithmetic3A_976 = arith.constant 16 : i32
      %shift_right_arithmetic3A_977 = vector.broadcast %shift_right_arithmetic3A_976 : i32 to vector<16xi32>
      %shift_right_arithmetic3A_978 = arith.shrsi %get3A_975, %shift_right_arithmetic3A_977 : vector<16xi32>
      %swap3A_979 = arith.constant 6 : i32
      %swap3A_980 = arith.index_cast %swap3A_979 : i32 to index
      %swap3A_981 = arith.constant 96 : index
      %swap3A_982 = tpu.vector_load %arg7[%swap3A_980, %swap3A_981] {strides = array<i32>} : memref<8x128xi32, #tpu.memory_space<vmem>>, vector<1x16xi32>,
      %swap3A_983 = vector.shape_cast %swap3A_982 : vector<1x16xi32> to vector<16xi32>
      %swap3A_984 = vector.shape_cast %shift_right_arithmetic3A_978 : vector<16xi32> to vector<1x16xi32>
      tpu.vector_store %arg7[%swap3A_980, %swap3A_981], %swap3A_984 {strides = array<i32>} : memref<8x128xi32, #tpu.memory_space<vmem>>, vector<1x16xi32>,
      %mul3A_985 = arith.constant 8 : i32
      %mul3A_986 = arith.muli %scan3A_11, %mul3A_985 : i32
      %add3A_987 = arith.constant 6 : i32
      %add3A_988 = arith.addi %mul3A_986, %add3A_987 : i32
      %get3A_989 = arith.index_cast %add3A_988 : i32 to index
      %get3A_990 = arith.constant 112 : index
      %get3A_991 = tpu.vector_load %arg6[%get3A_989, %get3A_990] {strides = array<i32>} : memref<80x128xi32, #tpu.memory_space<vmem>>, vector<1x16xi32>,
      %get3A_992 = vector.shape_cast %get3A_991 : vector<1x16xi32> to vector<16xi32>
      %shift_right_arithmetic3A_993 = arith.constant 16 : i32
      %shift_right_arithmetic3A_994 = vector.broadcast %shift_right_arithmetic3A_993 : i32 to vector<16xi32>
      %shift_right_arithmetic3A_995 = arith.shrsi %get3A_992, %shift_right_arithmetic3A_994 : vector<16xi32>
      %swap3A_996 = arith.constant 6 : i32
      %swap3A_997 = arith.index_cast %swap3A_996 : i32 to index
      %swap3A_998 = arith.constant 112 : index
      %swap3A_999 = tpu.vector_load %arg7[%swap3A_997, %swap3A_998] {strides = array<i32>} : memref<8x128xi32, #tpu.memory_space<vmem>>, vector<1x16xi32>,
      %swap3A_1000 = vector.shape_cast %swap3A_999 : vector<1x16xi32> to vector<16xi32>
      %swap3A_1001 = vector.shape_cast %shift_right_arithmetic3A_995 : vector<16xi32> to vector<1x16xi32>
      tpu.vector_store %arg7[%swap3A_997, %swap3A_998], %swap3A_1001 {strides = array<i32>} : memref<8x128xi32, #tpu.memory_space<vmem>>, vector<1x16xi32>,
      %dma_start3A_1002 = arith.constant 6 : i32
      %dma_start3A_1003 = arith.constant 0 : i32
      %dma_start3A_1004 = tpu.memref_slice %arg7[%dma_start3A_1002, %dma_start3A_1003] : memref<8x128xi32, #tpu.memory_space<vmem>> -> memref<1x128xi32, #tpu.memory_space<vmem>>
      %dma_start3A_1005 = tpu.memref_squeeze %dma_start3A_1004 : memref<1x128xi32, #tpu.memory_space<vmem>> -> memref<128xi32, #tpu.memory_space<vmem>>
      %dma_start3A_1006 = arith.constant 0 : i32
      %dma_start3A_1007 = arith.constant 0 : i32
      %dma_start3A_1008 = tpu.memref_slice %arg10[%dma_start3A_1006, %dma_start3A_1007] : memref<10240x8xf32, #tpu.memory_space<vmem_shared>> -> memref<10240x8xf32, #tpu.memory_space<vmem_shared>>
      tpu.enqueue_indirect_dma source(%arg8 : memref<128x8xf32, #tpu.memory_space<vmem>>) target(%dma_start3A_1008 : memref<10240x8xf32, #tpu.memory_space<vmem_shared>>) offsets(%dma_start3A_1005 : memref<128xi32, #tpu.memory_space<vmem>>) semaphore(%arg11 : memref<!tpu.dma_semaphore, #tpu.memory_space<semaphore_mem>>) {add = true}
      %mul3A_1009 = arith.constant 8 : i32
      %mul3A_1010 = arith.muli %scan3A_11, %mul3A_1009 : i32
      %add3A_1011 = arith.constant 7 : i32
      %add3A_1012 = arith.addi %mul3A_1010, %add3A_1011 : i32
      %get3A_1013 = arith.index_cast %add3A_1012 : i32 to index
      %get3A_1014 = arith.constant 0 : index
      %get3A_1015 = tpu.vector_load %arg6[%get3A_1013, %get3A_1014] {strides = array<i32>} : memref<80x128xi32, #tpu.memory_space<vmem>>, vector<1x16xi32>,
      %get3A_1016 = vector.shape_cast %get3A_1015 : vector<1x16xi32> to vector<16xi32>
      %shift_right_arithmetic3A_1017 = arith.constant 16 : i32
      %shift_right_arithmetic3A_1018 = vector.broadcast %shift_right_arithmetic3A_1017 : i32 to vector<16xi32>
      %shift_right_arithmetic3A_1019 = arith.shrsi %get3A_1016, %shift_right_arithmetic3A_1018 : vector<16xi32>
      %swap3A_1020 = arith.constant 7 : i32
      %swap3A_1021 = arith.index_cast %swap3A_1020 : i32 to index
      %swap3A_1022 = arith.constant 0 : index
      %swap3A_1023 = tpu.vector_load %arg7[%swap3A_1021, %swap3A_1022] {strides = array<i32>} : memref<8x128xi32, #tpu.memory_space<vmem>>, vector<1x16xi32>,
      %swap3A_1024 = vector.shape_cast %swap3A_1023 : vector<1x16xi32> to vector<16xi32>
      %swap3A_1025 = vector.shape_cast %shift_right_arithmetic3A_1019 : vector<16xi32> to vector<1x16xi32>
      tpu.vector_store %arg7[%swap3A_1021, %swap3A_1022], %swap3A_1025 {strides = array<i32>} : memref<8x128xi32, #tpu.memory_space<vmem>>, vector<1x16xi32>,
      %mul3A_1026 = arith.constant 8 : i32
      %mul3A_1027 = arith.muli %scan3A_11, %mul3A_1026 : i32
      %add3A_1028 = arith.constant 7 : i32
      %add3A_1029 = arith.addi %mul3A_1027, %add3A_1028 : i32
      %get3A_1030 = arith.index_cast %add3A_1029 : i32 to index
      %get3A_1031 = arith.constant 16 : index
      %get3A_1032 = tpu.vector_load %arg6[%get3A_1030, %get3A_1031] {strides = array<i32>} : memref<80x128xi32, #tpu.memory_space<vmem>>, vector<1x16xi32>,
      %get3A_1033 = vector.shape_cast %get3A_1032 : vector<1x16xi32> to vector<16xi32>
      %shift_right_arithmetic3A_1034 = arith.constant 16 : i32
      %shift_right_arithmetic3A_1035 = vector.broadcast %shift_right_arithmetic3A_1034 : i32 to vector<16xi32>
      %shift_right_arithmetic3A_1036 = arith.shrsi %get3A_1033, %shift_right_arithmetic3A_1035 : vector<16xi32>
      %swap3A_1037 = arith.constant 7 : i32
      %swap3A_1038 = arith.index_cast %swap3A_1037 : i32 to index
      %swap3A_1039 = arith.constant 16 : index
      %swap3A_1040 = tpu.vector_load %arg7[%swap3A_1038, %swap3A_1039] {strides = array<i32>} : memref<8x128xi32, #tpu.memory_space<vmem>>, vector<1x16xi32>,
      %swap3A_1041 = vector.shape_cast %swap3A_1040 : vector<1x16xi32> to vector<16xi32>
      %swap3A_1042 = vector.shape_cast %shift_right_arithmetic3A_1036 : vector<16xi32> to vector<1x16xi32>
      tpu.vector_store %arg7[%swap3A_1038, %swap3A_1039], %swap3A_1042 {strides = array<i32>} : memref<8x128xi32, #tpu.memory_space<vmem>>, vector<1x16xi32>,
      %mul3A_1043 = arith.constant 8 : i32
      %mul3A_1044 = arith.muli %scan3A_11, %mul3A_1043 : i32
      %add3A_1045 = arith.constant 7 : i32
      %add3A_1046 = arith.addi %mul3A_1044, %add3A_1045 : i32
      %get3A_1047 = arith.index_cast %add3A_1046 : i32 to index
      %get3A_1048 = arith.constant 32 : index
      %get3A_1049 = tpu.vector_load %arg6[%get3A_1047, %get3A_1048] {strides = array<i32>} : memref<80x128xi32, #tpu.memory_space<vmem>>, vector<1x16xi32>,
      %get3A_1050 = vector.shape_cast %get3A_1049 : vector<1x16xi32> to vector<16xi32>
      %shift_right_arithmetic3A_1051 = arith.constant 16 : i32
      %shift_right_arithmetic3A_1052 = vector.broadcast %shift_right_arithmetic3A_1051 : i32 to vector<16xi32>
      %shift_right_arithmetic3A_1053 = arith.shrsi %get3A_1050, %shift_right_arithmetic3A_1052 : vector<16xi32>
      %swap3A_1054 = arith.constant 7 : i32
      %swap3A_1055 = arith.index_cast %swap3A_1054 : i32 to index
      %swap3A_1056 = arith.constant 32 : index
      %swap3A_1057 = tpu.vector_load %arg7[%swap3A_1055, %swap3A_1056] {strides = array<i32>} : memref<8x128xi32, #tpu.memory_space<vmem>>, vector<1x16xi32>,
      %swap3A_1058 = vector.shape_cast %swap3A_1057 : vector<1x16xi32> to vector<16xi32>
      %swap3A_1059 = vector.shape_cast %shift_right_arithmetic3A_1053 : vector<16xi32> to vector<1x16xi32>
      tpu.vector_store %arg7[%swap3A_1055, %swap3A_1056], %swap3A_1059 {strides = array<i32>} : memref<8x128xi32, #tpu.memory_space<vmem>>, vector<1x16xi32>,
      %mul3A_1060 = arith.constant 8 : i32
      %mul3A_1061 = arith.muli %scan3A_11, %mul3A_1060 : i32
      %add3A_1062 = arith.constant 7 : i32
      %add3A_1063 = arith.addi %mul3A_1061, %add3A_1062 : i32
      %get3A_1064 = arith.index_cast %add3A_1063 : i32 to index
      %get3A_1065 = arith.constant 48 : index
      %get3A_1066 = tpu.vector_load %arg6[%get3A_1064, %get3A_1065] {strides = array<i32>} : memref<80x128xi32, #tpu.memory_space<vmem>>, vector<1x16xi32>,
      %get3A_1067 = vector.shape_cast %get3A_1066 : vector<1x16xi32> to vector<16xi32>
      %shift_right_arithmetic3A_1068 = arith.constant 16 : i32
      %shift_right_arithmetic3A_1069 = vector.broadcast %shift_right_arithmetic3A_1068 : i32 to vector<16xi32>
      %shift_right_arithmetic3A_1070 = arith.shrsi %get3A_1067, %shift_right_arithmetic3A_1069 : vector<16xi32>
      %swap3A_1071 = arith.constant 7 : i32
      %swap3A_1072 = arith.index_cast %swap3A_1071 : i32 to index
      %swap3A_1073 = arith.constant 48 : index
      %swap3A_1074 = tpu.vector_load %arg7[%swap3A_1072, %swap3A_1073] {strides = array<i32>} : memref<8x128xi32, #tpu.memory_space<vmem>>, vector<1x16xi32>,
      %swap3A_1075 = vector.shape_cast %swap3A_1074 : vector<1x16xi32> to vector<16xi32>
      %swap3A_1076 = vector.shape_cast %shift_right_arithmetic3A_1070 : vector<16xi32> to vector<1x16xi32>
      tpu.vector_store %arg7[%swap3A_1072, %swap3A_1073], %swap3A_1076 {strides = array<i32>} : memref<8x128xi32, #tpu.memory_space<vmem>>, vector<1x16xi32>,
      %mul3A_1077 = arith.constant 8 : i32
      %mul3A_1078 = arith.muli %scan3A_11, %mul3A_1077 : i32
      %add3A_1079 = arith.constant 7 : i32
      %add3A_1080 = arith.addi %mul3A_1078, %add3A_1079 : i32
      %get3A_1081 = arith.index_cast %add3A_1080 : i32 to index
      %get3A_1082 = arith.constant 64 : index
      %get3A_1083 = tpu.vector_load %arg6[%get3A_1081, %get3A_1082] {strides = array<i32>} : memref<80x128xi32, #tpu.memory_space<vmem>>, vector<1x16xi32>,
      %get3A_1084 = vector.shape_cast %get3A_1083 : vector<1x16xi32> to vector<16xi32>
      %shift_right_arithmetic3A_1085 = arith.constant 16 : i32
      %shift_right_arithmetic3A_1086 = vector.broadcast %shift_right_arithmetic3A_1085 : i32 to vector<16xi32>
      %shift_right_arithmetic3A_1087 = arith.shrsi %get3A_1084, %shift_right_arithmetic3A_1086 : vector<16xi32>
      %swap3A_1088 = arith.constant 7 : i32
      %swap3A_1089 = arith.index_cast %swap3A_1088 : i32 to index
      %swap3A_1090 = arith.constant 64 : index
      %swap3A_1091 = tpu.vector_load %arg7[%swap3A_1089, %swap3A_1090] {strides = array<i32>} : memref<8x128xi32, #tpu.memory_space<vmem>>, vector<1x16xi32>,
      %swap3A_1092 = vector.shape_cast %swap3A_1091 : vector<1x16xi32> to vector<16xi32>
      %swap3A_1093 = vector.shape_cast %shift_right_arithmetic3A_1087 : vector<16xi32> to vector<1x16xi32>
      tpu.vector_store %arg7[%swap3A_1089, %swap3A_1090], %swap3A_1093 {strides = array<i32>} : memref<8x128xi32, #tpu.memory_space<vmem>>, vector<1x16xi32>,
      %mul3A_1094 = arith.constant 8 : i32
      %mul3A_1095 = arith.muli %scan3A_11, %mul3A_1094 : i32
      %add3A_1096 = arith.constant 7 : i32
      %add3A_1097 = arith.addi %mul3A_1095, %add3A_1096 : i32
      %get3A_1098 = arith.index_cast %add3A_1097 : i32 to index
      %get3A_1099 = arith.constant 80 : index
      %get3A_1100 = tpu.vector_load %arg6[%get3A_1098, %get3A_1099] {strides = array<i32>} : memref<80x128xi32, #tpu.memory_space<vmem>>, vector<1x16xi32>,
      %get3A_1101 = vector.shape_cast %get3A_1100 : vector<1x16xi32> to vector<16xi32>
      %shift_right_arithmetic3A_1102 = arith.constant 16 : i32
      %shift_right_arithmetic3A_1103 = vector.broadcast %shift_right_arithmetic3A_1102 : i32 to vector<16xi32>
      %shift_right_arithmetic3A_1104 = arith.shrsi %get3A_1101, %shift_right_arithmetic3A_1103 : vector<16xi32>
      %swap3A_1105 = arith.constant 7 : i32
      %swap3A_1106 = arith.index_cast %swap3A_1105 : i32 to index
      %swap3A_1107 = arith.constant 80 : index
      %swap3A_1108 = tpu.vector_load %arg7[%swap3A_1106, %swap3A_1107] {strides = array<i32>} : memref<8x128xi32, #tpu.memory_space<vmem>>, vector<1x16xi32>,
      %swap3A_1109 = vector.shape_cast %swap3A_1108 : vector<1x16xi32> to vector<16xi32>
      %swap3A_1110 = vector.shape_cast %shift_right_arithmetic3A_1104 : vector<16xi32> to vector<1x16xi32>
      tpu.vector_store %arg7[%swap3A_1106, %swap3A_1107], %swap3A_1110 {strides = array<i32>} : memref<8x128xi32, #tpu.memory_space<vmem>>, vector<1x16xi32>,
      %mul3A_1111 = arith.constant 8 : i32
      %mul3A_1112 = arith.muli %scan3A_11, %mul3A_1111 : i32
      %add3A_1113 = arith.constant 7 : i32
      %add3A_1114 = arith.addi %mul3A_1112, %add3A_1113 : i32
      %get3A_1115 = arith.index_cast %add3A_1114 : i32 to index
      %get3A_1116 = arith.constant 96 : index
      %get3A_1117 = tpu.vector_load %arg6[%get3A_1115, %get3A_1116] {strides = array<i32>} : memref<80x128xi32, #tpu.memory_space<vmem>>, vector<1x16xi32>,
      %get3A_1118 = vector.shape_cast %get3A_1117 : vector<1x16xi32> to vector<16xi32>
      %shift_right_arithmetic3A_1119 = arith.constant 16 : i32
      %shift_right_arithmetic3A_1120 = vector.broadcast %shift_right_arithmetic3A_1119 : i32 to vector<16xi32>
      %shift_right_arithmetic3A_1121 = arith.shrsi %get3A_1118, %shift_right_arithmetic3A_1120 : vector<16xi32>
      %swap3A_1122 = arith.constant 7 : i32
      %swap3A_1123 = arith.index_cast %swap3A_1122 : i32 to index
      %swap3A_1124 = arith.constant 96 : index
      %swap3A_1125 = tpu.vector_load %arg7[%swap3A_1123, %swap3A_1124] {strides = array<i32>} : memref<8x128xi32, #tpu.memory_space<vmem>>, vector<1x16xi32>,
      %swap3A_1126 = vector.shape_cast %swap3A_1125 : vector<1x16xi32> to vector<16xi32>
      %swap3A_1127 = vector.shape_cast %shift_right_arithmetic3A_1121 : vector<16xi32> to vector<1x16xi32>
      tpu.vector_store %arg7[%swap3A_1123, %swap3A_1124], %swap3A_1127 {strides = array<i32>} : memref<8x128xi32, #tpu.memory_space<vmem>>, vector<1x16xi32>,
      %mul3A_1128 = arith.constant 8 : i32
      %mul3A_1129 = arith.muli %scan3A_11, %mul3A_1128 : i32
      %add3A_1130 = arith.constant 7 : i32
      %add3A_1131 = arith.addi %mul3A_1129, %add3A_1130 : i32
      %get3A_1132 = arith.index_cast %add3A_1131 : i32 to index
      %get3A_1133 = arith.constant 112 : index
      %get3A_1134 = tpu.vector_load %arg6[%get3A_1132, %get3A_1133] {strides = array<i32>} : memref<80x128xi32, #tpu.memory_space<vmem>>, vector<1x16xi32>,
      %get3A_1135 = vector.shape_cast %get3A_1134 : vector<1x16xi32> to vector<16xi32>
      %shift_right_arithmetic3A_1136 = arith.constant 16 : i32
      %shift_right_arithmetic3A_1137 = vector.broadcast %shift_right_arithmetic3A_1136 : i32 to vector<16xi32>
      %shift_right_arithmetic3A_1138 = arith.shrsi %get3A_1135, %shift_right_arithmetic3A_1137 : vector<16xi32>
      %swap3A_1139 = arith.constant 7 : i32
      %swap3A_1140 = arith.index_cast %swap3A_1139 : i32 to index
      %swap3A_1141 = arith.constant 112 : index
      %swap3A_1142 = tpu.vector_load %arg7[%swap3A_1140, %swap3A_1141] {strides = array<i32>} : memref<8x128xi32, #tpu.memory_space<vmem>>, vector<1x16xi32>,
      %swap3A_1143 = vector.shape_cast %swap3A_1142 : vector<1x16xi32> to vector<16xi32>
      %swap3A_1144 = vector.shape_cast %shift_right_arithmetic3A_1138 : vector<16xi32> to vector<1x16xi32>
      tpu.vector_store %arg7[%swap3A_1140, %swap3A_1141], %swap3A_1144 {strides = array<i32>} : memref<8x128xi32, #tpu.memory_space<vmem>>, vector<1x16xi32>,
      %dma_start3A_1145 = arith.constant 7 : i32
      %dma_start3A_1146 = arith.constant 0 : i32
      %dma_start3A_1147 = tpu.memref_slice %arg7[%dma_start3A_1145, %dma_start3A_1146] : memref<8x128xi32, #tpu.memory_space<vmem>> -> memref<1x128xi32, #tpu.memory_space<vmem>>
      %dma_start3A_1148 = tpu.memref_squeeze %dma_start3A_1147 : memref<1x128xi32, #tpu.memory_space<vmem>> -> memref<128xi32, #tpu.memory_space<vmem>>
      %dma_start3A_1149 = arith.constant 0 : i32
      %dma_start3A_1150 = arith.constant 0 : i32
      %dma_start3A_1151 = tpu.memref_slice %arg10[%dma_start3A_1149, %dma_start3A_1150] : memref<10240x8xf32, #tpu.memory_space<vmem_shared>> -> memref<10240x8xf32, #tpu.memory_space<vmem_shared>>
      tpu.enqueue_indirect_dma source(%arg8 : memref<128x8xf32, #tpu.memory_space<vmem>>) target(%dma_start3A_1151 : memref<10240x8xf32, #tpu.memory_space<vmem_shared>>) offsets(%dma_start3A_1148 : memref<128xi32, #tpu.memory_space<vmem>>) semaphore(%arg11 : memref<!tpu.dma_semaphore, #tpu.memory_space<semaphore_mem>>) {add = true}
      %dma_wait3A = arith.constant 0 : i32
      %dma_wait3A_1152 = arith.constant 0 : i32
      %dma_wait3A_1153 = tpu.memref_slice %arg7[%dma_wait3A, %dma_wait3A_1152] : memref<8x128xi32, #tpu.memory_space<vmem>> -> memref<1x128xi32, #tpu.memory_space<vmem>>
      %dma_wait3A_1154 = tpu.memref_squeeze %dma_wait3A_1153 : memref<1x128xi32, #tpu.memory_space<vmem>> -> memref<128xi32, #tpu.memory_space<vmem>>
      %dma_wait3A_1155 = arith.constant 0 : i32
      %dma_wait3A_1156 = arith.constant 0 : i32
      %dma_wait3A_1157 = tpu.memref_slice %arg10[%dma_wait3A_1155, %dma_wait3A_1156] : memref<10240x8xf32, #tpu.memory_space<vmem_shared>> -> memref<10240x8xf32, #tpu.memory_space<vmem_shared>>
      tpu.wait_indirect_dma semaphore(%arg11 : memref<!tpu.dma_semaphore, #tpu.memory_space<semaphore_mem>>) src(%arg8 : memref<128x8xf32, #tpu.memory_space<vmem>>) dst(%dma_wait3A_1157 : memref<10240x8xf32, #tpu.memory_space<vmem_shared>>)
      %dma_wait3A_1158 = arith.constant 0 : i32
      %dma_wait3A_1159 = arith.constant 0 : i32
      %dma_wait3A_1160 = tpu.memref_slice %arg7[%dma_wait3A_1158, %dma_wait3A_1159] : memref<8x128xi32, #tpu.memory_space<vmem>> -> memref<1x128xi32, #tpu.memory_space<vmem>>
      %dma_wait3A_1161 = tpu.memref_squeeze %dma_wait3A_1160 : memref<1x128xi32, #tpu.memory_space<vmem>> -> memref<128xi32, #tpu.memory_space<vmem>>
      %dma_wait3A_1162 = arith.constant 0 : i32
      %dma_wait3A_1163 = arith.constant 0 : i32
      %dma_wait3A_1164 = tpu.memref_slice %arg10[%dma_wait3A_1162, %dma_wait3A_1163] : memref<10240x8xf32, #tpu.memory_space<vmem_shared>> -> memref<10240x8xf32, #tpu.memory_space<vmem_shared>>
      tpu.wait_indirect_dma semaphore(%arg11 : memref<!tpu.dma_semaphore, #tpu.memory_space<semaphore_mem>>) src(%arg8 : memref<128x8xf32, #tpu.memory_space<vmem>>) dst(%dma_wait3A_1164 : memref<10240x8xf32, #tpu.memory_space<vmem_shared>>)
      %dma_wait3A_1165 = arith.constant 0 : i32
      %dma_wait3A_1166 = arith.constant 0 : i32
      %dma_wait3A_1167 = tpu.memref_slice %arg7[%dma_wait3A_1165, %dma_wait3A_1166] : memref<8x128xi32, #tpu.memory_space<vmem>> -> memref<1x128xi32, #tpu.memory_space<vmem>>
      %dma_wait3A_1168 = tpu.memref_squeeze %dma_wait3A_1167 : memref<1x128xi32, #tpu.memory_space<vmem>> -> memref<128xi32, #tpu.memory_space<vmem>>
      %dma_wait3A_1169 = arith.constant 0 : i32
      %dma_wait3A_1170 = arith.constant 0 : i32
      %dma_wait3A_1171 = tpu.memref_slice %arg10[%dma_wait3A_1169, %dma_wait3A_1170] : memref<10240x8xf32, #tpu.memory_space<vmem_shared>> -> memref<10240x8xf32, #tpu.memory_space<vmem_shared>>
      tpu.wait_indirect_dma semaphore(%arg11 : memref<!tpu.dma_semaphore, #tpu.memory_space<semaphore_mem>>) src(%arg8 : memref<128x8xf32, #tpu.memory_space<vmem>>) dst(%dma_wait3A_1171 : memref<10240x8xf32, #tpu.memory_space<vmem_shared>>)
      %dma_wait3A_1172 = arith.constant 0 : i32
      %dma_wait3A_1173 = arith.constant 0 : i32
      %dma_wait3A_1174 = tpu.memref_slice %arg7[%dma_wait3A_1172, %dma_wait3A_1173] : memref<8x128xi32, #tpu.memory_space<vmem>> -> memref<1x128xi32, #tpu.memory_space<vmem>>
      %dma_wait3A_1175 = tpu.memref_squeeze %dma_wait3A_1174 : memref<1x128xi32, #tpu.memory_space<vmem>> -> memref<128xi32, #tpu.memory_space<vmem>>
      %dma_wait3A_1176 = arith.constant 0 : i32
      %dma_wait3A_1177 = arith.constant 0 : i32
      %dma_wait3A_1178 = tpu.memref_slice %arg10[%dma_wait3A_1176, %dma_wait3A_1177] : memref<10240x8xf32, #tpu.memory_space<vmem_shared>> -> memref<10240x8xf32, #tpu.memory_space<vmem_shared>>
      tpu.wait_indirect_dma semaphore(%arg11 : memref<!tpu.dma_semaphore, #tpu.memory_space<semaphore_mem>>) src(%arg8 : memref<128x8xf32, #tpu.memory_space<vmem>>) dst(%dma_wait3A_1178 : memref<10240x8xf32, #tpu.memory_space<vmem_shared>>)
      %dma_wait3A_1179 = arith.constant 0 : i32
      %dma_wait3A_1180 = arith.constant 0 : i32
      %dma_wait3A_1181 = tpu.memref_slice %arg7[%dma_wait3A_1179, %dma_wait3A_1180] : memref<8x128xi32, #tpu.memory_space<vmem>> -> memref<1x128xi32, #tpu.memory_space<vmem>>
      %dma_wait3A_1182 = tpu.memref_squeeze %dma_wait3A_1181 : memref<1x128xi32, #tpu.memory_space<vmem>> -> memref<128xi32, #tpu.memory_space<vmem>>
      %dma_wait3A_1183 = arith.constant 0 : i32
      %dma_wait3A_1184 = arith.constant 0 : i32
      %dma_wait3A_1185 = tpu.memref_slice %arg10[%dma_wait3A_1183, %dma_wait3A_1184] : memref<10240x8xf32, #tpu.memory_space<vmem_shared>> -> memref<10240x8xf32, #tpu.memory_space<vmem_shared>>
      tpu.wait_indirect_dma semaphore(%arg11 : memref<!tpu.dma_semaphore, #tpu.memory_space<semaphore_mem>>) src(%arg8 : memref<128x8xf32, #tpu.memory_space<vmem>>) dst(%dma_wait3A_1185 : memref<10240x8xf32, #tpu.memory_space<vmem_shared>>)
      %dma_wait3A_1186 = arith.constant 0 : i32
      %dma_wait3A_1187 = arith.constant 0 : i32
      %dma_wait3A_1188 = tpu.memref_slice %arg7[%dma_wait3A_1186, %dma_wait3A_1187] : memref<8x128xi32, #tpu.memory_space<vmem>> -> memref<1x128xi32, #tpu.memory_space<vmem>>
      %dma_wait3A_1189 = tpu.memref_squeeze %dma_wait3A_1188 : memref<1x128xi32, #tpu.memory_space<vmem>> -> memref<128xi32, #tpu.memory_space<vmem>>
      %dma_wait3A_1190 = arith.constant 0 : i32
      %dma_wait3A_1191 = arith.constant 0 : i32
      %dma_wait3A_1192 = tpu.memref_slice %arg10[%dma_wait3A_1190, %dma_wait3A_1191] : memref<10240x8xf32, #tpu.memory_space<vmem_shared>> -> memref<10240x8xf32, #tpu.memory_space<vmem_shared>>
      tpu.wait_indirect_dma semaphore(%arg11 : memref<!tpu.dma_semaphore, #tpu.memory_space<semaphore_mem>>) src(%arg8 : memref<128x8xf32, #tpu.memory_space<vmem>>) dst(%dma_wait3A_1192 : memref<10240x8xf32, #tpu.memory_space<vmem_shared>>)
      %dma_wait3A_1193 = arith.constant 0 : i32
      %dma_wait3A_1194 = arith.constant 0 : i32
      %dma_wait3A_1195 = tpu.memref_slice %arg7[%dma_wait3A_1193, %dma_wait3A_1194] : memref<8x128xi32, #tpu.memory_space<vmem>> -> memref<1x128xi32, #tpu.memory_space<vmem>>
      %dma_wait3A_1196 = tpu.memref_squeeze %dma_wait3A_1195 : memref<1x128xi32, #tpu.memory_space<vmem>> -> memref<128xi32, #tpu.memory_space<vmem>>
      %dma_wait3A_1197 = arith.constant 0 : i32
      %dma_wait3A_1198 = arith.constant 0 : i32
      %dma_wait3A_1199 = tpu.memref_slice %arg10[%dma_wait3A_1197, %dma_wait3A_1198] : memref<10240x8xf32, #tpu.memory_space<vmem_shared>> -> memref<10240x8xf32, #tpu.memory_space<vmem_shared>>
      tpu.wait_indirect_dma semaphore(%arg11 : memref<!tpu.dma_semaphore, #tpu.memory_space<semaphore_mem>>) src(%arg8 : memref<128x8xf32, #tpu.memory_space<vmem>>) dst(%dma_wait3A_1199 : memref<10240x8xf32, #tpu.memory_space<vmem_shared>>)
      %dma_wait3A_1200 = arith.constant 0 : i32
      %dma_wait3A_1201 = arith.constant 0 : i32
      %dma_wait3A_1202 = tpu.memref_slice %arg7[%dma_wait3A_1200, %dma_wait3A_1201] : memref<8x128xi32, #tpu.memory_space<vmem>> -> memref<1x128xi32, #tpu.memory_space<vmem>>
      %dma_wait3A_1203 = tpu.memref_squeeze %dma_wait3A_1202 : memref<1x128xi32, #tpu.memory_space<vmem>> -> memref<128xi32, #tpu.memory_space<vmem>>
      %dma_wait3A_1204 = arith.constant 0 : i32
      %dma_wait3A_1205 = arith.constant 0 : i32
      %dma_wait3A_1206 = tpu.memref_slice %arg10[%dma_wait3A_1204, %dma_wait3A_1205] : memref<10240x8xf32, #tpu.memory_space<vmem_shared>> -> memref<10240x8xf32, #tpu.memory_space<vmem_shared>>
      tpu.wait_indirect_dma semaphore(%arg11 : memref<!tpu.dma_semaphore, #tpu.memory_space<semaphore_mem>>) src(%arg8 : memref<128x8xf32, #tpu.memory_space<vmem>>) dst(%dma_wait3A_1206 : memref<10240x8xf32, #tpu.memory_space<vmem_shared>>)
    }
    %scan3A_9 = arith.constant 10 : i32
    %barrier3A_10 = arith.constant 0 : index
    tpu.barrier barrier_id(%barrier3A_10)
    "tpu.region"() ({
      %run_scoped3A = tpu.sem_alloc : memref<!tpu.dma_semaphore, #tpu.memory_space<semaphore_mem>>
      %dma_start3A = arith.constant 0 : i32
      %dma_start3A_11 = tpu.memref_slice %arg10[%mul3A_2, %dma_start3A] : memref<10240x8xf32, #tpu.memory_space<vmem_shared>> -> memref<640x8xf32, #tpu.memory_space<vmem_shared>>
      %dma_start3A_12 = arith.constant 0 : i32
      %dma_start3A_13 = tpu.memref_slice %arg10[%mul3A_2, %dma_start3A_12] : memref<10240x8xf32, #tpu.memory_space<vmem_shared>> -> memref<640x8xf32, #tpu.memory_space<vmem_shared>>
      tpu.enqueue_dma source(%dma_start3A_13 : memref<640x8xf32, #tpu.memory_space<vmem_shared>>) target(%arg9 : memref<640x8xf32, #tpu.memory_space<vmem>>) target_semaphore(%run_scoped3A : memref<!tpu.dma_semaphore, #tpu.memory_space<semaphore_mem>>)
      %dma_wait3A = arith.constant 0 : i32
      %dma_wait3A_14 = tpu.memref_slice %arg10[%mul3A_2, %dma_wait3A] : memref<10240x8xf32, #tpu.memory_space<vmem_shared>> -> memref<640x8xf32, #tpu.memory_space<vmem_shared>>
      %dma_wait3A_15 = arith.constant 0 : i32
      %dma_wait3A_16 = tpu.memref_slice %arg10[%mul3A_2, %dma_wait3A_15] : memref<10240x8xf32, #tpu.memory_space<vmem_shared>> -> memref<640x8xf32, #tpu.memory_space<vmem_shared>>
      tpu.wait_dma2 semaphore(%run_scoped3A : memref<!tpu.dma_semaphore, #tpu.memory_space<semaphore_mem>>) src(%dma_wait3A_16 : memref<640x8xf32, #tpu.memory_space<vmem_shared>>) dst(%arg9 : memref<640x8xf32, #tpu.memory_space<vmem>>)
      tpu.yield
    }) : () -> ()
    "tpu.region"() ({
      %run_scoped3A = tpu.sem_alloc : memref<!tpu.dma_semaphore, #tpu.memory_space<semaphore_mem>>
      %dma_start3A = arith.constant 0 : i32
      %dma_start3A_11 = tpu.memref_slice %arg5[%arg0, %mul3A_2, %dma_start3A] : memref<2x10240x8xf32, #tpu.memory_space<hbm>> -> memref<1x640x8xf32, #tpu.memory_space<hbm>>
      %dma_start3A_12 = tpu.memref_squeeze %dma_start3A_11 : memref<1x640x8xf32, #tpu.memory_space<hbm>> -> memref<640x8xf32, #tpu.memory_space<hbm>>
      %dma_start3A_13 = arith.constant 0 : i32
      %dma_start3A_14 = tpu.memref_slice %arg5[%arg0, %mul3A_2, %dma_start3A_13] : memref<2x10240x8xf32, #tpu.memory_space<hbm>> -> memref<1x640x8xf32, #tpu.memory_space<hbm>>
      %dma_start3A_15 = tpu.memref_squeeze %dma_start3A_14 : memref<1x640x8xf32, #tpu.memory_space<hbm>> -> memref<640x8xf32, #tpu.memory_space<hbm>>
      tpu.enqueue_dma source(%arg9 : memref<640x8xf32, #tpu.memory_space<vmem>>) target(%dma_start3A_15 : memref<640x8xf32, #tpu.memory_space<hbm>>) target_semaphore(%run_scoped3A : memref<!tpu.dma_semaphore, #tpu.memory_space<semaphore_mem>>)
      %dma_wait3A = arith.constant 0 : i32
      %dma_wait3A_16 = tpu.memref_slice %arg5[%arg0, %mul3A_2, %dma_wait3A] : memref<2x10240x8xf32, #tpu.memory_space<hbm>> -> memref<1x640x8xf32, #tpu.memory_space<hbm>>
      %dma_wait3A_17 = tpu.memref_squeeze %dma_wait3A_16 : memref<1x640x8xf32, #tpu.memory_space<hbm>> -> memref<640x8xf32, #tpu.memory_space<hbm>>
      %dma_wait3A_18 = arith.constant 0 : i32
      %dma_wait3A_19 = tpu.memref_slice %arg5[%arg0, %mul3A_2, %dma_wait3A_18] : memref<2x10240x8xf32, #tpu.memory_space<hbm>> -> memref<1x640x8xf32, #tpu.memory_space<hbm>>
      %dma_wait3A_20 = tpu.memref_squeeze %dma_wait3A_19 : memref<1x640x8xf32, #tpu.memory_space<hbm>> -> memref<640x8xf32, #tpu.memory_space<hbm>>
      tpu.wait_dma2 semaphore(%run_scoped3A : memref<!tpu.dma_semaphore, #tpu.memory_space<semaphore_mem>>) src(%arg9 : memref<640x8xf32, #tpu.memory_space<vmem>>) dst(%dma_wait3A_20 : memref<640x8xf32, #tpu.memory_space<hbm>>)
      tpu.yield
    }) : () -> ()
    return
  }
}

#map = affine_map<(d0, d1) -> (0, 0)>
#map1 = affine_map<(d0, d1) -> (0, 0, 0)>
module attributes {stable_mosaic.version = 14 : i64} {
  func.func @k(%arg0: i32, %arg1: i32, %arg2: memref<2560x128xi32, #tpu.memory_space<hbm>>, %arg3: memref<10240x64xf32, #tpu.memory_space<hbm>>, %arg4: memref<128x64xf32, #tpu.memory_space<hbm>>, %arg5: memref<2x10240x64xf32, #tpu.memory_space<hbm>>, %arg6: memref<80x128xi32, #tpu.memory_space<vmem>>, %arg7: memref<4x128xi32, #tpu.memory_space<vmem>>, %arg8: memref<4x128xi32, #tpu.memory_space<vmem>>, %arg9: memref<128x64xf32, #tpu.memory_space<vmem>>, %arg10: memref<128x64xf32, #tpu.memory_space<vmem>>, %arg11: memref<128x64xf32, #tpu.memory_space<vmem>>, %arg12: memref<128x64xf32, #tpu.memory_space<vmem>>, %arg13: memref<10240x64xf32, #tpu.memory_space<vmem_shared>>, %arg14: memref<10240x64xf32, #tpu.memory_space<vmem_shared>>, %arg15: memref<!tpu.dma_semaphore, #tpu.memory_space<semaphore_mem>>, %arg16: memref<!tpu.dma_semaphore, #tpu.memory_space<semaphore_mem>>, %arg17: memref<!tpu.dma_semaphore, #tpu.memory_space<semaphore_mem>>, %arg18: memref<!tpu.dma_semaphore, #tpu.memory_space<semaphore_mem>>, %arg19: memref<!tpu.dma_semaphore, #tpu.memory_space<semaphore_mem>>, %arg20: memref<!tpu.dma_semaphore, #tpu.memory_space<semaphore_mem>>, %arg21: memref<!tpu.dma_semaphore, #tpu.memory_space<semaphore_mem>>, %arg22: memref<!tpu.dma_semaphore, #tpu.memory_space<semaphore_mem>>) attributes {dimension_semantics = [#tpu.dimension_semantics<core_parallel>, #tpu.dimension_semantics<subcore_parallel>], iteration_bounds = array<i64: 2, 16>, scalar_prefetch = 0 : i64, scratch_operands = 17 : i64, tpu.core_type = #tpu.core_type<sc_vector_subcore>, window_params = [{transform_indices = #map}, {transform_indices = #map}, {transform_indices = #map}, {transform_indices = #map1}]} {
    %mul3A = arith.constant 2 : i32
    %mul3A_0 = arith.muli %arg1, %mul3A : i32
    %add3A = arith.addi %mul3A_0, %arg0 : i32
    %mul3A_1 = arith.constant 640 : i32
    %mul3A_2 = arith.muli %arg1, %mul3A_1 : i32
    "tpu.region"() ({
      %run_scoped3A = tpu.sem_alloc : memref<!tpu.dma_semaphore, #tpu.memory_space<semaphore_mem>>
      %dma_start3A_207 = arith.constant 0 : i32
      %dma_start3A_208 = tpu.memref_slice %arg14[%mul3A_2, %dma_start3A_207] : memref<10240x64xf32, #tpu.memory_space<vmem_shared>> -> memref<640x64xf32, #tpu.memory_space<vmem_shared>>
      %dma_start3A_209 = arith.constant 0 : i32
      %dma_start3A_210 = tpu.memref_slice %arg3[%mul3A_2, %dma_start3A_209] : memref<10240x64xf32, #tpu.memory_space<hbm>> -> memref<640x64xf32, #tpu.memory_space<hbm>>
      tpu.enqueue_dma source(%dma_start3A_210 : memref<640x64xf32, #tpu.memory_space<hbm>>) target(%dma_start3A_208 : memref<640x64xf32, #tpu.memory_space<vmem_shared>>) target_semaphore(%run_scoped3A : memref<!tpu.dma_semaphore, #tpu.memory_space<semaphore_mem>>)
      %dma_wait3A_211 = arith.constant 0 : i32
      %dma_wait3A_212 = tpu.memref_slice %arg14[%mul3A_2, %dma_wait3A_211] : memref<10240x64xf32, #tpu.memory_space<vmem_shared>> -> memref<640x64xf32, #tpu.memory_space<vmem_shared>>
      %dma_wait3A_213 = arith.constant 0 : i32
      %dma_wait3A_214 = tpu.memref_slice %arg3[%mul3A_2, %dma_wait3A_213] : memref<10240x64xf32, #tpu.memory_space<hbm>> -> memref<640x64xf32, #tpu.memory_space<hbm>>
      tpu.wait_dma2 semaphore(%run_scoped3A : memref<!tpu.dma_semaphore, #tpu.memory_space<semaphore_mem>>) src(%dma_wait3A_214 : memref<640x64xf32, #tpu.memory_space<hbm>>) dst(%dma_wait3A_212 : memref<640x64xf32, #tpu.memory_space<vmem_shared>>)
      tpu.yield
    }) : () -> ()
    "tpu.region"() ({
      %run_scoped3A = tpu.sem_alloc : memref<!tpu.dma_semaphore, #tpu.memory_space<semaphore_mem>>
      tpu.enqueue_dma source(%arg4 : memref<128x64xf32, #tpu.memory_space<hbm>>) target(%arg9 : memref<128x64xf32, #tpu.memory_space<vmem>>) target_semaphore(%run_scoped3A : memref<!tpu.dma_semaphore, #tpu.memory_space<semaphore_mem>>)
      tpu.wait_dma2 semaphore(%run_scoped3A : memref<!tpu.dma_semaphore, #tpu.memory_space<semaphore_mem>>) src(%arg4 : memref<128x64xf32, #tpu.memory_space<hbm>>) dst(%arg9 : memref<128x64xf32, #tpu.memory_space<vmem>>)
      tpu.yield
    }) : () -> ()
    %mul3A_3 = arith.constant 640 : i32
    %mul3A_4 = arith.muli %arg1, %mul3A_3 : i32
    %add3A_5 = arith.constant 0 : i32
    %add3A_6 = arith.addi %mul3A_4, %add3A_5 : i32
    "tpu.region"() ({
      %run_scoped3A = tpu.sem_alloc : memref<!tpu.dma_semaphore, #tpu.memory_space<semaphore_mem>>
      %dma_start3A_207 = arith.constant 0 : i32
      %dma_start3A_208 = arith.constant 0 : i32
      %dma_start3A_209 = tpu.memref_slice %arg9[%dma_start3A_207, %dma_start3A_208] : memref<128x64xf32, #tpu.memory_space<vmem>> -> memref<128x64xf32, #tpu.memory_space<vmem>>
      %dma_start3A_210 = arith.constant 0 : i32
      %dma_start3A_211 = tpu.memref_slice %arg13[%add3A_6, %dma_start3A_210] : memref<10240x64xf32, #tpu.memory_space<vmem_shared>> -> memref<128x64xf32, #tpu.memory_space<vmem_shared>>
      %dma_start3A_212 = arith.constant 0 : i32
      %dma_start3A_213 = tpu.memref_slice %arg13[%add3A_6, %dma_start3A_212] : memref<10240x64xf32, #tpu.memory_space<vmem_shared>> -> memref<128x64xf32, #tpu.memory_space<vmem_shared>>
      %dma_start3A_214 = arith.constant 0 : i32
      %dma_start3A_215 = arith.constant 0 : i32
      %dma_start3A_216 = tpu.memref_slice %arg9[%dma_start3A_214, %dma_start3A_215] : memref<128x64xf32, #tpu.memory_space<vmem>> -> memref<128x64xf32, #tpu.memory_space<vmem>>
      tpu.enqueue_dma source(%dma_start3A_216 : memref<128x64xf32, #tpu.memory_space<vmem>>) target(%dma_start3A_213 : memref<128x64xf32, #tpu.memory_space<vmem_shared>>) target_semaphore(%run_scoped3A : memref<!tpu.dma_semaphore, #tpu.memory_space<semaphore_mem>>)
      %dma_wait3A_217 = arith.constant 0 : i32
      %dma_wait3A_218 = arith.constant 0 : i32
      %dma_wait3A_219 = tpu.memref_slice %arg9[%dma_wait3A_217, %dma_wait3A_218] : memref<128x64xf32, #tpu.memory_space<vmem>> -> memref<128x64xf32, #tpu.memory_space<vmem>>
      %dma_wait3A_220 = arith.constant 0 : i32
      %dma_wait3A_221 = tpu.memref_slice %arg13[%add3A_6, %dma_wait3A_220] : memref<10240x64xf32, #tpu.memory_space<vmem_shared>> -> memref<128x64xf32, #tpu.memory_space<vmem_shared>>
      %dma_wait3A_222 = arith.constant 0 : i32
      %dma_wait3A_223 = tpu.memref_slice %arg13[%add3A_6, %dma_wait3A_222] : memref<10240x64xf32, #tpu.memory_space<vmem_shared>> -> memref<128x64xf32, #tpu.memory_space<vmem_shared>>
      %dma_wait3A_224 = arith.constant 0 : i32
      %dma_wait3A_225 = arith.constant 0 : i32
      %dma_wait3A_226 = tpu.memref_slice %arg9[%dma_wait3A_224, %dma_wait3A_225] : memref<128x64xf32, #tpu.memory_space<vmem>> -> memref<128x64xf32, #tpu.memory_space<vmem>>
      tpu.wait_dma2 semaphore(%run_scoped3A : memref<!tpu.dma_semaphore, #tpu.memory_space<semaphore_mem>>) src(%dma_wait3A_226 : memref<128x64xf32, #tpu.memory_space<vmem>>) dst(%dma_wait3A_223 : memref<128x64xf32, #tpu.memory_space<vmem_shared>>)
      tpu.yield
    }) : () -> ()
    %mul3A_7 = arith.constant 640 : i32
    %mul3A_8 = arith.muli %arg1, %mul3A_7 : i32
    %add3A_9 = arith.constant 128 : i32
    %add3A_10 = arith.addi %mul3A_8, %add3A_9 : i32
    "tpu.region"() ({
      %run_scoped3A = tpu.sem_alloc : memref<!tpu.dma_semaphore, #tpu.memory_space<semaphore_mem>>
      %dma_start3A_207 = arith.constant 0 : i32
      %dma_start3A_208 = arith.constant 0 : i32
      %dma_start3A_209 = tpu.memref_slice %arg9[%dma_start3A_207, %dma_start3A_208] : memref<128x64xf32, #tpu.memory_space<vmem>> -> memref<128x64xf32, #tpu.memory_space<vmem>>
      %dma_start3A_210 = arith.constant 0 : i32
      %dma_start3A_211 = tpu.memref_slice %arg13[%add3A_10, %dma_start3A_210] : memref<10240x64xf32, #tpu.memory_space<vmem_shared>> -> memref<128x64xf32, #tpu.memory_space<vmem_shared>>
      %dma_start3A_212 = arith.constant 0 : i32
      %dma_start3A_213 = tpu.memref_slice %arg13[%add3A_10, %dma_start3A_212] : memref<10240x64xf32, #tpu.memory_space<vmem_shared>> -> memref<128x64xf32, #tpu.memory_space<vmem_shared>>
      %dma_start3A_214 = arith.constant 0 : i32
      %dma_start3A_215 = arith.constant 0 : i32
      %dma_start3A_216 = tpu.memref_slice %arg9[%dma_start3A_214, %dma_start3A_215] : memref<128x64xf32, #tpu.memory_space<vmem>> -> memref<128x64xf32, #tpu.memory_space<vmem>>
      tpu.enqueue_dma source(%dma_start3A_216 : memref<128x64xf32, #tpu.memory_space<vmem>>) target(%dma_start3A_213 : memref<128x64xf32, #tpu.memory_space<vmem_shared>>) target_semaphore(%run_scoped3A : memref<!tpu.dma_semaphore, #tpu.memory_space<semaphore_mem>>)
      %dma_wait3A_217 = arith.constant 0 : i32
      %dma_wait3A_218 = arith.constant 0 : i32
      %dma_wait3A_219 = tpu.memref_slice %arg9[%dma_wait3A_217, %dma_wait3A_218] : memref<128x64xf32, #tpu.memory_space<vmem>> -> memref<128x64xf32, #tpu.memory_space<vmem>>
      %dma_wait3A_220 = arith.constant 0 : i32
      %dma_wait3A_221 = tpu.memref_slice %arg13[%add3A_10, %dma_wait3A_220] : memref<10240x64xf32, #tpu.memory_space<vmem_shared>> -> memref<128x64xf32, #tpu.memory_space<vmem_shared>>
      %dma_wait3A_222 = arith.constant 0 : i32
      %dma_wait3A_223 = tpu.memref_slice %arg13[%add3A_10, %dma_wait3A_222] : memref<10240x64xf32, #tpu.memory_space<vmem_shared>> -> memref<128x64xf32, #tpu.memory_space<vmem_shared>>
      %dma_wait3A_224 = arith.constant 0 : i32
      %dma_wait3A_225 = arith.constant 0 : i32
      %dma_wait3A_226 = tpu.memref_slice %arg9[%dma_wait3A_224, %dma_wait3A_225] : memref<128x64xf32, #tpu.memory_space<vmem>> -> memref<128x64xf32, #tpu.memory_space<vmem>>
      tpu.wait_dma2 semaphore(%run_scoped3A : memref<!tpu.dma_semaphore, #tpu.memory_space<semaphore_mem>>) src(%dma_wait3A_226 : memref<128x64xf32, #tpu.memory_space<vmem>>) dst(%dma_wait3A_223 : memref<128x64xf32, #tpu.memory_space<vmem_shared>>)
      tpu.yield
    }) : () -> ()
    %mul3A_11 = arith.constant 640 : i32
    %mul3A_12 = arith.muli %arg1, %mul3A_11 : i32
    %add3A_13 = arith.constant 256 : i32
    %add3A_14 = arith.addi %mul3A_12, %add3A_13 : i32
    "tpu.region"() ({
      %run_scoped3A = tpu.sem_alloc : memref<!tpu.dma_semaphore, #tpu.memory_space<semaphore_mem>>
      %dma_start3A_207 = arith.constant 0 : i32
      %dma_start3A_208 = arith.constant 0 : i32
      %dma_start3A_209 = tpu.memref_slice %arg9[%dma_start3A_207, %dma_start3A_208] : memref<128x64xf32, #tpu.memory_space<vmem>> -> memref<128x64xf32, #tpu.memory_space<vmem>>
      %dma_start3A_210 = arith.constant 0 : i32
      %dma_start3A_211 = tpu.memref_slice %arg13[%add3A_14, %dma_start3A_210] : memref<10240x64xf32, #tpu.memory_space<vmem_shared>> -> memref<128x64xf32, #tpu.memory_space<vmem_shared>>
      %dma_start3A_212 = arith.constant 0 : i32
      %dma_start3A_213 = tpu.memref_slice %arg13[%add3A_14, %dma_start3A_212] : memref<10240x64xf32, #tpu.memory_space<vmem_shared>> -> memref<128x64xf32, #tpu.memory_space<vmem_shared>>
      %dma_start3A_214 = arith.constant 0 : i32
      %dma_start3A_215 = arith.constant 0 : i32
      %dma_start3A_216 = tpu.memref_slice %arg9[%dma_start3A_214, %dma_start3A_215] : memref<128x64xf32, #tpu.memory_space<vmem>> -> memref<128x64xf32, #tpu.memory_space<vmem>>
      tpu.enqueue_dma source(%dma_start3A_216 : memref<128x64xf32, #tpu.memory_space<vmem>>) target(%dma_start3A_213 : memref<128x64xf32, #tpu.memory_space<vmem_shared>>) target_semaphore(%run_scoped3A : memref<!tpu.dma_semaphore, #tpu.memory_space<semaphore_mem>>)
      %dma_wait3A_217 = arith.constant 0 : i32
      %dma_wait3A_218 = arith.constant 0 : i32
      %dma_wait3A_219 = tpu.memref_slice %arg9[%dma_wait3A_217, %dma_wait3A_218] : memref<128x64xf32, #tpu.memory_space<vmem>> -> memref<128x64xf32, #tpu.memory_space<vmem>>
      %dma_wait3A_220 = arith.constant 0 : i32
      %dma_wait3A_221 = tpu.memref_slice %arg13[%add3A_14, %dma_wait3A_220] : memref<10240x64xf32, #tpu.memory_space<vmem_shared>> -> memref<128x64xf32, #tpu.memory_space<vmem_shared>>
      %dma_wait3A_222 = arith.constant 0 : i32
      %dma_wait3A_223 = tpu.memref_slice %arg13[%add3A_14, %dma_wait3A_222] : memref<10240x64xf32, #tpu.memory_space<vmem_shared>> -> memref<128x64xf32, #tpu.memory_space<vmem_shared>>
      %dma_wait3A_224 = arith.constant 0 : i32
      %dma_wait3A_225 = arith.constant 0 : i32
      %dma_wait3A_226 = tpu.memref_slice %arg9[%dma_wait3A_224, %dma_wait3A_225] : memref<128x64xf32, #tpu.memory_space<vmem>> -> memref<128x64xf32, #tpu.memory_space<vmem>>
      tpu.wait_dma2 semaphore(%run_scoped3A : memref<!tpu.dma_semaphore, #tpu.memory_space<semaphore_mem>>) src(%dma_wait3A_226 : memref<128x64xf32, #tpu.memory_space<vmem>>) dst(%dma_wait3A_223 : memref<128x64xf32, #tpu.memory_space<vmem_shared>>)
      tpu.yield
    }) : () -> ()
    %mul3A_15 = arith.constant 640 : i32
    %mul3A_16 = arith.muli %arg1, %mul3A_15 : i32
    %add3A_17 = arith.constant 384 : i32
    %add3A_18 = arith.addi %mul3A_16, %add3A_17 : i32
    "tpu.region"() ({
      %run_scoped3A = tpu.sem_alloc : memref<!tpu.dma_semaphore, #tpu.memory_space<semaphore_mem>>
      %dma_start3A_207 = arith.constant 0 : i32
      %dma_start3A_208 = arith.constant 0 : i32
      %dma_start3A_209 = tpu.memref_slice %arg9[%dma_start3A_207, %dma_start3A_208] : memref<128x64xf32, #tpu.memory_space<vmem>> -> memref<128x64xf32, #tpu.memory_space<vmem>>
      %dma_start3A_210 = arith.constant 0 : i32
      %dma_start3A_211 = tpu.memref_slice %arg13[%add3A_18, %dma_start3A_210] : memref<10240x64xf32, #tpu.memory_space<vmem_shared>> -> memref<128x64xf32, #tpu.memory_space<vmem_shared>>
      %dma_start3A_212 = arith.constant 0 : i32
      %dma_start3A_213 = tpu.memref_slice %arg13[%add3A_18, %dma_start3A_212] : memref<10240x64xf32, #tpu.memory_space<vmem_shared>> -> memref<128x64xf32, #tpu.memory_space<vmem_shared>>
      %dma_start3A_214 = arith.constant 0 : i32
      %dma_start3A_215 = arith.constant 0 : i32
      %dma_start3A_216 = tpu.memref_slice %arg9[%dma_start3A_214, %dma_start3A_215] : memref<128x64xf32, #tpu.memory_space<vmem>> -> memref<128x64xf32, #tpu.memory_space<vmem>>
      tpu.enqueue_dma source(%dma_start3A_216 : memref<128x64xf32, #tpu.memory_space<vmem>>) target(%dma_start3A_213 : memref<128x64xf32, #tpu.memory_space<vmem_shared>>) target_semaphore(%run_scoped3A : memref<!tpu.dma_semaphore, #tpu.memory_space<semaphore_mem>>)
      %dma_wait3A_217 = arith.constant 0 : i32
      %dma_wait3A_218 = arith.constant 0 : i32
      %dma_wait3A_219 = tpu.memref_slice %arg9[%dma_wait3A_217, %dma_wait3A_218] : memref<128x64xf32, #tpu.memory_space<vmem>> -> memref<128x64xf32, #tpu.memory_space<vmem>>
      %dma_wait3A_220 = arith.constant 0 : i32
      %dma_wait3A_221 = tpu.memref_slice %arg13[%add3A_18, %dma_wait3A_220] : memref<10240x64xf32, #tpu.memory_space<vmem_shared>> -> memref<128x64xf32, #tpu.memory_space<vmem_shared>>
      %dma_wait3A_222 = arith.constant 0 : i32
      %dma_wait3A_223 = tpu.memref_slice %arg13[%add3A_18, %dma_wait3A_222] : memref<10240x64xf32, #tpu.memory_space<vmem_shared>> -> memref<128x64xf32, #tpu.memory_space<vmem_shared>>
      %dma_wait3A_224 = arith.constant 0 : i32
      %dma_wait3A_225 = arith.constant 0 : i32
      %dma_wait3A_226 = tpu.memref_slice %arg9[%dma_wait3A_224, %dma_wait3A_225] : memref<128x64xf32, #tpu.memory_space<vmem>> -> memref<128x64xf32, #tpu.memory_space<vmem>>
      tpu.wait_dma2 semaphore(%run_scoped3A : memref<!tpu.dma_semaphore, #tpu.memory_space<semaphore_mem>>) src(%dma_wait3A_226 : memref<128x64xf32, #tpu.memory_space<vmem>>) dst(%dma_wait3A_223 : memref<128x64xf32, #tpu.memory_space<vmem_shared>>)
      tpu.yield
    }) : () -> ()
    %mul3A_19 = arith.constant 640 : i32
    %mul3A_20 = arith.muli %arg1, %mul3A_19 : i32
    %add3A_21 = arith.constant 512 : i32
    %add3A_22 = arith.addi %mul3A_20, %add3A_21 : i32
    "tpu.region"() ({
      %run_scoped3A = tpu.sem_alloc : memref<!tpu.dma_semaphore, #tpu.memory_space<semaphore_mem>>
      %dma_start3A_207 = arith.constant 0 : i32
      %dma_start3A_208 = arith.constant 0 : i32
      %dma_start3A_209 = tpu.memref_slice %arg9[%dma_start3A_207, %dma_start3A_208] : memref<128x64xf32, #tpu.memory_space<vmem>> -> memref<128x64xf32, #tpu.memory_space<vmem>>
      %dma_start3A_210 = arith.constant 0 : i32
      %dma_start3A_211 = tpu.memref_slice %arg13[%add3A_22, %dma_start3A_210] : memref<10240x64xf32, #tpu.memory_space<vmem_shared>> -> memref<128x64xf32, #tpu.memory_space<vmem_shared>>
      %dma_start3A_212 = arith.constant 0 : i32
      %dma_start3A_213 = tpu.memref_slice %arg13[%add3A_22, %dma_start3A_212] : memref<10240x64xf32, #tpu.memory_space<vmem_shared>> -> memref<128x64xf32, #tpu.memory_space<vmem_shared>>
      %dma_start3A_214 = arith.constant 0 : i32
      %dma_start3A_215 = arith.constant 0 : i32
      %dma_start3A_216 = tpu.memref_slice %arg9[%dma_start3A_214, %dma_start3A_215] : memref<128x64xf32, #tpu.memory_space<vmem>> -> memref<128x64xf32, #tpu.memory_space<vmem>>
      tpu.enqueue_dma source(%dma_start3A_216 : memref<128x64xf32, #tpu.memory_space<vmem>>) target(%dma_start3A_213 : memref<128x64xf32, #tpu.memory_space<vmem_shared>>) target_semaphore(%run_scoped3A : memref<!tpu.dma_semaphore, #tpu.memory_space<semaphore_mem>>)
      %dma_wait3A_217 = arith.constant 0 : i32
      %dma_wait3A_218 = arith.constant 0 : i32
      %dma_wait3A_219 = tpu.memref_slice %arg9[%dma_wait3A_217, %dma_wait3A_218] : memref<128x64xf32, #tpu.memory_space<vmem>> -> memref<128x64xf32, #tpu.memory_space<vmem>>
      %dma_wait3A_220 = arith.constant 0 : i32
      %dma_wait3A_221 = tpu.memref_slice %arg13[%add3A_22, %dma_wait3A_220] : memref<10240x64xf32, #tpu.memory_space<vmem_shared>> -> memref<128x64xf32, #tpu.memory_space<vmem_shared>>
      %dma_wait3A_222 = arith.constant 0 : i32
      %dma_wait3A_223 = tpu.memref_slice %arg13[%add3A_22, %dma_wait3A_222] : memref<10240x64xf32, #tpu.memory_space<vmem_shared>> -> memref<128x64xf32, #tpu.memory_space<vmem_shared>>
      %dma_wait3A_224 = arith.constant 0 : i32
      %dma_wait3A_225 = arith.constant 0 : i32
      %dma_wait3A_226 = tpu.memref_slice %arg9[%dma_wait3A_224, %dma_wait3A_225] : memref<128x64xf32, #tpu.memory_space<vmem>> -> memref<128x64xf32, #tpu.memory_space<vmem>>
      tpu.wait_dma2 semaphore(%run_scoped3A : memref<!tpu.dma_semaphore, #tpu.memory_space<semaphore_mem>>) src(%dma_wait3A_226 : memref<128x64xf32, #tpu.memory_space<vmem>>) dst(%dma_wait3A_223 : memref<128x64xf32, #tpu.memory_space<vmem_shared>>)
      tpu.yield
    }) : () -> ()
    %mul3A_23 = arith.constant 80 : i32
    %mul3A_24 = arith.muli %add3A, %mul3A_23 : i32
    "tpu.region"() ({
      %run_scoped3A = tpu.sem_alloc : memref<!tpu.dma_semaphore, #tpu.memory_space<semaphore_mem>>
      %dma_start3A_207 = arith.constant 0 : i32
      %dma_start3A_208 = tpu.memref_slice %arg2[%mul3A_24, %dma_start3A_207] : memref<2560x128xi32, #tpu.memory_space<hbm>> -> memref<80x128xi32, #tpu.memory_space<hbm>>
      %dma_start3A_209 = arith.constant 0 : i32
      %dma_start3A_210 = tpu.memref_slice %arg2[%mul3A_24, %dma_start3A_209] : memref<2560x128xi32, #tpu.memory_space<hbm>> -> memref<80x128xi32, #tpu.memory_space<hbm>>
      tpu.enqueue_dma source(%dma_start3A_210 : memref<80x128xi32, #tpu.memory_space<hbm>>) target(%arg6 : memref<80x128xi32, #tpu.memory_space<vmem>>) target_semaphore(%run_scoped3A : memref<!tpu.dma_semaphore, #tpu.memory_space<semaphore_mem>>)
      %dma_wait3A_211 = arith.constant 0 : i32
      %dma_wait3A_212 = tpu.memref_slice %arg2[%mul3A_24, %dma_wait3A_211] : memref<2560x128xi32, #tpu.memory_space<hbm>> -> memref<80x128xi32, #tpu.memory_space<hbm>>
      %dma_wait3A_213 = arith.constant 0 : i32
      %dma_wait3A_214 = tpu.memref_slice %arg2[%mul3A_24, %dma_wait3A_213] : memref<2560x128xi32, #tpu.memory_space<hbm>> -> memref<80x128xi32, #tpu.memory_space<hbm>>
      tpu.wait_dma2 semaphore(%run_scoped3A : memref<!tpu.dma_semaphore, #tpu.memory_space<semaphore_mem>>) src(%dma_wait3A_214 : memref<80x128xi32, #tpu.memory_space<hbm>>) dst(%arg6 : memref<80x128xi32, #tpu.memory_space<vmem>>)
      tpu.yield
    }) : () -> ()
    %barrier3A = arith.constant 0 : index
    tpu.barrier barrier_id(%barrier3A)
    %scan3A = arith.constant 0 : i32
    %scan3A_25 = arith.constant 0 : i32
    %scan3A_26 = arith.constant 20 : i32
    %scan3A_27 = arith.addi %scan3A_25, %scan3A_26 : i32
    %scan3A_28 = arith.constant 1 : i32
    scf.for %scan3A_207 = %scan3A_25 to %scan3A_27 step %scan3A_28  : i32 {
      %gt3A = arith.constant 0 : i32
      %gt3A_208 = arith.cmpi sgt, %scan3A_207, %gt3A : i32
      %convert_element_type3A = arith.extui %gt3A_208 : i1 to i32
      %cond3A = arith.constant 0 : i32
      %cond3A_209 = arith.cmpi ne, %convert_element_type3A, %cond3A : i32
      scf.if %cond3A_209 {
        %dma_wait3A_1025 = arith.constant 0 : i32
        %dma_wait3A_1026 = arith.constant 0 : i32
        %dma_wait3A_1027 = tpu.memref_slice %arg8[%dma_wait3A_1025, %dma_wait3A_1026] : memref<4x128xi32, #tpu.memory_space<vmem>> -> memref<1x128xi32, #tpu.memory_space<vmem>>
        %dma_wait3A_1028 = tpu.memref_squeeze %dma_wait3A_1027 : memref<1x128xi32, #tpu.memory_space<vmem>> -> memref<128xi32, #tpu.memory_space<vmem>>
        %dma_wait3A_1029 = arith.constant 0 : i32
        %dma_wait3A_1030 = arith.constant 0 : i32
        %dma_wait3A_1031 = tpu.memref_slice %arg13[%dma_wait3A_1029, %dma_wait3A_1030] : memref<10240x64xf32, #tpu.memory_space<vmem_shared>> -> memref<10240x64xf32, #tpu.memory_space<vmem_shared>>
        tpu.wait_indirect_dma semaphore(%arg19 : memref<!tpu.dma_semaphore, #tpu.memory_space<semaphore_mem>>) src(%arg9 : memref<128x64xf32, #tpu.memory_space<vmem>>) dst(%dma_wait3A_1031 : memref<10240x64xf32, #tpu.memory_space<vmem_shared>>)
      } else {
      }
      %mul3A_210 = arith.constant 4 : i32
      %mul3A_211 = arith.muli %scan3A_207, %mul3A_210 : i32
      %add3A_212 = arith.constant 0 : i32
      %add3A_213 = arith.addi %mul3A_211, %add3A_212 : i32
      %get3A = arith.index_cast %add3A_213 : i32 to index
      %get3A_214 = arith.constant 0 : index
      %get3A_215 = tpu.vector_load %arg6[%get3A, %get3A_214] {strides = array<i32>} : memref<80x128xi32, #tpu.memory_space<vmem>>, vector<1x16xi32>,
      %get3A_216 = vector.shape_cast %get3A_215 : vector<1x16xi32> to vector<16xi32>
      %and3A = arith.constant 65535 : i32
      %and3A_217 = vector.broadcast %and3A : i32 to vector<16xi32>
      %and3A_218 = arith.andi %get3A_216, %and3A_217 : vector<16xi32>
      %shift_right_arithmetic3A = arith.constant 16 : i32
      %shift_right_arithmetic3A_219 = vector.broadcast %shift_right_arithmetic3A : i32 to vector<16xi32>
      %shift_right_arithmetic3A_220 = arith.shrsi %get3A_216, %shift_right_arithmetic3A_219 : vector<16xi32>
      %swap3A = arith.constant 0 : i32
      %swap3A_221 = arith.index_cast %swap3A : i32 to index
      %swap3A_222 = arith.constant 0 : index
      %swap3A_223 = tpu.vector_load %arg7[%swap3A_221, %swap3A_222] {strides = array<i32>} : memref<4x128xi32, #tpu.memory_space<vmem>>, vector<1x16xi32>,
      %swap3A_224 = vector.shape_cast %swap3A_223 : vector<1x16xi32> to vector<16xi32>
      %swap3A_225 = vector.shape_cast %and3A_218 : vector<16xi32> to vector<1x16xi32>
      tpu.vector_store %arg7[%swap3A_221, %swap3A_222], %swap3A_225 {strides = array<i32>} : memref<4x128xi32, #tpu.memory_space<vmem>>, vector<1x16xi32>,
      %swap3A_226 = arith.constant 0 : i32
      %swap3A_227 = arith.index_cast %swap3A_226 : i32 to index
      %swap3A_228 = arith.constant 0 : index
      %swap3A_229 = tpu.vector_load %arg8[%swap3A_227, %swap3A_228] {strides = array<i32>} : memref<4x128xi32, #tpu.memory_space<vmem>>, vector<1x16xi32>,
      %swap3A_230 = vector.shape_cast %swap3A_229 : vector<1x16xi32> to vector<16xi32>
      %swap3A_231 = vector.shape_cast %shift_right_arithmetic3A_220 : vector<16xi32> to vector<1x16xi32>
      tpu.vector_store %arg8[%swap3A_227, %swap3A_228], %swap3A_231 {strides = array<i32>} : memref<4x128xi32, #tpu.memory_space<vmem>>, vector<1x16xi32>,
      %get3A_232 = arith.index_cast %add3A_213 : i32 to index
      %get3A_233 = arith.constant 16 : index
      %get3A_234 = tpu.vector_load %arg6[%get3A_232, %get3A_233] {strides = array<i32>} : memref<80x128xi32, #tpu.memory_space<vmem>>, vector<1x16xi32>,
      %get3A_235 = vector.shape_cast %get3A_234 : vector<1x16xi32> to vector<16xi32>
      %and3A_236 = arith.constant 65535 : i32
      %and3A_237 = vector.broadcast %and3A_236 : i32 to vector<16xi32>
      %and3A_238 = arith.andi %get3A_235, %and3A_237 : vector<16xi32>
      %shift_right_arithmetic3A_239 = arith.constant 16 : i32
      %shift_right_arithmetic3A_240 = vector.broadcast %shift_right_arithmetic3A_239 : i32 to vector<16xi32>
      %shift_right_arithmetic3A_241 = arith.shrsi %get3A_235, %shift_right_arithmetic3A_240 : vector<16xi32>
      %swap3A_242 = arith.constant 0 : i32
      %swap3A_243 = arith.index_cast %swap3A_242 : i32 to index
      %swap3A_244 = arith.constant 16 : index
      %swap3A_245 = tpu.vector_load %arg7[%swap3A_243, %swap3A_244] {strides = array<i32>} : memref<4x128xi32, #tpu.memory_space<vmem>>, vector<1x16xi32>,
      %swap3A_246 = vector.shape_cast %swap3A_245 : vector<1x16xi32> to vector<16xi32>
      %swap3A_247 = vector.shape_cast %and3A_238 : vector<16xi32> to vector<1x16xi32>
      tpu.vector_store %arg7[%swap3A_243, %swap3A_244], %swap3A_247 {strides = array<i32>} : memref<4x128xi32, #tpu.memory_space<vmem>>, vector<1x16xi32>,
      %swap3A_248 = arith.constant 0 : i32
      %swap3A_249 = arith.index_cast %swap3A_248 : i32 to index
      %swap3A_250 = arith.constant 16 : index
      %swap3A_251 = tpu.vector_load %arg8[%swap3A_249, %swap3A_250] {strides = array<i32>} : memref<4x128xi32, #tpu.memory_space<vmem>>, vector<1x16xi32>,
      %swap3A_252 = vector.shape_cast %swap3A_251 : vector<1x16xi32> to vector<16xi32>
      %swap3A_253 = vector.shape_cast %shift_right_arithmetic3A_241 : vector<16xi32> to vector<1x16xi32>
      tpu.vector_store %arg8[%swap3A_249, %swap3A_250], %swap3A_253 {strides = array<i32>} : memref<4x128xi32, #tpu.memory_space<vmem>>, vector<1x16xi32>,
      %get3A_254 = arith.index_cast %add3A_213 : i32 to index
      %get3A_255 = arith.constant 32 : index
      %get3A_256 = tpu.vector_load %arg6[%get3A_254, %get3A_255] {strides = array<i32>} : memref<80x128xi32, #tpu.memory_space<vmem>>, vector<1x16xi32>,
      %get3A_257 = vector.shape_cast %get3A_256 : vector<1x16xi32> to vector<16xi32>
      %and3A_258 = arith.constant 65535 : i32
      %and3A_259 = vector.broadcast %and3A_258 : i32 to vector<16xi32>
      %and3A_260 = arith.andi %get3A_257, %and3A_259 : vector<16xi32>
      %shift_right_arithmetic3A_261 = arith.constant 16 : i32
      %shift_right_arithmetic3A_262 = vector.broadcast %shift_right_arithmetic3A_261 : i32 to vector<16xi32>
      %shift_right_arithmetic3A_263 = arith.shrsi %get3A_257, %shift_right_arithmetic3A_262 : vector<16xi32>
      %swap3A_264 = arith.constant 0 : i32
      %swap3A_265 = arith.index_cast %swap3A_264 : i32 to index
      %swap3A_266 = arith.constant 32 : index
      %swap3A_267 = tpu.vector_load %arg7[%swap3A_265, %swap3A_266] {strides = array<i32>} : memref<4x128xi32, #tpu.memory_space<vmem>>, vector<1x16xi32>,
      %swap3A_268 = vector.shape_cast %swap3A_267 : vector<1x16xi32> to vector<16xi32>
      %swap3A_269 = vector.shape_cast %and3A_260 : vector<16xi32> to vector<1x16xi32>
      tpu.vector_store %arg7[%swap3A_265, %swap3A_266], %swap3A_269 {strides = array<i32>} : memref<4x128xi32, #tpu.memory_space<vmem>>, vector<1x16xi32>,
      %swap3A_270 = arith.constant 0 : i32
      %swap3A_271 = arith.index_cast %swap3A_270 : i32 to index
      %swap3A_272 = arith.constant 32 : index
      %swap3A_273 = tpu.vector_load %arg8[%swap3A_271, %swap3A_272] {strides = array<i32>} : memref<4x128xi32, #tpu.memory_space<vmem>>, vector<1x16xi32>,
      %swap3A_274 = vector.shape_cast %swap3A_273 : vector<1x16xi32> to vector<16xi32>
      %swap3A_275 = vector.shape_cast %shift_right_arithmetic3A_263 : vector<16xi32> to vector<1x16xi32>
      tpu.vector_store %arg8[%swap3A_271, %swap3A_272], %swap3A_275 {strides = array<i32>} : memref<4x128xi32, #tpu.memory_space<vmem>>, vector<1x16xi32>,
      %get3A_276 = arith.index_cast %add3A_213 : i32 to index
      %get3A_277 = arith.constant 48 : index
      %get3A_278 = tpu.vector_load %arg6[%get3A_276, %get3A_277] {strides = array<i32>} : memref<80x128xi32, #tpu.memory_space<vmem>>, vector<1x16xi32>,
      %get3A_279 = vector.shape_cast %get3A_278 : vector<1x16xi32> to vector<16xi32>
      %and3A_280 = arith.constant 65535 : i32
      %and3A_281 = vector.broadcast %and3A_280 : i32 to vector<16xi32>
      %and3A_282 = arith.andi %get3A_279, %and3A_281 : vector<16xi32>
      %shift_right_arithmetic3A_283 = arith.constant 16 : i32
      %shift_right_arithmetic3A_284 = vector.broadcast %shift_right_arithmetic3A_283 : i32 to vector<16xi32>
      %shift_right_arithmetic3A_285 = arith.shrsi %get3A_279, %shift_right_arithmetic3A_284 : vector<16xi32>
      %swap3A_286 = arith.constant 0 : i32
      %swap3A_287 = arith.index_cast %swap3A_286 : i32 to index
      %swap3A_288 = arith.constant 48 : index
      %swap3A_289 = tpu.vector_load %arg7[%swap3A_287, %swap3A_288] {strides = array<i32>} : memref<4x128xi32, #tpu.memory_space<vmem>>, vector<1x16xi32>,
      %swap3A_290 = vector.shape_cast %swap3A_289 : vector<1x16xi32> to vector<16xi32>
      %swap3A_291 = vector.shape_cast %and3A_282 : vector<16xi32> to vector<1x16xi32>
      tpu.vector_store %arg7[%swap3A_287, %swap3A_288], %swap3A_291 {strides = array<i32>} : memref<4x128xi32, #tpu.memory_space<vmem>>, vector<1x16xi32>,
      %swap3A_292 = arith.constant 0 : i32
      %swap3A_293 = arith.index_cast %swap3A_292 : i32 to index
      %swap3A_294 = arith.constant 48 : index
      %swap3A_295 = tpu.vector_load %arg8[%swap3A_293, %swap3A_294] {strides = array<i32>} : memref<4x128xi32, #tpu.memory_space<vmem>>, vector<1x16xi32>,
      %swap3A_296 = vector.shape_cast %swap3A_295 : vector<1x16xi32> to vector<16xi32>
      %swap3A_297 = vector.shape_cast %shift_right_arithmetic3A_285 : vector<16xi32> to vector<1x16xi32>
      tpu.vector_store %arg8[%swap3A_293, %swap3A_294], %swap3A_297 {strides = array<i32>} : memref<4x128xi32, #tpu.memory_space<vmem>>, vector<1x16xi32>,
      %get3A_298 = arith.index_cast %add3A_213 : i32 to index
      %get3A_299 = arith.constant 64 : index
      %get3A_300 = tpu.vector_load %arg6[%get3A_298, %get3A_299] {strides = array<i32>} : memref<80x128xi32, #tpu.memory_space<vmem>>, vector<1x16xi32>,
      %get3A_301 = vector.shape_cast %get3A_300 : vector<1x16xi32> to vector<16xi32>
      %and3A_302 = arith.constant 65535 : i32
      %and3A_303 = vector.broadcast %and3A_302 : i32 to vector<16xi32>
      %and3A_304 = arith.andi %get3A_301, %and3A_303 : vector<16xi32>
      %shift_right_arithmetic3A_305 = arith.constant 16 : i32
      %shift_right_arithmetic3A_306 = vector.broadcast %shift_right_arithmetic3A_305 : i32 to vector<16xi32>
      %shift_right_arithmetic3A_307 = arith.shrsi %get3A_301, %shift_right_arithmetic3A_306 : vector<16xi32>
      %swap3A_308 = arith.constant 0 : i32
      %swap3A_309 = arith.index_cast %swap3A_308 : i32 to index
      %swap3A_310 = arith.constant 64 : index
      %swap3A_311 = tpu.vector_load %arg7[%swap3A_309, %swap3A_310] {strides = array<i32>} : memref<4x128xi32, #tpu.memory_space<vmem>>, vector<1x16xi32>,
      %swap3A_312 = vector.shape_cast %swap3A_311 : vector<1x16xi32> to vector<16xi32>
      %swap3A_313 = vector.shape_cast %and3A_304 : vector<16xi32> to vector<1x16xi32>
      tpu.vector_store %arg7[%swap3A_309, %swap3A_310], %swap3A_313 {strides = array<i32>} : memref<4x128xi32, #tpu.memory_space<vmem>>, vector<1x16xi32>,
      %swap3A_314 = arith.constant 0 : i32
      %swap3A_315 = arith.index_cast %swap3A_314 : i32 to index
      %swap3A_316 = arith.constant 64 : index
      %swap3A_317 = tpu.vector_load %arg8[%swap3A_315, %swap3A_316] {strides = array<i32>} : memref<4x128xi32, #tpu.memory_space<vmem>>, vector<1x16xi32>,
      %swap3A_318 = vector.shape_cast %swap3A_317 : vector<1x16xi32> to vector<16xi32>
      %swap3A_319 = vector.shape_cast %shift_right_arithmetic3A_307 : vector<16xi32> to vector<1x16xi32>
      tpu.vector_store %arg8[%swap3A_315, %swap3A_316], %swap3A_319 {strides = array<i32>} : memref<4x128xi32, #tpu.memory_space<vmem>>, vector<1x16xi32>,
      %get3A_320 = arith.index_cast %add3A_213 : i32 to index
      %get3A_321 = arith.constant 80 : index
      %get3A_322 = tpu.vector_load %arg6[%get3A_320, %get3A_321] {strides = array<i32>} : memref<80x128xi32, #tpu.memory_space<vmem>>, vector<1x16xi32>,
      %get3A_323 = vector.shape_cast %get3A_322 : vector<1x16xi32> to vector<16xi32>
      %and3A_324 = arith.constant 65535 : i32
      %and3A_325 = vector.broadcast %and3A_324 : i32 to vector<16xi32>
      %and3A_326 = arith.andi %get3A_323, %and3A_325 : vector<16xi32>
      %shift_right_arithmetic3A_327 = arith.constant 16 : i32
      %shift_right_arithmetic3A_328 = vector.broadcast %shift_right_arithmetic3A_327 : i32 to vector<16xi32>
      %shift_right_arithmetic3A_329 = arith.shrsi %get3A_323, %shift_right_arithmetic3A_328 : vector<16xi32>
      %swap3A_330 = arith.constant 0 : i32
      %swap3A_331 = arith.index_cast %swap3A_330 : i32 to index
      %swap3A_332 = arith.constant 80 : index
      %swap3A_333 = tpu.vector_load %arg7[%swap3A_331, %swap3A_332] {strides = array<i32>} : memref<4x128xi32, #tpu.memory_space<vmem>>, vector<1x16xi32>,
      %swap3A_334 = vector.shape_cast %swap3A_333 : vector<1x16xi32> to vector<16xi32>
      %swap3A_335 = vector.shape_cast %and3A_326 : vector<16xi32> to vector<1x16xi32>
      tpu.vector_store %arg7[%swap3A_331, %swap3A_332], %swap3A_335 {strides = array<i32>} : memref<4x128xi32, #tpu.memory_space<vmem>>, vector<1x16xi32>,
      %swap3A_336 = arith.constant 0 : i32
      %swap3A_337 = arith.index_cast %swap3A_336 : i32 to index
      %swap3A_338 = arith.constant 80 : index
      %swap3A_339 = tpu.vector_load %arg8[%swap3A_337, %swap3A_338] {strides = array<i32>} : memref<4x128xi32, #tpu.memory_space<vmem>>, vector<1x16xi32>,
      %swap3A_340 = vector.shape_cast %swap3A_339 : vector<1x16xi32> to vector<16xi32>
      %swap3A_341 = vector.shape_cast %shift_right_arithmetic3A_329 : vector<16xi32> to vector<1x16xi32>
      tpu.vector_store %arg8[%swap3A_337, %swap3A_338], %swap3A_341 {strides = array<i32>} : memref<4x128xi32, #tpu.memory_space<vmem>>, vector<1x16xi32>,
      %get3A_342 = arith.index_cast %add3A_213 : i32 to index
      %get3A_343 = arith.constant 96 : index
      %get3A_344 = tpu.vector_load %arg6[%get3A_342, %get3A_343] {strides = array<i32>} : memref<80x128xi32, #tpu.memory_space<vmem>>, vector<1x16xi32>,
      %get3A_345 = vector.shape_cast %get3A_344 : vector<1x16xi32> to vector<16xi32>
      %and3A_346 = arith.constant 65535 : i32
      %and3A_347 = vector.broadcast %and3A_346 : i32 to vector<16xi32>
      %and3A_348 = arith.andi %get3A_345, %and3A_347 : vector<16xi32>
      %shift_right_arithmetic3A_349 = arith.constant 16 : i32
      %shift_right_arithmetic3A_350 = vector.broadcast %shift_right_arithmetic3A_349 : i32 to vector<16xi32>
      %shift_right_arithmetic3A_351 = arith.shrsi %get3A_345, %shift_right_arithmetic3A_350 : vector<16xi32>
      %swap3A_352 = arith.constant 0 : i32
      %swap3A_353 = arith.index_cast %swap3A_352 : i32 to index
      %swap3A_354 = arith.constant 96 : index
      %swap3A_355 = tpu.vector_load %arg7[%swap3A_353, %swap3A_354] {strides = array<i32>} : memref<4x128xi32, #tpu.memory_space<vmem>>, vector<1x16xi32>,
      %swap3A_356 = vector.shape_cast %swap3A_355 : vector<1x16xi32> to vector<16xi32>
      %swap3A_357 = vector.shape_cast %and3A_348 : vector<16xi32> to vector<1x16xi32>
      tpu.vector_store %arg7[%swap3A_353, %swap3A_354], %swap3A_357 {strides = array<i32>} : memref<4x128xi32, #tpu.memory_space<vmem>>, vector<1x16xi32>,
      %swap3A_358 = arith.constant 0 : i32
      %swap3A_359 = arith.index_cast %swap3A_358 : i32 to index
      %swap3A_360 = arith.constant 96 : index
      %swap3A_361 = tpu.vector_load %arg8[%swap3A_359, %swap3A_360] {strides = array<i32>} : memref<4x128xi32, #tpu.memory_space<vmem>>, vector<1x16xi32>,
      %swap3A_362 = vector.shape_cast %swap3A_361 : vector<1x16xi32> to vector<16xi32>
      %swap3A_363 = vector.shape_cast %shift_right_arithmetic3A_351 : vector<16xi32> to vector<1x16xi32>
      tpu.vector_store %arg8[%swap3A_359, %swap3A_360], %swap3A_363 {strides = array<i32>} : memref<4x128xi32, #tpu.memory_space<vmem>>, vector<1x16xi32>,
      %get3A_364 = arith.index_cast %add3A_213 : i32 to index
      %get3A_365 = arith.constant 112 : index
      %get3A_366 = tpu.vector_load %arg6[%get3A_364, %get3A_365] {strides = array<i32>} : memref<80x128xi32, #tpu.memory_space<vmem>>, vector<1x16xi32>,
      %get3A_367 = vector.shape_cast %get3A_366 : vector<1x16xi32> to vector<16xi32>
      %and3A_368 = arith.constant 65535 : i32
      %and3A_369 = vector.broadcast %and3A_368 : i32 to vector<16xi32>
      %and3A_370 = arith.andi %get3A_367, %and3A_369 : vector<16xi32>
      %shift_right_arithmetic3A_371 = arith.constant 16 : i32
      %shift_right_arithmetic3A_372 = vector.broadcast %shift_right_arithmetic3A_371 : i32 to vector<16xi32>
      %shift_right_arithmetic3A_373 = arith.shrsi %get3A_367, %shift_right_arithmetic3A_372 : vector<16xi32>
      %swap3A_374 = arith.constant 0 : i32
      %swap3A_375 = arith.index_cast %swap3A_374 : i32 to index
      %swap3A_376 = arith.constant 112 : index
      %swap3A_377 = tpu.vector_load %arg7[%swap3A_375, %swap3A_376] {strides = array<i32>} : memref<4x128xi32, #tpu.memory_space<vmem>>, vector<1x16xi32>,
      %swap3A_378 = vector.shape_cast %swap3A_377 : vector<1x16xi32> to vector<16xi32>
      %swap3A_379 = vector.shape_cast %and3A_370 : vector<16xi32> to vector<1x16xi32>
      tpu.vector_store %arg7[%swap3A_375, %swap3A_376], %swap3A_379 {strides = array<i32>} : memref<4x128xi32, #tpu.memory_space<vmem>>, vector<1x16xi32>,
      %swap3A_380 = arith.constant 0 : i32
      %swap3A_381 = arith.index_cast %swap3A_380 : i32 to index
      %swap3A_382 = arith.constant 112 : index
      %swap3A_383 = tpu.vector_load %arg8[%swap3A_381, %swap3A_382] {strides = array<i32>} : memref<4x128xi32, #tpu.memory_space<vmem>>, vector<1x16xi32>,
      %swap3A_384 = vector.shape_cast %swap3A_383 : vector<1x16xi32> to vector<16xi32>
      %swap3A_385 = vector.shape_cast %shift_right_arithmetic3A_373 : vector<16xi32> to vector<1x16xi32>
      tpu.vector_store %arg8[%swap3A_381, %swap3A_382], %swap3A_385 {strides = array<i32>} : memref<4x128xi32, #tpu.memory_space<vmem>>, vector<1x16xi32>,
      %dma_start3A_386 = arith.constant 0 : i32
      %dma_start3A_387 = arith.constant 0 : i32
      %dma_start3A_388 = tpu.memref_slice %arg7[%dma_start3A_386, %dma_start3A_387] : memref<4x128xi32, #tpu.memory_space<vmem>> -> memref<1x128xi32, #tpu.memory_space<vmem>>
      %dma_start3A_389 = tpu.memref_squeeze %dma_start3A_388 : memref<1x128xi32, #tpu.memory_space<vmem>> -> memref<128xi32, #tpu.memory_space<vmem>>
      %dma_start3A_390 = arith.constant 0 : i32
      %dma_start3A_391 = arith.constant 0 : i32
      %dma_start3A_392 = tpu.memref_slice %arg14[%dma_start3A_390, %dma_start3A_391] : memref<10240x64xf32, #tpu.memory_space<vmem_shared>> -> memref<10240x64xf32, #tpu.memory_space<vmem_shared>>
      tpu.enqueue_indirect_dma source(%dma_start3A_392 : memref<10240x64xf32, #tpu.memory_space<vmem_shared>>) target(%arg9 : memref<128x64xf32, #tpu.memory_space<vmem>>) offsets(%dma_start3A_389 : memref<128xi32, #tpu.memory_space<vmem>>) semaphore(%arg15 : memref<!tpu.dma_semaphore, #tpu.memory_space<semaphore_mem>>)
      %gt3A_393 = arith.constant 0 : i32
      %gt3A_394 = arith.cmpi sgt, %scan3A_207, %gt3A_393 : i32
      %convert_element_type3A_395 = arith.extui %gt3A_394 : i1 to i32
      %cond3A_396 = arith.constant 0 : i32
      %cond3A_397 = arith.cmpi ne, %convert_element_type3A_395, %cond3A_396 : i32
      scf.if %cond3A_397 {
        %dma_wait3A_1025 = arith.constant 0 : i32
        %dma_wait3A_1026 = arith.constant 0 : i32
        %dma_wait3A_1027 = tpu.memref_slice %arg8[%dma_wait3A_1025, %dma_wait3A_1026] : memref<4x128xi32, #tpu.memory_space<vmem>> -> memref<1x128xi32, #tpu.memory_space<vmem>>
        %dma_wait3A_1028 = tpu.memref_squeeze %dma_wait3A_1027 : memref<1x128xi32, #tpu.memory_space<vmem>> -> memref<128xi32, #tpu.memory_space<vmem>>
        %dma_wait3A_1029 = arith.constant 0 : i32
        %dma_wait3A_1030 = arith.constant 0 : i32
        %dma_wait3A_1031 = tpu.memref_slice %arg13[%dma_wait3A_1029, %dma_wait3A_1030] : memref<10240x64xf32, #tpu.memory_space<vmem_shared>> -> memref<10240x64xf32, #tpu.memory_space<vmem_shared>>
        tpu.wait_indirect_dma semaphore(%arg20 : memref<!tpu.dma_semaphore, #tpu.memory_space<semaphore_mem>>) src(%arg10 : memref<128x64xf32, #tpu.memory_space<vmem>>) dst(%dma_wait3A_1031 : memref<10240x64xf32, #tpu.memory_space<vmem_shared>>)
      } else {
      }
      %mul3A_398 = arith.constant 4 : i32
      %mul3A_399 = arith.muli %scan3A_207, %mul3A_398 : i32
      %add3A_400 = arith.constant 1 : i32
      %add3A_401 = arith.addi %mul3A_399, %add3A_400 : i32
      %get3A_402 = arith.index_cast %add3A_401 : i32 to index
      %get3A_403 = arith.constant 0 : index
      %get3A_404 = tpu.vector_load %arg6[%get3A_402, %get3A_403] {strides = array<i32>} : memref<80x128xi32, #tpu.memory_space<vmem>>, vector<1x16xi32>,
      %get3A_405 = vector.shape_cast %get3A_404 : vector<1x16xi32> to vector<16xi32>
      %and3A_406 = arith.constant 65535 : i32
      %and3A_407 = vector.broadcast %and3A_406 : i32 to vector<16xi32>
      %and3A_408 = arith.andi %get3A_405, %and3A_407 : vector<16xi32>
      %shift_right_arithmetic3A_409 = arith.constant 16 : i32
      %shift_right_arithmetic3A_410 = vector.broadcast %shift_right_arithmetic3A_409 : i32 to vector<16xi32>
      %shift_right_arithmetic3A_411 = arith.shrsi %get3A_405, %shift_right_arithmetic3A_410 : vector<16xi32>
      %swap3A_412 = arith.constant 1 : i32
      %swap3A_413 = arith.index_cast %swap3A_412 : i32 to index
      %swap3A_414 = arith.constant 0 : index
      %swap3A_415 = tpu.vector_load %arg7[%swap3A_413, %swap3A_414] {strides = array<i32>} : memref<4x128xi32, #tpu.memory_space<vmem>>, vector<1x16xi32>,
      %swap3A_416 = vector.shape_cast %swap3A_415 : vector<1x16xi32> to vector<16xi32>
      %swap3A_417 = vector.shape_cast %and3A_408 : vector<16xi32> to vector<1x16xi32>
      tpu.vector_store %arg7[%swap3A_413, %swap3A_414], %swap3A_417 {strides = array<i32>} : memref<4x128xi32, #tpu.memory_space<vmem>>, vector<1x16xi32>,
      %swap3A_418 = arith.constant 1 : i32
      %swap3A_419 = arith.index_cast %swap3A_418 : i32 to index
      %swap3A_420 = arith.constant 0 : index
      %swap3A_421 = tpu.vector_load %arg8[%swap3A_419, %swap3A_420] {strides = array<i32>} : memref<4x128xi32, #tpu.memory_space<vmem>>, vector<1x16xi32>,
      %swap3A_422 = vector.shape_cast %swap3A_421 : vector<1x16xi32> to vector<16xi32>
      %swap3A_423 = vector.shape_cast %shift_right_arithmetic3A_411 : vector<16xi32> to vector<1x16xi32>
      tpu.vector_store %arg8[%swap3A_419, %swap3A_420], %swap3A_423 {strides = array<i32>} : memref<4x128xi32, #tpu.memory_space<vmem>>, vector<1x16xi32>,
      %get3A_424 = arith.index_cast %add3A_401 : i32 to index
      %get3A_425 = arith.constant 16 : index
      %get3A_426 = tpu.vector_load %arg6[%get3A_424, %get3A_425] {strides = array<i32>} : memref<80x128xi32, #tpu.memory_space<vmem>>, vector<1x16xi32>,
      %get3A_427 = vector.shape_cast %get3A_426 : vector<1x16xi32> to vector<16xi32>
      %and3A_428 = arith.constant 65535 : i32
      %and3A_429 = vector.broadcast %and3A_428 : i32 to vector<16xi32>
      %and3A_430 = arith.andi %get3A_427, %and3A_429 : vector<16xi32>
      %shift_right_arithmetic3A_431 = arith.constant 16 : i32
      %shift_right_arithmetic3A_432 = vector.broadcast %shift_right_arithmetic3A_431 : i32 to vector<16xi32>
      %shift_right_arithmetic3A_433 = arith.shrsi %get3A_427, %shift_right_arithmetic3A_432 : vector<16xi32>
      %swap3A_434 = arith.constant 1 : i32
      %swap3A_435 = arith.index_cast %swap3A_434 : i32 to index
      %swap3A_436 = arith.constant 16 : index
      %swap3A_437 = tpu.vector_load %arg7[%swap3A_435, %swap3A_436] {strides = array<i32>} : memref<4x128xi32, #tpu.memory_space<vmem>>, vector<1x16xi32>,
      %swap3A_438 = vector.shape_cast %swap3A_437 : vector<1x16xi32> to vector<16xi32>
      %swap3A_439 = vector.shape_cast %and3A_430 : vector<16xi32> to vector<1x16xi32>
      tpu.vector_store %arg7[%swap3A_435, %swap3A_436], %swap3A_439 {strides = array<i32>} : memref<4x128xi32, #tpu.memory_space<vmem>>, vector<1x16xi32>,
      %swap3A_440 = arith.constant 1 : i32
      %swap3A_441 = arith.index_cast %swap3A_440 : i32 to index
      %swap3A_442 = arith.constant 16 : index
      %swap3A_443 = tpu.vector_load %arg8[%swap3A_441, %swap3A_442] {strides = array<i32>} : memref<4x128xi32, #tpu.memory_space<vmem>>, vector<1x16xi32>,
      %swap3A_444 = vector.shape_cast %swap3A_443 : vector<1x16xi32> to vector<16xi32>
      %swap3A_445 = vector.shape_cast %shift_right_arithmetic3A_433 : vector<16xi32> to vector<1x16xi32>
      tpu.vector_store %arg8[%swap3A_441, %swap3A_442], %swap3A_445 {strides = array<i32>} : memref<4x128xi32, #tpu.memory_space<vmem>>, vector<1x16xi32>,
      %get3A_446 = arith.index_cast %add3A_401 : i32 to index
      %get3A_447 = arith.constant 32 : index
      %get3A_448 = tpu.vector_load %arg6[%get3A_446, %get3A_447] {strides = array<i32>} : memref<80x128xi32, #tpu.memory_space<vmem>>, vector<1x16xi32>,
      %get3A_449 = vector.shape_cast %get3A_448 : vector<1x16xi32> to vector<16xi32>
      %and3A_450 = arith.constant 65535 : i32
      %and3A_451 = vector.broadcast %and3A_450 : i32 to vector<16xi32>
      %and3A_452 = arith.andi %get3A_449, %and3A_451 : vector<16xi32>
      %shift_right_arithmetic3A_453 = arith.constant 16 : i32
      %shift_right_arithmetic3A_454 = vector.broadcast %shift_right_arithmetic3A_453 : i32 to vector<16xi32>
      %shift_right_arithmetic3A_455 = arith.shrsi %get3A_449, %shift_right_arithmetic3A_454 : vector<16xi32>
      %swap3A_456 = arith.constant 1 : i32
      %swap3A_457 = arith.index_cast %swap3A_456 : i32 to index
      %swap3A_458 = arith.constant 32 : index
      %swap3A_459 = tpu.vector_load %arg7[%swap3A_457, %swap3A_458] {strides = array<i32>} : memref<4x128xi32, #tpu.memory_space<vmem>>, vector<1x16xi32>,
      %swap3A_460 = vector.shape_cast %swap3A_459 : vector<1x16xi32> to vector<16xi32>
      %swap3A_461 = vector.shape_cast %and3A_452 : vector<16xi32> to vector<1x16xi32>
      tpu.vector_store %arg7[%swap3A_457, %swap3A_458], %swap3A_461 {strides = array<i32>} : memref<4x128xi32, #tpu.memory_space<vmem>>, vector<1x16xi32>,
      %swap3A_462 = arith.constant 1 : i32
      %swap3A_463 = arith.index_cast %swap3A_462 : i32 to index
      %swap3A_464 = arith.constant 32 : index
      %swap3A_465 = tpu.vector_load %arg8[%swap3A_463, %swap3A_464] {strides = array<i32>} : memref<4x128xi32, #tpu.memory_space<vmem>>, vector<1x16xi32>,
      %swap3A_466 = vector.shape_cast %swap3A_465 : vector<1x16xi32> to vector<16xi32>
      %swap3A_467 = vector.shape_cast %shift_right_arithmetic3A_455 : vector<16xi32> to vector<1x16xi32>
      tpu.vector_store %arg8[%swap3A_463, %swap3A_464], %swap3A_467 {strides = array<i32>} : memref<4x128xi32, #tpu.memory_space<vmem>>, vector<1x16xi32>,
      %get3A_468 = arith.index_cast %add3A_401 : i32 to index
      %get3A_469 = arith.constant 48 : index
      %get3A_470 = tpu.vector_load %arg6[%get3A_468, %get3A_469] {strides = array<i32>} : memref<80x128xi32, #tpu.memory_space<vmem>>, vector<1x16xi32>,
      %get3A_471 = vector.shape_cast %get3A_470 : vector<1x16xi32> to vector<16xi32>
      %and3A_472 = arith.constant 65535 : i32
      %and3A_473 = vector.broadcast %and3A_472 : i32 to vector<16xi32>
      %and3A_474 = arith.andi %get3A_471, %and3A_473 : vector<16xi32>
      %shift_right_arithmetic3A_475 = arith.constant 16 : i32
      %shift_right_arithmetic3A_476 = vector.broadcast %shift_right_arithmetic3A_475 : i32 to vector<16xi32>
      %shift_right_arithmetic3A_477 = arith.shrsi %get3A_471, %shift_right_arithmetic3A_476 : vector<16xi32>
      %swap3A_478 = arith.constant 1 : i32
      %swap3A_479 = arith.index_cast %swap3A_478 : i32 to index
      %swap3A_480 = arith.constant 48 : index
      %swap3A_481 = tpu.vector_load %arg7[%swap3A_479, %swap3A_480] {strides = array<i32>} : memref<4x128xi32, #tpu.memory_space<vmem>>, vector<1x16xi32>,
      %swap3A_482 = vector.shape_cast %swap3A_481 : vector<1x16xi32> to vector<16xi32>
      %swap3A_483 = vector.shape_cast %and3A_474 : vector<16xi32> to vector<1x16xi32>
      tpu.vector_store %arg7[%swap3A_479, %swap3A_480], %swap3A_483 {strides = array<i32>} : memref<4x128xi32, #tpu.memory_space<vmem>>, vector<1x16xi32>,
      %swap3A_484 = arith.constant 1 : i32
      %swap3A_485 = arith.index_cast %swap3A_484 : i32 to index
      %swap3A_486 = arith.constant 48 : index
      %swap3A_487 = tpu.vector_load %arg8[%swap3A_485, %swap3A_486] {strides = array<i32>} : memref<4x128xi32, #tpu.memory_space<vmem>>, vector<1x16xi32>,
      %swap3A_488 = vector.shape_cast %swap3A_487 : vector<1x16xi32> to vector<16xi32>
      %swap3A_489 = vector.shape_cast %shift_right_arithmetic3A_477 : vector<16xi32> to vector<1x16xi32>
      tpu.vector_store %arg8[%swap3A_485, %swap3A_486], %swap3A_489 {strides = array<i32>} : memref<4x128xi32, #tpu.memory_space<vmem>>, vector<1x16xi32>,
      %get3A_490 = arith.index_cast %add3A_401 : i32 to index
      %get3A_491 = arith.constant 64 : index
      %get3A_492 = tpu.vector_load %arg6[%get3A_490, %get3A_491] {strides = array<i32>} : memref<80x128xi32, #tpu.memory_space<vmem>>, vector<1x16xi32>,
      %get3A_493 = vector.shape_cast %get3A_492 : vector<1x16xi32> to vector<16xi32>
      %and3A_494 = arith.constant 65535 : i32
      %and3A_495 = vector.broadcast %and3A_494 : i32 to vector<16xi32>
      %and3A_496 = arith.andi %get3A_493, %and3A_495 : vector<16xi32>
      %shift_right_arithmetic3A_497 = arith.constant 16 : i32
      %shift_right_arithmetic3A_498 = vector.broadcast %shift_right_arithmetic3A_497 : i32 to vector<16xi32>
      %shift_right_arithmetic3A_499 = arith.shrsi %get3A_493, %shift_right_arithmetic3A_498 : vector<16xi32>
      %swap3A_500 = arith.constant 1 : i32
      %swap3A_501 = arith.index_cast %swap3A_500 : i32 to index
      %swap3A_502 = arith.constant 64 : index
      %swap3A_503 = tpu.vector_load %arg7[%swap3A_501, %swap3A_502] {strides = array<i32>} : memref<4x128xi32, #tpu.memory_space<vmem>>, vector<1x16xi32>,
      %swap3A_504 = vector.shape_cast %swap3A_503 : vector<1x16xi32> to vector<16xi32>
      %swap3A_505 = vector.shape_cast %and3A_496 : vector<16xi32> to vector<1x16xi32>
      tpu.vector_store %arg7[%swap3A_501, %swap3A_502], %swap3A_505 {strides = array<i32>} : memref<4x128xi32, #tpu.memory_space<vmem>>, vector<1x16xi32>,
      %swap3A_506 = arith.constant 1 : i32
      %swap3A_507 = arith.index_cast %swap3A_506 : i32 to index
      %swap3A_508 = arith.constant 64 : index
      %swap3A_509 = tpu.vector_load %arg8[%swap3A_507, %swap3A_508] {strides = array<i32>} : memref<4x128xi32, #tpu.memory_space<vmem>>, vector<1x16xi32>,
      %swap3A_510 = vector.shape_cast %swap3A_509 : vector<1x16xi32> to vector<16xi32>
      %swap3A_511 = vector.shape_cast %shift_right_arithmetic3A_499 : vector<16xi32> to vector<1x16xi32>
      tpu.vector_store %arg8[%swap3A_507, %swap3A_508], %swap3A_511 {strides = array<i32>} : memref<4x128xi32, #tpu.memory_space<vmem>>, vector<1x16xi32>,
      %get3A_512 = arith.index_cast %add3A_401 : i32 to index
      %get3A_513 = arith.constant 80 : index
      %get3A_514 = tpu.vector_load %arg6[%get3A_512, %get3A_513] {strides = array<i32>} : memref<80x128xi32, #tpu.memory_space<vmem>>, vector<1x16xi32>,
      %get3A_515 = vector.shape_cast %get3A_514 : vector<1x16xi32> to vector<16xi32>
      %and3A_516 = arith.constant 65535 : i32
      %and3A_517 = vector.broadcast %and3A_516 : i32 to vector<16xi32>
      %and3A_518 = arith.andi %get3A_515, %and3A_517 : vector<16xi32>
      %shift_right_arithmetic3A_519 = arith.constant 16 : i32
      %shift_right_arithmetic3A_520 = vector.broadcast %shift_right_arithmetic3A_519 : i32 to vector<16xi32>
      %shift_right_arithmetic3A_521 = arith.shrsi %get3A_515, %shift_right_arithmetic3A_520 : vector<16xi32>
      %swap3A_522 = arith.constant 1 : i32
      %swap3A_523 = arith.index_cast %swap3A_522 : i32 to index
      %swap3A_524 = arith.constant 80 : index
      %swap3A_525 = tpu.vector_load %arg7[%swap3A_523, %swap3A_524] {strides = array<i32>} : memref<4x128xi32, #tpu.memory_space<vmem>>, vector<1x16xi32>,
      %swap3A_526 = vector.shape_cast %swap3A_525 : vector<1x16xi32> to vector<16xi32>
      %swap3A_527 = vector.shape_cast %and3A_518 : vector<16xi32> to vector<1x16xi32>
      tpu.vector_store %arg7[%swap3A_523, %swap3A_524], %swap3A_527 {strides = array<i32>} : memref<4x128xi32, #tpu.memory_space<vmem>>, vector<1x16xi32>,
      %swap3A_528 = arith.constant 1 : i32
      %swap3A_529 = arith.index_cast %swap3A_528 : i32 to index
      %swap3A_530 = arith.constant 80 : index
      %swap3A_531 = tpu.vector_load %arg8[%swap3A_529, %swap3A_530] {strides = array<i32>} : memref<4x128xi32, #tpu.memory_space<vmem>>, vector<1x16xi32>,
      %swap3A_532 = vector.shape_cast %swap3A_531 : vector<1x16xi32> to vector<16xi32>
      %swap3A_533 = vector.shape_cast %shift_right_arithmetic3A_521 : vector<16xi32> to vector<1x16xi32>
      tpu.vector_store %arg8[%swap3A_529, %swap3A_530], %swap3A_533 {strides = array<i32>} : memref<4x128xi32, #tpu.memory_space<vmem>>, vector<1x16xi32>,
      %get3A_534 = arith.index_cast %add3A_401 : i32 to index
      %get3A_535 = arith.constant 96 : index
      %get3A_536 = tpu.vector_load %arg6[%get3A_534, %get3A_535] {strides = array<i32>} : memref<80x128xi32, #tpu.memory_space<vmem>>, vector<1x16xi32>,
      %get3A_537 = vector.shape_cast %get3A_536 : vector<1x16xi32> to vector<16xi32>
      %and3A_538 = arith.constant 65535 : i32
      %and3A_539 = vector.broadcast %and3A_538 : i32 to vector<16xi32>
      %and3A_540 = arith.andi %get3A_537, %and3A_539 : vector<16xi32>
      %shift_right_arithmetic3A_541 = arith.constant 16 : i32
      %shift_right_arithmetic3A_542 = vector.broadcast %shift_right_arithmetic3A_541 : i32 to vector<16xi32>
      %shift_right_arithmetic3A_543 = arith.shrsi %get3A_537, %shift_right_arithmetic3A_542 : vector<16xi32>
      %swap3A_544 = arith.constant 1 : i32
      %swap3A_545 = arith.index_cast %swap3A_544 : i32 to index
      %swap3A_546 = arith.constant 96 : index
      %swap3A_547 = tpu.vector_load %arg7[%swap3A_545, %swap3A_546] {strides = array<i32>} : memref<4x128xi32, #tpu.memory_space<vmem>>, vector<1x16xi32>,
      %swap3A_548 = vector.shape_cast %swap3A_547 : vector<1x16xi32> to vector<16xi32>
      %swap3A_549 = vector.shape_cast %and3A_540 : vector<16xi32> to vector<1x16xi32>
      tpu.vector_store %arg7[%swap3A_545, %swap3A_546], %swap3A_549 {strides = array<i32>} : memref<4x128xi32, #tpu.memory_space<vmem>>, vector<1x16xi32>,
      %swap3A_550 = arith.constant 1 : i32
      %swap3A_551 = arith.index_cast %swap3A_550 : i32 to index
      %swap3A_552 = arith.constant 96 : index
      %swap3A_553 = tpu.vector_load %arg8[%swap3A_551, %swap3A_552] {strides = array<i32>} : memref<4x128xi32, #tpu.memory_space<vmem>>, vector<1x16xi32>,
      %swap3A_554 = vector.shape_cast %swap3A_553 : vector<1x16xi32> to vector<16xi32>
      %swap3A_555 = vector.shape_cast %shift_right_arithmetic3A_543 : vector<16xi32> to vector<1x16xi32>
      tpu.vector_store %arg8[%swap3A_551, %swap3A_552], %swap3A_555 {strides = array<i32>} : memref<4x128xi32, #tpu.memory_space<vmem>>, vector<1x16xi32>,
      %get3A_556 = arith.index_cast %add3A_401 : i32 to index
      %get3A_557 = arith.constant 112 : index
      %get3A_558 = tpu.vector_load %arg6[%get3A_556, %get3A_557] {strides = array<i32>} : memref<80x128xi32, #tpu.memory_space<vmem>>, vector<1x16xi32>,
      %get3A_559 = vector.shape_cast %get3A_558 : vector<1x16xi32> to vector<16xi32>
      %and3A_560 = arith.constant 65535 : i32
      %and3A_561 = vector.broadcast %and3A_560 : i32 to vector<16xi32>
      %and3A_562 = arith.andi %get3A_559, %and3A_561 : vector<16xi32>
      %shift_right_arithmetic3A_563 = arith.constant 16 : i32
      %shift_right_arithmetic3A_564 = vector.broadcast %shift_right_arithmetic3A_563 : i32 to vector<16xi32>
      %shift_right_arithmetic3A_565 = arith.shrsi %get3A_559, %shift_right_arithmetic3A_564 : vector<16xi32>
      %swap3A_566 = arith.constant 1 : i32
      %swap3A_567 = arith.index_cast %swap3A_566 : i32 to index
      %swap3A_568 = arith.constant 112 : index
      %swap3A_569 = tpu.vector_load %arg7[%swap3A_567, %swap3A_568] {strides = array<i32>} : memref<4x128xi32, #tpu.memory_space<vmem>>, vector<1x16xi32>,
      %swap3A_570 = vector.shape_cast %swap3A_569 : vector<1x16xi32> to vector<16xi32>
      %swap3A_571 = vector.shape_cast %and3A_562 : vector<16xi32> to vector<1x16xi32>
      tpu.vector_store %arg7[%swap3A_567, %swap3A_568], %swap3A_571 {strides = array<i32>} : memref<4x128xi32, #tpu.memory_space<vmem>>, vector<1x16xi32>,
      %swap3A_572 = arith.constant 1 : i32
      %swap3A_573 = arith.index_cast %swap3A_572 : i32 to index
      %swap3A_574 = arith.constant 112 : index
      %swap3A_575 = tpu.vector_load %arg8[%swap3A_573, %swap3A_574] {strides = array<i32>} : memref<4x128xi32, #tpu.memory_space<vmem>>, vector<1x16xi32>,
      %swap3A_576 = vector.shape_cast %swap3A_575 : vector<1x16xi32> to vector<16xi32>
      %swap3A_577 = vector.shape_cast %shift_right_arithmetic3A_565 : vector<16xi32> to vector<1x16xi32>
      tpu.vector_store %arg8[%swap3A_573, %swap3A_574], %swap3A_577 {strides = array<i32>} : memref<4x128xi32, #tpu.memory_space<vmem>>, vector<1x16xi32>,
      %dma_start3A_578 = arith.constant 1 : i32
      %dma_start3A_579 = arith.constant 0 : i32
      %dma_start3A_580 = tpu.memref_slice %arg7[%dma_start3A_578, %dma_start3A_579] : memref<4x128xi32, #tpu.memory_space<vmem>> -> memref<1x128xi32, #tpu.memory_space<vmem>>
      %dma_start3A_581 = tpu.memref_squeeze %dma_start3A_580 : memref<1x128xi32, #tpu.memory_space<vmem>> -> memref<128xi32, #tpu.memory_space<vmem>>
      %dma_start3A_582 = arith.constant 0 : i32
      %dma_start3A_583 = arith.constant 0 : i32
      %dma_start3A_584 = tpu.memref_slice %arg14[%dma_start3A_582, %dma_start3A_583] : memref<10240x64xf32, #tpu.memory_space<vmem_shared>> -> memref<10240x64xf32, #tpu.memory_space<vmem_shared>>
      tpu.enqueue_indirect_dma source(%dma_start3A_584 : memref<10240x64xf32, #tpu.memory_space<vmem_shared>>) target(%arg10 : memref<128x64xf32, #tpu.memory_space<vmem>>) offsets(%dma_start3A_581 : memref<128xi32, #tpu.memory_space<vmem>>) semaphore(%arg16 : memref<!tpu.dma_semaphore, #tpu.memory_space<semaphore_mem>>)
      %gt3A_585 = arith.constant 0 : i32
      %gt3A_586 = arith.cmpi sgt, %scan3A_207, %gt3A_585 : i32
      %convert_element_type3A_587 = arith.extui %gt3A_586 : i1 to i32
      %cond3A_588 = arith.constant 0 : i32
      %cond3A_589 = arith.cmpi ne, %convert_element_type3A_587, %cond3A_588 : i32
      scf.if %cond3A_589 {
        %dma_wait3A_1025 = arith.constant 0 : i32
        %dma_wait3A_1026 = arith.constant 0 : i32
        %dma_wait3A_1027 = tpu.memref_slice %arg8[%dma_wait3A_1025, %dma_wait3A_1026] : memref<4x128xi32, #tpu.memory_space<vmem>> -> memref<1x128xi32, #tpu.memory_space<vmem>>
        %dma_wait3A_1028 = tpu.memref_squeeze %dma_wait3A_1027 : memref<1x128xi32, #tpu.memory_space<vmem>> -> memref<128xi32, #tpu.memory_space<vmem>>
        %dma_wait3A_1029 = arith.constant 0 : i32
        %dma_wait3A_1030 = arith.constant 0 : i32
        %dma_wait3A_1031 = tpu.memref_slice %arg13[%dma_wait3A_1029, %dma_wait3A_1030] : memref<10240x64xf32, #tpu.memory_space<vmem_shared>> -> memref<10240x64xf32, #tpu.memory_space<vmem_shared>>
        tpu.wait_indirect_dma semaphore(%arg21 : memref<!tpu.dma_semaphore, #tpu.memory_space<semaphore_mem>>) src(%arg11 : memref<128x64xf32, #tpu.memory_space<vmem>>) dst(%dma_wait3A_1031 : memref<10240x64xf32, #tpu.memory_space<vmem_shared>>)
      } else {
      }
      %mul3A_590 = arith.constant 4 : i32
      %mul3A_591 = arith.muli %scan3A_207, %mul3A_590 : i32
      %add3A_592 = arith.constant 2 : i32
      %add3A_593 = arith.addi %mul3A_591, %add3A_592 : i32
      %get3A_594 = arith.index_cast %add3A_593 : i32 to index
      %get3A_595 = arith.constant 0 : index
      %get3A_596 = tpu.vector_load %arg6[%get3A_594, %get3A_595] {strides = array<i32>} : memref<80x128xi32, #tpu.memory_space<vmem>>, vector<1x16xi32>,
      %get3A_597 = vector.shape_cast %get3A_596 : vector<1x16xi32> to vector<16xi32>
      %and3A_598 = arith.constant 65535 : i32
      %and3A_599 = vector.broadcast %and3A_598 : i32 to vector<16xi32>
      %and3A_600 = arith.andi %get3A_597, %and3A_599 : vector<16xi32>
      %shift_right_arithmetic3A_601 = arith.constant 16 : i32
      %shift_right_arithmetic3A_602 = vector.broadcast %shift_right_arithmetic3A_601 : i32 to vector<16xi32>
      %shift_right_arithmetic3A_603 = arith.shrsi %get3A_597, %shift_right_arithmetic3A_602 : vector<16xi32>
      %swap3A_604 = arith.constant 2 : i32
      %swap3A_605 = arith.index_cast %swap3A_604 : i32 to index
      %swap3A_606 = arith.constant 0 : index
      %swap3A_607 = tpu.vector_load %arg7[%swap3A_605, %swap3A_606] {strides = array<i32>} : memref<4x128xi32, #tpu.memory_space<vmem>>, vector<1x16xi32>,
      %swap3A_608 = vector.shape_cast %swap3A_607 : vector<1x16xi32> to vector<16xi32>
      %swap3A_609 = vector.shape_cast %and3A_600 : vector<16xi32> to vector<1x16xi32>
      tpu.vector_store %arg7[%swap3A_605, %swap3A_606], %swap3A_609 {strides = array<i32>} : memref<4x128xi32, #tpu.memory_space<vmem>>, vector<1x16xi32>,
      %swap3A_610 = arith.constant 2 : i32
      %swap3A_611 = arith.index_cast %swap3A_610 : i32 to index
      %swap3A_612 = arith.constant 0 : index
      %swap3A_613 = tpu.vector_load %arg8[%swap3A_611, %swap3A_612] {strides = array<i32>} : memref<4x128xi32, #tpu.memory_space<vmem>>, vector<1x16xi32>,
      %swap3A_614 = vector.shape_cast %swap3A_613 : vector<1x16xi32> to vector<16xi32>
      %swap3A_615 = vector.shape_cast %shift_right_arithmetic3A_603 : vector<16xi32> to vector<1x16xi32>
      tpu.vector_store %arg8[%swap3A_611, %swap3A_612], %swap3A_615 {strides = array<i32>} : memref<4x128xi32, #tpu.memory_space<vmem>>, vector<1x16xi32>,
      %get3A_616 = arith.index_cast %add3A_593 : i32 to index
      %get3A_617 = arith.constant 16 : index
      %get3A_618 = tpu.vector_load %arg6[%get3A_616, %get3A_617] {strides = array<i32>} : memref<80x128xi32, #tpu.memory_space<vmem>>, vector<1x16xi32>,
      %get3A_619 = vector.shape_cast %get3A_618 : vector<1x16xi32> to vector<16xi32>
      %and3A_620 = arith.constant 65535 : i32
      %and3A_621 = vector.broadcast %and3A_620 : i32 to vector<16xi32>
      %and3A_622 = arith.andi %get3A_619, %and3A_621 : vector<16xi32>
      %shift_right_arithmetic3A_623 = arith.constant 16 : i32
      %shift_right_arithmetic3A_624 = vector.broadcast %shift_right_arithmetic3A_623 : i32 to vector<16xi32>
      %shift_right_arithmetic3A_625 = arith.shrsi %get3A_619, %shift_right_arithmetic3A_624 : vector<16xi32>
      %swap3A_626 = arith.constant 2 : i32
      %swap3A_627 = arith.index_cast %swap3A_626 : i32 to index
      %swap3A_628 = arith.constant 16 : index
      %swap3A_629 = tpu.vector_load %arg7[%swap3A_627, %swap3A_628] {strides = array<i32>} : memref<4x128xi32, #tpu.memory_space<vmem>>, vector<1x16xi32>,
      %swap3A_630 = vector.shape_cast %swap3A_629 : vector<1x16xi32> to vector<16xi32>
      %swap3A_631 = vector.shape_cast %and3A_622 : vector<16xi32> to vector<1x16xi32>
      tpu.vector_store %arg7[%swap3A_627, %swap3A_628], %swap3A_631 {strides = array<i32>} : memref<4x128xi32, #tpu.memory_space<vmem>>, vector<1x16xi32>,
      %swap3A_632 = arith.constant 2 : i32
      %swap3A_633 = arith.index_cast %swap3A_632 : i32 to index
      %swap3A_634 = arith.constant 16 : index
      %swap3A_635 = tpu.vector_load %arg8[%swap3A_633, %swap3A_634] {strides = array<i32>} : memref<4x128xi32, #tpu.memory_space<vmem>>, vector<1x16xi32>,
      %swap3A_636 = vector.shape_cast %swap3A_635 : vector<1x16xi32> to vector<16xi32>
      %swap3A_637 = vector.shape_cast %shift_right_arithmetic3A_625 : vector<16xi32> to vector<1x16xi32>
      tpu.vector_store %arg8[%swap3A_633, %swap3A_634], %swap3A_637 {strides = array<i32>} : memref<4x128xi32, #tpu.memory_space<vmem>>, vector<1x16xi32>,
      %get3A_638 = arith.index_cast %add3A_593 : i32 to index
      %get3A_639 = arith.constant 32 : index
      %get3A_640 = tpu.vector_load %arg6[%get3A_638, %get3A_639] {strides = array<i32>} : memref<80x128xi32, #tpu.memory_space<vmem>>, vector<1x16xi32>,
      %get3A_641 = vector.shape_cast %get3A_640 : vector<1x16xi32> to vector<16xi32>
      %and3A_642 = arith.constant 65535 : i32
      %and3A_643 = vector.broadcast %and3A_642 : i32 to vector<16xi32>
      %and3A_644 = arith.andi %get3A_641, %and3A_643 : vector<16xi32>
      %shift_right_arithmetic3A_645 = arith.constant 16 : i32
      %shift_right_arithmetic3A_646 = vector.broadcast %shift_right_arithmetic3A_645 : i32 to vector<16xi32>
      %shift_right_arithmetic3A_647 = arith.shrsi %get3A_641, %shift_right_arithmetic3A_646 : vector<16xi32>
      %swap3A_648 = arith.constant 2 : i32
      %swap3A_649 = arith.index_cast %swap3A_648 : i32 to index
      %swap3A_650 = arith.constant 32 : index
      %swap3A_651 = tpu.vector_load %arg7[%swap3A_649, %swap3A_650] {strides = array<i32>} : memref<4x128xi32, #tpu.memory_space<vmem>>, vector<1x16xi32>,
      %swap3A_652 = vector.shape_cast %swap3A_651 : vector<1x16xi32> to vector<16xi32>
      %swap3A_653 = vector.shape_cast %and3A_644 : vector<16xi32> to vector<1x16xi32>
      tpu.vector_store %arg7[%swap3A_649, %swap3A_650], %swap3A_653 {strides = array<i32>} : memref<4x128xi32, #tpu.memory_space<vmem>>, vector<1x16xi32>,
      %swap3A_654 = arith.constant 2 : i32
      %swap3A_655 = arith.index_cast %swap3A_654 : i32 to index
      %swap3A_656 = arith.constant 32 : index
      %swap3A_657 = tpu.vector_load %arg8[%swap3A_655, %swap3A_656] {strides = array<i32>} : memref<4x128xi32, #tpu.memory_space<vmem>>, vector<1x16xi32>,
      %swap3A_658 = vector.shape_cast %swap3A_657 : vector<1x16xi32> to vector<16xi32>
      %swap3A_659 = vector.shape_cast %shift_right_arithmetic3A_647 : vector<16xi32> to vector<1x16xi32>
      tpu.vector_store %arg8[%swap3A_655, %swap3A_656], %swap3A_659 {strides = array<i32>} : memref<4x128xi32, #tpu.memory_space<vmem>>, vector<1x16xi32>,
      %get3A_660 = arith.index_cast %add3A_593 : i32 to index
      %get3A_661 = arith.constant 48 : index
      %get3A_662 = tpu.vector_load %arg6[%get3A_660, %get3A_661] {strides = array<i32>} : memref<80x128xi32, #tpu.memory_space<vmem>>, vector<1x16xi32>,
      %get3A_663 = vector.shape_cast %get3A_662 : vector<1x16xi32> to vector<16xi32>
      %and3A_664 = arith.constant 65535 : i32
      %and3A_665 = vector.broadcast %and3A_664 : i32 to vector<16xi32>
      %and3A_666 = arith.andi %get3A_663, %and3A_665 : vector<16xi32>
      %shift_right_arithmetic3A_667 = arith.constant 16 : i32
      %shift_right_arithmetic3A_668 = vector.broadcast %shift_right_arithmetic3A_667 : i32 to vector<16xi32>
      %shift_right_arithmetic3A_669 = arith.shrsi %get3A_663, %shift_right_arithmetic3A_668 : vector<16xi32>
      %swap3A_670 = arith.constant 2 : i32
      %swap3A_671 = arith.index_cast %swap3A_670 : i32 to index
      %swap3A_672 = arith.constant 48 : index
      %swap3A_673 = tpu.vector_load %arg7[%swap3A_671, %swap3A_672] {strides = array<i32>} : memref<4x128xi32, #tpu.memory_space<vmem>>, vector<1x16xi32>,
      %swap3A_674 = vector.shape_cast %swap3A_673 : vector<1x16xi32> to vector<16xi32>
      %swap3A_675 = vector.shape_cast %and3A_666 : vector<16xi32> to vector<1x16xi32>
      tpu.vector_store %arg7[%swap3A_671, %swap3A_672], %swap3A_675 {strides = array<i32>} : memref<4x128xi32, #tpu.memory_space<vmem>>, vector<1x16xi32>,
      %swap3A_676 = arith.constant 2 : i32
      %swap3A_677 = arith.index_cast %swap3A_676 : i32 to index
      %swap3A_678 = arith.constant 48 : index
      %swap3A_679 = tpu.vector_load %arg8[%swap3A_677, %swap3A_678] {strides = array<i32>} : memref<4x128xi32, #tpu.memory_space<vmem>>, vector<1x16xi32>,
      %swap3A_680 = vector.shape_cast %swap3A_679 : vector<1x16xi32> to vector<16xi32>
      %swap3A_681 = vector.shape_cast %shift_right_arithmetic3A_669 : vector<16xi32> to vector<1x16xi32>
      tpu.vector_store %arg8[%swap3A_677, %swap3A_678], %swap3A_681 {strides = array<i32>} : memref<4x128xi32, #tpu.memory_space<vmem>>, vector<1x16xi32>,
      %get3A_682 = arith.index_cast %add3A_593 : i32 to index
      %get3A_683 = arith.constant 64 : index
      %get3A_684 = tpu.vector_load %arg6[%get3A_682, %get3A_683] {strides = array<i32>} : memref<80x128xi32, #tpu.memory_space<vmem>>, vector<1x16xi32>,
      %get3A_685 = vector.shape_cast %get3A_684 : vector<1x16xi32> to vector<16xi32>
      %and3A_686 = arith.constant 65535 : i32
      %and3A_687 = vector.broadcast %and3A_686 : i32 to vector<16xi32>
      %and3A_688 = arith.andi %get3A_685, %and3A_687 : vector<16xi32>
      %shift_right_arithmetic3A_689 = arith.constant 16 : i32
      %shift_right_arithmetic3A_690 = vector.broadcast %shift_right_arithmetic3A_689 : i32 to vector<16xi32>
      %shift_right_arithmetic3A_691 = arith.shrsi %get3A_685, %shift_right_arithmetic3A_690 : vector<16xi32>
      %swap3A_692 = arith.constant 2 : i32
      %swap3A_693 = arith.index_cast %swap3A_692 : i32 to index
      %swap3A_694 = arith.constant 64 : index
      %swap3A_695 = tpu.vector_load %arg7[%swap3A_693, %swap3A_694] {strides = array<i32>} : memref<4x128xi32, #tpu.memory_space<vmem>>, vector<1x16xi32>,
      %swap3A_696 = vector.shape_cast %swap3A_695 : vector<1x16xi32> to vector<16xi32>
      %swap3A_697 = vector.shape_cast %and3A_688 : vector<16xi32> to vector<1x16xi32>
      tpu.vector_store %arg7[%swap3A_693, %swap3A_694], %swap3A_697 {strides = array<i32>} : memref<4x128xi32, #tpu.memory_space<vmem>>, vector<1x16xi32>,
      %swap3A_698 = arith.constant 2 : i32
      %swap3A_699 = arith.index_cast %swap3A_698 : i32 to index
      %swap3A_700 = arith.constant 64 : index
      %swap3A_701 = tpu.vector_load %arg8[%swap3A_699, %swap3A_700] {strides = array<i32>} : memref<4x128xi32, #tpu.memory_space<vmem>>, vector<1x16xi32>,
      %swap3A_702 = vector.shape_cast %swap3A_701 : vector<1x16xi32> to vector<16xi32>
      %swap3A_703 = vector.shape_cast %shift_right_arithmetic3A_691 : vector<16xi32> to vector<1x16xi32>
      tpu.vector_store %arg8[%swap3A_699, %swap3A_700], %swap3A_703 {strides = array<i32>} : memref<4x128xi32, #tpu.memory_space<vmem>>, vector<1x16xi32>,
      %get3A_704 = arith.index_cast %add3A_593 : i32 to index
      %get3A_705 = arith.constant 80 : index
      %get3A_706 = tpu.vector_load %arg6[%get3A_704, %get3A_705] {strides = array<i32>} : memref<80x128xi32, #tpu.memory_space<vmem>>, vector<1x16xi32>,
      %get3A_707 = vector.shape_cast %get3A_706 : vector<1x16xi32> to vector<16xi32>
      %and3A_708 = arith.constant 65535 : i32
      %and3A_709 = vector.broadcast %and3A_708 : i32 to vector<16xi32>
      %and3A_710 = arith.andi %get3A_707, %and3A_709 : vector<16xi32>
      %shift_right_arithmetic3A_711 = arith.constant 16 : i32
      %shift_right_arithmetic3A_712 = vector.broadcast %shift_right_arithmetic3A_711 : i32 to vector<16xi32>
      %shift_right_arithmetic3A_713 = arith.shrsi %get3A_707, %shift_right_arithmetic3A_712 : vector<16xi32>
      %swap3A_714 = arith.constant 2 : i32
      %swap3A_715 = arith.index_cast %swap3A_714 : i32 to index
      %swap3A_716 = arith.constant 80 : index
      %swap3A_717 = tpu.vector_load %arg7[%swap3A_715, %swap3A_716] {strides = array<i32>} : memref<4x128xi32, #tpu.memory_space<vmem>>, vector<1x16xi32>,
      %swap3A_718 = vector.shape_cast %swap3A_717 : vector<1x16xi32> to vector<16xi32>
      %swap3A_719 = vector.shape_cast %and3A_710 : vector<16xi32> to vector<1x16xi32>
      tpu.vector_store %arg7[%swap3A_715, %swap3A_716], %swap3A_719 {strides = array<i32>} : memref<4x128xi32, #tpu.memory_space<vmem>>, vector<1x16xi32>,
      %swap3A_720 = arith.constant 2 : i32
      %swap3A_721 = arith.index_cast %swap3A_720 : i32 to index
      %swap3A_722 = arith.constant 80 : index
      %swap3A_723 = tpu.vector_load %arg8[%swap3A_721, %swap3A_722] {strides = array<i32>} : memref<4x128xi32, #tpu.memory_space<vmem>>, vector<1x16xi32>,
      %swap3A_724 = vector.shape_cast %swap3A_723 : vector<1x16xi32> to vector<16xi32>
      %swap3A_725 = vector.shape_cast %shift_right_arithmetic3A_713 : vector<16xi32> to vector<1x16xi32>
      tpu.vector_store %arg8[%swap3A_721, %swap3A_722], %swap3A_725 {strides = array<i32>} : memref<4x128xi32, #tpu.memory_space<vmem>>, vector<1x16xi32>,
      %get3A_726 = arith.index_cast %add3A_593 : i32 to index
      %get3A_727 = arith.constant 96 : index
      %get3A_728 = tpu.vector_load %arg6[%get3A_726, %get3A_727] {strides = array<i32>} : memref<80x128xi32, #tpu.memory_space<vmem>>, vector<1x16xi32>,
      %get3A_729 = vector.shape_cast %get3A_728 : vector<1x16xi32> to vector<16xi32>
      %and3A_730 = arith.constant 65535 : i32
      %and3A_731 = vector.broadcast %and3A_730 : i32 to vector<16xi32>
      %and3A_732 = arith.andi %get3A_729, %and3A_731 : vector<16xi32>
      %shift_right_arithmetic3A_733 = arith.constant 16 : i32
      %shift_right_arithmetic3A_734 = vector.broadcast %shift_right_arithmetic3A_733 : i32 to vector<16xi32>
      %shift_right_arithmetic3A_735 = arith.shrsi %get3A_729, %shift_right_arithmetic3A_734 : vector<16xi32>
      %swap3A_736 = arith.constant 2 : i32
      %swap3A_737 = arith.index_cast %swap3A_736 : i32 to index
      %swap3A_738 = arith.constant 96 : index
      %swap3A_739 = tpu.vector_load %arg7[%swap3A_737, %swap3A_738] {strides = array<i32>} : memref<4x128xi32, #tpu.memory_space<vmem>>, vector<1x16xi32>,
      %swap3A_740 = vector.shape_cast %swap3A_739 : vector<1x16xi32> to vector<16xi32>
      %swap3A_741 = vector.shape_cast %and3A_732 : vector<16xi32> to vector<1x16xi32>
      tpu.vector_store %arg7[%swap3A_737, %swap3A_738], %swap3A_741 {strides = array<i32>} : memref<4x128xi32, #tpu.memory_space<vmem>>, vector<1x16xi32>,
      %swap3A_742 = arith.constant 2 : i32
      %swap3A_743 = arith.index_cast %swap3A_742 : i32 to index
      %swap3A_744 = arith.constant 96 : index
      %swap3A_745 = tpu.vector_load %arg8[%swap3A_743, %swap3A_744] {strides = array<i32>} : memref<4x128xi32, #tpu.memory_space<vmem>>, vector<1x16xi32>,
      %swap3A_746 = vector.shape_cast %swap3A_745 : vector<1x16xi32> to vector<16xi32>
      %swap3A_747 = vector.shape_cast %shift_right_arithmetic3A_735 : vector<16xi32> to vector<1x16xi32>
      tpu.vector_store %arg8[%swap3A_743, %swap3A_744], %swap3A_747 {strides = array<i32>} : memref<4x128xi32, #tpu.memory_space<vmem>>, vector<1x16xi32>,
      %get3A_748 = arith.index_cast %add3A_593 : i32 to index
      %get3A_749 = arith.constant 112 : index
      %get3A_750 = tpu.vector_load %arg6[%get3A_748, %get3A_749] {strides = array<i32>} : memref<80x128xi32, #tpu.memory_space<vmem>>, vector<1x16xi32>,
      %get3A_751 = vector.shape_cast %get3A_750 : vector<1x16xi32> to vector<16xi32>
      %and3A_752 = arith.constant 65535 : i32
      %and3A_753 = vector.broadcast %and3A_752 : i32 to vector<16xi32>
      %and3A_754 = arith.andi %get3A_751, %and3A_753 : vector<16xi32>
      %shift_right_arithmetic3A_755 = arith.constant 16 : i32
      %shift_right_arithmetic3A_756 = vector.broadcast %shift_right_arithmetic3A_755 : i32 to vector<16xi32>
      %shift_right_arithmetic3A_757 = arith.shrsi %get3A_751, %shift_right_arithmetic3A_756 : vector<16xi32>
      %swap3A_758 = arith.constant 2 : i32
      %swap3A_759 = arith.index_cast %swap3A_758 : i32 to index
      %swap3A_760 = arith.constant 112 : index
      %swap3A_761 = tpu.vector_load %arg7[%swap3A_759, %swap3A_760] {strides = array<i32>} : memref<4x128xi32, #tpu.memory_space<vmem>>, vector<1x16xi32>,
      %swap3A_762 = vector.shape_cast %swap3A_761 : vector<1x16xi32> to vector<16xi32>
      %swap3A_763 = vector.shape_cast %and3A_754 : vector<16xi32> to vector<1x16xi32>
      tpu.vector_store %arg7[%swap3A_759, %swap3A_760], %swap3A_763 {strides = array<i32>} : memref<4x128xi32, #tpu.memory_space<vmem>>, vector<1x16xi32>,
      %swap3A_764 = arith.constant 2 : i32
      %swap3A_765 = arith.index_cast %swap3A_764 : i32 to index
      %swap3A_766 = arith.constant 112 : index
      %swap3A_767 = tpu.vector_load %arg8[%swap3A_765, %swap3A_766] {strides = array<i32>} : memref<4x128xi32, #tpu.memory_space<vmem>>, vector<1x16xi32>,
      %swap3A_768 = vector.shape_cast %swap3A_767 : vector<1x16xi32> to vector<16xi32>
      %swap3A_769 = vector.shape_cast %shift_right_arithmetic3A_757 : vector<16xi32> to vector<1x16xi32>
      tpu.vector_store %arg8[%swap3A_765, %swap3A_766], %swap3A_769 {strides = array<i32>} : memref<4x128xi32, #tpu.memory_space<vmem>>, vector<1x16xi32>,
      %dma_start3A_770 = arith.constant 2 : i32
      %dma_start3A_771 = arith.constant 0 : i32
      %dma_start3A_772 = tpu.memref_slice %arg7[%dma_start3A_770, %dma_start3A_771] : memref<4x128xi32, #tpu.memory_space<vmem>> -> memref<1x128xi32, #tpu.memory_space<vmem>>
      %dma_start3A_773 = tpu.memref_squeeze %dma_start3A_772 : memref<1x128xi32, #tpu.memory_space<vmem>> -> memref<128xi32, #tpu.memory_space<vmem>>
      %dma_start3A_774 = arith.constant 0 : i32
      %dma_start3A_775 = arith.constant 0 : i32
      %dma_start3A_776 = tpu.memref_slice %arg14[%dma_start3A_774, %dma_start3A_775] : memref<10240x64xf32, #tpu.memory_space<vmem_shared>> -> memref<10240x64xf32, #tpu.memory_space<vmem_shared>>
      tpu.enqueue_indirect_dma source(%dma_start3A_776 : memref<10240x64xf32, #tpu.memory_space<vmem_shared>>) target(%arg11 : memref<128x64xf32, #tpu.memory_space<vmem>>) offsets(%dma_start3A_773 : memref<128xi32, #tpu.memory_space<vmem>>) semaphore(%arg17 : memref<!tpu.dma_semaphore, #tpu.memory_space<semaphore_mem>>)
      %gt3A_777 = arith.constant 0 : i32
      %gt3A_778 = arith.cmpi sgt, %scan3A_207, %gt3A_777 : i32
      %convert_element_type3A_779 = arith.extui %gt3A_778 : i1 to i32
      %cond3A_780 = arith.constant 0 : i32
      %cond3A_781 = arith.cmpi ne, %convert_element_type3A_779, %cond3A_780 : i32
      scf.if %cond3A_781 {
        %dma_wait3A_1025 = arith.constant 0 : i32
        %dma_wait3A_1026 = arith.constant 0 : i32
        %dma_wait3A_1027 = tpu.memref_slice %arg8[%dma_wait3A_1025, %dma_wait3A_1026] : memref<4x128xi32, #tpu.memory_space<vmem>> -> memref<1x128xi32, #tpu.memory_space<vmem>>
        %dma_wait3A_1028 = tpu.memref_squeeze %dma_wait3A_1027 : memref<1x128xi32, #tpu.memory_space<vmem>> -> memref<128xi32, #tpu.memory_space<vmem>>
        %dma_wait3A_1029 = arith.constant 0 : i32
        %dma_wait3A_1030 = arith.constant 0 : i32
        %dma_wait3A_1031 = tpu.memref_slice %arg13[%dma_wait3A_1029, %dma_wait3A_1030] : memref<10240x64xf32, #tpu.memory_space<vmem_shared>> -> memref<10240x64xf32, #tpu.memory_space<vmem_shared>>
        tpu.wait_indirect_dma semaphore(%arg22 : memref<!tpu.dma_semaphore, #tpu.memory_space<semaphore_mem>>) src(%arg12 : memref<128x64xf32, #tpu.memory_space<vmem>>) dst(%dma_wait3A_1031 : memref<10240x64xf32, #tpu.memory_space<vmem_shared>>)
      } else {
      }
      %mul3A_782 = arith.constant 4 : i32
      %mul3A_783 = arith.muli %scan3A_207, %mul3A_782 : i32
      %add3A_784 = arith.constant 3 : i32
      %add3A_785 = arith.addi %mul3A_783, %add3A_784 : i32
      %get3A_786 = arith.index_cast %add3A_785 : i32 to index
      %get3A_787 = arith.constant 0 : index
      %get3A_788 = tpu.vector_load %arg6[%get3A_786, %get3A_787] {strides = array<i32>} : memref<80x128xi32, #tpu.memory_space<vmem>>, vector<1x16xi32>,
      %get3A_789 = vector.shape_cast %get3A_788 : vector<1x16xi32> to vector<16xi32>
      %and3A_790 = arith.constant 65535 : i32
      %and3A_791 = vector.broadcast %and3A_790 : i32 to vector<16xi32>
      %and3A_792 = arith.andi %get3A_789, %and3A_791 : vector<16xi32>
      %shift_right_arithmetic3A_793 = arith.constant 16 : i32
      %shift_right_arithmetic3A_794 = vector.broadcast %shift_right_arithmetic3A_793 : i32 to vector<16xi32>
      %shift_right_arithmetic3A_795 = arith.shrsi %get3A_789, %shift_right_arithmetic3A_794 : vector<16xi32>
      %swap3A_796 = arith.constant 3 : i32
      %swap3A_797 = arith.index_cast %swap3A_796 : i32 to index
      %swap3A_798 = arith.constant 0 : index
      %swap3A_799 = tpu.vector_load %arg7[%swap3A_797, %swap3A_798] {strides = array<i32>} : memref<4x128xi32, #tpu.memory_space<vmem>>, vector<1x16xi32>,
      %swap3A_800 = vector.shape_cast %swap3A_799 : vector<1x16xi32> to vector<16xi32>
      %swap3A_801 = vector.shape_cast %and3A_792 : vector<16xi32> to vector<1x16xi32>
      tpu.vector_store %arg7[%swap3A_797, %swap3A_798], %swap3A_801 {strides = array<i32>} : memref<4x128xi32, #tpu.memory_space<vmem>>, vector<1x16xi32>,
      %swap3A_802 = arith.constant 3 : i32
      %swap3A_803 = arith.index_cast %swap3A_802 : i32 to index
      %swap3A_804 = arith.constant 0 : index
      %swap3A_805 = tpu.vector_load %arg8[%swap3A_803, %swap3A_804] {strides = array<i32>} : memref<4x128xi32, #tpu.memory_space<vmem>>, vector<1x16xi32>,
      %swap3A_806 = vector.shape_cast %swap3A_805 : vector<1x16xi32> to vector<16xi32>
      %swap3A_807 = vector.shape_cast %shift_right_arithmetic3A_795 : vector<16xi32> to vector<1x16xi32>
      tpu.vector_store %arg8[%swap3A_803, %swap3A_804], %swap3A_807 {strides = array<i32>} : memref<4x128xi32, #tpu.memory_space<vmem>>, vector<1x16xi32>,
      %get3A_808 = arith.index_cast %add3A_785 : i32 to index
      %get3A_809 = arith.constant 16 : index
      %get3A_810 = tpu.vector_load %arg6[%get3A_808, %get3A_809] {strides = array<i32>} : memref<80x128xi32, #tpu.memory_space<vmem>>, vector<1x16xi32>,
      %get3A_811 = vector.shape_cast %get3A_810 : vector<1x16xi32> to vector<16xi32>
      %and3A_812 = arith.constant 65535 : i32
      %and3A_813 = vector.broadcast %and3A_812 : i32 to vector<16xi32>
      %and3A_814 = arith.andi %get3A_811, %and3A_813 : vector<16xi32>
      %shift_right_arithmetic3A_815 = arith.constant 16 : i32
      %shift_right_arithmetic3A_816 = vector.broadcast %shift_right_arithmetic3A_815 : i32 to vector<16xi32>
      %shift_right_arithmetic3A_817 = arith.shrsi %get3A_811, %shift_right_arithmetic3A_816 : vector<16xi32>
      %swap3A_818 = arith.constant 3 : i32
      %swap3A_819 = arith.index_cast %swap3A_818 : i32 to index
      %swap3A_820 = arith.constant 16 : index
      %swap3A_821 = tpu.vector_load %arg7[%swap3A_819, %swap3A_820] {strides = array<i32>} : memref<4x128xi32, #tpu.memory_space<vmem>>, vector<1x16xi32>,
      %swap3A_822 = vector.shape_cast %swap3A_821 : vector<1x16xi32> to vector<16xi32>
      %swap3A_823 = vector.shape_cast %and3A_814 : vector<16xi32> to vector<1x16xi32>
      tpu.vector_store %arg7[%swap3A_819, %swap3A_820], %swap3A_823 {strides = array<i32>} : memref<4x128xi32, #tpu.memory_space<vmem>>, vector<1x16xi32>,
      %swap3A_824 = arith.constant 3 : i32
      %swap3A_825 = arith.index_cast %swap3A_824 : i32 to index
      %swap3A_826 = arith.constant 16 : index
      %swap3A_827 = tpu.vector_load %arg8[%swap3A_825, %swap3A_826] {strides = array<i32>} : memref<4x128xi32, #tpu.memory_space<vmem>>, vector<1x16xi32>,
      %swap3A_828 = vector.shape_cast %swap3A_827 : vector<1x16xi32> to vector<16xi32>
      %swap3A_829 = vector.shape_cast %shift_right_arithmetic3A_817 : vector<16xi32> to vector<1x16xi32>
      tpu.vector_store %arg8[%swap3A_825, %swap3A_826], %swap3A_829 {strides = array<i32>} : memref<4x128xi32, #tpu.memory_space<vmem>>, vector<1x16xi32>,
      %get3A_830 = arith.index_cast %add3A_785 : i32 to index
      %get3A_831 = arith.constant 32 : index
      %get3A_832 = tpu.vector_load %arg6[%get3A_830, %get3A_831] {strides = array<i32>} : memref<80x128xi32, #tpu.memory_space<vmem>>, vector<1x16xi32>,
      %get3A_833 = vector.shape_cast %get3A_832 : vector<1x16xi32> to vector<16xi32>
      %and3A_834 = arith.constant 65535 : i32
      %and3A_835 = vector.broadcast %and3A_834 : i32 to vector<16xi32>
      %and3A_836 = arith.andi %get3A_833, %and3A_835 : vector<16xi32>
      %shift_right_arithmetic3A_837 = arith.constant 16 : i32
      %shift_right_arithmetic3A_838 = vector.broadcast %shift_right_arithmetic3A_837 : i32 to vector<16xi32>
      %shift_right_arithmetic3A_839 = arith.shrsi %get3A_833, %shift_right_arithmetic3A_838 : vector<16xi32>
      %swap3A_840 = arith.constant 3 : i32
      %swap3A_841 = arith.index_cast %swap3A_840 : i32 to index
      %swap3A_842 = arith.constant 32 : index
      %swap3A_843 = tpu.vector_load %arg7[%swap3A_841, %swap3A_842] {strides = array<i32>} : memref<4x128xi32, #tpu.memory_space<vmem>>, vector<1x16xi32>,
      %swap3A_844 = vector.shape_cast %swap3A_843 : vector<1x16xi32> to vector<16xi32>
      %swap3A_845 = vector.shape_cast %and3A_836 : vector<16xi32> to vector<1x16xi32>
      tpu.vector_store %arg7[%swap3A_841, %swap3A_842], %swap3A_845 {strides = array<i32>} : memref<4x128xi32, #tpu.memory_space<vmem>>, vector<1x16xi32>,
      %swap3A_846 = arith.constant 3 : i32
      %swap3A_847 = arith.index_cast %swap3A_846 : i32 to index
      %swap3A_848 = arith.constant 32 : index
      %swap3A_849 = tpu.vector_load %arg8[%swap3A_847, %swap3A_848] {strides = array<i32>} : memref<4x128xi32, #tpu.memory_space<vmem>>, vector<1x16xi32>,
      %swap3A_850 = vector.shape_cast %swap3A_849 : vector<1x16xi32> to vector<16xi32>
      %swap3A_851 = vector.shape_cast %shift_right_arithmetic3A_839 : vector<16xi32> to vector<1x16xi32>
      tpu.vector_store %arg8[%swap3A_847, %swap3A_848], %swap3A_851 {strides = array<i32>} : memref<4x128xi32, #tpu.memory_space<vmem>>, vector<1x16xi32>,
      %get3A_852 = arith.index_cast %add3A_785 : i32 to index
      %get3A_853 = arith.constant 48 : index
      %get3A_854 = tpu.vector_load %arg6[%get3A_852, %get3A_853] {strides = array<i32>} : memref<80x128xi32, #tpu.memory_space<vmem>>, vector<1x16xi32>,
      %get3A_855 = vector.shape_cast %get3A_854 : vector<1x16xi32> to vector<16xi32>
      %and3A_856 = arith.constant 65535 : i32
      %and3A_857 = vector.broadcast %and3A_856 : i32 to vector<16xi32>
      %and3A_858 = arith.andi %get3A_855, %and3A_857 : vector<16xi32>
      %shift_right_arithmetic3A_859 = arith.constant 16 : i32
      %shift_right_arithmetic3A_860 = vector.broadcast %shift_right_arithmetic3A_859 : i32 to vector<16xi32>
      %shift_right_arithmetic3A_861 = arith.shrsi %get3A_855, %shift_right_arithmetic3A_860 : vector<16xi32>
      %swap3A_862 = arith.constant 3 : i32
      %swap3A_863 = arith.index_cast %swap3A_862 : i32 to index
      %swap3A_864 = arith.constant 48 : index
      %swap3A_865 = tpu.vector_load %arg7[%swap3A_863, %swap3A_864] {strides = array<i32>} : memref<4x128xi32, #tpu.memory_space<vmem>>, vector<1x16xi32>,
      %swap3A_866 = vector.shape_cast %swap3A_865 : vector<1x16xi32> to vector<16xi32>
      %swap3A_867 = vector.shape_cast %and3A_858 : vector<16xi32> to vector<1x16xi32>
      tpu.vector_store %arg7[%swap3A_863, %swap3A_864], %swap3A_867 {strides = array<i32>} : memref<4x128xi32, #tpu.memory_space<vmem>>, vector<1x16xi32>,
      %swap3A_868 = arith.constant 3 : i32
      %swap3A_869 = arith.index_cast %swap3A_868 : i32 to index
      %swap3A_870 = arith.constant 48 : index
      %swap3A_871 = tpu.vector_load %arg8[%swap3A_869, %swap3A_870] {strides = array<i32>} : memref<4x128xi32, #tpu.memory_space<vmem>>, vector<1x16xi32>,
      %swap3A_872 = vector.shape_cast %swap3A_871 : vector<1x16xi32> to vector<16xi32>
      %swap3A_873 = vector.shape_cast %shift_right_arithmetic3A_861 : vector<16xi32> to vector<1x16xi32>
      tpu.vector_store %arg8[%swap3A_869, %swap3A_870], %swap3A_873 {strides = array<i32>} : memref<4x128xi32, #tpu.memory_space<vmem>>, vector<1x16xi32>,
      %get3A_874 = arith.index_cast %add3A_785 : i32 to index
      %get3A_875 = arith.constant 64 : index
      %get3A_876 = tpu.vector_load %arg6[%get3A_874, %get3A_875] {strides = array<i32>} : memref<80x128xi32, #tpu.memory_space<vmem>>, vector<1x16xi32>,
      %get3A_877 = vector.shape_cast %get3A_876 : vector<1x16xi32> to vector<16xi32>
      %and3A_878 = arith.constant 65535 : i32
      %and3A_879 = vector.broadcast %and3A_878 : i32 to vector<16xi32>
      %and3A_880 = arith.andi %get3A_877, %and3A_879 : vector<16xi32>
      %shift_right_arithmetic3A_881 = arith.constant 16 : i32
      %shift_right_arithmetic3A_882 = vector.broadcast %shift_right_arithmetic3A_881 : i32 to vector<16xi32>
      %shift_right_arithmetic3A_883 = arith.shrsi %get3A_877, %shift_right_arithmetic3A_882 : vector<16xi32>
      %swap3A_884 = arith.constant 3 : i32
      %swap3A_885 = arith.index_cast %swap3A_884 : i32 to index
      %swap3A_886 = arith.constant 64 : index
      %swap3A_887 = tpu.vector_load %arg7[%swap3A_885, %swap3A_886] {strides = array<i32>} : memref<4x128xi32, #tpu.memory_space<vmem>>, vector<1x16xi32>,
      %swap3A_888 = vector.shape_cast %swap3A_887 : vector<1x16xi32> to vector<16xi32>
      %swap3A_889 = vector.shape_cast %and3A_880 : vector<16xi32> to vector<1x16xi32>
      tpu.vector_store %arg7[%swap3A_885, %swap3A_886], %swap3A_889 {strides = array<i32>} : memref<4x128xi32, #tpu.memory_space<vmem>>, vector<1x16xi32>,
      %swap3A_890 = arith.constant 3 : i32
      %swap3A_891 = arith.index_cast %swap3A_890 : i32 to index
      %swap3A_892 = arith.constant 64 : index
      %swap3A_893 = tpu.vector_load %arg8[%swap3A_891, %swap3A_892] {strides = array<i32>} : memref<4x128xi32, #tpu.memory_space<vmem>>, vector<1x16xi32>,
      %swap3A_894 = vector.shape_cast %swap3A_893 : vector<1x16xi32> to vector<16xi32>
      %swap3A_895 = vector.shape_cast %shift_right_arithmetic3A_883 : vector<16xi32> to vector<1x16xi32>
      tpu.vector_store %arg8[%swap3A_891, %swap3A_892], %swap3A_895 {strides = array<i32>} : memref<4x128xi32, #tpu.memory_space<vmem>>, vector<1x16xi32>,
      %get3A_896 = arith.index_cast %add3A_785 : i32 to index
      %get3A_897 = arith.constant 80 : index
      %get3A_898 = tpu.vector_load %arg6[%get3A_896, %get3A_897] {strides = array<i32>} : memref<80x128xi32, #tpu.memory_space<vmem>>, vector<1x16xi32>,
      %get3A_899 = vector.shape_cast %get3A_898 : vector<1x16xi32> to vector<16xi32>
      %and3A_900 = arith.constant 65535 : i32
      %and3A_901 = vector.broadcast %and3A_900 : i32 to vector<16xi32>
      %and3A_902 = arith.andi %get3A_899, %and3A_901 : vector<16xi32>
      %shift_right_arithmetic3A_903 = arith.constant 16 : i32
      %shift_right_arithmetic3A_904 = vector.broadcast %shift_right_arithmetic3A_903 : i32 to vector<16xi32>
      %shift_right_arithmetic3A_905 = arith.shrsi %get3A_899, %shift_right_arithmetic3A_904 : vector<16xi32>
      %swap3A_906 = arith.constant 3 : i32
      %swap3A_907 = arith.index_cast %swap3A_906 : i32 to index
      %swap3A_908 = arith.constant 80 : index
      %swap3A_909 = tpu.vector_load %arg7[%swap3A_907, %swap3A_908] {strides = array<i32>} : memref<4x128xi32, #tpu.memory_space<vmem>>, vector<1x16xi32>,
      %swap3A_910 = vector.shape_cast %swap3A_909 : vector<1x16xi32> to vector<16xi32>
      %swap3A_911 = vector.shape_cast %and3A_902 : vector<16xi32> to vector<1x16xi32>
      tpu.vector_store %arg7[%swap3A_907, %swap3A_908], %swap3A_911 {strides = array<i32>} : memref<4x128xi32, #tpu.memory_space<vmem>>, vector<1x16xi32>,
      %swap3A_912 = arith.constant 3 : i32
      %swap3A_913 = arith.index_cast %swap3A_912 : i32 to index
      %swap3A_914 = arith.constant 80 : index
      %swap3A_915 = tpu.vector_load %arg8[%swap3A_913, %swap3A_914] {strides = array<i32>} : memref<4x128xi32, #tpu.memory_space<vmem>>, vector<1x16xi32>,
      %swap3A_916 = vector.shape_cast %swap3A_915 : vector<1x16xi32> to vector<16xi32>
      %swap3A_917 = vector.shape_cast %shift_right_arithmetic3A_905 : vector<16xi32> to vector<1x16xi32>
      tpu.vector_store %arg8[%swap3A_913, %swap3A_914], %swap3A_917 {strides = array<i32>} : memref<4x128xi32, #tpu.memory_space<vmem>>, vector<1x16xi32>,
      %get3A_918 = arith.index_cast %add3A_785 : i32 to index
      %get3A_919 = arith.constant 96 : index
      %get3A_920 = tpu.vector_load %arg6[%get3A_918, %get3A_919] {strides = array<i32>} : memref<80x128xi32, #tpu.memory_space<vmem>>, vector<1x16xi32>,
      %get3A_921 = vector.shape_cast %get3A_920 : vector<1x16xi32> to vector<16xi32>
      %and3A_922 = arith.constant 65535 : i32
      %and3A_923 = vector.broadcast %and3A_922 : i32 to vector<16xi32>
      %and3A_924 = arith.andi %get3A_921, %and3A_923 : vector<16xi32>
      %shift_right_arithmetic3A_925 = arith.constant 16 : i32
      %shift_right_arithmetic3A_926 = vector.broadcast %shift_right_arithmetic3A_925 : i32 to vector<16xi32>
      %shift_right_arithmetic3A_927 = arith.shrsi %get3A_921, %shift_right_arithmetic3A_926 : vector<16xi32>
      %swap3A_928 = arith.constant 3 : i32
      %swap3A_929 = arith.index_cast %swap3A_928 : i32 to index
      %swap3A_930 = arith.constant 96 : index
      %swap3A_931 = tpu.vector_load %arg7[%swap3A_929, %swap3A_930] {strides = array<i32>} : memref<4x128xi32, #tpu.memory_space<vmem>>, vector<1x16xi32>,
      %swap3A_932 = vector.shape_cast %swap3A_931 : vector<1x16xi32> to vector<16xi32>
      %swap3A_933 = vector.shape_cast %and3A_924 : vector<16xi32> to vector<1x16xi32>
      tpu.vector_store %arg7[%swap3A_929, %swap3A_930], %swap3A_933 {strides = array<i32>} : memref<4x128xi32, #tpu.memory_space<vmem>>, vector<1x16xi32>,
      %swap3A_934 = arith.constant 3 : i32
      %swap3A_935 = arith.index_cast %swap3A_934 : i32 to index
      %swap3A_936 = arith.constant 96 : index
      %swap3A_937 = tpu.vector_load %arg8[%swap3A_935, %swap3A_936] {strides = array<i32>} : memref<4x128xi32, #tpu.memory_space<vmem>>, vector<1x16xi32>,
      %swap3A_938 = vector.shape_cast %swap3A_937 : vector<1x16xi32> to vector<16xi32>
      %swap3A_939 = vector.shape_cast %shift_right_arithmetic3A_927 : vector<16xi32> to vector<1x16xi32>
      tpu.vector_store %arg8[%swap3A_935, %swap3A_936], %swap3A_939 {strides = array<i32>} : memref<4x128xi32, #tpu.memory_space<vmem>>, vector<1x16xi32>,
      %get3A_940 = arith.index_cast %add3A_785 : i32 to index
      %get3A_941 = arith.constant 112 : index
      %get3A_942 = tpu.vector_load %arg6[%get3A_940, %get3A_941] {strides = array<i32>} : memref<80x128xi32, #tpu.memory_space<vmem>>, vector<1x16xi32>,
      %get3A_943 = vector.shape_cast %get3A_942 : vector<1x16xi32> to vector<16xi32>
      %and3A_944 = arith.constant 65535 : i32
      %and3A_945 = vector.broadcast %and3A_944 : i32 to vector<16xi32>
      %and3A_946 = arith.andi %get3A_943, %and3A_945 : vector<16xi32>
      %shift_right_arithmetic3A_947 = arith.constant 16 : i32
      %shift_right_arithmetic3A_948 = vector.broadcast %shift_right_arithmetic3A_947 : i32 to vector<16xi32>
      %shift_right_arithmetic3A_949 = arith.shrsi %get3A_943, %shift_right_arithmetic3A_948 : vector<16xi32>
      %swap3A_950 = arith.constant 3 : i32
      %swap3A_951 = arith.index_cast %swap3A_950 : i32 to index
      %swap3A_952 = arith.constant 112 : index
      %swap3A_953 = tpu.vector_load %arg7[%swap3A_951, %swap3A_952] {strides = array<i32>} : memref<4x128xi32, #tpu.memory_space<vmem>>, vector<1x16xi32>,
      %swap3A_954 = vector.shape_cast %swap3A_953 : vector<1x16xi32> to vector<16xi32>
      %swap3A_955 = vector.shape_cast %and3A_946 : vector<16xi32> to vector<1x16xi32>
      tpu.vector_store %arg7[%swap3A_951, %swap3A_952], %swap3A_955 {strides = array<i32>} : memref<4x128xi32, #tpu.memory_space<vmem>>, vector<1x16xi32>,
      %swap3A_956 = arith.constant 3 : i32
      %swap3A_957 = arith.index_cast %swap3A_956 : i32 to index
      %swap3A_958 = arith.constant 112 : index
      %swap3A_959 = tpu.vector_load %arg8[%swap3A_957, %swap3A_958] {strides = array<i32>} : memref<4x128xi32, #tpu.memory_space<vmem>>, vector<1x16xi32>,
      %swap3A_960 = vector.shape_cast %swap3A_959 : vector<1x16xi32> to vector<16xi32>
      %swap3A_961 = vector.shape_cast %shift_right_arithmetic3A_949 : vector<16xi32> to vector<1x16xi32>
      tpu.vector_store %arg8[%swap3A_957, %swap3A_958], %swap3A_961 {strides = array<i32>} : memref<4x128xi32, #tpu.memory_space<vmem>>, vector<1x16xi32>,
      %dma_start3A_962 = arith.constant 3 : i32
      %dma_start3A_963 = arith.constant 0 : i32
      %dma_start3A_964 = tpu.memref_slice %arg7[%dma_start3A_962, %dma_start3A_963] : memref<4x128xi32, #tpu.memory_space<vmem>> -> memref<1x128xi32, #tpu.memory_space<vmem>>
      %dma_start3A_965 = tpu.memref_squeeze %dma_start3A_964 : memref<1x128xi32, #tpu.memory_space<vmem>> -> memref<128xi32, #tpu.memory_space<vmem>>
      %dma_start3A_966 = arith.constant 0 : i32
      %dma_start3A_967 = arith.constant 0 : i32
      %dma_start3A_968 = tpu.memref_slice %arg14[%dma_start3A_966, %dma_start3A_967] : memref<10240x64xf32, #tpu.memory_space<vmem_shared>> -> memref<10240x64xf32, #tpu.memory_space<vmem_shared>>
      tpu.enqueue_indirect_dma source(%dma_start3A_968 : memref<10240x64xf32, #tpu.memory_space<vmem_shared>>) target(%arg12 : memref<128x64xf32, #tpu.memory_space<vmem>>) offsets(%dma_start3A_965 : memref<128xi32, #tpu.memory_space<vmem>>) semaphore(%arg18 : memref<!tpu.dma_semaphore, #tpu.memory_space<semaphore_mem>>)
      %dma_wait3A_969 = arith.constant 0 : i32
      %dma_wait3A_970 = arith.constant 0 : i32
      %dma_wait3A_971 = tpu.memref_slice %arg7[%dma_wait3A_969, %dma_wait3A_970] : memref<4x128xi32, #tpu.memory_space<vmem>> -> memref<1x128xi32, #tpu.memory_space<vmem>>
      %dma_wait3A_972 = tpu.memref_squeeze %dma_wait3A_971 : memref<1x128xi32, #tpu.memory_space<vmem>> -> memref<128xi32, #tpu.memory_space<vmem>>
      %dma_wait3A_973 = arith.constant 0 : i32
      %dma_wait3A_974 = arith.constant 0 : i32
      %dma_wait3A_975 = tpu.memref_slice %arg14[%dma_wait3A_973, %dma_wait3A_974] : memref<10240x64xf32, #tpu.memory_space<vmem_shared>> -> memref<10240x64xf32, #tpu.memory_space<vmem_shared>>
      tpu.wait_indirect_dma semaphore(%arg15 : memref<!tpu.dma_semaphore, #tpu.memory_space<semaphore_mem>>) src(%dma_wait3A_975 : memref<10240x64xf32, #tpu.memory_space<vmem_shared>>) dst(%arg9 : memref<128x64xf32, #tpu.memory_space<vmem>>)
      %dma_start3A_976 = arith.constant 0 : i32
      %dma_start3A_977 = arith.constant 0 : i32
      %dma_start3A_978 = tpu.memref_slice %arg8[%dma_start3A_976, %dma_start3A_977] : memref<4x128xi32, #tpu.memory_space<vmem>> -> memref<1x128xi32, #tpu.memory_space<vmem>>
      %dma_start3A_979 = tpu.memref_squeeze %dma_start3A_978 : memref<1x128xi32, #tpu.memory_space<vmem>> -> memref<128xi32, #tpu.memory_space<vmem>>
      %dma_start3A_980 = arith.constant 0 : i32
      %dma_start3A_981 = arith.constant 0 : i32
      %dma_start3A_982 = tpu.memref_slice %arg13[%dma_start3A_980, %dma_start3A_981] : memref<10240x64xf32, #tpu.memory_space<vmem_shared>> -> memref<10240x64xf32, #tpu.memory_space<vmem_shared>>
      tpu.enqueue_indirect_dma source(%arg9 : memref<128x64xf32, #tpu.memory_space<vmem>>) target(%dma_start3A_982 : memref<10240x64xf32, #tpu.memory_space<vmem_shared>>) offsets(%dma_start3A_979 : memref<128xi32, #tpu.memory_space<vmem>>) semaphore(%arg19 : memref<!tpu.dma_semaphore, #tpu.memory_space<semaphore_mem>>) {add = true}
      %dma_wait3A_983 = arith.constant 0 : i32
      %dma_wait3A_984 = arith.constant 0 : i32
      %dma_wait3A_985 = tpu.memref_slice %arg7[%dma_wait3A_983, %dma_wait3A_984] : memref<4x128xi32, #tpu.memory_space<vmem>> -> memref<1x128xi32, #tpu.memory_space<vmem>>
      %dma_wait3A_986 = tpu.memref_squeeze %dma_wait3A_985 : memref<1x128xi32, #tpu.memory_space<vmem>> -> memref<128xi32, #tpu.memory_space<vmem>>
      %dma_wait3A_987 = arith.constant 0 : i32
      %dma_wait3A_988 = arith.constant 0 : i32
      %dma_wait3A_989 = tpu.memref_slice %arg14[%dma_wait3A_987, %dma_wait3A_988] : memref<10240x64xf32, #tpu.memory_space<vmem_shared>> -> memref<10240x64xf32, #tpu.memory_space<vmem_shared>>
      tpu.wait_indirect_dma semaphore(%arg16 : memref<!tpu.dma_semaphore, #tpu.memory_space<semaphore_mem>>) src(%dma_wait3A_989 : memref<10240x64xf32, #tpu.memory_space<vmem_shared>>) dst(%arg10 : memref<128x64xf32, #tpu.memory_space<vmem>>)
      %dma_start3A_990 = arith.constant 1 : i32
      %dma_start3A_991 = arith.constant 0 : i32
      %dma_start3A_992 = tpu.memref_slice %arg8[%dma_start3A_990, %dma_start3A_991] : memref<4x128xi32, #tpu.memory_space<vmem>> -> memref<1x128xi32, #tpu.memory_space<vmem>>
      %dma_start3A_993 = tpu.memref_squeeze %dma_start3A_992 : memref<1x128xi32, #tpu.memory_space<vmem>> -> memref<128xi32, #tpu.memory_space<vmem>>
      %dma_start3A_994 = arith.constant 0 : i32
      %dma_start3A_995 = arith.constant 0 : i32
      %dma_start3A_996 = tpu.memref_slice %arg13[%dma_start3A_994, %dma_start3A_995] : memref<10240x64xf32, #tpu.memory_space<vmem_shared>> -> memref<10240x64xf32, #tpu.memory_space<vmem_shared>>
      tpu.enqueue_indirect_dma source(%arg10 : memref<128x64xf32, #tpu.memory_space<vmem>>) target(%dma_start3A_996 : memref<10240x64xf32, #tpu.memory_space<vmem_shared>>) offsets(%dma_start3A_993 : memref<128xi32, #tpu.memory_space<vmem>>) semaphore(%arg20 : memref<!tpu.dma_semaphore, #tpu.memory_space<semaphore_mem>>) {add = true}
      %dma_wait3A_997 = arith.constant 0 : i32
      %dma_wait3A_998 = arith.constant 0 : i32
      %dma_wait3A_999 = tpu.memref_slice %arg7[%dma_wait3A_997, %dma_wait3A_998] : memref<4x128xi32, #tpu.memory_space<vmem>> -> memref<1x128xi32, #tpu.memory_space<vmem>>
      %dma_wait3A_1000 = tpu.memref_squeeze %dma_wait3A_999 : memref<1x128xi32, #tpu.memory_space<vmem>> -> memref<128xi32, #tpu.memory_space<vmem>>
      %dma_wait3A_1001 = arith.constant 0 : i32
      %dma_wait3A_1002 = arith.constant 0 : i32
      %dma_wait3A_1003 = tpu.memref_slice %arg14[%dma_wait3A_1001, %dma_wait3A_1002] : memref<10240x64xf32, #tpu.memory_space<vmem_shared>> -> memref<10240x64xf32, #tpu.memory_space<vmem_shared>>
      tpu.wait_indirect_dma semaphore(%arg17 : memref<!tpu.dma_semaphore, #tpu.memory_space<semaphore_mem>>) src(%dma_wait3A_1003 : memref<10240x64xf32, #tpu.memory_space<vmem_shared>>) dst(%arg11 : memref<128x64xf32, #tpu.memory_space<vmem>>)
      %dma_start3A_1004 = arith.constant 2 : i32
      %dma_start3A_1005 = arith.constant 0 : i32
      %dma_start3A_1006 = tpu.memref_slice %arg8[%dma_start3A_1004, %dma_start3A_1005] : memref<4x128xi32, #tpu.memory_space<vmem>> -> memref<1x128xi32, #tpu.memory_space<vmem>>
      %dma_start3A_1007 = tpu.memref_squeeze %dma_start3A_1006 : memref<1x128xi32, #tpu.memory_space<vmem>> -> memref<128xi32, #tpu.memory_space<vmem>>
      %dma_start3A_1008 = arith.constant 0 : i32
      %dma_start3A_1009 = arith.constant 0 : i32
      %dma_start3A_1010 = tpu.memref_slice %arg13[%dma_start3A_1008, %dma_start3A_1009] : memref<10240x64xf32, #tpu.memory_space<vmem_shared>> -> memref<10240x64xf32, #tpu.memory_space<vmem_shared>>
      tpu.enqueue_indirect_dma source(%arg11 : memref<128x64xf32, #tpu.memory_space<vmem>>) target(%dma_start3A_1010 : memref<10240x64xf32, #tpu.memory_space<vmem_shared>>) offsets(%dma_start3A_1007 : memref<128xi32, #tpu.memory_space<vmem>>) semaphore(%arg21 : memref<!tpu.dma_semaphore, #tpu.memory_space<semaphore_mem>>) {add = true}
      %dma_wait3A_1011 = arith.constant 0 : i32
      %dma_wait3A_1012 = arith.constant 0 : i32
      %dma_wait3A_1013 = tpu.memref_slice %arg7[%dma_wait3A_1011, %dma_wait3A_1012] : memref<4x128xi32, #tpu.memory_space<vmem>> -> memref<1x128xi32, #tpu.memory_space<vmem>>
      %dma_wait3A_1014 = tpu.memref_squeeze %dma_wait3A_1013 : memref<1x128xi32, #tpu.memory_space<vmem>> -> memref<128xi32, #tpu.memory_space<vmem>>
      %dma_wait3A_1015 = arith.constant 0 : i32
      %dma_wait3A_1016 = arith.constant 0 : i32
      %dma_wait3A_1017 = tpu.memref_slice %arg14[%dma_wait3A_1015, %dma_wait3A_1016] : memref<10240x64xf32, #tpu.memory_space<vmem_shared>> -> memref<10240x64xf32, #tpu.memory_space<vmem_shared>>
      tpu.wait_indirect_dma semaphore(%arg18 : memref<!tpu.dma_semaphore, #tpu.memory_space<semaphore_mem>>) src(%dma_wait3A_1017 : memref<10240x64xf32, #tpu.memory_space<vmem_shared>>) dst(%arg12 : memref<128x64xf32, #tpu.memory_space<vmem>>)
      %dma_start3A_1018 = arith.constant 3 : i32
      %dma_start3A_1019 = arith.constant 0 : i32
      %dma_start3A_1020 = tpu.memref_slice %arg8[%dma_start3A_1018, %dma_start3A_1019] : memref<4x128xi32, #tpu.memory_space<vmem>> -> memref<1x128xi32, #tpu.memory_space<vmem>>
      %dma_start3A_1021 = tpu.memref_squeeze %dma_start3A_1020 : memref<1x128xi32, #tpu.memory_space<vmem>> -> memref<128xi32, #tpu.memory_space<vmem>>
      %dma_start3A_1022 = arith.constant 0 : i32
      %dma_start3A_1023 = arith.constant 0 : i32
      %dma_start3A_1024 = tpu.memref_slice %arg13[%dma_start3A_1022, %dma_start3A_1023] : memref<10240x64xf32, #tpu.memory_space<vmem_shared>> -> memref<10240x64xf32, #tpu.memory_space<vmem_shared>>
      tpu.enqueue_indirect_dma source(%arg12 : memref<128x64xf32, #tpu.memory_space<vmem>>) target(%dma_start3A_1024 : memref<10240x64xf32, #tpu.memory_space<vmem_shared>>) offsets(%dma_start3A_1021 : memref<128xi32, #tpu.memory_space<vmem>>) semaphore(%arg22 : memref<!tpu.dma_semaphore, #tpu.memory_space<semaphore_mem>>) {add = true}
    }
    %scan3A_29 = arith.constant 20 : i32
    %dma_wait3A = arith.constant 0 : i32
    %dma_wait3A_30 = arith.constant 0 : i32
    %dma_wait3A_31 = tpu.memref_slice %arg8[%dma_wait3A, %dma_wait3A_30] : memref<4x128xi32, #tpu.memory_space<vmem>> -> memref<1x128xi32, #tpu.memory_space<vmem>>
    %dma_wait3A_32 = tpu.memref_squeeze %dma_wait3A_31 : memref<1x128xi32, #tpu.memory_space<vmem>> -> memref<128xi32, #tpu.memory_space<vmem>>
    %dma_wait3A_33 = arith.constant 0 : i32
    %dma_wait3A_34 = arith.constant 0 : i32
    %dma_wait3A_35 = tpu.memref_slice %arg13[%dma_wait3A_33, %dma_wait3A_34] : memref<10240x64xf32, #tpu.memory_space<vmem_shared>> -> memref<10240x64xf32, #tpu.memory_space<vmem_shared>>
    tpu.wait_indirect_dma semaphore(%arg19 : memref<!tpu.dma_semaphore, #tpu.memory_space<semaphore_mem>>) src(%arg9 : memref<128x64xf32, #tpu.memory_space<vmem>>) dst(%dma_wait3A_35 : memref<10240x64xf32, #tpu.memory_space<vmem_shared>>)
    %dma_wait3A_36 = arith.constant 0 : i32
    %dma_wait3A_37 = arith.constant 0 : i32
    %dma_wait3A_38 = tpu.memref_slice %arg8[%dma_wait3A_36, %dma_wait3A_37] : memref<4x128xi32, #tpu.memory_space<vmem>> -> memref<1x128xi32, #tpu.memory_space<vmem>>
    %dma_wait3A_39 = tpu.memref_squeeze %dma_wait3A_38 : memref<1x128xi32, #tpu.memory_space<vmem>> -> memref<128xi32, #tpu.memory_space<vmem>>
    %dma_wait3A_40 = arith.constant 0 : i32
    %dma_wait3A_41 = arith.constant 0 : i32
    %dma_wait3A_42 = tpu.memref_slice %arg13[%dma_wait3A_40, %dma_wait3A_41] : memref<10240x64xf32, #tpu.memory_space<vmem_shared>> -> memref<10240x64xf32, #tpu.memory_space<vmem_shared>>
    tpu.wait_indirect_dma semaphore(%arg20 : memref<!tpu.dma_semaphore, #tpu.memory_space<semaphore_mem>>) src(%arg10 : memref<128x64xf32, #tpu.memory_space<vmem>>) dst(%dma_wait3A_42 : memref<10240x64xf32, #tpu.memory_space<vmem_shared>>)
    %dma_wait3A_43 = arith.constant 0 : i32
    %dma_wait3A_44 = arith.constant 0 : i32
    %dma_wait3A_45 = tpu.memref_slice %arg8[%dma_wait3A_43, %dma_wait3A_44] : memref<4x128xi32, #tpu.memory_space<vmem>> -> memref<1x128xi32, #tpu.memory_space<vmem>>
    %dma_wait3A_46 = tpu.memref_squeeze %dma_wait3A_45 : memref<1x128xi32, #tpu.memory_space<vmem>> -> memref<128xi32, #tpu.memory_space<vmem>>
    %dma_wait3A_47 = arith.constant 0 : i32
    %dma_wait3A_48 = arith.constant 0 : i32
    %dma_wait3A_49 = tpu.memref_slice %arg13[%dma_wait3A_47, %dma_wait3A_48] : memref<10240x64xf32, #tpu.memory_space<vmem_shared>> -> memref<10240x64xf32, #tpu.memory_space<vmem_shared>>
    tpu.wait_indirect_dma semaphore(%arg21 : memref<!tpu.dma_semaphore, #tpu.memory_space<semaphore_mem>>) src(%arg11 : memref<128x64xf32, #tpu.memory_space<vmem>>) dst(%dma_wait3A_49 : memref<10240x64xf32, #tpu.memory_space<vmem_shared>>)
    %dma_wait3A_50 = arith.constant 0 : i32
    %dma_wait3A_51 = arith.constant 0 : i32
    %dma_wait3A_52 = tpu.memref_slice %arg8[%dma_wait3A_50, %dma_wait3A_51] : memref<4x128xi32, #tpu.memory_space<vmem>> -> memref<1x128xi32, #tpu.memory_space<vmem>>
    %dma_wait3A_53 = tpu.memref_squeeze %dma_wait3A_52 : memref<1x128xi32, #tpu.memory_space<vmem>> -> memref<128xi32, #tpu.memory_space<vmem>>
    %dma_wait3A_54 = arith.constant 0 : i32
    %dma_wait3A_55 = arith.constant 0 : i32
    %dma_wait3A_56 = tpu.memref_slice %arg13[%dma_wait3A_54, %dma_wait3A_55] : memref<10240x64xf32, #tpu.memory_space<vmem_shared>> -> memref<10240x64xf32, #tpu.memory_space<vmem_shared>>
    tpu.wait_indirect_dma semaphore(%arg22 : memref<!tpu.dma_semaphore, #tpu.memory_space<semaphore_mem>>) src(%arg12 : memref<128x64xf32, #tpu.memory_space<vmem>>) dst(%dma_wait3A_56 : memref<10240x64xf32, #tpu.memory_space<vmem_shared>>)
    %barrier3A_57 = arith.constant 0 : index
    tpu.barrier barrier_id(%barrier3A_57)
    %mul3A_58 = arith.constant 640 : i32
    %mul3A_59 = arith.muli %arg1, %mul3A_58 : i32
    %add3A_60 = arith.constant 0 : i32
    %add3A_61 = arith.addi %mul3A_59, %add3A_60 : i32
    "tpu.region"() ({
      %run_scoped3A = tpu.sem_alloc : memref<!tpu.dma_semaphore, #tpu.memory_space<semaphore_mem>>
      %dma_start3A_207 = arith.constant 0 : i32
      %dma_start3A_208 = arith.constant 0 : i32
      %dma_start3A_209 = tpu.memref_slice %arg9[%dma_start3A_207, %dma_start3A_208] : memref<128x64xf32, #tpu.memory_space<vmem>> -> memref<128x64xf32, #tpu.memory_space<vmem>>
      %dma_start3A_210 = arith.constant 0 : i32
      %dma_start3A_211 = tpu.memref_slice %arg13[%add3A_61, %dma_start3A_210] : memref<10240x64xf32, #tpu.memory_space<vmem_shared>> -> memref<128x64xf32, #tpu.memory_space<vmem_shared>>
      %dma_start3A_212 = arith.constant 0 : i32
      %dma_start3A_213 = arith.constant 0 : i32
      %dma_start3A_214 = tpu.memref_slice %arg9[%dma_start3A_212, %dma_start3A_213] : memref<128x64xf32, #tpu.memory_space<vmem>> -> memref<128x64xf32, #tpu.memory_space<vmem>>
      %dma_start3A_215 = arith.constant 0 : i32
      %dma_start3A_216 = tpu.memref_slice %arg13[%add3A_61, %dma_start3A_215] : memref<10240x64xf32, #tpu.memory_space<vmem_shared>> -> memref<128x64xf32, #tpu.memory_space<vmem_shared>>
      tpu.enqueue_dma source(%dma_start3A_216 : memref<128x64xf32, #tpu.memory_space<vmem_shared>>) target(%dma_start3A_214 : memref<128x64xf32, #tpu.memory_space<vmem>>) target_semaphore(%run_scoped3A : memref<!tpu.dma_semaphore, #tpu.memory_space<semaphore_mem>>)
      %dma_wait3A_217 = arith.constant 0 : i32
      %dma_wait3A_218 = arith.constant 0 : i32
      %dma_wait3A_219 = tpu.memref_slice %arg9[%dma_wait3A_217, %dma_wait3A_218] : memref<128x64xf32, #tpu.memory_space<vmem>> -> memref<128x64xf32, #tpu.memory_space<vmem>>
      %dma_wait3A_220 = arith.constant 0 : i32
      %dma_wait3A_221 = tpu.memref_slice %arg13[%add3A_61, %dma_wait3A_220] : memref<10240x64xf32, #tpu.memory_space<vmem_shared>> -> memref<128x64xf32, #tpu.memory_space<vmem_shared>>
      %dma_wait3A_222 = arith.constant 0 : i32
      %dma_wait3A_223 = arith.constant 0 : i32
      %dma_wait3A_224 = tpu.memref_slice %arg9[%dma_wait3A_222, %dma_wait3A_223] : memref<128x64xf32, #tpu.memory_space<vmem>> -> memref<128x64xf32, #tpu.memory_space<vmem>>
      %dma_wait3A_225 = arith.constant 0 : i32
      %dma_wait3A_226 = tpu.memref_slice %arg13[%add3A_61, %dma_wait3A_225] : memref<10240x64xf32, #tpu.memory_space<vmem_shared>> -> memref<128x64xf32, #tpu.memory_space<vmem_shared>>
      tpu.wait_dma2 semaphore(%run_scoped3A : memref<!tpu.dma_semaphore, #tpu.memory_space<semaphore_mem>>) src(%dma_wait3A_226 : memref<128x64xf32, #tpu.memory_space<vmem_shared>>) dst(%dma_wait3A_224 : memref<128x64xf32, #tpu.memory_space<vmem>>)
      tpu.yield
    }) : () -> ()
    %dma_start3A = arith.constant 0 : i32
    %dma_start3A_62 = arith.constant 0 : i32
    %dma_start3A_63 = tpu.memref_slice %arg9[%dma_start3A, %dma_start3A_62] : memref<128x64xf32, #tpu.memory_space<vmem>> -> memref<128x64xf32, #tpu.memory_space<vmem>>
    %dma_start3A_64 = arith.constant 0 : i32
    %dma_start3A_65 = tpu.memref_slice %arg5[%arg0, %add3A_61, %dma_start3A_64] : memref<2x10240x64xf32, #tpu.memory_space<hbm>> -> memref<1x128x64xf32, #tpu.memory_space<hbm>>
    %dma_start3A_66 = tpu.memref_squeeze %dma_start3A_65 : memref<1x128x64xf32, #tpu.memory_space<hbm>> -> memref<128x64xf32, #tpu.memory_space<hbm>>
    %dma_start3A_67 = arith.constant 0 : i32
    %dma_start3A_68 = tpu.memref_slice %arg5[%arg0, %add3A_61, %dma_start3A_67] : memref<2x10240x64xf32, #tpu.memory_space<hbm>> -> memref<1x128x64xf32, #tpu.memory_space<hbm>>
    %dma_start3A_69 = tpu.memref_squeeze %dma_start3A_68 : memref<1x128x64xf32, #tpu.memory_space<hbm>> -> memref<128x64xf32, #tpu.memory_space<hbm>>
    %dma_start3A_70 = arith.constant 0 : i32
    %dma_start3A_71 = arith.constant 0 : i32
    %dma_start3A_72 = tpu.memref_slice %arg9[%dma_start3A_70, %dma_start3A_71] : memref<128x64xf32, #tpu.memory_space<vmem>> -> memref<128x64xf32, #tpu.memory_space<vmem>>
    tpu.enqueue_dma source(%dma_start3A_72 : memref<128x64xf32, #tpu.memory_space<vmem>>) target(%dma_start3A_69 : memref<128x64xf32, #tpu.memory_space<hbm>>) target_semaphore(%arg15 : memref<!tpu.dma_semaphore, #tpu.memory_space<semaphore_mem>>)
    %mul3A_73 = arith.constant 640 : i32
    %mul3A_74 = arith.muli %arg1, %mul3A_73 : i32
    %add3A_75 = arith.constant 128 : i32
    %add3A_76 = arith.addi %mul3A_74, %add3A_75 : i32
    "tpu.region"() ({
      %run_scoped3A = tpu.sem_alloc : memref<!tpu.dma_semaphore, #tpu.memory_space<semaphore_mem>>
      %dma_start3A_207 = arith.constant 0 : i32
      %dma_start3A_208 = arith.constant 0 : i32
      %dma_start3A_209 = tpu.memref_slice %arg10[%dma_start3A_207, %dma_start3A_208] : memref<128x64xf32, #tpu.memory_space<vmem>> -> memref<128x64xf32, #tpu.memory_space<vmem>>
      %dma_start3A_210 = arith.constant 0 : i32
      %dma_start3A_211 = tpu.memref_slice %arg13[%add3A_76, %dma_start3A_210] : memref<10240x64xf32, #tpu.memory_space<vmem_shared>> -> memref<128x64xf32, #tpu.memory_space<vmem_shared>>
      %dma_start3A_212 = arith.constant 0 : i32
      %dma_start3A_213 = arith.constant 0 : i32
      %dma_start3A_214 = tpu.memref_slice %arg10[%dma_start3A_212, %dma_start3A_213] : memref<128x64xf32, #tpu.memory_space<vmem>> -> memref<128x64xf32, #tpu.memory_space<vmem>>
      %dma_start3A_215 = arith.constant 0 : i32
      %dma_start3A_216 = tpu.memref_slice %arg13[%add3A_76, %dma_start3A_215] : memref<10240x64xf32, #tpu.memory_space<vmem_shared>> -> memref<128x64xf32, #tpu.memory_space<vmem_shared>>
      tpu.enqueue_dma source(%dma_start3A_216 : memref<128x64xf32, #tpu.memory_space<vmem_shared>>) target(%dma_start3A_214 : memref<128x64xf32, #tpu.memory_space<vmem>>) target_semaphore(%run_scoped3A : memref<!tpu.dma_semaphore, #tpu.memory_space<semaphore_mem>>)
      %dma_wait3A_217 = arith.constant 0 : i32
      %dma_wait3A_218 = arith.constant 0 : i32
      %dma_wait3A_219 = tpu.memref_slice %arg10[%dma_wait3A_217, %dma_wait3A_218] : memref<128x64xf32, #tpu.memory_space<vmem>> -> memref<128x64xf32, #tpu.memory_space<vmem>>
      %dma_wait3A_220 = arith.constant 0 : i32
      %dma_wait3A_221 = tpu.memref_slice %arg13[%add3A_76, %dma_wait3A_220] : memref<10240x64xf32, #tpu.memory_space<vmem_shared>> -> memref<128x64xf32, #tpu.memory_space<vmem_shared>>
      %dma_wait3A_222 = arith.constant 0 : i32
      %dma_wait3A_223 = arith.constant 0 : i32
      %dma_wait3A_224 = tpu.memref_slice %arg10[%dma_wait3A_222, %dma_wait3A_223] : memref<128x64xf32, #tpu.memory_space<vmem>> -> memref<128x64xf32, #tpu.memory_space<vmem>>
      %dma_wait3A_225 = arith.constant 0 : i32
      %dma_wait3A_226 = tpu.memref_slice %arg13[%add3A_76, %dma_wait3A_225] : memref<10240x64xf32, #tpu.memory_space<vmem_shared>> -> memref<128x64xf32, #tpu.memory_space<vmem_shared>>
      tpu.wait_dma2 semaphore(%run_scoped3A : memref<!tpu.dma_semaphore, #tpu.memory_space<semaphore_mem>>) src(%dma_wait3A_226 : memref<128x64xf32, #tpu.memory_space<vmem_shared>>) dst(%dma_wait3A_224 : memref<128x64xf32, #tpu.memory_space<vmem>>)
      tpu.yield
    }) : () -> ()
    %dma_start3A_77 = arith.constant 0 : i32
    %dma_start3A_78 = arith.constant 0 : i32
    %dma_start3A_79 = tpu.memref_slice %arg10[%dma_start3A_77, %dma_start3A_78] : memref<128x64xf32, #tpu.memory_space<vmem>> -> memref<128x64xf32, #tpu.memory_space<vmem>>
    %dma_start3A_80 = arith.constant 0 : i32
    %dma_start3A_81 = tpu.memref_slice %arg5[%arg0, %add3A_76, %dma_start3A_80] : memref<2x10240x64xf32, #tpu.memory_space<hbm>> -> memref<1x128x64xf32, #tpu.memory_space<hbm>>
    %dma_start3A_82 = tpu.memref_squeeze %dma_start3A_81 : memref<1x128x64xf32, #tpu.memory_space<hbm>> -> memref<128x64xf32, #tpu.memory_space<hbm>>
    %dma_start3A_83 = arith.constant 0 : i32
    %dma_start3A_84 = tpu.memref_slice %arg5[%arg0, %add3A_76, %dma_start3A_83] : memref<2x10240x64xf32, #tpu.memory_space<hbm>> -> memref<1x128x64xf32, #tpu.memory_space<hbm>>
    %dma_start3A_85 = tpu.memref_squeeze %dma_start3A_84 : memref<1x128x64xf32, #tpu.memory_space<hbm>> -> memref<128x64xf32, #tpu.memory_space<hbm>>
    %dma_start3A_86 = arith.constant 0 : i32
    %dma_start3A_87 = arith.constant 0 : i32
    %dma_start3A_88 = tpu.memref_slice %arg10[%dma_start3A_86, %dma_start3A_87] : memref<128x64xf32, #tpu.memory_space<vmem>> -> memref<128x64xf32, #tpu.memory_space<vmem>>
    tpu.enqueue_dma source(%dma_start3A_88 : memref<128x64xf32, #tpu.memory_space<vmem>>) target(%dma_start3A_85 : memref<128x64xf32, #tpu.memory_space<hbm>>) target_semaphore(%arg16 : memref<!tpu.dma_semaphore, #tpu.memory_space<semaphore_mem>>)
    %mul3A_89 = arith.constant 640 : i32
    %mul3A_90 = arith.muli %arg1, %mul3A_89 : i32
    %add3A_91 = arith.constant 256 : i32
    %add3A_92 = arith.addi %mul3A_90, %add3A_91 : i32
    "tpu.region"() ({
      %run_scoped3A = tpu.sem_alloc : memref<!tpu.dma_semaphore, #tpu.memory_space<semaphore_mem>>
      %dma_start3A_207 = arith.constant 0 : i32
      %dma_start3A_208 = arith.constant 0 : i32
      %dma_start3A_209 = tpu.memref_slice %arg11[%dma_start3A_207, %dma_start3A_208] : memref<128x64xf32, #tpu.memory_space<vmem>> -> memref<128x64xf32, #tpu.memory_space<vmem>>
      %dma_start3A_210 = arith.constant 0 : i32
      %dma_start3A_211 = tpu.memref_slice %arg13[%add3A_92, %dma_start3A_210] : memref<10240x64xf32, #tpu.memory_space<vmem_shared>> -> memref<128x64xf32, #tpu.memory_space<vmem_shared>>
      %dma_start3A_212 = arith.constant 0 : i32
      %dma_start3A_213 = arith.constant 0 : i32
      %dma_start3A_214 = tpu.memref_slice %arg11[%dma_start3A_212, %dma_start3A_213] : memref<128x64xf32, #tpu.memory_space<vmem>> -> memref<128x64xf32, #tpu.memory_space<vmem>>
      %dma_start3A_215 = arith.constant 0 : i32
      %dma_start3A_216 = tpu.memref_slice %arg13[%add3A_92, %dma_start3A_215] : memref<10240x64xf32, #tpu.memory_space<vmem_shared>> -> memref<128x64xf32, #tpu.memory_space<vmem_shared>>
      tpu.enqueue_dma source(%dma_start3A_216 : memref<128x64xf32, #tpu.memory_space<vmem_shared>>) target(%dma_start3A_214 : memref<128x64xf32, #tpu.memory_space<vmem>>) target_semaphore(%run_scoped3A : memref<!tpu.dma_semaphore, #tpu.memory_space<semaphore_mem>>)
      %dma_wait3A_217 = arith.constant 0 : i32
      %dma_wait3A_218 = arith.constant 0 : i32
      %dma_wait3A_219 = tpu.memref_slice %arg11[%dma_wait3A_217, %dma_wait3A_218] : memref<128x64xf32, #tpu.memory_space<vmem>> -> memref<128x64xf32, #tpu.memory_space<vmem>>
      %dma_wait3A_220 = arith.constant 0 : i32
      %dma_wait3A_221 = tpu.memref_slice %arg13[%add3A_92, %dma_wait3A_220] : memref<10240x64xf32, #tpu.memory_space<vmem_shared>> -> memref<128x64xf32, #tpu.memory_space<vmem_shared>>
      %dma_wait3A_222 = arith.constant 0 : i32
      %dma_wait3A_223 = arith.constant 0 : i32
      %dma_wait3A_224 = tpu.memref_slice %arg11[%dma_wait3A_222, %dma_wait3A_223] : memref<128x64xf32, #tpu.memory_space<vmem>> -> memref<128x64xf32, #tpu.memory_space<vmem>>
      %dma_wait3A_225 = arith.constant 0 : i32
      %dma_wait3A_226 = tpu.memref_slice %arg13[%add3A_92, %dma_wait3A_225] : memref<10240x64xf32, #tpu.memory_space<vmem_shared>> -> memref<128x64xf32, #tpu.memory_space<vmem_shared>>
      tpu.wait_dma2 semaphore(%run_scoped3A : memref<!tpu.dma_semaphore, #tpu.memory_space<semaphore_mem>>) src(%dma_wait3A_226 : memref<128x64xf32, #tpu.memory_space<vmem_shared>>) dst(%dma_wait3A_224 : memref<128x64xf32, #tpu.memory_space<vmem>>)
      tpu.yield
    }) : () -> ()
    %dma_start3A_93 = arith.constant 0 : i32
    %dma_start3A_94 = arith.constant 0 : i32
    %dma_start3A_95 = tpu.memref_slice %arg11[%dma_start3A_93, %dma_start3A_94] : memref<128x64xf32, #tpu.memory_space<vmem>> -> memref<128x64xf32, #tpu.memory_space<vmem>>
    %dma_start3A_96 = arith.constant 0 : i32
    %dma_start3A_97 = tpu.memref_slice %arg5[%arg0, %add3A_92, %dma_start3A_96] : memref<2x10240x64xf32, #tpu.memory_space<hbm>> -> memref<1x128x64xf32, #tpu.memory_space<hbm>>
    %dma_start3A_98 = tpu.memref_squeeze %dma_start3A_97 : memref<1x128x64xf32, #tpu.memory_space<hbm>> -> memref<128x64xf32, #tpu.memory_space<hbm>>
    %dma_start3A_99 = arith.constant 0 : i32
    %dma_start3A_100 = tpu.memref_slice %arg5[%arg0, %add3A_92, %dma_start3A_99] : memref<2x10240x64xf32, #tpu.memory_space<hbm>> -> memref<1x128x64xf32, #tpu.memory_space<hbm>>
    %dma_start3A_101 = tpu.memref_squeeze %dma_start3A_100 : memref<1x128x64xf32, #tpu.memory_space<hbm>> -> memref<128x64xf32, #tpu.memory_space<hbm>>
    %dma_start3A_102 = arith.constant 0 : i32
    %dma_start3A_103 = arith.constant 0 : i32
    %dma_start3A_104 = tpu.memref_slice %arg11[%dma_start3A_102, %dma_start3A_103] : memref<128x64xf32, #tpu.memory_space<vmem>> -> memref<128x64xf32, #tpu.memory_space<vmem>>
    tpu.enqueue_dma source(%dma_start3A_104 : memref<128x64xf32, #tpu.memory_space<vmem>>) target(%dma_start3A_101 : memref<128x64xf32, #tpu.memory_space<hbm>>) target_semaphore(%arg17 : memref<!tpu.dma_semaphore, #tpu.memory_space<semaphore_mem>>)
    %mul3A_105 = arith.constant 640 : i32
    %mul3A_106 = arith.muli %arg1, %mul3A_105 : i32
    %add3A_107 = arith.constant 384 : i32
    %add3A_108 = arith.addi %mul3A_106, %add3A_107 : i32
    "tpu.region"() ({
      %run_scoped3A = tpu.sem_alloc : memref<!tpu.dma_semaphore, #tpu.memory_space<semaphore_mem>>
      %dma_start3A_207 = arith.constant 0 : i32
      %dma_start3A_208 = arith.constant 0 : i32
      %dma_start3A_209 = tpu.memref_slice %arg12[%dma_start3A_207, %dma_start3A_208] : memref<128x64xf32, #tpu.memory_space<vmem>> -> memref<128x64xf32, #tpu.memory_space<vmem>>
      %dma_start3A_210 = arith.constant 0 : i32
      %dma_start3A_211 = tpu.memref_slice %arg13[%add3A_108, %dma_start3A_210] : memref<10240x64xf32, #tpu.memory_space<vmem_shared>> -> memref<128x64xf32, #tpu.memory_space<vmem_shared>>
      %dma_start3A_212 = arith.constant 0 : i32
      %dma_start3A_213 = arith.constant 0 : i32
      %dma_start3A_214 = tpu.memref_slice %arg12[%dma_start3A_212, %dma_start3A_213] : memref<128x64xf32, #tpu.memory_space<vmem>> -> memref<128x64xf32, #tpu.memory_space<vmem>>
      %dma_start3A_215 = arith.constant 0 : i32
      %dma_start3A_216 = tpu.memref_slice %arg13[%add3A_108, %dma_start3A_215] : memref<10240x64xf32, #tpu.memory_space<vmem_shared>> -> memref<128x64xf32, #tpu.memory_space<vmem_shared>>
      tpu.enqueue_dma source(%dma_start3A_216 : memref<128x64xf32, #tpu.memory_space<vmem_shared>>) target(%dma_start3A_214 : memref<128x64xf32, #tpu.memory_space<vmem>>) target_semaphore(%run_scoped3A : memref<!tpu.dma_semaphore, #tpu.memory_space<semaphore_mem>>)
      %dma_wait3A_217 = arith.constant 0 : i32
      %dma_wait3A_218 = arith.constant 0 : i32
      %dma_wait3A_219 = tpu.memref_slice %arg12[%dma_wait3A_217, %dma_wait3A_218] : memref<128x64xf32, #tpu.memory_space<vmem>> -> memref<128x64xf32, #tpu.memory_space<vmem>>
      %dma_wait3A_220 = arith.constant 0 : i32
      %dma_wait3A_221 = tpu.memref_slice %arg13[%add3A_108, %dma_wait3A_220] : memref<10240x64xf32, #tpu.memory_space<vmem_shared>> -> memref<128x64xf32, #tpu.memory_space<vmem_shared>>
      %dma_wait3A_222 = arith.constant 0 : i32
      %dma_wait3A_223 = arith.constant 0 : i32
      %dma_wait3A_224 = tpu.memref_slice %arg12[%dma_wait3A_222, %dma_wait3A_223] : memref<128x64xf32, #tpu.memory_space<vmem>> -> memref<128x64xf32, #tpu.memory_space<vmem>>
      %dma_wait3A_225 = arith.constant 0 : i32
      %dma_wait3A_226 = tpu.memref_slice %arg13[%add3A_108, %dma_wait3A_225] : memref<10240x64xf32, #tpu.memory_space<vmem_shared>> -> memref<128x64xf32, #tpu.memory_space<vmem_shared>>
      tpu.wait_dma2 semaphore(%run_scoped3A : memref<!tpu.dma_semaphore, #tpu.memory_space<semaphore_mem>>) src(%dma_wait3A_226 : memref<128x64xf32, #tpu.memory_space<vmem_shared>>) dst(%dma_wait3A_224 : memref<128x64xf32, #tpu.memory_space<vmem>>)
      tpu.yield
    }) : () -> ()
    %dma_start3A_109 = arith.constant 0 : i32
    %dma_start3A_110 = arith.constant 0 : i32
    %dma_start3A_111 = tpu.memref_slice %arg12[%dma_start3A_109, %dma_start3A_110] : memref<128x64xf32, #tpu.memory_space<vmem>> -> memref<128x64xf32, #tpu.memory_space<vmem>>
    %dma_start3A_112 = arith.constant 0 : i32
    %dma_start3A_113 = tpu.memref_slice %arg5[%arg0, %add3A_108, %dma_start3A_112] : memref<2x10240x64xf32, #tpu.memory_space<hbm>> -> memref<1x128x64xf32, #tpu.memory_space<hbm>>
    %dma_start3A_114 = tpu.memref_squeeze %dma_start3A_113 : memref<1x128x64xf32, #tpu.memory_space<hbm>> -> memref<128x64xf32, #tpu.memory_space<hbm>>
    %dma_start3A_115 = arith.constant 0 : i32
    %dma_start3A_116 = tpu.memref_slice %arg5[%arg0, %add3A_108, %dma_start3A_115] : memref<2x10240x64xf32, #tpu.memory_space<hbm>> -> memref<1x128x64xf32, #tpu.memory_space<hbm>>
    %dma_start3A_117 = tpu.memref_squeeze %dma_start3A_116 : memref<1x128x64xf32, #tpu.memory_space<hbm>> -> memref<128x64xf32, #tpu.memory_space<hbm>>
    %dma_start3A_118 = arith.constant 0 : i32
    %dma_start3A_119 = arith.constant 0 : i32
    %dma_start3A_120 = tpu.memref_slice %arg12[%dma_start3A_118, %dma_start3A_119] : memref<128x64xf32, #tpu.memory_space<vmem>> -> memref<128x64xf32, #tpu.memory_space<vmem>>
    tpu.enqueue_dma source(%dma_start3A_120 : memref<128x64xf32, #tpu.memory_space<vmem>>) target(%dma_start3A_117 : memref<128x64xf32, #tpu.memory_space<hbm>>) target_semaphore(%arg18 : memref<!tpu.dma_semaphore, #tpu.memory_space<semaphore_mem>>)
    %mul3A_121 = arith.constant 640 : i32
    %mul3A_122 = arith.muli %arg1, %mul3A_121 : i32
    %add3A_123 = arith.constant 512 : i32
    %add3A_124 = arith.addi %mul3A_122, %add3A_123 : i32
    %dma_wait3A_125 = arith.constant 0 : i32
    %dma_wait3A_126 = arith.constant 0 : i32
    %dma_wait3A_127 = tpu.memref_slice %arg9[%dma_wait3A_125, %dma_wait3A_126] : memref<128x64xf32, #tpu.memory_space<vmem>> -> memref<128x64xf32, #tpu.memory_space<vmem>>
    %dma_wait3A_128 = arith.constant 0 : i32
    %dma_wait3A_129 = arith.constant 0 : i32
    %dma_wait3A_130 = tpu.memref_slice %arg5[%arg0, %dma_wait3A_128, %dma_wait3A_129] : memref<2x10240x64xf32, #tpu.memory_space<hbm>> -> memref<1x128x64xf32, #tpu.memory_space<hbm>>
    %dma_wait3A_131 = tpu.memref_squeeze %dma_wait3A_130 : memref<1x128x64xf32, #tpu.memory_space<hbm>> -> memref<128x64xf32, #tpu.memory_space<hbm>>
    %dma_wait3A_132 = arith.constant 0 : i32
    %dma_wait3A_133 = arith.constant 0 : i32
    %dma_wait3A_134 = tpu.memref_slice %arg5[%arg0, %dma_wait3A_132, %dma_wait3A_133] : memref<2x10240x64xf32, #tpu.memory_space<hbm>> -> memref<1x128x64xf32, #tpu.memory_space<hbm>>
    %dma_wait3A_135 = tpu.memref_squeeze %dma_wait3A_134 : memref<1x128x64xf32, #tpu.memory_space<hbm>> -> memref<128x64xf32, #tpu.memory_space<hbm>>
    %dma_wait3A_136 = arith.constant 0 : i32
    %dma_wait3A_137 = arith.constant 0 : i32
    %dma_wait3A_138 = tpu.memref_slice %arg9[%dma_wait3A_136, %dma_wait3A_137] : memref<128x64xf32, #tpu.memory_space<vmem>> -> memref<128x64xf32, #tpu.memory_space<vmem>>
    tpu.wait_dma2 semaphore(%arg15 : memref<!tpu.dma_semaphore, #tpu.memory_space<semaphore_mem>>) src(%dma_wait3A_138 : memref<128x64xf32, #tpu.memory_space<vmem>>) dst(%dma_wait3A_135 : memref<128x64xf32, #tpu.memory_space<hbm>>)
    "tpu.region"() ({
      %run_scoped3A = tpu.sem_alloc : memref<!tpu.dma_semaphore, #tpu.memory_space<semaphore_mem>>
      %dma_start3A_207 = arith.constant 0 : i32
      %dma_start3A_208 = arith.constant 0 : i32
      %dma_start3A_209 = tpu.memref_slice %arg9[%dma_start3A_207, %dma_start3A_208] : memref<128x64xf32, #tpu.memory_space<vmem>> -> memref<128x64xf32, #tpu.memory_space<vmem>>
      %dma_start3A_210 = arith.constant 0 : i32
      %dma_start3A_211 = tpu.memref_slice %arg13[%add3A_124, %dma_start3A_210] : memref<10240x64xf32, #tpu.memory_space<vmem_shared>> -> memref<128x64xf32, #tpu.memory_space<vmem_shared>>
      %dma_start3A_212 = arith.constant 0 : i32
      %dma_start3A_213 = arith.constant 0 : i32
      %dma_start3A_214 = tpu.memref_slice %arg9[%dma_start3A_212, %dma_start3A_213] : memref<128x64xf32, #tpu.memory_space<vmem>> -> memref<128x64xf32, #tpu.memory_space<vmem>>
      %dma_start3A_215 = arith.constant 0 : i32
      %dma_start3A_216 = tpu.memref_slice %arg13[%add3A_124, %dma_start3A_215] : memref<10240x64xf32, #tpu.memory_space<vmem_shared>> -> memref<128x64xf32, #tpu.memory_space<vmem_shared>>
      tpu.enqueue_dma source(%dma_start3A_216 : memref<128x64xf32, #tpu.memory_space<vmem_shared>>) target(%dma_start3A_214 : memref<128x64xf32, #tpu.memory_space<vmem>>) target_semaphore(%run_scoped3A : memref<!tpu.dma_semaphore, #tpu.memory_space<semaphore_mem>>)
      %dma_wait3A_217 = arith.constant 0 : i32
      %dma_wait3A_218 = arith.constant 0 : i32
      %dma_wait3A_219 = tpu.memref_slice %arg9[%dma_wait3A_217, %dma_wait3A_218] : memref<128x64xf32, #tpu.memory_space<vmem>> -> memref<128x64xf32, #tpu.memory_space<vmem>>
      %dma_wait3A_220 = arith.constant 0 : i32
      %dma_wait3A_221 = tpu.memref_slice %arg13[%add3A_124, %dma_wait3A_220] : memref<10240x64xf32, #tpu.memory_space<vmem_shared>> -> memref<128x64xf32, #tpu.memory_space<vmem_shared>>
      %dma_wait3A_222 = arith.constant 0 : i32
      %dma_wait3A_223 = arith.constant 0 : i32
      %dma_wait3A_224 = tpu.memref_slice %arg9[%dma_wait3A_222, %dma_wait3A_223] : memref<128x64xf32, #tpu.memory_space<vmem>> -> memref<128x64xf32, #tpu.memory_space<vmem>>
      %dma_wait3A_225 = arith.constant 0 : i32
      %dma_wait3A_226 = tpu.memref_slice %arg13[%add3A_124, %dma_wait3A_225] : memref<10240x64xf32, #tpu.memory_space<vmem_shared>> -> memref<128x64xf32, #tpu.memory_space<vmem_shared>>
      tpu.wait_dma2 semaphore(%run_scoped3A : memref<!tpu.dma_semaphore, #tpu.memory_space<semaphore_mem>>) src(%dma_wait3A_226 : memref<128x64xf32, #tpu.memory_space<vmem_shared>>) dst(%dma_wait3A_224 : memref<128x64xf32, #tpu.memory_space<vmem>>)
      tpu.yield
    }) : () -> ()
    %dma_start3A_139 = arith.constant 0 : i32
    %dma_start3A_140 = arith.constant 0 : i32
    %dma_start3A_141 = tpu.memref_slice %arg9[%dma_start3A_139, %dma_start3A_140] : memref<128x64xf32, #tpu.memory_space<vmem>> -> memref<128x64xf32, #tpu.memory_space<vmem>>
    %dma_start3A_142 = arith.constant 0 : i32
    %dma_start3A_143 = tpu.memref_slice %arg5[%arg0, %add3A_124, %dma_start3A_142] : memref<2x10240x64xf32, #tpu.memory_space<hbm>> -> memref<1x128x64xf32, #tpu.memory_space<hbm>>
    %dma_start3A_144 = tpu.memref_squeeze %dma_start3A_143 : memref<1x128x64xf32, #tpu.memory_space<hbm>> -> memref<128x64xf32, #tpu.memory_space<hbm>>
    %dma_start3A_145 = arith.constant 0 : i32
    %dma_start3A_146 = tpu.memref_slice %arg5[%arg0, %add3A_124, %dma_start3A_145] : memref<2x10240x64xf32, #tpu.memory_space<hbm>> -> memref<1x128x64xf32, #tpu.memory_space<hbm>>
    %dma_start3A_147 = tpu.memref_squeeze %dma_start3A_146 : memref<1x128x64xf32, #tpu.memory_space<hbm>> -> memref<128x64xf32, #tpu.memory_space<hbm>>
    %dma_start3A_148 = arith.constant 0 : i32
    %dma_start3A_149 = arith.constant 0 : i32
    %dma_start3A_150 = tpu.memref_slice %arg9[%dma_start3A_148, %dma_start3A_149] : memref<128x64xf32, #tpu.memory_space<vmem>> -> memref<128x64xf32, #tpu.memory_space<vmem>>
    tpu.enqueue_dma source(%dma_start3A_150 : memref<128x64xf32, #tpu.memory_space<vmem>>) target(%dma_start3A_147 : memref<128x64xf32, #tpu.memory_space<hbm>>) target_semaphore(%arg15 : memref<!tpu.dma_semaphore, #tpu.memory_space<semaphore_mem>>)
    %dma_wait3A_151 = arith.constant 0 : i32
    %dma_wait3A_152 = arith.constant 0 : i32
    %dma_wait3A_153 = tpu.memref_slice %arg9[%dma_wait3A_151, %dma_wait3A_152] : memref<128x64xf32, #tpu.memory_space<vmem>> -> memref<128x64xf32, #tpu.memory_space<vmem>>
    %dma_wait3A_154 = arith.constant 0 : i32
    %dma_wait3A_155 = arith.constant 0 : i32
    %dma_wait3A_156 = tpu.memref_slice %arg5[%arg0, %dma_wait3A_154, %dma_wait3A_155] : memref<2x10240x64xf32, #tpu.memory_space<hbm>> -> memref<1x128x64xf32, #tpu.memory_space<hbm>>
    %dma_wait3A_157 = tpu.memref_squeeze %dma_wait3A_156 : memref<1x128x64xf32, #tpu.memory_space<hbm>> -> memref<128x64xf32, #tpu.memory_space<hbm>>
    %dma_wait3A_158 = arith.constant 0 : i32
    %dma_wait3A_159 = arith.constant 0 : i32
    %dma_wait3A_160 = tpu.memref_slice %arg5[%arg0, %dma_wait3A_158, %dma_wait3A_159] : memref<2x10240x64xf32, #tpu.memory_space<hbm>> -> memref<1x128x64xf32, #tpu.memory_space<hbm>>
    %dma_wait3A_161 = tpu.memref_squeeze %dma_wait3A_160 : memref<1x128x64xf32, #tpu.memory_space<hbm>> -> memref<128x64xf32, #tpu.memory_space<hbm>>
    %dma_wait3A_162 = arith.constant 0 : i32
    %dma_wait3A_163 = arith.constant 0 : i32
    %dma_wait3A_164 = tpu.memref_slice %arg9[%dma_wait3A_162, %dma_wait3A_163] : memref<128x64xf32, #tpu.memory_space<vmem>> -> memref<128x64xf32, #tpu.memory_space<vmem>>
    tpu.wait_dma2 semaphore(%arg15 : memref<!tpu.dma_semaphore, #tpu.memory_space<semaphore_mem>>) src(%dma_wait3A_164 : memref<128x64xf32, #tpu.memory_space<vmem>>) dst(%dma_wait3A_161 : memref<128x64xf32, #tpu.memory_space<hbm>>)
    %dma_wait3A_165 = arith.constant 0 : i32
    %dma_wait3A_166 = arith.constant 0 : i32
    %dma_wait3A_167 = tpu.memref_slice %arg10[%dma_wait3A_165, %dma_wait3A_166] : memref<128x64xf32, #tpu.memory_space<vmem>> -> memref<128x64xf32, #tpu.memory_space<vmem>>
    %dma_wait3A_168 = arith.constant 0 : i32
    %dma_wait3A_169 = arith.constant 0 : i32
    %dma_wait3A_170 = tpu.memref_slice %arg5[%arg0, %dma_wait3A_168, %dma_wait3A_169] : memref<2x10240x64xf32, #tpu.memory_space<hbm>> -> memref<1x128x64xf32, #tpu.memory_space<hbm>>
    %dma_wait3A_171 = tpu.memref_squeeze %dma_wait3A_170 : memref<1x128x64xf32, #tpu.memory_space<hbm>> -> memref<128x64xf32, #tpu.memory_space<hbm>>
    %dma_wait3A_172 = arith.constant 0 : i32
    %dma_wait3A_173 = arith.constant 0 : i32
    %dma_wait3A_174 = tpu.memref_slice %arg5[%arg0, %dma_wait3A_172, %dma_wait3A_173] : memref<2x10240x64xf32, #tpu.memory_space<hbm>> -> memref<1x128x64xf32, #tpu.memory_space<hbm>>
    %dma_wait3A_175 = tpu.memref_squeeze %dma_wait3A_174 : memref<1x128x64xf32, #tpu.memory_space<hbm>> -> memref<128x64xf32, #tpu.memory_space<hbm>>
    %dma_wait3A_176 = arith.constant 0 : i32
    %dma_wait3A_177 = arith.constant 0 : i32
    %dma_wait3A_178 = tpu.memref_slice %arg10[%dma_wait3A_176, %dma_wait3A_177] : memref<128x64xf32, #tpu.memory_space<vmem>> -> memref<128x64xf32, #tpu.memory_space<vmem>>
    tpu.wait_dma2 semaphore(%arg16 : memref<!tpu.dma_semaphore, #tpu.memory_space<semaphore_mem>>) src(%dma_wait3A_178 : memref<128x64xf32, #tpu.memory_space<vmem>>) dst(%dma_wait3A_175 : memref<128x64xf32, #tpu.memory_space<hbm>>)
    %dma_wait3A_179 = arith.constant 0 : i32
    %dma_wait3A_180 = arith.constant 0 : i32
    %dma_wait3A_181 = tpu.memref_slice %arg11[%dma_wait3A_179, %dma_wait3A_180] : memref<128x64xf32, #tpu.memory_space<vmem>> -> memref<128x64xf32, #tpu.memory_space<vmem>>
    %dma_wait3A_182 = arith.constant 0 : i32
    %dma_wait3A_183 = arith.constant 0 : i32
    %dma_wait3A_184 = tpu.memref_slice %arg5[%arg0, %dma_wait3A_182, %dma_wait3A_183] : memref<2x10240x64xf32, #tpu.memory_space<hbm>> -> memref<1x128x64xf32, #tpu.memory_space<hbm>>
    %dma_wait3A_185 = tpu.memref_squeeze %dma_wait3A_184 : memref<1x128x64xf32, #tpu.memory_space<hbm>> -> memref<128x64xf32, #tpu.memory_space<hbm>>
    %dma_wait3A_186 = arith.constant 0 : i32
    %dma_wait3A_187 = arith.constant 0 : i32
    %dma_wait3A_188 = tpu.memref_slice %arg5[%arg0, %dma_wait3A_186, %dma_wait3A_187] : memref<2x10240x64xf32, #tpu.memory_space<hbm>> -> memref<1x128x64xf32, #tpu.memory_space<hbm>>
    %dma_wait3A_189 = tpu.memref_squeeze %dma_wait3A_188 : memref<1x128x64xf32, #tpu.memory_space<hbm>> -> memref<128x64xf32, #tpu.memory_space<hbm>>
    %dma_wait3A_190 = arith.constant 0 : i32
    %dma_wait3A_191 = arith.constant 0 : i32
    %dma_wait3A_192 = tpu.memref_slice %arg11[%dma_wait3A_190, %dma_wait3A_191] : memref<128x64xf32, #tpu.memory_space<vmem>> -> memref<128x64xf32, #tpu.memory_space<vmem>>
    tpu.wait_dma2 semaphore(%arg17 : memref<!tpu.dma_semaphore, #tpu.memory_space<semaphore_mem>>) src(%dma_wait3A_192 : memref<128x64xf32, #tpu.memory_space<vmem>>) dst(%dma_wait3A_189 : memref<128x64xf32, #tpu.memory_space<hbm>>)
    %dma_wait3A_193 = arith.constant 0 : i32
    %dma_wait3A_194 = arith.constant 0 : i32
    %dma_wait3A_195 = tpu.memref_slice %arg12[%dma_wait3A_193, %dma_wait3A_194] : memref<128x64xf32, #tpu.memory_space<vmem>> -> memref<128x64xf32, #tpu.memory_space<vmem>>
    %dma_wait3A_196 = arith.constant 0 : i32
    %dma_wait3A_197 = arith.constant 0 : i32
    %dma_wait3A_198 = tpu.memref_slice %arg5[%arg0, %dma_wait3A_196, %dma_wait3A_197] : memref<2x10240x64xf32, #tpu.memory_space<hbm>> -> memref<1x128x64xf32, #tpu.memory_space<hbm>>
    %dma_wait3A_199 = tpu.memref_squeeze %dma_wait3A_198 : memref<1x128x64xf32, #tpu.memory_space<hbm>> -> memref<128x64xf32, #tpu.memory_space<hbm>>
    %dma_wait3A_200 = arith.constant 0 : i32
    %dma_wait3A_201 = arith.constant 0 : i32
    %dma_wait3A_202 = tpu.memref_slice %arg5[%arg0, %dma_wait3A_200, %dma_wait3A_201] : memref<2x10240x64xf32, #tpu.memory_space<hbm>> -> memref<1x128x64xf32, #tpu.memory_space<hbm>>
    %dma_wait3A_203 = tpu.memref_squeeze %dma_wait3A_202 : memref<1x128x64xf32, #tpu.memory_space<hbm>> -> memref<128x64xf32, #tpu.memory_space<hbm>>
    %dma_wait3A_204 = arith.constant 0 : i32
    %dma_wait3A_205 = arith.constant 0 : i32
    %dma_wait3A_206 = tpu.memref_slice %arg12[%dma_wait3A_204, %dma_wait3A_205] : memref<128x64xf32, #tpu.memory_space<vmem>> -> memref<128x64xf32, #tpu.memory_space<vmem>>
    tpu.wait_dma2 semaphore(%arg18 : memref<!tpu.dma_semaphore, #tpu.memory_space<semaphore_mem>>) src(%dma_wait3A_206 : memref<128x64xf32, #tpu.memory_space<vmem>>) dst(%dma_wait3A_203 : memref<128x64xf32, #tpu.memory_space<hbm>>)
    return
  }
}

module attributes {stable_mosaic.version = 14 : i64} {
  func.func @body(%arg0: i32, %arg1: memref<640x128xf32, #tpu.memory_space<vmem>>, %arg2: memref<128x64xf32, #tpu.memory_space<vmem>>, %arg3: memref<2x640x8xf32, #tpu.memory_space<vmem>>, %arg4: memref<640x64xf32, #tpu.memory_space<vmem>>) attributes {dimension_semantics = [#tpu.dimension_semantics<arbitrary>], iteration_bounds = array<i64: 16>, scalar_prefetch = 0 : i64, scratch_operands = 0 : i64, tpu.core_type = #tpu.core_type<tc>, window_params = [{transform_indices = @transform_0, window_bounds = array<i64: 640, 128>}, {pipeline_mode = #tpu.pipeline_mode<synchronous>, transform_indices = @transform_1, window_bounds = array<i64: 128, 64>}, {transform_indices = @transform_2, window_bounds = array<i64: 2, 640, 8>}, {transform_indices = @transform_3, window_bounds = array<i64: 640, 64>}]} {
    %get3A = arith.constant 0 : index
    %get3A_0 = arith.constant 0 : index
    %get3A_1 = arith.constant 0 : index
    %get3A_2 = vector.load %arg3[%get3A, %get3A_0, %get3A_1] : memref<2x640x8xf32, #tpu.memory_space<vmem>>, vector<1x640x1xf32>
    %get3A_3 = vector.shape_cast %get3A_2 : vector<1x640x1xf32> to vector<640x1xf32>
    %get3A_4 = arith.constant 1 : index
    %get3A_5 = arith.constant 0 : index
    %get3A_6 = arith.constant 0 : index
    %get3A_7 = vector.load %arg3[%get3A_4, %get3A_5, %get3A_6] : memref<2x640x8xf32, #tpu.memory_space<vmem>>, vector<1x640x1xf32>
    %get3A_8 = vector.shape_cast %get3A_7 : vector<1x640x1xf32> to vector<640x1xf32>
    %add3A = arith.addf %get3A_3, %get3A_8 : vector<640x1xf32>
    %add3A_9 = arith.constant 1.000000e+00 : f32
    %add3A_10 = vector.broadcast %add3A_9 : f32 to vector<640x1xf32>
    %add3A_11 = arith.addf %add3A, %add3A_10 : vector<640x1xf32>
    %rsqrt3A = math.rsqrt %add3A_11 : vector<640x1xf32>
    %get3A_12 = arith.constant 0 : index
    %get3A_13 = arith.constant 0 : index
    %get3A_14 = vector.load %arg1[%get3A_12, %get3A_13] : memref<640x128xf32, #tpu.memory_space<vmem>>, vector<640x128xf32>
    %get3A_15 = arith.constant 0 : index
    %get3A_16 = arith.constant 0 : index
    %get3A_17 = vector.load %arg2[%get3A_15, %get3A_16] : memref<128x64xf32, #tpu.memory_space<vmem>>, vector<128x64xf32>
    %dot_general3A = arith.constant dense<0.000000e+00> : vector<640x64xf32>
    %dot_general3A_18 = tpu.matmul %get3A_14, %get3A_17, %dot_general3A {dimension_numbers = #tpu.dot_dimension_numbers<[1], [0], [0], [1], [0, 0, 1, 1], [], []>, transpose_lhs_hint = false} : vector<640x128xf32>, vector<128x64xf32>, vector<640x64xf32> -> vector<640x64xf32>
    %mul3A = vector.broadcast %rsqrt3A : vector<640x1xf32> to vector<640x64xf32>
    %mul3A_19 = arith.mulf %dot_general3A_18, %mul3A : vector<640x64xf32>
    %swap3A = arith.constant 0 : index
    %swap3A_20 = arith.constant 0 : index
    %swap3A_21 = vector.load %arg4[%swap3A, %swap3A_20] : memref<640x64xf32, #tpu.memory_space<vmem>>, vector<640x64xf32>
    tpu.vector_store %arg4[%swap3A, %swap3A_20], %mul3A_19 {strides = array<i32>} : memref<640x64xf32, #tpu.memory_space<vmem>>, vector<640x64xf32>,
    return
  }
  func.func @transform_0(%arg0: i32) -> (i32, i32) {
    %c0_i32 = arith.constant 0 : i32
    %c0_i32_0 = arith.constant 0 : i32
    return %arg0, %c0_i32 : i32, i32
  }
  func.func @transform_1(%arg0: i32) -> (i32, i32) {
    %c0_i32 = arith.constant 0 : i32
    %c0_i32_0 = arith.constant 0 : i32
    %c0_i32_1 = arith.constant 0 : i32
    return %c0_i32, %c0_i32_0 : i32, i32
  }
  func.func @transform_2(%arg0: i32) -> (i32, i32, i32) {
    %c0_i32 = arith.constant 0 : i32
    %c0_i32_0 = arith.constant 0 : i32
    %c0_i32_1 = arith.constant 0 : i32
    return %c0_i32, %arg0, %c0_i32_0 : i32, i32, i32
  }
  func.func @transform_3(%arg0: i32) -> (i32, i32) {
    %c0_i32 = arith.constant 0 : i32
    %c0_i32_0 = arith.constant 0 : i32
    return %arg0, %c0_i32 : i32, i32
  }
}

module attributes {stable_mosaic.version = 14 : i64} {
  func.func @body(%arg0: i32, %arg1: memref<2x640x128xf32, #tpu.memory_space<vmem>>, %arg2: memref<640x128xf32, #tpu.memory_space<vmem>>, %arg3: memref<2x640x16xf32, #tpu.memory_space<vmem>>, %arg4: memref<64x128xf32, #tpu.memory_space<vmem>>, %arg5: memref<1x64xf32, #tpu.memory_space<vmem>>, %arg6: memref<640x128xf32, #tpu.memory_space<vmem>>) attributes {dimension_semantics = [#tpu.dimension_semantics<arbitrary>], iteration_bounds = array<i64: 8>, scalar_prefetch = 0 : i64, scratch_operands = 0 : i64, tpu.core_type = #tpu.core_type<tc>, window_params = [{transform_indices = @transform_0, window_bounds = array<i64: 2, 640, 128>}, {transform_indices = @transform_1, window_bounds = array<i64: 640, 128>}, {transform_indices = @transform_2, window_bounds = array<i64: 2, 640, 16>}, {pipeline_mode = #tpu.pipeline_mode<synchronous>, transform_indices = @transform_3, window_bounds = array<i64: 64, 128>}, {pipeline_mode = #tpu.pipeline_mode<synchronous>, transform_indices = @transform_4, window_bounds = array<i64: 1, 64>}, {transform_indices = @transform_5, window_bounds = array<i64: 640, 128>}]} {
    %get3A = arith.constant 0 : index
    %get3A_0 = arith.constant 0 : index
    %get3A_1 = arith.constant 0 : index
    %get3A_2 = vector.load %arg3[%get3A, %get3A_0, %get3A_1] : memref<2x640x16xf32, #tpu.memory_space<vmem>>, vector<1x640x1xf32>
    %get3A_3 = vector.shape_cast %get3A_2 : vector<1x640x1xf32> to vector<640x1xf32>
    %get3A_4 = arith.constant 1 : index
    %get3A_5 = arith.constant 0 : index
    %get3A_6 = arith.constant 0 : index
    %get3A_7 = vector.load %arg3[%get3A_4, %get3A_5, %get3A_6] : memref<2x640x16xf32, #tpu.memory_space<vmem>>, vector<1x640x1xf32>
    %get3A_8 = vector.shape_cast %get3A_7 : vector<1x640x1xf32> to vector<640x1xf32>
    %add3A = arith.addf %get3A_3, %get3A_8 : vector<640x1xf32>
    %add3A_9 = arith.constant 1.000000e+00 : f32
    %add3A_10 = vector.broadcast %add3A_9 : f32 to vector<640x1xf32>
    %add3A_11 = arith.addf %add3A, %add3A_10 : vector<640x1xf32>
    %get3A_12 = arith.constant 0 : index
    %get3A_13 = arith.constant 0 : index
    %get3A_14 = arith.constant 8 : index
    %get3A_15 = vector.load %arg3[%get3A_12, %get3A_13, %get3A_14] : memref<2x640x16xf32, #tpu.memory_space<vmem>>, vector<1x640x1xf32>
    %get3A_16 = vector.shape_cast %get3A_15 : vector<1x640x1xf32> to vector<640x1xf32>
    %get3A_17 = arith.constant 1 : index
    %get3A_18 = arith.constant 0 : index
    %get3A_19 = arith.constant 8 : index
    %get3A_20 = vector.load %arg3[%get3A_17, %get3A_18, %get3A_19] : memref<2x640x16xf32, #tpu.memory_space<vmem>>, vector<1x640x1xf32>
    %get3A_21 = vector.shape_cast %get3A_20 : vector<1x640x1xf32> to vector<640x1xf32>
    %add3A_22 = arith.addf %get3A_16, %get3A_21 : vector<640x1xf32>
    %add3A_23 = arith.constant 1.000000e+00 : f32
    %add3A_24 = vector.broadcast %add3A_23 : f32 to vector<640x1xf32>
    %add3A_25 = arith.addf %add3A_22, %add3A_24 : vector<640x1xf32>
    %get3A_26 = arith.constant 0 : index
    %get3A_27 = arith.constant 0 : index
    %get3A_28 = arith.constant 0 : index
    %get3A_29 = vector.load %arg1[%get3A_26, %get3A_27, %get3A_28] : memref<2x640x128xf32, #tpu.memory_space<vmem>>, vector<1x640x64xf32>
    %get3A_30 = vector.shape_cast %get3A_29 : vector<1x640x64xf32> to vector<640x64xf32>
    %get3A_31 = arith.constant 1 : index
    %get3A_32 = arith.constant 0 : index
    %get3A_33 = arith.constant 0 : index
    %get3A_34 = vector.load %arg1[%get3A_31, %get3A_32, %get3A_33] : memref<2x640x128xf32, #tpu.memory_space<vmem>>, vector<1x640x64xf32>
    %get3A_35 = vector.shape_cast %get3A_34 : vector<1x640x64xf32> to vector<640x64xf32>
    %add3A_36 = arith.addf %get3A_30, %get3A_35 : vector<640x64xf32>
    %get3A_37 = arith.constant 0 : index
    %get3A_38 = arith.constant 0 : index
    %get3A_39 = vector.load %arg2[%get3A_37, %get3A_38] : memref<640x128xf32, #tpu.memory_space<vmem>>, vector<640x64xf32>
    %add3A_40 = arith.addf %add3A_36, %get3A_39 : vector<640x64xf32>
    %get3A_41 = arith.constant 0 : index
    %get3A_42 = arith.constant 0 : index
    %get3A_43 = arith.constant 64 : index
    %get3A_44 = vector.load %arg1[%get3A_41, %get3A_42, %get3A_43] : memref<2x640x128xf32, #tpu.memory_space<vmem>>, vector<1x640x64xf32>
    %get3A_45 = vector.shape_cast %get3A_44 : vector<1x640x64xf32> to vector<640x64xf32>
    %get3A_46 = arith.constant 1 : index
    %get3A_47 = arith.constant 0 : index
    %get3A_48 = arith.constant 64 : index
    %get3A_49 = vector.load %arg1[%get3A_46, %get3A_47, %get3A_48] : memref<2x640x128xf32, #tpu.memory_space<vmem>>, vector<1x640x64xf32>
    %get3A_50 = vector.shape_cast %get3A_49 : vector<1x640x64xf32> to vector<640x64xf32>
    %add3A_51 = arith.addf %get3A_45, %get3A_50 : vector<640x64xf32>
    %get3A_52 = arith.constant 0 : index
    %get3A_53 = arith.constant 64 : index
    %get3A_54 = vector.load %arg2[%get3A_52, %get3A_53] : memref<640x128xf32, #tpu.memory_space<vmem>>, vector<640x64xf32>
    %add3A_55 = arith.addf %add3A_51, %get3A_54 : vector<640x64xf32>
    %rsqrt3A = math.rsqrt %add3A_11 : vector<640x1xf32>
    %mul3A = vector.broadcast %rsqrt3A : vector<640x1xf32> to vector<640x64xf32>
    %mul3A_56 = arith.mulf %add3A_40, %mul3A : vector<640x64xf32>
    %get3A_57 = arith.constant 0 : index
    %get3A_58 = arith.constant 0 : index
    %get3A_59 = vector.load %arg5[%get3A_57, %get3A_58] : memref<1x64xf32, #tpu.memory_space<vmem>>, vector<1x64xf32>
    %add3A_60 = vector.broadcast %get3A_59 : vector<1x64xf32> to vector<640x64xf32>
    %add3A_61 = arith.addf %mul3A_56, %add3A_60 : vector<640x64xf32>
    %max3A = arith.constant 0.000000e+00 : f32
    %max3A_62 = vector.broadcast %max3A : f32 to vector<640x64xf32>
    %max3A_63 = arith.maximumf %add3A_61, %max3A_62 : vector<640x64xf32>
    %rsqrt3A_64 = math.rsqrt %add3A_25 : vector<640x1xf32>
    %mul3A_65 = vector.broadcast %rsqrt3A_64 : vector<640x1xf32> to vector<640x64xf32>
    %mul3A_66 = arith.mulf %add3A_55, %mul3A_65 : vector<640x64xf32>
    %get3A_67 = arith.constant 0 : index
    %get3A_68 = arith.constant 0 : index
    %get3A_69 = vector.load %arg5[%get3A_67, %get3A_68] : memref<1x64xf32, #tpu.memory_space<vmem>>, vector<1x64xf32>
    %add3A_70 = vector.broadcast %get3A_69 : vector<1x64xf32> to vector<640x64xf32>
    %add3A_71 = arith.addf %mul3A_66, %add3A_70 : vector<640x64xf32>
    %max3A_72 = arith.constant 0.000000e+00 : f32
    %max3A_73 = vector.broadcast %max3A_72 : f32 to vector<640x64xf32>
    %max3A_74 = arith.maximumf %add3A_71, %max3A_73 : vector<640x64xf32>
    %add3A_75 = arith.addf %max3A_63, %max3A_74 : vector<640x64xf32>
    %mul3A_76 = arith.constant 5.000000e-01 : f32
    %mul3A_77 = vector.broadcast %mul3A_76 : f32 to vector<640x64xf32>
    %mul3A_78 = arith.mulf %mul3A_77, %add3A_75 : vector<640x64xf32>
    %add3A_79 = arith.addf %add3A_11, %add3A_25 : vector<640x1xf32>
    %sub3A = arith.constant 1.000000e+00 : f32
    %sub3A_80 = vector.broadcast %sub3A : f32 to vector<640x1xf32>
    %sub3A_81 = arith.subf %add3A_79, %sub3A_80 : vector<640x1xf32>
    %get3A_82 = arith.constant 0 : index
    %get3A_83 = arith.constant 0 : index
    %get3A_84 = vector.load %arg4[%get3A_82, %get3A_83] : memref<64x128xf32, #tpu.memory_space<vmem>>, vector<64x128xf32>
    %dot_general3A = arith.constant dense<0.000000e+00> : vector<640x128xf32>
    %dot_general3A_85 = tpu.matmul %mul3A_78, %get3A_84, %dot_general3A {dimension_numbers = #tpu.dot_dimension_numbers<[1], [0], [0], [1], [0, 0, 1, 1], [], []>, transpose_lhs_hint = false} : vector<640x64xf32>, vector<64x128xf32>, vector<640x128xf32> -> vector<640x128xf32>
    %rsqrt3A_86 = math.rsqrt %sub3A_81 : vector<640x1xf32>
    %mul3A_87 = vector.broadcast %rsqrt3A_86 : vector<640x1xf32> to vector<640x128xf32>
    %mul3A_88 = arith.mulf %dot_general3A_85, %mul3A_87 : vector<640x128xf32>
    %swap3A = arith.constant 0 : index
    %swap3A_89 = arith.constant 0 : index
    %swap3A_90 = vector.load %arg6[%swap3A, %swap3A_89] : memref<640x128xf32, #tpu.memory_space<vmem>>, vector<640x128xf32>
    tpu.vector_store %arg6[%swap3A, %swap3A_89], %mul3A_88 {strides = array<i32>} : memref<640x128xf32, #tpu.memory_space<vmem>>, vector<640x128xf32>,
    return
  }
  func.func @transform_0(%arg0: i32) -> (i32, i32, i32) {
    %c0_i32 = arith.constant 0 : i32
    %c0_i32_0 = arith.constant 0 : i32
    %c0_i32_1 = arith.constant 0 : i32
    return %c0_i32, %arg0, %c0_i32_0 : i32, i32, i32
  }
  func.func @transform_1(%arg0: i32) -> (i32, i32) {
    %c0_i32 = arith.constant 0 : i32
    %c0_i32_0 = arith.constant 0 : i32
    return %arg0, %c0_i32 : i32, i32
  }
  func.func @transform_2(%arg0: i32) -> (i32, i32, i32) {
    %c0_i32 = arith.constant 0 : i32
    %c0_i32_0 = arith.constant 0 : i32
    %c0_i32_1 = arith.constant 0 : i32
    return %c0_i32, %arg0, %c0_i32_0 : i32, i32, i32
  }
  func.func @transform_3(%arg0: i32) -> (i32, i32) {
    %c0_i32 = arith.constant 0 : i32
    %c0_i32_0 = arith.constant 0 : i32
    %c0_i32_1 = arith.constant 0 : i32
    return %c0_i32, %c0_i32_0 : i32, i32
  }
  func.func @transform_4(%arg0: i32) -> (i32, i32) {
    %c0_i32 = arith.constant 0 : i32
    %c0_i32_0 = arith.constant 0 : i32
    %c0_i32_1 = arith.constant 0 : i32
    return %c0_i32, %c0_i32_0 : i32, i32
  }
  func.func @transform_5(%arg0: i32) -> (i32, i32) {
    %c0_i32 = arith.constant 0 : i32
    %c0_i32_0 = arith.constant 0 : i32
    return %arg0, %c0_i32 : i32, i32
  }
}

module attributes {stable_mosaic.version = 14 : i64} {
  func.func @body(%arg0: i32, %arg1: memref<2x640x128xf32, #tpu.memory_space<vmem>>, %arg2: memref<640x128xf32, #tpu.memory_space<vmem>>, %arg3: memref<2x640x16xf32, #tpu.memory_space<vmem>>, %arg4: memref<1x128xf32, #tpu.memory_space<vmem>>, %arg5: memref<640x256xf32, #tpu.memory_space<vmem>>) attributes {dimension_semantics = [#tpu.dimension_semantics<arbitrary>], iteration_bounds = array<i64: 8>, scalar_prefetch = 0 : i64, scratch_operands = 0 : i64, tpu.core_type = #tpu.core_type<tc>, window_params = [{transform_indices = @transform_0, window_bounds = array<i64: 2, 640, 128>}, {transform_indices = @transform_1, window_bounds = array<i64: 640, 128>}, {transform_indices = @transform_2, window_bounds = array<i64: 2, 640, 16>}, {pipeline_mode = #tpu.pipeline_mode<synchronous>, transform_indices = @transform_3, window_bounds = array<i64: 1, 128>}, {transform_indices = @transform_4, window_bounds = array<i64: 640, 256>}]} {
    %get3A = arith.constant 0 : index
    %get3A_0 = arith.constant 0 : index
    %get3A_1 = arith.constant 0 : index
    %get3A_2 = vector.load %arg3[%get3A, %get3A_0, %get3A_1] : memref<2x640x16xf32, #tpu.memory_space<vmem>>, vector<1x640x1xf32>
    %get3A_3 = vector.shape_cast %get3A_2 : vector<1x640x1xf32> to vector<640x1xf32>
    %get3A_4 = arith.constant 1 : index
    %get3A_5 = arith.constant 0 : index
    %get3A_6 = arith.constant 0 : index
    %get3A_7 = vector.load %arg3[%get3A_4, %get3A_5, %get3A_6] : memref<2x640x16xf32, #tpu.memory_space<vmem>>, vector<1x640x1xf32>
    %get3A_8 = vector.shape_cast %get3A_7 : vector<1x640x1xf32> to vector<640x1xf32>
    %add3A = arith.addf %get3A_3, %get3A_8 : vector<640x1xf32>
    %add3A_9 = arith.constant 1.000000e+00 : f32
    %add3A_10 = vector.broadcast %add3A_9 : f32 to vector<640x1xf32>
    %add3A_11 = arith.addf %add3A, %add3A_10 : vector<640x1xf32>
    %get3A_12 = arith.constant 0 : index
    %get3A_13 = arith.constant 0 : index
    %get3A_14 = arith.constant 8 : index
    %get3A_15 = vector.load %arg3[%get3A_12, %get3A_13, %get3A_14] : memref<2x640x16xf32, #tpu.memory_space<vmem>>, vector<1x640x1xf32>
    %get3A_16 = vector.shape_cast %get3A_15 : vector<1x640x1xf32> to vector<640x1xf32>
    %get3A_17 = arith.constant 1 : index
    %get3A_18 = arith.constant 0 : index
    %get3A_19 = arith.constant 8 : index
    %get3A_20 = vector.load %arg3[%get3A_17, %get3A_18, %get3A_19] : memref<2x640x16xf32, #tpu.memory_space<vmem>>, vector<1x640x1xf32>
    %get3A_21 = vector.shape_cast %get3A_20 : vector<1x640x1xf32> to vector<640x1xf32>
    %add3A_22 = arith.addf %get3A_16, %get3A_21 : vector<640x1xf32>
    %add3A_23 = arith.constant 1.000000e+00 : f32
    %add3A_24 = vector.broadcast %add3A_23 : f32 to vector<640x1xf32>
    %add3A_25 = arith.addf %add3A_22, %add3A_24 : vector<640x1xf32>
    %add3A_26 = arith.addf %add3A_11, %add3A_25 : vector<640x1xf32>
    %sub3A = arith.constant 1.000000e+00 : f32
    %sub3A_27 = vector.broadcast %sub3A : f32 to vector<640x1xf32>
    %sub3A_28 = arith.subf %add3A_26, %sub3A_27 : vector<640x1xf32>
    %get3A_29 = arith.constant 0 : index
    %get3A_30 = arith.constant 0 : index
    %get3A_31 = arith.constant 0 : index
    %get3A_32 = vector.load %arg1[%get3A_29, %get3A_30, %get3A_31] : memref<2x640x128xf32, #tpu.memory_space<vmem>>, vector<1x640x128xf32>
    %get3A_33 = vector.shape_cast %get3A_32 : vector<1x640x128xf32> to vector<640x128xf32>
    %get3A_34 = arith.constant 1 : index
    %get3A_35 = arith.constant 0 : index
    %get3A_36 = arith.constant 0 : index
    %get3A_37 = vector.load %arg1[%get3A_34, %get3A_35, %get3A_36] : memref<2x640x128xf32, #tpu.memory_space<vmem>>, vector<1x640x128xf32>
    %get3A_38 = vector.shape_cast %get3A_37 : vector<1x640x128xf32> to vector<640x128xf32>
    %add3A_39 = arith.addf %get3A_33, %get3A_38 : vector<640x128xf32>
    %get3A_40 = arith.constant 0 : index
    %get3A_41 = arith.constant 0 : index
    %get3A_42 = vector.load %arg2[%get3A_40, %get3A_41] : memref<640x128xf32, #tpu.memory_space<vmem>>, vector<640x128xf32>
    %add3A_43 = arith.addf %add3A_39, %get3A_42 : vector<640x128xf32>
    %rsqrt3A = math.rsqrt %sub3A_28 : vector<640x1xf32>
    %mul3A = vector.broadcast %rsqrt3A : vector<640x1xf32> to vector<640x128xf32>
    %mul3A_44 = arith.mulf %add3A_43, %mul3A : vector<640x128xf32>
    %get3A_45 = arith.constant 0 : index
    %get3A_46 = arith.constant 0 : index
    %get3A_47 = vector.load %arg4[%get3A_45, %get3A_46] : memref<1x128xf32, #tpu.memory_space<vmem>>, vector<1x128xf32>
    %add3A_48 = vector.broadcast %get3A_47 : vector<1x128xf32> to vector<640x128xf32>
    %add3A_49 = arith.addf %mul3A_44, %add3A_48 : vector<640x128xf32>
    %swap3A = arith.constant 0 : index
    %swap3A_50 = arith.constant 0 : index
    %swap3A_51 = vector.load %arg5[%swap3A, %swap3A_50] : memref<640x256xf32, #tpu.memory_space<vmem>>, vector<640x128xf32>
    tpu.vector_store %arg5[%swap3A, %swap3A_50], %add3A_49 {strides = array<i32>} : memref<640x256xf32, #tpu.memory_space<vmem>>, vector<640x128xf32>,
    %swap3A_52 = arith.constant 0 : index
    %swap3A_53 = arith.constant 128 : index
    %swap3A_54 = vector.load %arg5[%swap3A_52, %swap3A_53] : memref<640x256xf32, #tpu.memory_space<vmem>>, vector<640x128xf32>
    tpu.vector_store %arg5[%swap3A_52, %swap3A_53], %add3A_49 {strides = array<i32>} : memref<640x256xf32, #tpu.memory_space<vmem>>, vector<640x128xf32>,
    return
  }
  func.func @transform_0(%arg0: i32) -> (i32, i32, i32) {
    %c0_i32 = arith.constant 0 : i32
    %c0_i32_0 = arith.constant 0 : i32
    %c0_i32_1 = arith.constant 0 : i32
    return %c0_i32, %arg0, %c0_i32_0 : i32, i32, i32
  }
  func.func @transform_1(%arg0: i32) -> (i32, i32) {
    %c0_i32 = arith.constant 0 : i32
    %c0_i32_0 = arith.constant 0 : i32
    return %arg0, %c0_i32 : i32, i32
  }
  func.func @transform_2(%arg0: i32) -> (i32, i32, i32) {
    %c0_i32 = arith.constant 0 : i32
    %c0_i32_0 = arith.constant 0 : i32
    %c0_i32_1 = arith.constant 0 : i32
    return %c0_i32, %arg0, %c0_i32_0 : i32, i32, i32
  }
  func.func @transform_3(%arg0: i32) -> (i32, i32) {
    %c0_i32 = arith.constant 0 : i32
    %c0_i32_0 = arith.constant 0 : i32
    %c0_i32_1 = arith.constant 0 : i32
    return %c0_i32, %c0_i32_0 : i32, i32
  }
  func.func @transform_4(%arg0: i32) -> (i32, i32) {
    %c0_i32 = arith.constant 0 : i32
    %c0_i32_0 = arith.constant 0 : i32
    return %arg0, %c0_i32 : i32, i32
  }
}

</mosaic_0001>

<sc_bundles>
// kernel: kernel.11.cloned.1.call-start
scs
__scs_entry_jumppad:
0x0: {  	(pc) =	sbr.rel $0x88, $3  }
0x1: {  	(tag) =	ssettag $0x0;
	lr =	simm.s32 $0x1  }
0x2: {  	[smem:$0x3F9B] =	sst lr;
	_ =	strace $0xD0000000  }
0x3: {  	_ = 	snop  }
0x4: {  	_ = 	snop  }
0x5: {  	_ = 	snop  }
0x6: {  	_ = 	snop  }
0x7: {  	_ = 	snop  }
__scs_overlays_trampoline_lowered:
0x8: {  	[smem:$0x3FAA] =	sst s0  }
0x9: {  	[smem:$0x3FAB] =	sst s1  }
0xa: {  	[smem:$0x3FAC] =	sst s2  }
0xb: {  	[smem:$0x3FAD] =	sst s3  }
0xc: {  	[smem:$0x3FAE] =	sst s4  }
0xd: {  	[smem:$0x3FAF] =	sst s5  }
0xe: {  	[smem:$0x3FB0] =	sst s6  }
0xf: {  	[smem:$0x3FB1] =	sst s7  }
0x10: {  	[smem:$0x3FB2] =	sst s8  }
0x11: {  	[smem:$0x3FB3] =	sst s9;
	s0 =	simm.s32 @!p0 $0x0  }
0x12: {  	s1 =	sld [smem:$0x3F99];
	s0 =	simm.s32 @p0 $0x1  }
0x13: {  	[smem:$0x3FB4] =	sst s0;
	s0 =	simm.s32 @!p1 $0x0  }
0x14: {  	s2 =	sld [smem:$0x3F98];
	s0 =	simm.s32 @p1 $0x1  }
0x15: {  	[smem:$0x3FB5] =	sst s0;
	s0 =	simm.s32 @!p2 $0x0  }
0x16: {  	s3 =	sld [smem:$0x3FDB];
	s0 =	simm.s32 @p2 $0x1  }
0x17: {  	s4 =	simm.s32 $0x1BF5;
	[smem:$0x3FB7] =	sst s0  }
0x18: {  	s0 =	sld [smem:$0x3F9A];
	_ =	swait.ge [sflag:s4], $0x0  }
0x19: {  	s7 =	sld [smem:$0x3F9B]  }
0x1a: {  	s8 =	sadd.s32 $0xFFFFE003, lr  }
0x1b: {  	s9 =	sadd.s32 $0xFFFFFEF7, lr;
	s5 =	simm.s32 $0xFFFFFFFF;
	p2 =	slt.u32 s8, $0xFFFFF086  }
0x1c: {  	p1 =	slt.u32 s9, $0xF7A;
	s5 =	simm.s32 @!p2 $0x0  }
0x1d: {  	s5 =	simm.s32 @p1 $0x1;
	p0 =	seq.s32 s7, s2  }
0x1e: {  	s7 =	smul.u32 @!p0 $0xF7A, s2;
	p2 =	seq.s32 @!p0 s5, $0x0  }
0x1f: {  	s9 =	smul.u32 $0xF7A, s1;
	s8 =	simm.s32 @!p0 $0x1BF5;
	p2 =	por !p2, p0  }
0x20: {  	[sflag:s8] =	ssyncset.s32 @!p0 $0xFFFFF086;
	s6 =	sadd.s32 @!p0 s3, s7;
	s7 =	simm.s32 @!p0 $0x108  }
0x21: {  	s3 =	sadd.s32 s3, s9;
	s6 =	sadd.s32 @!p0 $0x88, s6;
	s7 =	simm.s32 @p2 $0x1082  }
0x22: {  	[simem:s7], [sflag:s8] =	dma.local @!p0 [hbm:s6], $0xF7A  }
0x23: {  	s9 =	sor.u32 $0xD0000000, s2;
	s6 =	simm.s32 $0x108;
	_ =	swait.ge @!p0 [sflag:s8], $0x0  }
0x24: {  	s3 =	sadd.s32 $0x88, s3;
	s6 =	simm.s32 @!p1 $0x1082;
	[sflag:s4] =	ssyncset.s32 $0xFFFFF086  }
0x25: {  	[simem:s6], [sflag:s4] =	dma.local [hbm:s3], $0xF7A  }
0x26: {  	[smem:$0x3F9B] =	sst s1;
	(tag) =	ssettag s2;
	_ =	strace s9  }
0x27: {  	s1 =	sld [smem:$0x3FAB]  }
0x28: {  	s2 =	sld [smem:$0x3FAC]  }
0x29: {  	s4 =	sld [smem:$0x3FAE]  }
0x2a: {  	p0 =	seq.s32 s5, $0x0;
	s5 =	sld [smem:$0x3FAF]  }
0x2b: {  	s6 =	sld [smem:$0x3FB0]  }
0x2c: {  	s7 =	sld [smem:$0x3FB1]  }
0x2d: {  	s3 =	simm.s32 $0x108;
	s8 =	sld [smem:$0x3FB2]  }
0x2e: {  	s3 =	simm.s32 @!p0 $0x1082;
	s9 =	sld [smem:$0x3FB3]  }
0x2f: {  	lr =	sadd.s32 s0, s3;
	s0 =	sld [smem:$0x3FAA]  }
0x30: {  	s3 =	sld [smem:$0x3FAD]  }
0x31: {  	[smem:$0x3FB6] =	sst s10  }
0x32: {  	s10 =	sld [smem:$0x3FB4];
	_ =	sdelay $0x3  }
0x33: {  	p0 =	seq.s32 s10, $0x1;
	s10 =	sld [smem:$0x3FB6];
	_ =	sdelay $0x3  }
0x34: {  	[smem:$0x3FB6] =	sst s10  }
0x35: {  	s10 =	sld [smem:$0x3FB5];
	_ =	sdelay $0x3  }
0x36: {  	p1 =	seq.s32 s10, $0x1;
	s10 =	sld [smem:$0x3FB6];
	_ =	sdelay $0x3  }
0x37: {  	[smem:$0x3FB6] =	sst s10  }
0x38: {  	s10 =	sld [smem:$0x3FB7]  }
0x39: {  	_ = 	snop;
	(pc) =	sbr.ind lr, $3  }
0x3a: {  	_ = 	snop  }
0x3b: {  	_ = 	snop  }
0x3c: {  	p2 =	seq.s32 s10, $0x1;
	s10 =	sld [smem:$0x3FB6]  }
0x3d: {  	_ =	shalt  }
0x3e: {  	_ =	shalt  }
0x3f: {  	_ =	shalt  }
0x40: {  	_ =	shalt  }
0x41: {  	_ =	shalt  }
0x42: {  	_ =	shalt  }
0x43: {  	_ =	shalt  }
0x44: {  	_ =	shalt  }
0x45: {  	_ =	shalt  }
0x46: {  	_ =	shalt  }
0x47: {  	_ =	shalt  }
0x48: {  	_ =	shalt  }
0x49: {  	_ =	shalt  }
0x4a: {  	_ =	shalt  }
0x4b: {  	_ =	shalt  }
0x4c: {  	_ =	shalt  }
0x4d: {  	_ =	shalt  }
0x4e: {  	_ =	shalt  }
0x4f: {  	_ =	shalt  }
0x50: {  	_ =	shalt  }
0x51: {  	_ =	shalt  }
0x52: {  	_ =	shalt  }
0x53: {  	_ =	shalt  }
0x54: {  	_ =	shalt  }
0x55: {  	_ =	shalt  }
0x56: {  	_ =	shalt  }
0x57: {  	_ =	shalt  }
0x58: {  	_ =	shalt  }
0x59: {  	_ =	shalt  }
0x5a: {  	_ =	shalt  }
0x5b: {  	_ =	shalt  }
0x5c: {  	_ =	shalt  }
0x5d: {  	_ =	shalt  }
0x5e: {  	_ =	shalt  }
0x5f: {  	_ =	shalt  }
0x60: {  	_ =	shalt  }
0x61: {  	_ =	shalt  }
0x62: {  	_ =	shalt  }
0x63: {  	_ =	shalt  }
0x64: {  	_ =	shalt  }
0x65: {  	_ =	shalt  }
0x66: {  	_ =	shalt  }
0x67: {  	_ =	shalt  }
0x68: {  	_ =	shalt  }
0x69: {  	_ =	shalt  }
0x6a: {  	_ =	shalt  }
0x6b: {  	_ =	shalt  }
0x6c: {  	_ =	shalt  }
0x6d: {  	_ =	shalt  }
0x6e: {  	_ =	shalt  }
0x6f: {  	_ =	shalt  }
0x70: {  	_ =	shalt  }
0x71: {  	_ =	shalt  }
0x72: {  	_ =	shalt  }
0x73: {  	_ =	shalt  }
0x74: {  	_ =	shalt  }
0x75: {  	_ =	shalt  }
0x76: {  	_ =	shalt  }
0x77: {  	_ =	shalt  }
0x78: {  	_ =	shalt  }
0x79: {  	_ =	shalt  }
0x7a: {  	_ =	shalt  }
0x7b: {  	_ =	shalt  }
0x7c: {  	_ =	shalt  }
0x7d: {  	_ =	shalt  }
0x7e: {  	_ =	shalt  }
0x7f: {  	_ =	shalt  }
0x80: {  	_ =	shalt  }
0x81: {  	_ =	shalt  }
0x82: {  	_ =	shalt  }
0x83: {  	_ =	shalt  }
0x84: {  	_ =	shalt  }
0x85: {  	_ =	shalt  }
0x86: {  	_ =	shalt  }
0x87: {  	_ =	shalt  }
.Lfunc_end0:
.L_simem_size_0:
called_computation.1_lowered:
.L_overlay_start_0:
0x88: {  	s2 =	sld [smem:$0x3FD9]  }
0x89: {  	s3 =	sld [smem:$0x3FFE];
	_ =	sdelay $0x1  }
0x8a: {  	s1 =	srdreg.scid  }
0x8b: {  	s0 =	sand.u32 $0x1, s1  }
0x8c: {  	s17 =	sshll.u32 s0, $0xA;
	s2 =	sadd.s32 s3, s2  }
0x8d: {  	s2 =	sadd.s32 s2, s17  }
0x8e: {  	[smem:$0x3FC2] =	sst s2  }
0x8f: {  	_ = 	snop  }
0x90: {  	s2 =	sld [smem:$0x3FD0];
	(tm) =	ssettm $0x1  }
0x91: {  	s18 =	sld [smem:$0x3FFB];
	_ =	sdelay $0x3  }
0x92: {  	_ =	strace s18  }
0x93: {  	s3 =	sld [smem:$0x3FFC];
	_ =	sdelay $0x3  }
0x94: {  	_ =	strace s3  }
0x95: {  	s3 =	sld [smem:$0x3FFD];
	_ =	sdelay $0x3  }
0x96: {  	_ =	strace s3  }
0x97: {  	_ =	strace $0x8FFFFFFF  }
0x98: {  	s19 =	sld [smem:$0x3FDB];
	_ =	sdelay $0x1  }
0x99: {  	s4 =	simm.s32 $_scs_section_size  }
0x9a: {  	s5 =	simm.s32 $_size__tile_overlayer_lowered;
	s6 =	simm.s32 $_tile_overlayer_lowered  }
0x9b: {  	s22 =	simm.s32 $0x1BFF;
	s21 =	sshll.u32 s6, $0x1;
	s3 =	sadd.s32 s4, s19  }
0x9c: {  	s7 =	simm.s32 $0x0;
	s20 =	sshll.u32 s5, $0x1;
	s5 =	sadd.s32 s21, s3  }
0x9d: {  	[timem:s7], [sflag:s22] =	dma.local [hbm:s5], s20  }
0x9e: {  	_ =	swait.ge [sflag:s22], s20  }
0x9f: {  	s4 =	ssub.s32 $0x0, s20;
	[sflag:s22] =	ssyncset.done $0x0  }
0xa0: {  	[sflag:s22] =	ssyncadd.s32 s4;
	_ =	sdelay $0x1  }
0xa1: {  	s23 =	simm.s32 $0x1B8B  }
0xa2: {  	_ =	swait.ge [sflag:s23], $0x1  }
0xa3: {  	[sflag:s23] =	ssyncset.done $0x0  }
0xa4: {  	s25 =	simm.s32 $0x1B8E;
	s24 =	sld [smem:$0x3FFE];
	[sflag:s23] =	ssyncadd.s32 $0xFFFFFFFF  }
0xa5: {  	s26 =	simm.s32 $execute0_lowered;
	[smem:$0x3FD2] =	sst s25  }
0xa6: {  	s5 =	sshll.u32 s26, $0x1;
	_ =	strace $0x80000049;
	[dreg:$0x1] =	wrdreg $0xFFFFFFFF  }
0xa7: {  	s28 =	simm.s32 $_size_execute0_lowered;
	s3 =	sadd.s32 s3, s5;
	[dreg:$0x0] =	wrdreg $0x0  }
0xa8: {  	s5 =	sshll.u32 s28, $0x1;
	[dreg:$0x2] =	wrdreg s3  }
0xa9: {  	[dreg:$0x3] =	wrdreg s5  }
0xaa: {  	[dreg:$0x4] =	wrdreg $0xC0  }
0xab: {  	_ =	task [dreg:s7], $0x5FFFF  }
0xac: {  	[dreg:$0x1] =	wrdreg $0xFFFFFFFF  }
0xad: {  	[dreg:$0x0] =	wrdreg $0x60  }
0xae: {  	[dreg:$0x2] =	wrdreg s24  }
0xaf: {  	[dreg:$0x3] =	wrdreg s2  }
0xb0: {  	[dreg:$0x4] =	wrdreg $0x14C000  }
0xb1: {  	[dreg:$0x5] =	wrdreg $0xAC000  }
0xb2: {  	[dreg:$0x6] =	wrdreg $0x9  }
0xb3: {  	_ =	task.clear_ibuf [dreg:s7], $0x7FFFF;
	_ =	strace $0x90000049  }
0xb4: {  	s29 =	simm.s32 $0x9;
	_ =	strace $0x8000004B  }
0xb5: {  	_ =	swait.ge [sflag:s29], $0x1  }
0xb6: {  	[sflag:s29] =	ssyncadd.s32 $0xFFFFFFFF  }
0xb7: {  	_ =	strace $0x9000004B  }
0xb8: {  	_ =	sfence  }
0xb9: {  	s30 =	sld [smem:$0x0];
	_ =	sdelay $0x2  }
0xba: {  	s31 =	sshll.u32 s1, $0xD;
	s1 =	sshrl.u32 s1, $0x2  }
0xbb: {  	s3 =	sand.u32 $0x4000, s31;
	s1 =	sadd.s32 s1, s30  }
0xbc: {  	s0 =	sor.u32 s3, s0;
	s1 =	sshll.u32 s1, $0x11  }
0xbd: {  	s0 =	sor.u32 s1, s0  }
0xbe: {  	s0 =	sadd.s32 $0x8F2B, s0  }
0xbf: {  	[sflag:s0] =	ssyncadd.remote.s32 $0x1  }
0xc0: {  	_ =	sfence.sel $0xFFFF  }
0xc1: {  	[dreg:$0x0] =	wrdreg $0xFFFFFFFF;
	(pc) =	sbr.abs _section_cstart, $3  }
0xc2: {  	[dreg:$0x1] =	wrdreg $0xFFFFFFFF  }
0xc3: {  	_ =	task.clear_ibuf [dreg:s7], $0x2FFFF;
	_ =	strace $0x9FFFFFFF  }
0xc4: {  	(tm) =	ssettm $0x7FFFFFFF  }
0xc5: {  	_ =	shalt  }
tec
execute0_lowered:
.L_overlay_start_1:
0x0: {  	(tag) =	ssettag $0x1  }
0x1: {  	s0 =	rddreg [dreg:$0x0]  }
0x2: {  	s1 =	rddreg [dreg:$0x1]  }
0x3: {  	s2 =	rddreg [dreg:$0x2];
	s4 =	srdreg.scid  }
0x4: {  	s9 =	stileid.u32;
	s3 =	rddreg [dreg:$0x3]  }
0x5: {  	s28 =	simm.s32 $0x2900;
	s29 =	simm.s32 $0x6C00;
	s30 =	simm.s32 $0x2980  }
0x6: {  	s31 =	simm.s32 $0x8C00;
	s5 =	sand.u32 $0x1, s4;
	s6 =	sshll.u32 s9, $0x1  }
0x7: {  	s4 =	simm.s32 $0x0;
	s13 =	smul.u32 $0xA000, s9;
	s8 =	sadd.s32 $0x10E00, s0  }
0x8: {  	s6 =	sor.u32 s5, s6;
	s7 =	ssub.s32 $0x2, s5;
	s5 =	smul.u32 $0xA0000, s5  }
0x9: {  	s18 =	sshll.u32 s9, $0x6;
	[smem:$0x7FF] =	sst s4;
	s6 =	smul.u32 $0x500, s6  }
0xa: {  	_ =	strace $0x8000004A;
	[dreg:$0x5] =	wrdreg s8;
	s16 =	sshrl.u32 s7, $0x1  }
0xb: {  	s14 =	sadd.s32 s13, s2;
	s17 =	sshrl.u32 s13, $0x3;
	s15 =	sadd.s32 $0x2000, s13  }
0xc: {  	s8 =	sadd.s32 s13, s3;
	s19 =	sadd.s32 $0x4000, s13;
	s7 =	ssub.s32 s7, s16  }
0xd: {  	s1 =	sadd.s32 s1, s17;
	s9 =	sadd.s32 s15, s3;
	s16 =	sadd.s32 $0x6000, s13  }
0xe: {  	s10 =	sadd.s32 s19, s3;
	s17 =	sadd.s32 $0x8000, s13;
	s13 =	sadd.s32 s13, s5  }
0xf: {  	s15 =	sadd.s32 s5, s15;
	s26 =	sshrl.u32 s14, $0x3;
	s14 =	simm.s32 $0x4  }
0x10: {  	s6 =	sadd.s32 s6, s0;
	s0 =	sadd.s32 $0x11200, s0;
	[dreg:$0x6] =	wrdreg s1  }
0x11: {  	s1 =	sor.u32 $0x1C09, s18;
	s11 =	sadd.s32 s16, s3;
	s12 =	sadd.s32 s17, s3  }
0x12: {  	s20 =	sshrl.u32 s13, $0x3;
	s21 =	sshrl.u32 s15, $0x3;
	s23 =	sadd.s32 s5, s16  }
0x13: {  	s25 =	smax.u32 s7, $0x1;
	[dreg:$0xf] =	wrdreg s26;
	s26 =	simm.s32 $0x4C00  }
0x14: {  	s7 =	simm.s32 $0x3;
	s13 =	simm.s32 $0x2B00;
	s15 =	simm.s32 $0x2B80  }
0x15: {  	[dreg:$0x7] =	wrdreg s1;
	s6 =	sadd.s32 $0x1E00, s6;
	s22 =	sadd.s32 s0, s21  }
0x16: {  	s1 =	sadd.s32 s5, s19;
	s5 =	sadd.s32 s5, s17;
	s24 =	sshrl.u32 s23, $0x3  }
0x17: {  	[dreg:$0xe] =	wrdreg s25;
	s21 =	simm.s32 $0x9;
	s23 =	simm.s32 $0x80  }
0x18: {  	s25 =	simm.s32 $0x2880;
	s19 =	simm.s32 $0x8;
	[dreg:$0x8] =	wrdreg s6  }
0x19: {  	s6 =	sadd.s32 s0, s20;
	[dreg:$0xa] =	wrdreg s22;
	s1 =	sshrl.u32 s1, $0x3  }
0x1a: {  	s5 =	sshrl.u32 s5, $0x3;
	s22 =	simm.s32 $0x2C00;
	s20 =	simm.s32 $0x0  }
0x1b: {  	[dreg:$0x9] =	wrdreg s6;
	s1 =	sadd.s32 s0, s1;
	s6 =	simm.s32 $0x2A80  }
0x1c: {  	[dreg:$0xb] =	wrdreg s1;
	s1 =	sadd.s32 s0, s24;
	s0 =	sadd.s32 s0, s5  }
0x1d: {  	s24 =	simm.s32 $0x2800;
	s5 =	simm.s32 $0x2;
	[dreg:$0xc] =	wrdreg s1  }
0x1e: {  	[dreg:$0xd] =	wrdreg s0;
	s1 =	simm.s32 $0x1;
	s0 =	simm.s32 $0x2A00  }
.LBB2_1:
0x1f: {  	s16 =	rddreg [dreg:$0x6]  }
0x20: {  	s17 =	rddreg [dreg:$0x7]  }
0x21: {  	s18 =	rddreg [dreg:$0xf]  }
0x22: {  	[spmem:s18], [sflag:s17] =	dma.local [hbm:s16], $0x1400  }
0x23: {  	_ =	swait.ge [sflag:s21], $0x1400  }
0x24: {  	[sflag:s21] =	ssyncset.done $0x0  }
0x25: {  	s17 =	rddreg [dreg:$0x5];
	[sflag:s21] =	ssyncadd.s32 $0xFFFFEC00  }
0x26: {  	[tilespmem:s22], [sflag:$0x9] =	stream.linear.gather [hbm4b:s17+s4], $0x2000, $0x38;
	[tilespmem:$0x1EC00] =	vst v63  }
0x27: {  	_ =	swait.ge [sflag:s21], $0x2000  }
0x28: {  	[sflag:s21] =	ssyncset.done $0x0  }
0x29: {  	[sflag:s21] =	ssyncadd.s32 $0xFFFFE000  }
0x2a: {  	[spmem:s8] =	stream.linear.scatter [tilespmem:s22], [sflag:$0x9], $0x2000, $0x38;
	[tilespmem:$0x1EC00] =	vst v63  }
0x2b: {  	_ =	swait.ge [sflag:s21], $0x2000  }
0x2c: {  	[sflag:s21] =	ssyncset.done $0x0  }
0x2d: {  	[sflag:s21] =	ssyncadd.s32 $0xFFFFE000  }
0x2e: {  	[spmem:s9] =	stream.linear.scatter [tilespmem:s22], [sflag:$0x9], $0x2000, $0x38;
	[tilespmem:$0x1EC00] =	vst v63  }
0x2f: {  	_ =	swait.ge [sflag:s21], $0x2000  }
0x30: {  	[sflag:s21] =	ssyncset.done $0x0  }
0x31: {  	[sflag:s21] =	ssyncadd.s32 $0xFFFFE000  }
0x32: {  	[spmem:s10] =	stream.linear.scatter [tilespmem:s22], [sflag:$0x9], $0x2000, $0x38;
	[tilespmem:$0x1EC00] =	vst v63  }
0x33: {  	_ =	swait.ge [sflag:s21], $0x2000  }
0x34: {  	[sflag:s21] =	ssyncset.done $0x0  }
0x35: {  	[sflag:s21] =	ssyncadd.s32 $0xFFFFE000  }
0x36: {  	[spmem:s11] =	stream.linear.scatter [tilespmem:s22], [sflag:$0x9], $0x2000, $0x38;
	[tilespmem:$0x1EC00] =	vst v63  }
0x37: {  	_ =	swait.ge [sflag:s21], $0x2000  }
0x38: {  	[sflag:s21] =	ssyncset.done $0x0  }
0x39: {  	[sflag:s21] =	ssyncadd.s32 $0xFFFFE000  }
0x3a: {  	[spmem:s12] =	stream.linear.scatter [tilespmem:s22], [sflag:$0x9], $0x2000, $0x38;
	[tilespmem:$0x1EC00] =	vst v63  }
0x3b: {  	_ =	swait.ge [sflag:s21], $0x2000  }
0x3c: {  	[sflag:s21] =	ssyncset.done $0x0  }
0x3d: {  	s18 =	rddreg [dreg:$0x8];
	[sflag:s21] =	ssyncadd.s32 $0xFFFFE000  }
0x3e: {  	[tilespmem:s4], [sflag:$0x9] =	stream.linear.gather [hbm4b:s18+s4], $0x2800, $0x38;
	[tilespmem:$0x1EC00] =	vst v63  }
0x3f: {  	_ =	swait.ge [sflag:s21], $0x2800  }
0x40: {  	[sflag:s21] =	ssyncset.done $0x0  }
0x41: {  	p0 =	por $0x1, $0x1;
	[sflag:s21] =	ssyncadd.s32 $0xFFFFD800  }
0x42: {  	s16 =	simm.s32 @!p0 $0x5;
	[bflag:$0x0] =	sbarrier.arrive $0xFFFF  }
0x43: {  	_ =	swait.ge @!p0 [sflag:s16], $0x2000  }
0x44: {  	[sflag:s16] =	ssyncset.done @!p0 $0x0  }
0x45: {  	[sflag:s16] =	ssyncadd.s32 @!p0 $0xFFFFE000;
	s16 =	simm.s32 $0x0  }
0x46: {  	v0 =	vld [tilespmem:s16+$0x0];
	_ =	sdelay $0x4  }
0x47: {  	v1 =	vand.u32 $0xFFFF, v0  }
0x48: {  	v0 =	vshra.s32 v0, $0x10;
	[tilespmem:$0x2800] =	vst v1  }
0x49: {  	[tilespmem:$0x2A00] =	vst v0  }
0x4a: {  	v0 =	vld [tilespmem:s16+$0x10];
	_ =	sdelay $0x4  }
0x4b: {  	v1 =	vand.u32 $0xFFFF, v0  }
0x4c: {  	v0 =	vshra.s32 v0, $0x10;
	[tilespmem:$0x2810] =	vst v1  }
0x4d: {  	[tilespmem:$0x2A10] =	vst v0  }
0x4e: {  	v0 =	vld [tilespmem:s16+$0x20];
	_ =	sdelay $0x4  }
0x4f: {  	v1 =	vand.u32 $0xFFFF, v0  }
0x50: {  	v0 =	vshra.s32 v0, $0x10;
	[tilespmem:$0x2820] =	vst v1  }
0x51: {  	[tilespmem:$0x2A20] =	vst v0  }
0x52: {  	v0 =	vld [tilespmem:s16+$0x30];
	_ =	sdelay $0x4  }
0x53: {  	v1 =	vand.u32 $0xFFFF, v0  }
0x54: {  	v0 =	vshra.s32 v0, $0x10;
	[tilespmem:$0x2830] =	vst v1  }
0x55: {  	[tilespmem:$0x2A30] =	vst v0  }
0x56: {  	v0 =	vld [tilespmem:s16+$0x40];
	_ =	sdelay $0x4  }
0x57: {  	v1 =	vand.u32 $0xFFFF, v0  }
0x58: {  	v0 =	vshra.s32 v0, $0x10;
	[tilespmem:$0x2840] =	vst v1  }
0x59: {  	[tilespmem:$0x2A40] =	vst v0  }
0x5a: {  	v0 =	vld [tilespmem:s16+$0x50];
	_ =	sdelay $0x4  }
0x5b: {  	v1 =	vand.u32 $0xFFFF, v0  }
0x5c: {  	v0 =	vshra.s32 v0, $0x10;
	[tilespmem:$0x2850] =	vst v1  }
0x5d: {  	[tilespmem:$0x2A50] =	vst v0  }
0x5e: {  	v0 =	vld [tilespmem:s16+$0x60];
	_ =	sdelay $0x4  }
0x5f: {  	v1 =	vand.u32 $0xFFFF, v0  }
0x60: {  	v0 =	vshra.s32 v0, $0x10;
	[tilespmem:$0x2860] =	vst v1  }
0x61: {  	[tilespmem:$0x2A60] =	vst v0  }
0x62: {  	v0 =	vld [tilespmem:s16+$0x70];
	_ =	sdelay $0x4  }
0x63: {  	v1 =	vand.u32 $0xFFFF, v0  }
0x64: {  	v0 =	vshra.s32 v0, $0x10;
	[tilespmem:$0x2870] =	vst v1  }
0x65: {  	s17 =	simm.s32 @!p0 $0x6;
	[tilespmem:$0x2A70] =	vst v0  }
0x66: {  	[tilespmem:s22], [sflag:$0x1] =	stream.indirect.gather [spmem:s2], $0x40, s24, s23, $0xb8;
	[tilespmem:$0x1EC00] =	vst v63  }
0x67: {  	_ =	swait.ge @!p0 [sflag:s17], $0x2000  }
0x68: {  	[sflag:s17] =	ssyncset.done @!p0 $0x0  }
0x69: {  	[sflag:s17] =	ssyncadd.s32 @!p0 $0xFFFFE000  }
0x6a: {  	v0 =	vld [tilespmem:s16+$0x80];
	_ =	sdelay $0x4  }
0x6b: {  	v1 =	vand.u32 $0xFFFF, v0  }
0x6c: {  	v0 =	vshra.s32 v0, $0x10;
	[tilespmem:$0x2880] =	vst v1  }
0x6d: {  	[tilespmem:$0x2A80] =	vst v0  }
0x6e: {  	v0 =	vld [tilespmem:s16+$0x90];
	_ =	sdelay $0x4  }
0x6f: {  	v1 =	vand.u32 $0xFFFF, v0  }
0x70: {  	v0 =	vshra.s32 v0, $0x10;
	[tilespmem:$0x2890] =	vst v1  }
0x71: {  	[tilespmem:$0x2A90] =	vst v0  }
0x72: {  	v0 =	vld [tilespmem:s16+$0xA0];
	_ =	sdelay $0x4  }
0x73: {  	v1 =	vand.u32 $0xFFFF, v0  }
0x74: {  	v0 =	vshra.s32 v0, $0x10;
	[tilespmem:$0x28A0] =	vst v1  }
0x75: {  	[tilespmem:$0x2AA0] =	vst v0  }
0x76: {  	v0 =	vld [tilespmem:s16+$0xB0];
	_ =	sdelay $0x4  }
0x77: {  	v1 =	vand.u32 $0xFFFF, v0  }
0x78: {  	v0 =	vshra.s32 v0, $0x10;
	[tilespmem:$0x28B0] =	vst v1  }
0x79: {  	[tilespmem:$0x2AB0] =	vst v0  }
0x7a: {  	v0 =	vld [tilespmem:s16+$0xC0];
	_ =	sdelay $0x4  }
0x7b: {  	v1 =	vand.u32 $0xFFFF, v0  }
0x7c: {  	v0 =	vshra.s32 v0, $0x10;
	[tilespmem:$0x28C0] =	vst v1  }
0x7d: {  	[tilespmem:$0x2AC0] =	vst v0  }
0x7e: {  	v0 =	vld [tilespmem:s16+$0xD0];
	_ =	sdelay $0x4  }
0x7f: {  	v1 =	vand.u32 $0xFFFF, v0  }
0x80: {  	v0 =	vshra.s32 v0, $0x10;
	[tilespmem:$0x28D0] =	vst v1  }
0x81: {  	[tilespmem:$0x2AD0] =	vst v0  }
0x82: {  	v0 =	vld [tilespmem:s16+$0xE0];
	_ =	sdelay $0x4  }
0x83: {  	v1 =	vand.u32 $0xFFFF, v0  }
0x84: {  	v0 =	vshra.s32 v0, $0x10;
	[tilespmem:$0x28E0] =	vst v1  }
0x85: {  	[tilespmem:$0x2AE0] =	vst v0  }
0x86: {  	v0 =	vld [tilespmem:s16+$0xF0];
	_ =	sdelay $0x4  }
0x87: {  	v1 =	vand.u32 $0xFFFF, v0  }
0x88: {  	v0 =	vshra.s32 v0, $0x10;
	[tilespmem:$0x28F0] =	vst v1  }
0x89: {  	s17 =	simm.s32 @!p0 $0x7;
	[tilespmem:$0x2AF0] =	vst v0  }
0x8a: {  	[tilespmem:s26], [sflag:$0x2] =	stream.indirect.gather [spmem:s2], $0x40, s25, s23, $0xb8;
	[tilespmem:$0x1EC00] =	vst v63  }
0x8b: {  	_ =	swait.ge @!p0 [sflag:s17], $0x2000  }
0x8c: {  	[sflag:s17] =	ssyncset.done @!p0 $0x0  }
0x8d: {  	[sflag:s17] =	ssyncadd.s32 @!p0 $0xFFFFE000  }
0x8e: {  	v0 =	vld [tilespmem:s16+$0x100];
	_ =	sdelay $0x4  }
0x8f: {  	v1 =	vand.u32 $0xFFFF, v0  }
0x90: {  	v0 =	vshra.s32 v0, $0x10;
	[tilespmem:$0x2900] =	vst v1  }
0x91: {  	[tilespmem:$0x2B00] =	vst v0  }
0x92: {  	v0 =	vld [tilespmem:s16+$0x110];
	_ =	sdelay $0x4  }
0x93: {  	v1 =	vand.u32 $0xFFFF, v0  }
0x94: {  	v0 =	vshra.s32 v0, $0x10;
	[tilespmem:$0x2910] =	vst v1  }
0x95: {  	[tilespmem:$0x2B10] =	vst v0  }
0x96: {  	v0 =	vld [tilespmem:s16+$0x120];
	_ =	sdelay $0x4  }
0x97: {  	v1 =	vand.u32 $0xFFFF, v0  }
0x98: {  	v0 =	vshra.s32 v0, $0x10;
	[tilespmem:$0x2920] =	vst v1  }
0x99: {  	[tilespmem:$0x2B20] =	vst v0  }
0x9a: {  	v0 =	vld [tilespmem:s16+$0x130];
	_ =	sdelay $0x4  }
0x9b: {  	v1 =	vand.u32 $0xFFFF, v0  }
0x9c: {  	v0 =	vshra.s32 v0, $0x10;
	[tilespmem:$0x2930] =	vst v1  }
0x9d: {  	[tilespmem:$0x2B30] =	vst v0  }
0x9e: {  	v0 =	vld [tilespmem:s16+$0x140];
	_ =	sdelay $0x4  }
0x9f: {  	v1 =	vand.u32 $0xFFFF, v0  }
0xa0: {  	v0 =	vshra.s32 v0, $0x10;
	[tilespmem:$0x2940] =	vst v1  }
0xa1: {  	[tilespmem:$0x2B40] =	vst v0  }
0xa2: {  	v0 =	vld [tilespmem:s16+$0x150];
	_ =	sdelay $0x4  }
0xa3: {  	v1 =	vand.u32 $0xFFFF, v0  }
0xa4: {  	v0 =	vshra.s32 v0, $0x10;
	[tilespmem:$0x2950] =	vst v1  }
0xa5: {  	[tilespmem:$0x2B50] =	vst v0  }
0xa6: {  	v0 =	vld [tilespmem:s16+$0x160];
	_ =	sdelay $0x4  }
0xa7: {  	v1 =	vand.u32 $0xFFFF, v0  }
0xa8: {  	v0 =	vshra.s32 v0, $0x10;
	[tilespmem:$0x2960] =	vst v1  }
0xa9: {  	[tilespmem:$0x2B60] =	vst v0  }
0xaa: {  	v0 =	vld [tilespmem:s16+$0x170];
	_ =	sdelay $0x4  }
0xab: {  	v1 =	vand.u32 $0xFFFF, v0  }
0xac: {  	v0 =	vshra.s32 v0, $0x10;
	[tilespmem:$0x2970] =	vst v1  }
0xad: {  	s17 =	simm.s32 @!p0 $0x8;
	[tilespmem:$0x2B70] =	vst v0  }
0xae: {  	[tilespmem:s29], [sflag:$0x3] =	stream.indirect.gather [spmem:s2], $0x40, s28, s23, $0xb8;
	[tilespmem:$0x1EC00] =	vst v63  }
0xaf: {  	_ =	swait.ge @!p0 [sflag:s17], $0x2000  }
0xb0: {  	[sflag:s17] =	ssyncset.done @!p0 $0x0  }
0xb1: {  	[sflag:s17] =	ssyncadd.s32 @!p0 $0xFFFFE000  }
0xb2: {  	v0 =	vld [tilespmem:s16+$0x180];
	_ =	sdelay $0x4  }
0xb3: {  	v1 =	vand.u32 $0xFFFF, v0  }
0xb4: {  	v0 =	vshra.s32 v0, $0x10;
	[tilespmem:$0x2980] =	vst v1  }
0xb5: {  	[tilespmem:$0x2B80] =	vst v0  }
0xb6: {  	v0 =	vld [tilespmem:s16+$0x190];
	_ =	sdelay $0x4  }
0xb7: {  	v1 =	vand.u32 $0xFFFF, v0  }
0xb8: {  	v0 =	vshra.s32 v0, $0x10;
	[tilespmem:$0x2990] =	vst v1  }
0xb9: {  	[tilespmem:$0x2B90] =	vst v0  }
0xba: {  	v0 =	vld [tilespmem:s16+$0x1A0];
	_ =	sdelay $0x4  }
0xbb: {  	v1 =	vand.u32 $0xFFFF, v0  }
0xbc: {  	v0 =	vshra.s32 v0, $0x10;
	[tilespmem:$0x29A0] =	vst v1  }
0xbd: {  	[tilespmem:$0x2BA0] =	vst v0  }
0xbe: {  	v0 =	vld [tilespmem:s16+$0x1B0];
	_ =	sdelay $0x4  }
0xbf: {  	v1 =	vand.u32 $0xFFFF, v0  }
0xc0: {  	v0 =	vshra.s32 v0, $0x10;
	[tilespmem:$0x29B0] =	vst v1  }
0xc1: {  	[tilespmem:$0x2BB0] =	vst v0  }
0xc2: {  	v0 =	vld [tilespmem:s16+$0x1C0];
	_ =	sdelay $0x4  }
0xc3: {  	v1 =	vand.u32 $0xFFFF, v0  }
0xc4: {  	v0 =	vshra.s32 v0, $0x10;
	[tilespmem:$0x29C0] =	vst v1  }
0xc5: {  	[tilespmem:$0x2BC0] =	vst v0  }
0xc6: {  	v0 =	vld [tilespmem:s16+$0x1D0];
	_ =	sdelay $0x4  }
0xc7: {  	v1 =	vand.u32 $0xFFFF, v0  }
0xc8: {  	s17 =	simm.s32 $0x800;
	v0 =	vshra.s32 v0, $0x10;
	[tilespmem:$0x29D0] =	vst v1  }
.LBB2_2:
0xc9: {  	[tilespmem:$0x2BD0] =	vst v0;
	s18 =	smov.u32 s17;
	s17 =	sadd.s32 $0x800, s17  }
0xca: {  	p0 =	sne.s32 s17, $0xA000;
	v0 =	vld [tilespmem:s16+$0x1E0];
	_ =	sdelay $0x4  }
0xcb: {  	v1 =	vand.u32 $0xFFFF, v0;
	v0 =	vshra.s32 v0, $0x10  }
0xcc: {  	[tilespmem:$0x29E0] =	vst v1  }
0xcd: {  	[tilespmem:$0x2BE0] =	vst v0  }
0xce: {  	v0 =	vld [tilespmem:s16+$0x1F0];
	_ =	sdelay $0x4  }
0xcf: {  	v1 =	vand.u32 $0xFFFF, v0;
	v0 =	vshra.s32 v0, $0x10  }
0xd0: {  	[tilespmem:$0x29F0] =	vst v1  }
0xd1: {  	[tilespmem:$0x2BF0] =	vst v0  }
0xd2: {  	[tilespmem:s31], [sflag:$0x4] =	stream.indirect.gather [spmem:s2], $0x40, s30, s23, $0xb8;
	[tilespmem:$0x1EC00] =	vst v63  }
0xd3: {  	_ =	swait.ge [sflag:s1], $0x2000  }
0xd4: {  	[sflag:s1] =	ssyncset.done $0x0  }
0xd5: {  	[sflag:s1] =	ssyncadd.s32 $0xFFFFE000  }
0xd6: {  	[spmem:s3] =	stream.indirect.scatter.add.f32 [tilespmem:s22], [sflag:$0x5], $0x40, s0, s23, $0xb8;
	[tilespmem:$0x1EC00] =	vst v63  }
0xd7: {  	_ =	swait.ge [sflag:s5], $0x2000  }
0xd8: {  	[sflag:s5] =	ssyncset.done $0x0  }
0xd9: {  	[sflag:s5] =	ssyncadd.s32 $0xFFFFE000  }
0xda: {  	[spmem:s3] =	stream.indirect.scatter.add.f32 [tilespmem:s26], [sflag:$0x6], $0x40, s6, s23, $0xb8;
	[tilespmem:$0x1EC00] =	vst v63  }
0xdb: {  	_ =	swait.ge [sflag:s7], $0x2000  }
0xdc: {  	[sflag:s7] =	ssyncset.done $0x0  }
0xdd: {  	[sflag:s7] =	ssyncadd.s32 $0xFFFFE000  }
0xde: {  	[spmem:s3] =	stream.indirect.scatter.add.f32 [tilespmem:s29], [sflag:$0x7], $0x40, s13, s23, $0xb8;
	[tilespmem:$0x1EC00] =	vst v63  }
0xdf: {  	_ =	swait.ge [sflag:s14], $0x2000  }
0xe0: {  	p1 =	seq.s32 s18, $0x0;
	[sflag:s14] =	ssyncset.done $0x0  }
0xe1: {  	s16 =	simm.s32 @!p1 $0x5;
	[sflag:s14] =	ssyncadd.s32 $0xFFFFE000  }
0xe2: {  	[spmem:s3] =	stream.indirect.scatter.add.f32 [tilespmem:s31], [sflag:$0x8], $0x40, s15, s23, $0xb8;
	[tilespmem:$0x1EC00] =	vst v63  }
0xe3: {  	_ =	swait.ge @!p1 [sflag:s16], $0x2000  }
0xe4: {  	[sflag:s16] =	ssyncset.done @!p1 $0x0  }
0xe5: {  	[sflag:s16] =	ssyncadd.s32 @!p1 $0xFFFFE000;
	s16 =	sshra.s32 s18, $0x2  }
0xe6: {  	v0 =	vld [tilespmem:s16+$0x0];
	_ =	sdelay $0x4  }
0xe7: {  	v1 =	vand.u32 $0xFFFF, v0;
	v0 =	vshra.s32 v0, $0x10  }
0xe8: {  	[tilespmem:$0x2800] =	vst v1  }
0xe9: {  	[tilespmem:$0x2A00] =	vst v0  }
0xea: {  	v0 =	vld [tilespmem:s16+$0x10];
	_ =	sdelay $0x4  }
0xeb: {  	v1 =	vand.u32 $0xFFFF, v0;
	v0 =	vshra.s32 v0, $0x10  }
0xec: {  	[tilespmem:$0x2810] =	vst v1  }
0xed: {  	[tilespmem:$0x2A10] =	vst v0  }
0xee: {  	v0 =	vld [tilespmem:s16+$0x20];
	_ =	sdelay $0x4  }
0xef: {  	v1 =	vand.u32 $0xFFFF, v0;
	v0 =	vshra.s32 v0, $0x10  }
0xf0: {  	[tilespmem:$0x2820] =	vst v1  }
0xf1: {  	[tilespmem:$0x2A20] =	vst v0  }
0xf2: {  	v0 =	vld [tilespmem:s16+$0x30];
	_ =	sdelay $0x4  }
0xf3: {  	v1 =	vand.u32 $0xFFFF, v0;
	v0 =	vshra.s32 v0, $0x10  }
0xf4: {  	[tilespmem:$0x2830] =	vst v1  }
0xf5: {  	[tilespmem:$0x2A30] =	vst v0  }
0xf6: {  	v0 =	vld [tilespmem:s16+$0x40];
	_ =	sdelay $0x4  }
0xf7: {  	v1 =	vand.u32 $0xFFFF, v0;
	v0 =	vshra.s32 v0, $0x10  }
0xf8: {  	[tilespmem:$0x2840] =	vst v1  }
0xf9: {  	[tilespmem:$0x2A40] =	vst v0  }
0xfa: {  	v0 =	vld [tilespmem:s16+$0x50];
	_ =	sdelay $0x4  }
0xfb: {  	v1 =	vand.u32 $0xFFFF, v0;
	v0 =	vshra.s32 v0, $0x10  }
0xfc: {  	[tilespmem:$0x2850] =	vst v1  }
0xfd: {  	[tilespmem:$0x2A50] =	vst v0  }
0xfe: {  	v0 =	vld [tilespmem:s16+$0x60];
	_ =	sdelay $0x4  }
0xff: {  	v1 =	vand.u32 $0xFFFF, v0;
	v0 =	vshra.s32 v0, $0x10  }
0x100: {  	[tilespmem:$0x2860] =	vst v1  }
0x101: {  	[tilespmem:$0x2A60] =	vst v0  }
0x102: {  	v0 =	vld [tilespmem:s16+$0x70];
	_ =	sdelay $0x4  }
0x103: {  	v1 =	vand.u32 $0xFFFF, v0;
	v0 =	vshra.s32 v0, $0x10  }
0x104: {  	[tilespmem:$0x2870] =	vst v1  }
0x105: {  	s18 =	simm.s32 @!p1 $0x6;
	[tilespmem:$0x2A70] =	vst v0  }
0x106: {  	[tilespmem:s22], [sflag:$0x1] =	stream.indirect.gather [spmem:s2], $0x40, s24, s23, $0xb8;
	[tilespmem:$0x1EC00] =	vst v63  }
0x107: {  	_ =	swait.ge @!p1 [sflag:s18], $0x2000  }
0x108: {  	[sflag:s18] =	ssyncset.done @!p1 $0x0  }
0x109: {  	[sflag:s18] =	ssyncadd.s32 @!p1 $0xFFFFE000  }
0x10a: {  	v0 =	vld [tilespmem:s16+$0x80];
	_ =	sdelay $0x4  }
0x10b: {  	v1 =	vand.u32 $0xFFFF, v0;
	v0 =	vshra.s32 v0, $0x10  }
0x10c: {  	[tilespmem:$0x2880] =	vst v1  }
0x10d: {  	[tilespmem:$0x2A80] =	vst v0  }
0x10e: {  	v0 =	vld [tilespmem:s16+$0x90];
	_ =	sdelay $0x4  }
0x10f: {  	v1 =	vand.u32 $0xFFFF, v0;
	v0 =	vshra.s32 v0, $0x10  }
0x110: {  	[tilespmem:$0x2890] =	vst v1  }
0x111: {  	[tilespmem:$0x2A90] =	vst v0  }
0x112: {  	v0 =	vld [tilespmem:s16+$0xA0];
	_ =	sdelay $0x4  }
0x113: {  	v1 =	vand.u32 $0xFFFF, v0;
	v0 =	vshra.s32 v0, $0x10  }
0x114: {  	[tilespmem:$0x28A0] =	vst v1  }
0x115: {  	[tilespmem:$0x2AA0] =	vst v0  }
0x116: {  	v0 =	vld [tilespmem:s16+$0xB0];
	_ =	sdelay $0x4  }
0x117: {  	v1 =	vand.u32 $0xFFFF, v0;
	v0 =	vshra.s32 v0, $0x10  }
0x118: {  	[tilespmem:$0x28B0] =	vst v1  }
0x119: {  	[tilespmem:$0x2AB0] =	vst v0  }
0x11a: {  	v0 =	vld [tilespmem:s16+$0xC0];
	_ =	sdelay $0x4  }
0x11b: {  	v1 =	vand.u32 $0xFFFF, v0;
	v0 =	vshra.s32 v0, $0x10  }
0x11c: {  	[tilespmem:$0x28C0] =	vst v1  }
0x11d: {  	[tilespmem:$0x2AC0] =	vst v0  }
0x11e: {  	v0 =	vld [tilespmem:s16+$0xD0];
	_ =	sdelay $0x4  }
0x11f: {  	v1 =	vand.u32 $0xFFFF, v0;
	v0 =	vshra.s32 v0, $0x10  }
0x120: {  	[tilespmem:$0x28D0] =	vst v1  }
0x121: {  	[tilespmem:$0x2AD0] =	vst v0  }
0x122: {  	v0 =	vld [tilespmem:s16+$0xE0];
	_ =	sdelay $0x4  }
0x123: {  	v1 =	vand.u32 $0xFFFF, v0;
	v0 =	vshra.s32 v0, $0x10  }
0x124: {  	[tilespmem:$0x28E0] =	vst v1  }
0x125: {  	[tilespmem:$0x2AE0] =	vst v0  }
0x126: {  	v0 =	vld [tilespmem:s16+$0xF0];
	_ =	sdelay $0x4  }
0x127: {  	v1 =	vand.u32 $0xFFFF, v0;
	v0 =	vshra.s32 v0, $0x10  }
0x128: {  	[tilespmem:$0x28F0] =	vst v1  }
0x129: {  	s18 =	simm.s32 @!p1 $0x7;
	[tilespmem:$0x2AF0] =	vst v0  }
0x12a: {  	[tilespmem:s26], [sflag:$0x2] =	stream.indirect.gather [spmem:s2], $0x40, s25, s23, $0xb8;
	[tilespmem:$0x1EC00] =	vst v63  }
0x12b: {  	_ =	swait.ge @!p1 [sflag:s18], $0x2000  }
0x12c: {  	[sflag:s18] =	ssyncset.done @!p1 $0x0  }
0x12d: {  	[sflag:s18] =	ssyncadd.s32 @!p1 $0xFFFFE000  }
0x12e: {  	v0 =	vld [tilespmem:s16+$0x100];
	_ =	sdelay $0x4  }
0x12f: {  	v1 =	vand.u32 $0xFFFF, v0;
	v0 =	vshra.s32 v0, $0x10  }
0x130: {  	[tilespmem:$0x2900] =	vst v1  }
0x131: {  	[tilespmem:$0x2B00] =	vst v0  }
0x132: {  	v0 =	vld [tilespmem:s16+$0x110];
	_ =	sdelay $0x4  }
0x133: {  	v1 =	vand.u32 $0xFFFF, v0;
	v0 =	vshra.s32 v0, $0x10  }
0x134: {  	[tilespmem:$0x2910] =	vst v1  }
0x135: {  	[tilespmem:$0x2B10] =	vst v0  }
0x136: {  	v0 =	vld [tilespmem:s16+$0x120];
	_ =	sdelay $0x4  }
0x137: {  	v1 =	vand.u32 $0xFFFF, v0;
	v0 =	vshra.s32 v0, $0x10  }
0x138: {  	[tilespmem:$0x2920] =	vst v1  }
0x139: {  	[tilespmem:$0x2B20] =	vst v0  }
0x13a: {  	v0 =	vld [tilespmem:s16+$0x130];
	_ =	sdelay $0x4  }
0x13b: {  	v1 =	vand.u32 $0xFFFF, v0;
	v0 =	vshra.s32 v0, $0x10  }
0x13c: {  	[tilespmem:$0x2930] =	vst v1  }
0x13d: {  	[tilespmem:$0x2B30] =	vst v0  }
0x13e: {  	v0 =	vld [tilespmem:s16+$0x140];
	_ =	sdelay $0x4  }
0x13f: {  	v1 =	vand.u32 $0xFFFF, v0;
	v0 =	vshra.s32 v0, $0x10  }
0x140: {  	[tilespmem:$0x2940] =	vst v1  }
0x141: {  	[tilespmem:$0x2B40] =	vst v0  }
0x142: {  	v0 =	vld [tilespmem:s16+$0x150];
	_ =	sdelay $0x4  }
0x143: {  	v1 =	vand.u32 $0xFFFF, v0;
	v0 =	vshra.s32 v0, $0x10  }
0x144: {  	[tilespmem:$0x2950] =	vst v1  }
0x145: {  	[tilespmem:$0x2B50] =	vst v0  }
0x146: {  	v0 =	vld [tilespmem:s16+$0x160];
	_ =	sdelay $0x4  }
0x147: {  	v1 =	vand.u32 $0xFFFF, v0;
	v0 =	vshra.s32 v0, $0x10  }
0x148: {  	[tilespmem:$0x2960] =	vst v1  }
0x149: {  	[tilespmem:$0x2B60] =	vst v0  }
0x14a: {  	v0 =	vld [tilespmem:s16+$0x170];
	_ =	sdelay $0x4  }
0x14b: {  	v1 =	vand.u32 $0xFFFF, v0;
	v0 =	vshra.s32 v0, $0x10  }
0x14c: {  	[tilespmem:$0x2970] =	vst v1  }
0x14d: {  	s18 =	simm.s32 @!p1 $0x8;
	[tilespmem:$0x2B70] =	vst v0  }
0x14e: {  	[tilespmem:s29], [sflag:$0x3] =	stream.indirect.gather [spmem:s2], $0x40, s28, s23, $0xb8;
	[tilespmem:$0x1EC00] =	vst v63  }
0x14f: {  	_ =	swait.ge @!p1 [sflag:s18], $0x2000  }
0x150: {  	[sflag:s18] =	ssyncset.done @!p1 $0x0  }
0x151: {  	[sflag:s18] =	ssyncadd.s32 @!p1 $0xFFFFE000  }
0x152: {  	v0 =	vld [tilespmem:s16+$0x180];
	_ =	sdelay $0x4  }
0x153: {  	v1 =	vand.u32 $0xFFFF, v0;
	v0 =	vshra.s32 v0, $0x10  }
0x154: {  	[tilespmem:$0x2980] =	vst v1  }
0x155: {  	[tilespmem:$0x2B80] =	vst v0  }
0x156: {  	v0 =	vld [tilespmem:s16+$0x190];
	_ =	sdelay $0x4  }
0x157: {  	v1 =	vand.u32 $0xFFFF, v0;
	v0 =	vshra.s32 v0, $0x10  }
0x158: {  	[tilespmem:$0x2990] =	vst v1  }
0x159: {  	[tilespmem:$0x2B90] =	vst v0  }
0x15a: {  	v0 =	vld [tilespmem:s16+$0x1A0];
	_ =	sdelay $0x4  }
0x15b: {  	v1 =	vand.u32 $0xFFFF, v0;
	v0 =	vshra.s32 v0, $0x10  }
0x15c: {  	[tilespmem:$0x29A0] =	vst v1  }
0x15d: {  	[tilespmem:$0x2BA0] =	vst v0  }
0x15e: {  	v0 =	vld [tilespmem:s16+$0x1B0];
	_ =	sdelay $0x4  }
0x15f: {  	v1 =	vand.u32 $0xFFFF, v0;
	v0 =	vshra.s32 v0, $0x10  }
0x160: {  	[tilespmem:$0x29B0] =	vst v1  }
0x161: {  	[tilespmem:$0x2BB0] =	vst v0  }
0x162: {  	v0 =	vld [tilespmem:s16+$0x1C0];
	_ =	sdelay $0x4  }
0x163: {  	v1 =	vand.u32 $0xFFFF, v0;
	v0 =	vshra.s32 v0, $0x10  }
0x164: {  	[tilespmem:$0x29C0] =	vst v1  }
0x165: {  	[tilespmem:$0x2BC0] =	vst v0  }
0x166: {  	v0 =	vld [tilespmem:s16+$0x1D0];
	_ =	sdelay $0x1  }
.Ltmp0:
0x167: {  	(pc) =	sbr.rel @p0 .LBB2_2-.Ltmp0, $3  }
0x168: {  	_ =	sdelay $0x1  }
0x169: {  	v1 =	vand.u32 $0xFFFF, v0;
	v0 =	vshra.s32 v0, $0x10  }
0x16a: {  	[tilespmem:$0x29D0] =	vst v1  }
0x16b: {  	[tilespmem:$0x2BD0] =	vst v0  }
0x16c: {  	v0 =	vld [tilespmem:s16+$0x1E0];
	_ =	sdelay $0x4  }
0x16d: {  	v1 =	vand.u32 $0xFFFF, v0  }
0x16e: {  	v0 =	vshra.s32 v0, $0x10;
	[tilespmem:$0x29E0] =	vst v1  }
0x16f: {  	[tilespmem:$0x2BE0] =	vst v0  }
0x170: {  	v0 =	vld [tilespmem:s16+$0x1F0];
	_ =	sdelay $0x4  }
0x171: {  	v63 =	vand.u32 $0xFFFF, v0  }
0x172: {  	v0 =	vshra.s32 v0, $0x10;
	[tilespmem:$0x29F0] =	vst v63  }
0x173: {  	[tilespmem:$0x2BF0] =	vst v0  }
0x174: {  	[tilespmem:s31], [sflag:$0x4] =	stream.indirect.gather [spmem:s2], $0x40, s30, s23, $0xb8;
	[tilespmem:$0x1EC00] =	vst v63  }
0x175: {  	_ =	swait.ge [sflag:s1], $0x2000  }
0x176: {  	[sflag:s1] =	ssyncset.done $0x0  }
0x177: {  	[sflag:s1] =	ssyncadd.s32 $0xFFFFE000  }
0x178: {  	[spmem:s3] =	stream.indirect.scatter.add.f32 [tilespmem:s22], [sflag:$0x5], $0x40, s0, s23, $0xb8;
	[tilespmem:$0x1EC00] =	vst v63  }
0x179: {  	_ =	swait.ge [sflag:s5], $0x2000  }
0x17a: {  	[sflag:s5] =	ssyncset.done $0x0  }
0x17b: {  	[sflag:s5] =	ssyncadd.s32 $0xFFFFE000  }
0x17c: {  	[spmem:s3] =	stream.indirect.scatter.add.f32 [tilespmem:s26], [sflag:$0x6], $0x40, s6, s23, $0xb8;
	[tilespmem:$0x1EC00] =	vst v63  }
0x17d: {  	_ =	swait.ge [sflag:s7], $0x2000  }
0x17e: {  	[sflag:s7] =	ssyncset.done $0x0  }
0x17f: {  	[sflag:s7] =	ssyncadd.s32 $0xFFFFE000  }
0x180: {  	[spmem:s3] =	stream.indirect.scatter.add.f32 [tilespmem:s29], [sflag:$0x7], $0x40, s13, s23, $0xb8;
	[tilespmem:$0x1EC00] =	vst v63  }
0x181: {  	_ =	swait.ge [sflag:s14], $0x2000  }
0x182: {  	[sflag:s14] =	ssyncset.done $0x0  }
0x183: {  	s18 =	simm.s32 $0x5;
	[sflag:s14] =	ssyncadd.s32 $0xFFFFE000  }
0x184: {  	[spmem:s3] =	stream.indirect.scatter.add.f32 [tilespmem:s31], [sflag:$0x8], $0x40, s15, s23, $0xb8;
	[tilespmem:$0x1EC00] =	vst v63  }
0x185: {  	_ =	swait.ge [sflag:s18], $0x2000  }
0x186: {  	[sflag:s18] =	ssyncset.done $0x0  }
0x187: {  	s17 =	simm.s32 $0x6;
	[sflag:s18] =	ssyncadd.s32 $0xFFFFE000  }
0x188: {  	_ =	swait.ge [sflag:s17], $0x2000  }
0x189: {  	[sflag:s17] =	ssyncset.done $0x0  }
0x18a: {  	s18 =	simm.s32 $0x7;
	[sflag:s17] =	ssyncadd.s32 $0xFFFFE000  }
0x18b: {  	_ =	swait.ge [sflag:s18], $0x2000  }
0x18c: {  	[sflag:s18] =	ssyncset.done $0x0  }
0x18d: {  	[sflag:s18] =	ssyncadd.s32 $0xFFFFE000  }
0x18e: {  	_ =	swait.ge [sflag:s19], $0x2000  }
0x18f: {  	[sflag:s19] =	ssyncset.done $0x0  }
0x190: {  	[sflag:s19] =	ssyncadd.s32 $0xFFFFE000  }
0x191: {  	[bflag:$0x0] =	sbarrier.arrive $0xFFFF  }
0x192: {  	[tilespmem:s22], [sflag:$0x9] =	stream.linear.gather [spmem:s8], $0x2000, $0x38;
	[tilespmem:$0x1EC00] =	vst v63  }
0x193: {  	_ =	swait.ge [sflag:s21], $0x2000  }
0x194: {  	[sflag:s21] =	ssyncset.done $0x0  }
0x195: {  	s17 =	rddreg [dreg:$0x9];
	[sflag:s21] =	ssyncadd.s32 $0xFFFFE000  }
0x196: {  	[hbm4b:s17+s4] =	stream.linear.scatter [tilespmem:s22], [sflag:$0x1], $0x2000, $0x38;
	[tilespmem:$0x1EC00] =	vst v63  }
0x197: {  	_ = 	snop  }
0x198: {  	[tilespmem:s26], [sflag:$0x9] =	stream.linear.gather [spmem:s9], $0x2000, $0x38;
	[tilespmem:$0x1EC00] =	vst v63  }
0x199: {  	_ =	swait.ge [sflag:s21], $0x2000  }
0x19a: {  	[sflag:s21] =	ssyncset.done $0x0  }
0x19b: {  	s18 =	rddreg [dreg:$0xa];
	[sflag:s21] =	ssyncadd.s32 $0xFFFFE000  }
0x19c: {  	[hbm4b:s18+s4] =	stream.linear.scatter [tilespmem:s26], [sflag:$0x2], $0x2000, $0x38;
	[tilespmem:$0x1EC00] =	vst v63  }
0x19d: {  	_ = 	snop  }
0x19e: {  	[tilespmem:s29], [sflag:$0x9] =	stream.linear.gather [spmem:s10], $0x2000, $0x38;
	[tilespmem:$0x1EC00] =	vst v63  }
0x19f: {  	_ =	swait.ge [sflag:s21], $0x2000  }
0x1a0: {  	[sflag:s21] =	ssyncset.done $0x0  }
0x1a1: {  	s17 =	rddreg [dreg:$0xb];
	[sflag:s21] =	ssyncadd.s32 $0xFFFFE000  }
0x1a2: {  	[hbm4b:s17+s4] =	stream.linear.scatter [tilespmem:s29], [sflag:$0x3], $0x2000, $0x38;
	[tilespmem:$0x1EC00] =	vst v63  }
0x1a3: {  	_ = 	snop  }
0x1a4: {  	[tilespmem:s31], [sflag:$0x9] =	stream.linear.gather [spmem:s11], $0x2000, $0x38;
	[tilespmem:$0x1EC00] =	vst v63  }
0x1a5: {  	_ =	swait.ge [sflag:s21], $0x2000  }
0x1a6: {  	[sflag:s21] =	ssyncset.done $0x0  }
0x1a7: {  	s18 =	rddreg [dreg:$0xc];
	[sflag:s21] =	ssyncadd.s32 $0xFFFFE000  }
0x1a8: {  	[hbm4b:s18+s4] =	stream.linear.scatter [tilespmem:s31], [sflag:$0x4], $0x2000, $0x38;
	[tilespmem:$0x1EC00] =	vst v63  }
0x1a9: {  	_ =	swait.ge [sflag:s1], $0x2000  }
0x1aa: {  	[sflag:s1] =	ssyncset.done $0x0  }
0x1ab: {  	[sflag:s1] =	ssyncadd.s32 $0xFFFFE000  }
0x1ac: {  	[tilespmem:s22], [sflag:$0x9] =	stream.linear.gather [spmem:s12], $0x2000, $0x38;
	[tilespmem:$0x1EC00] =	vst v63  }
0x1ad: {  	_ =	swait.ge [sflag:s21], $0x2000  }
0x1ae: {  	[sflag:s21] =	ssyncset.done $0x0  }
0x1af: {  	s17 =	rddreg [dreg:$0xd];
	[sflag:s21] =	ssyncadd.s32 $0xFFFFE000  }
0x1b0: {  	[hbm4b:s17+s4] =	stream.linear.scatter [tilespmem:s22], [sflag:$0x1], $0x2000, $0x38;
	[tilespmem:$0x1EC00] =	vst v63  }
0x1b1: {  	_ =	swait.ge [sflag:s1], $0x2000  }
0x1b2: {  	[sflag:s1] =	ssyncset.done $0x0  }
0x1b3: {  	[sflag:s1] =	ssyncadd.s32 $0xFFFFE000  }
0x1b4: {  	_ =	swait.ge [sflag:s5], $0x2000  }
0x1b5: {  	[sflag:s5] =	ssyncset.done $0x0  }
0x1b6: {  	[sflag:s5] =	ssyncadd.s32 $0xFFFFE000  }
0x1b7: {  	_ =	swait.ge [sflag:s7], $0x2000  }
0x1b8: {  	[sflag:s7] =	ssyncset.done $0x0  }
0x1b9: {  	[sflag:s7] =	ssyncadd.s32 $0xFFFFE000  }
0x1ba: {  	_ =	swait.ge [sflag:s14], $0x2000  }
0x1bb: {  	s20 =	sadd.s32 $0x1, s20;
	s18 =	rddreg [dreg:$0xe]  }
0x1bc: {  	p0 =	sne.s32 s20, s18  }
.Ltmp1:
0x1bd: {  	_ = 	snop;
	(pc) =	sbr.rel @p0 .LBB2_1-.Ltmp1, $3  }
0x1be: {  	_ =	sdelay $0x1  }
0x1bf: {  	[sflag:s14] =	ssyncset.done $0x0  }
0x1c0: {  	[sflag:s14] =	ssyncadd.s32 $0xFFFFE000  }
0x1c1: {  	_ =	sfence.sel $0x180000  }
0x1c2: {  	[bflag:$0x0] =	sbarrier.arrive $0xFFFF  }
0x1c3: {  	_ =	strace $0x9000004A  }
0x1c4: {  	s0 =	stileid.u32;
	[bflag:$0x2] =	sbarrier.arrive $0xFFFF  }
0x1c5: {  	p0 =	sne.s32 s0, $0x0;
	s0 =	rddreg [dreg:$0x4]  }
0x1c6: {  	s0 =	sadd.s32 @!p0 $0x100000, s0  }
0x1c7: {  	[sflag:s0] =	ssyncadd.tile.s32 @!p0 $0x1;
	_ =	shalt  }
.Lfunc_end2:
_tile_overlayer_lowered:
.L_overlay_start_2:
0x1c8: {  	(tag) =	ssettag $0x2  }
0x1c9: {  	s0 =	rddreg [dreg:$0x0];
	s2 =	stileid.u32  }
0x1ca: {  	s1 =	rddreg [dreg:$0x1];
	p0 =	sne.s32 s2, $0x0  }
0x1cb: {  	s3 =	rddreg [dreg:$0x2];
	[bflag:$0x3] =	sbarrier.arrive $0xFFFF;
	s2 =	simm.s32 @!p0 $0x1C09  }
0x1cc: {  	[timem:s3], [sflag:s2] =	dma.local @!p0 [hbm:s0], s1  }
0x1cd: {  	s0 =	simm.s32 @!p0 $0x9  }
0x1ce: {  	_ =	swait.ge @!p0 [sflag:s0], s1  }
0x1cf: {  	s1 =	ssub.s32 @!p0 $0x0, s1;
	[sflag:s0] =	ssyncset.done @!p0 $0x0  }
0x1d0: {  	[sflag:s0] =	ssyncadd.s32 @!p0 s1  }
0x1d1: {  	[bflag:$0x3] =	sbarrier.arrive $0xFFFF  }
0x1d2: {  	_ =	shalt  }

// kernel: kernel.14.cloned.1.call-start
scs
__scs_entry_jumppad:
0x0: {  	(pc) =	sbr.rel $0x88, $3  }
0x1: {  	(tag) =	ssettag $0x0;
	lr =	simm.s32 $0x1  }
0x2: {  	[smem:$0x3F9B] =	sst lr;
	_ =	strace $0xD0000000  }
0x3: {  	_ = 	snop  }
0x4: {  	_ = 	snop  }
0x5: {  	_ = 	snop  }
0x6: {  	_ = 	snop  }
0x7: {  	_ = 	snop  }
__scs_overlays_trampoline_lowered:
0x8: {  	[smem:$0x3FAA] =	sst s0  }
0x9: {  	[smem:$0x3FAB] =	sst s1  }
0xa: {  	[smem:$0x3FAC] =	sst s2  }
0xb: {  	[smem:$0x3FAD] =	sst s3  }
0xc: {  	[smem:$0x3FAE] =	sst s4  }
0xd: {  	[smem:$0x3FAF] =	sst s5  }
0xe: {  	[smem:$0x3FB0] =	sst s6  }
0xf: {  	[smem:$0x3FB1] =	sst s7  }
0x10: {  	[smem:$0x3FB2] =	sst s8  }
0x11: {  	[smem:$0x3FB3] =	sst s9;
	s0 =	simm.s32 @!p0 $0x0  }
0x12: {  	s1 =	sld [smem:$0x3F99];
	s0 =	simm.s32 @p0 $0x1  }
0x13: {  	[smem:$0x3FB4] =	sst s0;
	s0 =	simm.s32 @!p1 $0x0  }
0x14: {  	s2 =	sld [smem:$0x3F98];
	s0 =	simm.s32 @p1 $0x1  }
0x15: {  	[smem:$0x3FB5] =	sst s0;
	s0 =	simm.s32 @!p2 $0x0  }
0x16: {  	s3 =	sld [smem:$0x3FDB];
	s0 =	simm.s32 @p2 $0x1  }
0x17: {  	s4 =	simm.s32 $0x1BF5;
	[smem:$0x3FB7] =	sst s0  }
0x18: {  	s0 =	sld [smem:$0x3F9A];
	_ =	swait.ge [sflag:s4], $0x0  }
0x19: {  	s7 =	sld [smem:$0x3F9B]  }
0x1a: {  	s8 =	sadd.s32 $0xFFFFE003, lr  }
0x1b: {  	s9 =	sadd.s32 $0xFFFFFEF7, lr;
	s5 =	simm.s32 $0xFFFFFFFF;
	p2 =	slt.u32 s8, $0xFFFFF086  }
0x1c: {  	p1 =	slt.u32 s9, $0xF7A;
	s5 =	simm.s32 @!p2 $0x0  }
0x1d: {  	s5 =	simm.s32 @p1 $0x1;
	p0 =	seq.s32 s7, s2  }
0x1e: {  	s7 =	smul.u32 @!p0 $0xF7A, s2;
	p2 =	seq.s32 @!p0 s5, $0x0  }
0x1f: {  	s9 =	smul.u32 $0xF7A, s1;
	s8 =	simm.s32 @!p0 $0x1BF5;
	p2 =	por !p2, p0  }
0x20: {  	[sflag:s8] =	ssyncset.s32 @!p0 $0xFFFFF086;
	s6 =	sadd.s32 @!p0 s3, s7;
	s7 =	simm.s32 @!p0 $0x108  }
0x21: {  	s3 =	sadd.s32 s3, s9;
	s6 =	sadd.s32 @!p0 $0x88, s6;
	s7 =	simm.s32 @p2 $0x1082  }
0x22: {  	[simem:s7], [sflag:s8] =	dma.local @!p0 [hbm:s6], $0xF7A  }
0x23: {  	s9 =	sor.u32 $0xD0000000, s2;
	s6 =	simm.s32 $0x108;
	_ =	swait.ge @!p0 [sflag:s8], $0x0  }
0x24: {  	s3 =	sadd.s32 $0x88, s3;
	s6 =	simm.s32 @!p1 $0x1082;
	[sflag:s4] =	ssyncset.s32 $0xFFFFF086  }
0x25: {  	[simem:s6], [sflag:s4] =	dma.local [hbm:s3], $0xF7A  }
0x26: {  	[smem:$0x3F9B] =	sst s1;
	(tag) =	ssettag s2;
	_ =	strace s9  }
0x27: {  	s1 =	sld [smem:$0x3FAB]  }
0x28: {  	s2 =	sld [smem:$0x3FAC]  }
0x29: {  	s4 =	sld [smem:$0x3FAE]  }
0x2a: {  	p0 =	seq.s32 s5, $0x0;
	s5 =	sld [smem:$0x3FAF]  }
0x2b: {  	s6 =	sld [smem:$0x3FB0]  }
0x2c: {  	s7 =	sld [smem:$0x3FB1]  }
0x2d: {  	s3 =	simm.s32 $0x108;
	s8 =	sld [smem:$0x3FB2]  }
0x2e: {  	s3 =	simm.s32 @!p0 $0x1082;
	s9 =	sld [smem:$0x3FB3]  }
0x2f: {  	lr =	sadd.s32 s0, s3;
	s0 =	sld [smem:$0x3FAA]  }
0x30: {  	s3 =	sld [smem:$0x3FAD]  }
0x31: {  	[smem:$0x3FB6] =	sst s10  }
0x32: {  	s10 =	sld [smem:$0x3FB4];
	_ =	sdelay $0x3  }
0x33: {  	p0 =	seq.s32 s10, $0x1;
	s10 =	sld [smem:$0x3FB6];
	_ =	sdelay $0x3  }
0x34: {  	[smem:$0x3FB6] =	sst s10  }
0x35: {  	s10 =	sld [smem:$0x3FB5];
	_ =	sdelay $0x3  }
0x36: {  	p1 =	seq.s32 s10, $0x1;
	s10 =	sld [smem:$0x3FB6];
	_ =	sdelay $0x3  }
0x37: {  	[smem:$0x3FB6] =	sst s10  }
0x38: {  	s10 =	sld [smem:$0x3FB7]  }
0x39: {  	_ = 	snop;
	(pc) =	sbr.ind lr, $3  }
0x3a: {  	_ = 	snop  }
0x3b: {  	_ = 	snop  }
0x3c: {  	p2 =	seq.s32 s10, $0x1;
	s10 =	sld [smem:$0x3FB6]  }
0x3d: {  	_ =	shalt  }
0x3e: {  	_ =	shalt  }
0x3f: {  	_ =	shalt  }
0x40: {  	_ =	shalt  }
0x41: {  	_ =	shalt  }
0x42: {  	_ =	shalt  }
0x43: {  	_ =	shalt  }
0x44: {  	_ =	shalt  }
0x45: {  	_ =	shalt  }
0x46: {  	_ =	shalt  }
0x47: {  	_ =	shalt  }
0x48: {  	_ =	shalt  }
0x49: {  	_ =	shalt  }
0x4a: {  	_ =	shalt  }
0x4b: {  	_ =	shalt  }
0x4c: {  	_ =	shalt  }
0x4d: {  	_ =	shalt  }
0x4e: {  	_ =	shalt  }
0x4f: {  	_ =	shalt  }
0x50: {  	_ =	shalt  }
0x51: {  	_ =	shalt  }
0x52: {  	_ =	shalt  }
0x53: {  	_ =	shalt  }
0x54: {  	_ =	shalt  }
0x55: {  	_ =	shalt  }
0x56: {  	_ =	shalt  }
0x57: {  	_ =	shalt  }
0x58: {  	_ =	shalt  }
0x59: {  	_ =	shalt  }
0x5a: {  	_ =	shalt  }
0x5b: {  	_ =	shalt  }
0x5c: {  	_ =	shalt  }
0x5d: {  	_ =	shalt  }
0x5e: {  	_ =	shalt  }
0x5f: {  	_ =	shalt  }
0x60: {  	_ =	shalt  }
0x61: {  	_ =	shalt  }
0x62: {  	_ =	shalt  }
0x63: {  	_ =	shalt  }
0x64: {  	_ =	shalt  }
0x65: {  	_ =	shalt  }
0x66: {  	_ =	shalt  }
0x67: {  	_ =	shalt  }
0x68: {  	_ =	shalt  }
0x69: {  	_ =	shalt  }
0x6a: {  	_ =	shalt  }
0x6b: {  	_ =	shalt  }
0x6c: {  	_ =	shalt  }
0x6d: {  	_ =	shalt  }
0x6e: {  	_ =	shalt  }
0x6f: {  	_ =	shalt  }
0x70: {  	_ =	shalt  }
0x71: {  	_ =	shalt  }
0x72: {  	_ =	shalt  }
0x73: {  	_ =	shalt  }
0x74: {  	_ =	shalt  }
0x75: {  	_ =	shalt  }
0x76: {  	_ =	shalt  }
0x77: {  	_ =	shalt  }
0x78: {  	_ =	shalt  }
0x79: {  	_ =	shalt  }
0x7a: {  	_ =	shalt  }
0x7b: {  	_ =	shalt  }
0x7c: {  	_ =	shalt  }
0x7d: {  	_ =	shalt  }
0x7e: {  	_ =	shalt  }
0x7f: {  	_ =	shalt  }
0x80: {  	_ =	shalt  }
0x81: {  	_ =	shalt  }
0x82: {  	_ =	shalt  }
0x83: {  	_ =	shalt  }
0x84: {  	_ =	shalt  }
0x85: {  	_ =	shalt  }
0x86: {  	_ =	shalt  }
0x87: {  	_ =	shalt  }
.Lfunc_end0:
.L_simem_size_0:
called_computation.2_lowered:
.L_overlay_start_0:
0x88: {  	s2 =	sld [smem:$0x3FD9]  }
0x89: {  	s3 =	sld [smem:$0x3FFE];
	_ =	sdelay $0x1  }
0x8a: {  	s1 =	srdreg.scid  }
0x8b: {  	s0 =	sand.u32 $0x1, s1  }
0x8c: {  	s17 =	sshll.u32 s0, $0xA;
	s2 =	sadd.s32 s3, s2  }
0x8d: {  	s2 =	sadd.s32 s2, s17  }
0x8e: {  	[smem:$0x3FC2] =	sst s2  }
0x8f: {  	_ = 	snop  }
0x90: {  	s2 =	sld [smem:$0x3FD0];
	(tm) =	ssettm $0x1  }
0x91: {  	s18 =	sld [smem:$0x3FFB];
	_ =	sdelay $0x3  }
0x92: {  	_ =	strace s18  }
0x93: {  	s3 =	sld [smem:$0x3FFC];
	_ =	sdelay $0x3  }
0x94: {  	_ =	strace s3  }
0x95: {  	s3 =	sld [smem:$0x3FFD];
	_ =	sdelay $0x3  }
0x96: {  	_ =	strace s3  }
0x97: {  	_ =	strace $0x8FFFFFFF  }
0x98: {  	s19 =	sld [smem:$0x3FDB];
	_ =	sdelay $0x1  }
0x99: {  	s4 =	simm.s32 $_scs_section_size  }
0x9a: {  	s5 =	simm.s32 $_size__tile_overlayer_lowered;
	s6 =	simm.s32 $_tile_overlayer_lowered  }
0x9b: {  	s22 =	simm.s32 $0x1BFF;
	s21 =	sshll.u32 s6, $0x1;
	s3 =	sadd.s32 s4, s19  }
0x9c: {  	s7 =	simm.s32 $0x0;
	s20 =	sshll.u32 s5, $0x1;
	s5 =	sadd.s32 s21, s3  }
0x9d: {  	[timem:s7], [sflag:s22] =	dma.local [hbm:s5], s20  }
0x9e: {  	_ =	swait.ge [sflag:s22], s20  }
0x9f: {  	s4 =	ssub.s32 $0x0, s20;
	[sflag:s22] =	ssyncset.done $0x0  }
0xa0: {  	[sflag:s22] =	ssyncadd.s32 s4;
	_ =	sdelay $0x1  }
0xa1: {  	s23 =	simm.s32 $0x1B8B  }
0xa2: {  	_ =	swait.ge [sflag:s23], $0x1  }
0xa3: {  	[sflag:s23] =	ssyncset.done $0x0  }
0xa4: {  	s25 =	simm.s32 $0x1B8E;
	s24 =	sld [smem:$0x3FFE];
	[sflag:s23] =	ssyncadd.s32 $0xFFFFFFFF  }
0xa5: {  	s26 =	simm.s32 $execute0_lowered;
	[smem:$0x3FD2] =	sst s25  }
0xa6: {  	s5 =	sshll.u32 s26, $0x1;
	_ =	strace $0x8000004C;
	[dreg:$0x1] =	wrdreg $0xFFFFFFFF  }
0xa7: {  	s28 =	simm.s32 $_size_execute0_lowered;
	s3 =	sadd.s32 s3, s5;
	[dreg:$0x0] =	wrdreg $0x0  }
0xa8: {  	s5 =	sshll.u32 s28, $0x1;
	[dreg:$0x2] =	wrdreg s3  }
0xa9: {  	[dreg:$0x3] =	wrdreg s5  }
0xaa: {  	[dreg:$0x4] =	wrdreg $0xC0  }
0xab: {  	_ =	task [dreg:s7], $0x5FFFF  }
0xac: {  	[dreg:$0x1] =	wrdreg $0xFFFFFFFF  }
0xad: {  	[dreg:$0x0] =	wrdreg $0x60  }
0xae: {  	[dreg:$0x2] =	wrdreg s24  }
0xaf: {  	[dreg:$0x3] =	wrdreg s2  }
0xb0: {  	[dreg:$0x4] =	wrdreg $0x14A000  }
0xb1: {  	[dreg:$0x5] =	wrdreg $0xAA000  }
0xb2: {  	[dreg:$0x6] =	wrdreg $0x9  }
0xb3: {  	_ =	task.clear_ibuf [dreg:s7], $0x7FFFF;
	_ =	strace $0x9000004C  }
0xb4: {  	s29 =	simm.s32 $0x9;
	_ =	strace $0x8000004E  }
0xb5: {  	_ =	swait.ge [sflag:s29], $0x1  }
0xb6: {  	[sflag:s29] =	ssyncadd.s32 $0xFFFFFFFF  }
0xb7: {  	_ =	strace $0x9000004E  }
0xb8: {  	_ =	sfence  }
0xb9: {  	s30 =	sld [smem:$0x0];
	_ =	sdelay $0x2  }
0xba: {  	s31 =	sshll.u32 s1, $0xD;
	s1 =	sshrl.u32 s1, $0x2  }
0xbb: {  	s3 =	sand.u32 $0x4000, s31;
	s1 =	sadd.s32 s1, s30  }
0xbc: {  	s0 =	sor.u32 s3, s0;
	s1 =	sshll.u32 s1, $0x11  }
0xbd: {  	s0 =	sor.u32 s1, s0  }
0xbe: {  	s0 =	sadd.s32 $0x8F2B, s0  }
0xbf: {  	[sflag:s0] =	ssyncadd.remote.s32 $0x1  }
0xc0: {  	_ =	sfence.sel $0xFFFF  }
0xc1: {  	[dreg:$0x0] =	wrdreg $0xFFFFFFFF;
	(pc) =	sbr.abs _section_cstart, $3  }
0xc2: {  	[dreg:$0x1] =	wrdreg $0xFFFFFFFF  }
0xc3: {  	_ =	task.clear_ibuf [dreg:s7], $0x2FFFF;
	_ =	strace $0x9FFFFFFF  }
0xc4: {  	(tm) =	ssettm $0x7FFFFFFF  }
0xc5: {  	_ =	shalt  }
tec
execute0_lowered:
.L_overlay_start_1:
0x0: {  	(tag) =	ssettag $0x1  }
0x1: {  	s0 =	rddreg [dreg:$0x0]  }
0x2: {  	s1 =	rddreg [dreg:$0x1]  }
0x3: {  	s2 =	rddreg [dreg:$0x2];
	s4 =	srdreg.scid  }
0x4: {  	s8 =	stileid.u32;
	s3 =	rddreg [dreg:$0x3]  }
0x5: {  	s17 =	simm.s32 $0x5;
	s18 =	simm.s32 $0x2A00;
	s19 =	simm.s32 $0x80  }
0x6: {  	s20 =	simm.s32 $0x2800;
	s21 =	simm.s32 $0x2880;
	s22 =	simm.s32 $0x6A00  }
0x7: {  	s23 =	simm.s32 $0x1;
	s28 =	simm.s32 $0x3;
	s29 =	simm.s32 $0x4  }
0x8: {  	s30 =	simm.s32 $0x0;
	s9 =	sand.u32 $0x1, s4;
	s5 =	sshll.u32 s8, $0x1  }
0x9: {  	s4 =	simm.s32 $0x0;
	s12 =	smul.u32 $0xA000, s8;
	s24 =	sadd.s32 $0xBE00, s0  }
0xa: {  	s26 =	sshll.u32 s8, $0x6;
	s5 =	sor.u32 s9, s5;
	s14 =	smul.u32 $0xA0000, s9  }
0xb: {  	[smem:$0x7FF] =	sst s4;
	s6 =	ssub.s32 $0x2, s9;
	s5 =	smul.u32 $0x500, s5  }
0xc: {  	_ =	strace $0x8000004D;
	s7 =	sshrl.u32 s6, $0x1;
	[dreg:$0x5] =	wrdreg s24  }
0xd: {  	s16 =	sadd.s32 s12, s2;
	s25 =	sshrl.u32 s12, $0x3;
	s8 =	sadd.s32 s12, s3  }
0xe: {  	s31 =	sadd.s32 $0x4000, s12;
	s13 =	sadd.s32 $0x8000, s12;
	s24 =	simm.s32 $0x2900  }
0xf: {  	s15 =	ssub.s32 s6, s7;
	s6 =	sadd.s32 s1, s25;
	s7 =	sor.u32 $0x1C05, s26  }
0x10: {  	s9 =	sadd.s32 s31, s3;
	s10 =	sadd.s32 s13, s3;
	s12 =	sadd.s32 s12, s14  }
0x11: {  	s1 =	sadd.s32 s14, s31;
	s13 =	sadd.s32 s14, s13;
	s16 =	sshrl.u32 s16, $0x3  }
0x12: {  	s25 =	simm.s32 $0x2;
	s26 =	simm.s32 $0x2980;
	s11 =	sadd.s32 s5, s0  }
0x13: {  	s0 =	sadd.s32 $0xC600, s0;
	s12 =	sshrl.u32 s12, $0x3;
	s1 =	sshrl.u32 s1, $0x3  }
0x14: {  	s14 =	sshrl.u32 s13, $0x3;
	s15 =	smax.u32 s15, $0x1;
	s11 =	sadd.s32 $0x1E00, s11  }
0x15: {  	s12 =	sadd.s32 s0, s12;
	s13 =	sadd.s32 s0, s1;
	s14 =	sadd.s32 s0, s14  }
.LBB2_1:
0x16: {  	[spmem:s16], [sflag:s7] =	dma.local [hbm:s6], $0x1400  }
0x17: {  	_ =	swait.ge [sflag:s17], $0x1400  }
0x18: {  	[sflag:s17] =	ssyncset.done $0x0  }
0x19: {  	s0 =	rddreg [dreg:$0x5];
	[sflag:s17] =	ssyncadd.s32 $0xFFFFEC00  }
0x1a: {  	[tilespmem:s18], [sflag:$0x5] =	stream.linear.gather [hbm4b:s0+s4], $0x4000, $0x38;
	[tilespmem:$0x1EA00] =	vst v63  }
0x1b: {  	_ =	swait.ge [sflag:s17], $0x4000  }
0x1c: {  	[sflag:s17] =	ssyncset.done $0x0  }
0x1d: {  	[sflag:s17] =	ssyncadd.s32 $0xFFFFC000  }
0x1e: {  	[spmem:s8] =	stream.linear.scatter [tilespmem:s18], [sflag:$0x5], $0x4000, $0x38;
	[tilespmem:$0x1EA00] =	vst v63  }
0x1f: {  	_ =	swait.ge [sflag:s17], $0x4000  }
0x20: {  	[sflag:s17] =	ssyncset.done $0x0  }
0x21: {  	[sflag:s17] =	ssyncadd.s32 $0xFFFFC000  }
0x22: {  	[spmem:s9] =	stream.linear.scatter [tilespmem:s18], [sflag:$0x5], $0x4000, $0x38;
	[tilespmem:$0x1EA00] =	vst v63  }
0x23: {  	_ =	swait.ge [sflag:s17], $0x4000  }
0x24: {  	[sflag:s17] =	ssyncset.done $0x0  }
0x25: {  	[sflag:s17] =	ssyncadd.s32 $0xFFFFC000  }
0x26: {  	[spmem:s10] =	stream.linear.scatter [tilespmem:s18], [sflag:$0x5], $0x2000, $0x38;
	[tilespmem:$0x1EA00] =	vst v63  }
0x27: {  	_ =	swait.ge [sflag:s17], $0x2000  }
0x28: {  	[sflag:s17] =	ssyncset.done $0x0  }
0x29: {  	[sflag:s17] =	ssyncadd.s32 $0xFFFFE000  }
0x2a: {  	[tilespmem:s4], [sflag:$0x5] =	stream.linear.gather [hbm4b:s11+s4], $0x2800, $0x38;
	[tilespmem:$0x1EA00] =	vst v63  }
0x2b: {  	_ =	swait.ge [sflag:s17], $0x2800  }
0x2c: {  	[sflag:s17] =	ssyncset.done $0x0  }
0x2d: {  	p0 =	por $0x1, $0x1;
	[sflag:s17] =	ssyncadd.s32 $0xFFFFD800  }
0x2e: {  	s0 =	simm.s32 @!p0 $0x3;
	[bflag:$0x0] =	sbarrier.arrive $0xFFFF  }
0x2f: {  	_ =	swait.ge @!p0 [sflag:s0], $0x4000  }
0x30: {  	[sflag:s0] =	ssyncset.done @!p0 $0x0  }
0x31: {  	s5 =	simm.s32 $0x0;
	[sflag:s0] =	ssyncadd.s32 @!p0 $0xFFFFC000  }
0x32: {  	v0 =	vld [tilespmem:s5+$0x0];
	_ =	sdelay $0x4  }
0x33: {  	v1 =	vshrl.u32 v0, $0x1;
	v0 =	vshra.s32 v0, $0x11  }
0x34: {  	v1 =	vand.u32 $0x7FFF, v1;
	[tilespmem:$0x2900] =	vst v0  }
0x35: {  	[tilespmem:$0x2800] =	vst v1  }
0x36: {  	v0 =	vld [tilespmem:s5+$0x10];
	_ =	sdelay $0x4  }
0x37: {  	v48 =	vshrl.u32 v0, $0x1;
	v0 =	vshra.s32 v0, $0x11  }
0x38: {  	v1 =	vand.u32 $0x7FFF, v48;
	[tilespmem:$0x2910] =	vst v0  }
0x39: {  	[tilespmem:$0x2810] =	vst v1  }
0x3a: {  	v0 =	vld [tilespmem:s5+$0x20];
	_ =	sdelay $0x4  }
0x3b: {  	v49 =	vshrl.u32 v0, $0x1;
	v0 =	vshra.s32 v0, $0x11  }
0x3c: {  	v1 =	vand.u32 $0x7FFF, v49;
	[tilespmem:$0x2920] =	vst v0  }
0x3d: {  	[tilespmem:$0x2820] =	vst v1  }
0x3e: {  	v0 =	vld [tilespmem:s5+$0x30];
	_ =	sdelay $0x4  }
0x3f: {  	v50 =	vshrl.u32 v0, $0x1;
	v0 =	vshra.s32 v0, $0x11  }
0x40: {  	v1 =	vand.u32 $0x7FFF, v50;
	[tilespmem:$0x2930] =	vst v0  }
0x41: {  	[tilespmem:$0x2830] =	vst v1  }
0x42: {  	v0 =	vld [tilespmem:s5+$0x40];
	_ =	sdelay $0x4  }
0x43: {  	v51 =	vshrl.u32 v0, $0x1;
	v0 =	vshra.s32 v0, $0x11  }
0x44: {  	v1 =	vand.u32 $0x7FFF, v51;
	[tilespmem:$0x2940] =	vst v0  }
0x45: {  	[tilespmem:$0x2840] =	vst v1  }
0x46: {  	v0 =	vld [tilespmem:s5+$0x50];
	_ =	sdelay $0x4  }
0x47: {  	v52 =	vshrl.u32 v0, $0x1;
	v0 =	vshra.s32 v0, $0x11  }
0x48: {  	v1 =	vand.u32 $0x7FFF, v52;
	[tilespmem:$0x2950] =	vst v0  }
0x49: {  	[tilespmem:$0x2850] =	vst v1  }
0x4a: {  	v0 =	vld [tilespmem:s5+$0x60];
	_ =	sdelay $0x4  }
0x4b: {  	v53 =	vshrl.u32 v0, $0x1;
	v0 =	vshra.s32 v0, $0x11  }
0x4c: {  	v1 =	vand.u32 $0x7FFF, v53;
	[tilespmem:$0x2960] =	vst v0  }
0x4d: {  	[tilespmem:$0x2860] =	vst v1  }
0x4e: {  	v0 =	vld [tilespmem:s5+$0x70];
	_ =	sdelay $0x4  }
0x4f: {  	v54 =	vshrl.u32 v0, $0x1;
	v0 =	vshra.s32 v0, $0x11  }
0x50: {  	v1 =	vand.u32 $0x7FFF, v54;
	[tilespmem:$0x2970] =	vst v0  }
0x51: {  	s1 =	simm.s32 @!p0 $0x4;
	[tilespmem:$0x2870] =	vst v1  }
0x52: {  	[tilespmem:s18], [sflag:$0x1] =	stream.indirect.gather [spmem:s2], $0x80, s20, s19, $0xb8;
	[tilespmem:$0x1EA00] =	vst v63  }
0x53: {  	_ =	swait.ge @!p0 [sflag:s1], $0x4000  }
0x54: {  	[sflag:s1] =	ssyncset.done @!p0 $0x0  }
0x55: {  	[sflag:s1] =	ssyncadd.s32 @!p0 $0xFFFFC000  }
0x56: {  	v55 =	vld [tilespmem:s5+$0x80];
	_ =	sdelay $0x4  }
0x57: {  	v56 =	vshrl.u32 v55, $0x1;
	v0 =	vshra.s32 v55, $0x11  }
0x58: {  	v1 =	vand.u32 $0x7FFF, v56;
	[tilespmem:$0x2980] =	vst v0  }
0x59: {  	[tilespmem:$0x2880] =	vst v1  }
0x5a: {  	v0 =	vld [tilespmem:s5+$0x90];
	_ =	sdelay $0x4  }
0x5b: {  	v57 =	vshrl.u32 v0, $0x1;
	v0 =	vshra.s32 v0, $0x11  }
0x5c: {  	v1 =	vand.u32 $0x7FFF, v57;
	[tilespmem:$0x2990] =	vst v0  }
0x5d: {  	[tilespmem:$0x2890] =	vst v1  }
0x5e: {  	v0 =	vld [tilespmem:s5+$0xA0];
	_ =	sdelay $0x4  }
0x5f: {  	v58 =	vshrl.u32 v0, $0x1;
	v0 =	vshra.s32 v0, $0x11  }
0x60: {  	v1 =	vand.u32 $0x7FFF, v58;
	[tilespmem:$0x29A0] =	vst v0  }
0x61: {  	[tilespmem:$0x28A0] =	vst v1  }
0x62: {  	v0 =	vld [tilespmem:s5+$0xB0];
	_ =	sdelay $0x4  }
0x63: {  	v59 =	vshrl.u32 v0, $0x1;
	v0 =	vshra.s32 v0, $0x11  }
0x64: {  	v1 =	vand.u32 $0x7FFF, v59;
	[tilespmem:$0x29B0] =	vst v0  }
0x65: {  	[tilespmem:$0x28B0] =	vst v1  }
0x66: {  	v0 =	vld [tilespmem:s5+$0xC0];
	_ =	sdelay $0x4  }
0x67: {  	v60 =	vshrl.u32 v0, $0x1;
	v0 =	vshra.s32 v0, $0x11  }
0x68: {  	v1 =	vand.u32 $0x7FFF, v60;
	[tilespmem:$0x29C0] =	vst v0  }
0x69: {  	[tilespmem:$0x28C0] =	vst v1  }
0x6a: {  	v0 =	vld [tilespmem:s5+$0xD0];
	_ =	sdelay $0x4  }
0x6b: {  	v61 =	vshrl.u32 v0, $0x1;
	v0 =	vshra.s32 v0, $0x11  }
0x6c: {  	v1 =	vand.u32 $0x7FFF, v61;
	[tilespmem:$0x29D0] =	vst v0  }
0x6d: {  	[tilespmem:$0x28D0] =	vst v1  }
0x6e: {  	v0 =	vld [tilespmem:s5+$0xE0];
	_ =	sdelay $0x4  }
0x6f: {  	v62 =	vshrl.u32 v0, $0x1;
	v0 =	vshra.s32 v0, $0x11  }
0x70: {  	v1 =	vand.u32 $0x7FFF, v62;
	[tilespmem:$0x29E0] =	vst v0  }
0x71: {  	[tilespmem:$0x28E0] =	vst v1  }
0x72: {  	v0 =	vld [tilespmem:s5+$0xF0];
	_ =	sdelay $0x4  }
0x73: {  	v63 =	vshrl.u32 v0, $0x1;
	v0 =	vshra.s32 v0, $0x11  }
0x74: {  	v1 =	vand.u32 $0x7FFF, v63;
	[tilespmem:$0x29F0] =	vst v0  }
0x75: {  	[tilespmem:$0x28F0] =	vst v1  }
0x76: {  	[tilespmem:s22], [sflag:$0x2] =	stream.indirect.gather [spmem:s2], $0x80, s21, s19, $0xb8;
	[tilespmem:$0x1EA00] =	vst v63  }
0x77: {  	_ =	swait.ge [sflag:s23], $0x4000  }
0x78: {  	[sflag:s23] =	ssyncset.done $0x0  }
0x79: {  	[sflag:s23] =	ssyncadd.s32 $0xFFFFC000  }
0x7a: {  	[spmem:s3] =	stream.indirect.scatter.add.f32 [tilespmem:s18], [sflag:$0x3], $0x80, s24, s19, $0xb8;
	[tilespmem:$0x1EA00] =	vst v63  }
0x7b: {  	s31 =	simm.s32 $0x400;
	_ =	swait.ge [sflag:s25], $0x4000  }
0x7c: {  	p1 =	por $0x0, $0x0;
	s1 =	simm.s32 $0x800;
	[sflag:s25] =	ssyncset.done $0x0  }
.LBB2_2:
0x7d: {  	s0 =	simm.s32 @!p1 $0x3  }
0x7e: {  	[sflag:s25] =	ssyncadd.s32 $0xFFFFC000;
	s5 =	smov.u32 s1;
	s1 =	sadd.s32 $0x400, s1  }
0x7f: {  	[spmem:s3] =	stream.indirect.scatter.add.f32 [tilespmem:s22], [sflag:$0x4], $0x80, s26, s19, $0xb8;
	[tilespmem:$0x1EA00] =	vst v63  }
0x80: {  	p0 =	sne.s32 s1, $0xA000;
	_ =	swait.ge @!p1 [sflag:s0], $0x4000  }
0x81: {  	[sflag:s0] =	ssyncset.done @!p1 $0x0  }
0x82: {  	[sflag:s0] =	ssyncadd.s32 @!p1 $0xFFFFC000;
	s0 =	sshra.s32 s31, $0x2;
	s31 =	smov.u32 s5  }
0x83: {  	v0 =	vld [tilespmem:s0+$0x0];
	_ =	sdelay $0x4  }
0x84: {  	v1 =	vshrl.u32 v0, $0x1;
	v0 =	vshra.s32 v0, $0x11  }
0x85: {  	v1 =	vand.u32 $0x7FFF, v1;
	[tilespmem:$0x2900] =	vst v0  }
0x86: {  	[tilespmem:$0x2800] =	vst v1  }
0x87: {  	v0 =	vld [tilespmem:s0+$0x10];
	_ =	sdelay $0x4  }
0x88: {  	v1 =	vshrl.u32 v0, $0x1;
	v0 =	vshra.s32 v0, $0x11  }
0x89: {  	v1 =	vand.u32 $0x7FFF, v1;
	[tilespmem:$0x2910] =	vst v0  }
0x8a: {  	[tilespmem:$0x2810] =	vst v1  }
0x8b: {  	v0 =	vld [tilespmem:s0+$0x20];
	_ =	sdelay $0x4  }
0x8c: {  	v1 =	vshrl.u32 v0, $0x1;
	v0 =	vshra.s32 v0, $0x11  }
0x8d: {  	v1 =	vand.u32 $0x7FFF, v1;
	[tilespmem:$0x2920] =	vst v0  }
0x8e: {  	[tilespmem:$0x2820] =	vst v1  }
0x8f: {  	v0 =	vld [tilespmem:s0+$0x30];
	_ =	sdelay $0x4  }
0x90: {  	v1 =	vshrl.u32 v0, $0x1;
	v0 =	vshra.s32 v0, $0x11  }
0x91: {  	v1 =	vand.u32 $0x7FFF, v1;
	[tilespmem:$0x2930] =	vst v0  }
0x92: {  	[tilespmem:$0x2830] =	vst v1  }
0x93: {  	v0 =	vld [tilespmem:s0+$0x40];
	_ =	sdelay $0x4  }
0x94: {  	v1 =	vshrl.u32 v0, $0x1;
	v0 =	vshra.s32 v0, $0x11  }
0x95: {  	v1 =	vand.u32 $0x7FFF, v1;
	[tilespmem:$0x2940] =	vst v0  }
0x96: {  	[tilespmem:$0x2840] =	vst v1  }
0x97: {  	v0 =	vld [tilespmem:s0+$0x50];
	_ =	sdelay $0x4  }
0x98: {  	v1 =	vshrl.u32 v0, $0x1;
	v0 =	vshra.s32 v0, $0x11  }
0x99: {  	v1 =	vand.u32 $0x7FFF, v1;
	[tilespmem:$0x2950] =	vst v0  }
0x9a: {  	[tilespmem:$0x2850] =	vst v1  }
0x9b: {  	v0 =	vld [tilespmem:s0+$0x60];
	_ =	sdelay $0x4  }
0x9c: {  	v1 =	vshrl.u32 v0, $0x1;
	v0 =	vshra.s32 v0, $0x11  }
0x9d: {  	v1 =	vand.u32 $0x7FFF, v1;
	[tilespmem:$0x2960] =	vst v0  }
0x9e: {  	[tilespmem:$0x2860] =	vst v1  }
0x9f: {  	v0 =	vld [tilespmem:s0+$0x70];
	_ =	sdelay $0x4  }
0xa0: {  	v1 =	vshrl.u32 v0, $0x1;
	v0 =	vshra.s32 v0, $0x11  }
0xa1: {  	v1 =	vand.u32 $0x7FFF, v1;
	[tilespmem:$0x2970] =	vst v0  }
0xa2: {  	s5 =	simm.s32 @!p1 $0x4;
	[tilespmem:$0x2870] =	vst v1  }
0xa3: {  	[tilespmem:s18], [sflag:$0x1] =	stream.indirect.gather [spmem:s2], $0x80, s20, s19, $0xb8;
	[tilespmem:$0x1EA00] =	vst v63  }
0xa4: {  	_ =	swait.ge @!p1 [sflag:s5], $0x4000  }
0xa5: {  	[sflag:s5] =	ssyncset.done @!p1 $0x0  }
0xa6: {  	[sflag:s5] =	ssyncadd.s32 @!p1 $0xFFFFC000  }
0xa7: {  	v0 =	vld [tilespmem:s0+$0x80];
	_ =	sdelay $0x4  }
0xa8: {  	v1 =	vshrl.u32 v0, $0x1;
	v0 =	vshra.s32 v0, $0x11  }
0xa9: {  	v1 =	vand.u32 $0x7FFF, v1;
	[tilespmem:$0x2980] =	vst v0  }
0xaa: {  	[tilespmem:$0x2880] =	vst v1  }
0xab: {  	v0 =	vld [tilespmem:s0+$0x90];
	_ =	sdelay $0x4  }
0xac: {  	v1 =	vshrl.u32 v0, $0x1;
	v0 =	vshra.s32 v0, $0x11  }
0xad: {  	v1 =	vand.u32 $0x7FFF, v1;
	[tilespmem:$0x2990] =	vst v0  }
0xae: {  	[tilespmem:$0x2890] =	vst v1  }
0xaf: {  	v0 =	vld [tilespmem:s0+$0xA0];
	_ =	sdelay $0x4  }
0xb0: {  	v1 =	vshrl.u32 v0, $0x1;
	v0 =	vshra.s32 v0, $0x11  }
0xb1: {  	v1 =	vand.u32 $0x7FFF, v1;
	[tilespmem:$0x29A0] =	vst v0  }
0xb2: {  	[tilespmem:$0x28A0] =	vst v1  }
0xb3: {  	v0 =	vld [tilespmem:s0+$0xB0];
	_ =	sdelay $0x4  }
0xb4: {  	v1 =	vshrl.u32 v0, $0x1;
	v0 =	vshra.s32 v0, $0x11  }
0xb5: {  	v1 =	vand.u32 $0x7FFF, v1;
	[tilespmem:$0x29B0] =	vst v0  }
0xb6: {  	[tilespmem:$0x28B0] =	vst v1  }
0xb7: {  	v0 =	vld [tilespmem:s0+$0xC0];
	_ =	sdelay $0x4  }
0xb8: {  	v1 =	vshrl.u32 v0, $0x1;
	v0 =	vshra.s32 v0, $0x11  }
0xb9: {  	v1 =	vand.u32 $0x7FFF, v1;
	[tilespmem:$0x29C0] =	vst v0  }
0xba: {  	[tilespmem:$0x28C0] =	vst v1  }
0xbb: {  	v0 =	vld [tilespmem:s0+$0xD0];
	_ =	sdelay $0x4  }
0xbc: {  	v1 =	vshrl.u32 v0, $0x1;
	v0 =	vshra.s32 v0, $0x11  }
0xbd: {  	v1 =	vand.u32 $0x7FFF, v1;
	[tilespmem:$0x29D0] =	vst v0  }
0xbe: {  	[tilespmem:$0x28D0] =	vst v1  }
0xbf: {  	v0 =	vld [tilespmem:s0+$0xE0];
	_ =	sdelay $0x4  }
0xc0: {  	v1 =	vshrl.u32 v0, $0x1;
	v0 =	vshra.s32 v0, $0x11  }
0xc1: {  	v1 =	vand.u32 $0x7FFF, v1;
	[tilespmem:$0x29E0] =	vst v0  }
0xc2: {  	[tilespmem:$0x28E0] =	vst v1  }
0xc3: {  	v0 =	vld [tilespmem:s0+$0xF0];
	_ =	sdelay $0x4  }
0xc4: {  	v1 =	vshrl.u32 v0, $0x1;
	v0 =	vshra.s32 v0, $0x11  }
0xc5: {  	v1 =	vand.u32 $0x7FFF, v1;
	[tilespmem:$0x29F0] =	vst v0  }
0xc6: {  	[tilespmem:$0x28F0] =	vst v1  }
0xc7: {  	[tilespmem:s22], [sflag:$0x2] =	stream.indirect.gather [spmem:s2], $0x80, s21, s19, $0xb8;
	[tilespmem:$0x1EA00] =	vst v63  }
0xc8: {  	_ =	swait.ge [sflag:s23], $0x4000  }
.Ltmp0:
0xc9: {  	[sflag:s23] =	ssyncset.done $0x0;
	(pc) =	sbr.rel @p0 .LBB2_2-.Ltmp0, $4  }
0xca: {  	[sflag:s23] =	ssyncadd.s32 $0xFFFFC000  }
0xcb: {  	[spmem:s3] =	stream.indirect.scatter.add.f32 [tilespmem:s18], [sflag:$0x3], $0x80, s24, s19, $0xb8;
	[tilespmem:$0x1EA00] =	vst v63  }
0xcc: {  	_ =	swait.ge [sflag:s25], $0x4000  }
0xcd: {  	p1 =	seq.s32 s31, $0x0;
	[sflag:s25] =	ssyncset.done $0x0  }
0xce: {  	s0 =	simm.s32 @!p1 $0x3;
	[sflag:s25] =	ssyncadd.s32 $0xFFFFC000  }
0xcf: {  	[spmem:s3] =	stream.indirect.scatter.add.f32 [tilespmem:s22], [sflag:$0x4], $0x80, s26, s19, $0xb8;
	[tilespmem:$0x1EA00] =	vst v63  }
0xd0: {  	_ =	swait.ge @!p1 [sflag:s0], $0x4000  }
0xd1: {  	[sflag:s0] =	ssyncset.done @!p1 $0x0  }
0xd2: {  	s31 =	sshra.s32 s31, $0x2;
	[sflag:s0] =	ssyncadd.s32 @!p1 $0xFFFFC000  }
0xd3: {  	v0 =	vld [tilespmem:s31+$0x0];
	_ =	sdelay $0x4  }
0xd4: {  	v1 =	vshrl.u32 v0, $0x1;
	v0 =	vshra.s32 v0, $0x11  }
0xd5: {  	v1 =	vand.u32 $0x7FFF, v1;
	[tilespmem:$0x2900] =	vst v0  }
0xd6: {  	[tilespmem:$0x2800] =	vst v1  }
0xd7: {  	v0 =	vld [tilespmem:s31+$0x10];
	_ =	sdelay $0x4  }
0xd8: {  	v48 =	vshrl.u32 v0, $0x1;
	v0 =	vshra.s32 v0, $0x11  }
0xd9: {  	v1 =	vand.u32 $0x7FFF, v48;
	[tilespmem:$0x2910] =	vst v0  }
0xda: {  	[tilespmem:$0x2810] =	vst v1  }
0xdb: {  	v0 =	vld [tilespmem:s31+$0x20];
	_ =	sdelay $0x4  }
0xdc: {  	v49 =	vshrl.u32 v0, $0x1;
	v0 =	vshra.s32 v0, $0x11  }
0xdd: {  	v1 =	vand.u32 $0x7FFF, v49;
	[tilespmem:$0x2920] =	vst v0  }
0xde: {  	[tilespmem:$0x2820] =	vst v1  }
0xdf: {  	v0 =	vld [tilespmem:s31+$0x30];
	_ =	sdelay $0x4  }
0xe0: {  	v50 =	vshrl.u32 v0, $0x1;
	v0 =	vshra.s32 v0, $0x11  }
0xe1: {  	v1 =	vand.u32 $0x7FFF, v50;
	[tilespmem:$0x2930] =	vst v0  }
0xe2: {  	[tilespmem:$0x2830] =	vst v1  }
0xe3: {  	v0 =	vld [tilespmem:s31+$0x40];
	_ =	sdelay $0x4  }
0xe4: {  	v51 =	vshrl.u32 v0, $0x1;
	v0 =	vshra.s32 v0, $0x11  }
0xe5: {  	v1 =	vand.u32 $0x7FFF, v51;
	[tilespmem:$0x2940] =	vst v0  }
0xe6: {  	[tilespmem:$0x2840] =	vst v1  }
0xe7: {  	v0 =	vld [tilespmem:s31+$0x50];
	_ =	sdelay $0x4  }
0xe8: {  	v52 =	vshrl.u32 v0, $0x1;
	v0 =	vshra.s32 v0, $0x11  }
0xe9: {  	v1 =	vand.u32 $0x7FFF, v52;
	[tilespmem:$0x2950] =	vst v0  }
0xea: {  	[tilespmem:$0x2850] =	vst v1  }
0xeb: {  	v0 =	vld [tilespmem:s31+$0x60];
	_ =	sdelay $0x4  }
0xec: {  	v53 =	vshrl.u32 v0, $0x1;
	v0 =	vshra.s32 v0, $0x11  }
0xed: {  	v1 =	vand.u32 $0x7FFF, v53;
	[tilespmem:$0x2960] =	vst v0  }
0xee: {  	[tilespmem:$0x2860] =	vst v1  }
0xef: {  	v0 =	vld [tilespmem:s31+$0x70];
	_ =	sdelay $0x4  }
0xf0: {  	v54 =	vshrl.u32 v0, $0x1;
	v0 =	vshra.s32 v0, $0x11  }
0xf1: {  	v1 =	vand.u32 $0x7FFF, v54;
	[tilespmem:$0x2970] =	vst v0  }
0xf2: {  	s1 =	simm.s32 @!p1 $0x4;
	[tilespmem:$0x2870] =	vst v1  }
0xf3: {  	[tilespmem:s18], [sflag:$0x1] =	stream.indirect.gather [spmem:s2], $0x80, s20, s19, $0xb8;
	[tilespmem:$0x1EA00] =	vst v63  }
0xf4: {  	_ =	swait.ge @!p1 [sflag:s1], $0x4000  }
0xf5: {  	[sflag:s1] =	ssyncset.done @!p1 $0x0  }
0xf6: {  	[sflag:s1] =	ssyncadd.s32 @!p1 $0xFFFFC000  }
0xf7: {  	v55 =	vld [tilespmem:s31+$0x80];
	_ =	sdelay $0x4  }
0xf8: {  	v56 =	vshrl.u32 v55, $0x1;
	v0 =	vshra.s32 v55, $0x11  }
0xf9: {  	v1 =	vand.u32 $0x7FFF, v56;
	[tilespmem:$0x2980] =	vst v0  }
0xfa: {  	[tilespmem:$0x2880] =	vst v1  }
0xfb: {  	v0 =	vld [tilespmem:s31+$0x90];
	_ =	sdelay $0x4  }
0xfc: {  	v57 =	vshrl.u32 v0, $0x1;
	v0 =	vshra.s32 v0, $0x11  }
0xfd: {  	v1 =	vand.u32 $0x7FFF, v57;
	[tilespmem:$0x2990] =	vst v0  }
0xfe: {  	[tilespmem:$0x2890] =	vst v1  }
0xff: {  	v0 =	vld [tilespmem:s31+$0xA0];
	_ =	sdelay $0x4  }
0x100: {  	v58 =	vshrl.u32 v0, $0x1;
	v0 =	vshra.s32 v0, $0x11  }
0x101: {  	v1 =	vand.u32 $0x7FFF, v58;
	[tilespmem:$0x29A0] =	vst v0  }
0x102: {  	[tilespmem:$0x28A0] =	vst v1  }
0x103: {  	v0 =	vld [tilespmem:s31+$0xB0];
	_ =	sdelay $0x4  }
0x104: {  	v59 =	vshrl.u32 v0, $0x1;
	v0 =	vshra.s32 v0, $0x11  }
0x105: {  	v1 =	vand.u32 $0x7FFF, v59;
	[tilespmem:$0x29B0] =	vst v0  }
0x106: {  	[tilespmem:$0x28B0] =	vst v1  }
0x107: {  	v0 =	vld [tilespmem:s31+$0xC0];
	_ =	sdelay $0x4  }
0x108: {  	v60 =	vshrl.u32 v0, $0x1;
	v0 =	vshra.s32 v0, $0x11  }
0x109: {  	v1 =	vand.u32 $0x7FFF, v60;
	[tilespmem:$0x29C0] =	vst v0  }
0x10a: {  	[tilespmem:$0x28C0] =	vst v1  }
0x10b: {  	v0 =	vld [tilespmem:s31+$0xD0];
	_ =	sdelay $0x4  }
0x10c: {  	v61 =	vshrl.u32 v0, $0x1;
	v0 =	vshra.s32 v0, $0x11  }
0x10d: {  	v1 =	vand.u32 $0x7FFF, v61;
	[tilespmem:$0x29D0] =	vst v0  }
0x10e: {  	[tilespmem:$0x28D0] =	vst v1  }
0x10f: {  	v0 =	vld [tilespmem:s31+$0xE0];
	_ =	sdelay $0x4  }
0x110: {  	v62 =	vshrl.u32 v0, $0x1;
	v0 =	vshra.s32 v0, $0x11  }
0x111: {  	v1 =	vand.u32 $0x7FFF, v62;
	[tilespmem:$0x29E0] =	vst v0  }
0x112: {  	[tilespmem:$0x28E0] =	vst v1  }
0x113: {  	v0 =	vld [tilespmem:s31+$0xF0];
	_ =	sdelay $0x4  }
0x114: {  	v63 =	vshrl.u32 v0, $0x1;
	v0 =	vshra.s32 v0, $0x11  }
0x115: {  	v1 =	vand.u32 $0x7FFF, v63;
	[tilespmem:$0x29F0] =	vst v0  }
0x116: {  	[tilespmem:$0x28F0] =	vst v1  }
0x117: {  	[tilespmem:s22], [sflag:$0x2] =	stream.indirect.gather [spmem:s2], $0x80, s21, s19, $0xb8;
	[tilespmem:$0x1EA00] =	vst v63  }
0x118: {  	_ =	swait.ge [sflag:s23], $0x4000  }
0x119: {  	[sflag:s23] =	ssyncset.done $0x0  }
0x11a: {  	[sflag:s23] =	ssyncadd.s32 $0xFFFFC000  }
0x11b: {  	[spmem:s3] =	stream.indirect.scatter.add.f32 [tilespmem:s18], [sflag:$0x3], $0x80, s24, s19, $0xb8;
	[tilespmem:$0x1EA00] =	vst v63  }
0x11c: {  	_ =	swait.ge [sflag:s25], $0x4000  }
0x11d: {  	[sflag:s25] =	ssyncset.done $0x0  }
0x11e: {  	[sflag:s25] =	ssyncadd.s32 $0xFFFFC000  }
0x11f: {  	[spmem:s3] =	stream.indirect.scatter.add.f32 [tilespmem:s22], [sflag:$0x4], $0x80, s26, s19, $0xb8;
	[tilespmem:$0x1EA00] =	vst v63  }
0x120: {  	_ =	swait.ge [sflag:s28], $0x4000  }
0x121: {  	[sflag:s28] =	ssyncset.done $0x0  }
0x122: {  	[sflag:s28] =	ssyncadd.s32 $0xFFFFC000  }
0x123: {  	_ =	swait.ge [sflag:s29], $0x4000  }
0x124: {  	[sflag:s29] =	ssyncset.done $0x0  }
0x125: {  	[sflag:s29] =	ssyncadd.s32 $0xFFFFC000  }
0x126: {  	[bflag:$0x0] =	sbarrier.arrive $0xFFFF  }
0x127: {  	[tilespmem:s18], [sflag:$0x5] =	stream.linear.gather [spmem:s8], $0x4000, $0x38;
	[tilespmem:$0x1EA00] =	vst v63  }
0x128: {  	_ =	swait.ge [sflag:s17], $0x4000  }
0x129: {  	[sflag:s17] =	ssyncset.done $0x0  }
0x12a: {  	[sflag:s17] =	ssyncadd.s32 $0xFFFFC000  }
0x12b: {  	[hbm4b:s12+s4] =	stream.linear.scatter [tilespmem:s18], [sflag:$0x1], $0x4000, $0x38;
	[tilespmem:$0x1EA00] =	vst v63  }
0x12c: {  	_ = 	snop  }
0x12d: {  	[tilespmem:s22], [sflag:$0x5] =	stream.linear.gather [spmem:s9], $0x4000, $0x38;
	[tilespmem:$0x1EA00] =	vst v63  }
0x12e: {  	_ =	swait.ge [sflag:s17], $0x4000  }
0x12f: {  	[sflag:s17] =	ssyncset.done $0x0  }
0x130: {  	[sflag:s17] =	ssyncadd.s32 $0xFFFFC000  }
0x131: {  	[hbm4b:s13+s4] =	stream.linear.scatter [tilespmem:s22], [sflag:$0x2], $0x4000, $0x38;
	[tilespmem:$0x1EA00] =	vst v63  }
0x132: {  	_ =	swait.ge [sflag:s23], $0x4000  }
0x133: {  	[sflag:s23] =	ssyncset.done $0x0  }
0x134: {  	[sflag:s23] =	ssyncadd.s32 $0xFFFFC000  }
0x135: {  	[tilespmem:s18], [sflag:$0x5] =	stream.linear.gather [spmem:s10], $0x2000, $0x38;
	[tilespmem:$0x1EA00] =	vst v63  }
0x136: {  	_ =	swait.ge [sflag:s17], $0x2000  }
0x137: {  	[sflag:s17] =	ssyncset.done $0x0  }
0x138: {  	s30 =	sadd.s32 $0x1, s30;
	[sflag:s17] =	ssyncadd.s32 $0xFFFFE000  }
0x139: {  	[hbm4b:s14+s4] =	stream.linear.scatter [tilespmem:s18], [sflag:$0x1], $0x2000, $0x38;
	[tilespmem:$0x1EA00] =	vst v63  }
0x13a: {  	p0 =	sne.s32 s30, s15;
	_ =	swait.ge [sflag:s23], $0x2000  }
.Ltmp1:
0x13b: {  	[sflag:s23] =	ssyncset.done $0x0;
	(pc) =	sbr.rel @p0 .LBB2_1-.Ltmp1, $4  }
0x13c: {  	[sflag:s23] =	ssyncadd.s32 $0xFFFFE000  }
0x13d: {  	_ =	swait.ge [sflag:s25], $0x4000  }
0x13e: {  	[sflag:s25] =	ssyncset.done $0x0  }
0x13f: {  	[sflag:s25] =	ssyncadd.s32 $0xFFFFC000  }
0x140: {  	_ =	sfence.sel $0x180000  }
0x141: {  	[bflag:$0x0] =	sbarrier.arrive $0xFFFF  }
0x142: {  	_ =	strace $0x9000004D  }
0x143: {  	s0 =	stileid.u32;
	[bflag:$0x2] =	sbarrier.arrive $0xFFFF  }
0x144: {  	p0 =	sne.s32 s0, $0x0;
	s0 =	rddreg [dreg:$0x4]  }
0x145: {  	s0 =	sadd.s32 @!p0 $0x100000, s0  }
0x146: {  	[sflag:s0] =	ssyncadd.tile.s32 @!p0 $0x1;
	_ =	shalt  }
.Lfunc_end2:
_tile_overlayer_lowered:
.L_overlay_start_2:
0x147: {  	(tag) =	ssettag $0x2  }
0x148: {  	s0 =	rddreg [dreg:$0x0];
	s2 =	stileid.u32  }
0x149: {  	s1 =	rddreg [dreg:$0x1];
	p0 =	sne.s32 s2, $0x0  }
0x14a: {  	s3 =	rddreg [dreg:$0x2];
	[bflag:$0x3] =	sbarrier.arrive $0xFFFF;
	s2 =	simm.s32 @!p0 $0x1C05  }
0x14b: {  	[timem:s3], [sflag:s2] =	dma.local @!p0 [hbm:s0], s1  }
0x14c: {  	s0 =	simm.s32 @!p0 $0x5  }
0x14d: {  	_ =	swait.ge @!p0 [sflag:s0], s1  }
0x14e: {  	s1 =	ssub.s32 @!p0 $0x0, s1;
	[sflag:s0] =	ssyncset.done @!p0 $0x0  }
0x14f: {  	[sflag:s0] =	ssyncadd.s32 @!p0 s1  }
0x150: {  	[bflag:$0x3] =	sbarrier.arrive $0xFFFF  }
0x151: {  	_ =	shalt  }

// kernel: kernel.8.cloned.1.call-start
scs
__scs_entry_jumppad:
0x0: {  	(pc) =	sbr.rel $0x88, $3  }
0x1: {  	(tag) =	ssettag $0x0;
	lr =	simm.s32 $0x1  }
0x2: {  	[smem:$0x3F9B] =	sst lr;
	_ =	strace $0xD0000000  }
0x3: {  	_ = 	snop  }
0x4: {  	_ = 	snop  }
0x5: {  	_ = 	snop  }
0x6: {  	_ = 	snop  }
0x7: {  	_ = 	snop  }
__scs_overlays_trampoline_lowered:
0x8: {  	[smem:$0x3FAA] =	sst s0  }
0x9: {  	[smem:$0x3FAB] =	sst s1  }
0xa: {  	[smem:$0x3FAC] =	sst s2  }
0xb: {  	[smem:$0x3FAD] =	sst s3  }
0xc: {  	[smem:$0x3FAE] =	sst s4  }
0xd: {  	[smem:$0x3FAF] =	sst s5  }
0xe: {  	[smem:$0x3FB0] =	sst s6  }
0xf: {  	[smem:$0x3FB1] =	sst s7  }
0x10: {  	[smem:$0x3FB2] =	sst s8  }
0x11: {  	[smem:$0x3FB3] =	sst s9;
	s0 =	simm.s32 @!p0 $0x0  }
0x12: {  	s1 =	sld [smem:$0x3F99];
	s0 =	simm.s32 @p0 $0x1  }
0x13: {  	[smem:$0x3FB4] =	sst s0;
	s0 =	simm.s32 @!p1 $0x0  }
0x14: {  	s2 =	sld [smem:$0x3F98];
	s0 =	simm.s32 @p1 $0x1  }
0x15: {  	[smem:$0x3FB5] =	sst s0;
	s0 =	simm.s32 @!p2 $0x0  }
0x16: {  	s3 =	sld [smem:$0x3FDB];
	s0 =	simm.s32 @p2 $0x1  }
0x17: {  	s4 =	simm.s32 $0x1BF5;
	[smem:$0x3FB7] =	sst s0  }
0x18: {  	s0 =	sld [smem:$0x3F9A];
	_ =	swait.ge [sflag:s4], $0x0  }
0x19: {  	s7 =	sld [smem:$0x3F9B]  }
0x1a: {  	s8 =	sadd.s32 $0xFFFFE003, lr  }
0x1b: {  	s9 =	sadd.s32 $0xFFFFFEF7, lr;
	s5 =	simm.s32 $0xFFFFFFFF;
	p2 =	slt.u32 s8, $0xFFFFF086  }
0x1c: {  	p1 =	slt.u32 s9, $0xF7A;
	s5 =	simm.s32 @!p2 $0x0  }
0x1d: {  	s5 =	simm.s32 @p1 $0x1;
	p0 =	seq.s32 s7, s2  }
0x1e: {  	s7 =	smul.u32 @!p0 $0xF7A, s2;
	p2 =	seq.s32 @!p0 s5, $0x0  }
0x1f: {  	s9 =	smul.u32 $0xF7A, s1;
	s8 =	simm.s32 @!p0 $0x1BF5;
	p2 =	por !p2, p0  }
0x20: {  	[sflag:s8] =	ssyncset.s32 @!p0 $0xFFFFF086;
	s6 =	sadd.s32 @!p0 s3, s7;
	s7 =	simm.s32 @!p0 $0x108  }
0x21: {  	s3 =	sadd.s32 s3, s9;
	s6 =	sadd.s32 @!p0 $0x88, s6;
	s7 =	simm.s32 @p2 $0x1082  }
0x22: {  	[simem:s7], [sflag:s8] =	dma.local @!p0 [hbm:s6], $0xF7A  }
0x23: {  	s9 =	sor.u32 $0xD0000000, s2;
	s6 =	simm.s32 $0x108;
	_ =	swait.ge @!p0 [sflag:s8], $0x0  }
0x24: {  	s3 =	sadd.s32 $0x88, s3;
	s6 =	simm.s32 @!p1 $0x1082;
	[sflag:s4] =	ssyncset.s32 $0xFFFFF086  }
0x25: {  	[simem:s6], [sflag:s4] =	dma.local [hbm:s3], $0xF7A  }
0x26: {  	[smem:$0x3F9B] =	sst s1;
	(tag) =	ssettag s2;
	_ =	strace s9  }
0x27: {  	s1 =	sld [smem:$0x3FAB]  }
0x28: {  	s2 =	sld [smem:$0x3FAC]  }
0x29: {  	s4 =	sld [smem:$0x3FAE]  }
0x2a: {  	p0 =	seq.s32 s5, $0x0;
	s5 =	sld [smem:$0x3FAF]  }
0x2b: {  	s6 =	sld [smem:$0x3FB0]  }
0x2c: {  	s7 =	sld [smem:$0x3FB1]  }
0x2d: {  	s3 =	simm.s32 $0x108;
	s8 =	sld [smem:$0x3FB2]  }
0x2e: {  	s3 =	simm.s32 @!p0 $0x1082;
	s9 =	sld [smem:$0x3FB3]  }
0x2f: {  	lr =	sadd.s32 s0, s3;
	s0 =	sld [smem:$0x3FAA]  }
0x30: {  	s3 =	sld [smem:$0x3FAD]  }
0x31: {  	[smem:$0x3FB6] =	sst s10  }
0x32: {  	s10 =	sld [smem:$0x3FB4];
	_ =	sdelay $0x3  }
0x33: {  	p0 =	seq.s32 s10, $0x1;
	s10 =	sld [smem:$0x3FB6];
	_ =	sdelay $0x3  }
0x34: {  	[smem:$0x3FB6] =	sst s10  }
0x35: {  	s10 =	sld [smem:$0x3FB5];
	_ =	sdelay $0x3  }
0x36: {  	p1 =	seq.s32 s10, $0x1;
	s10 =	sld [smem:$0x3FB6];
	_ =	sdelay $0x3  }
0x37: {  	[smem:$0x3FB6] =	sst s10  }
0x38: {  	s10 =	sld [smem:$0x3FB7]  }
0x39: {  	_ = 	snop;
	(pc) =	sbr.ind lr, $3  }
0x3a: {  	_ = 	snop  }
0x3b: {  	_ = 	snop  }
0x3c: {  	p2 =	seq.s32 s10, $0x1;
	s10 =	sld [smem:$0x3FB6]  }
0x3d: {  	_ =	shalt  }
0x3e: {  	_ =	shalt  }
0x3f: {  	_ =	shalt  }
0x40: {  	_ =	shalt  }
0x41: {  	_ =	shalt  }
0x42: {  	_ =	shalt  }
0x43: {  	_ =	shalt  }
0x44: {  	_ =	shalt  }
0x45: {  	_ =	shalt  }
0x46: {  	_ =	shalt  }
0x47: {  	_ =	shalt  }
0x48: {  	_ =	shalt  }
0x49: {  	_ =	shalt  }
0x4a: {  	_ =	shalt  }
0x4b: {  	_ =	shalt  }
0x4c: {  	_ =	shalt  }
0x4d: {  	_ =	shalt  }
0x4e: {  	_ =	shalt  }
0x4f: {  	_ =	shalt  }
0x50: {  	_ =	shalt  }
0x51: {  	_ =	shalt  }
0x52: {  	_ =	shalt  }
0x53: {  	_ =	shalt  }
0x54: {  	_ =	shalt  }
0x55: {  	_ =	shalt  }
0x56: {  	_ =	shalt  }
0x57: {  	_ =	shalt  }
0x58: {  	_ =	shalt  }
0x59: {  	_ =	shalt  }
0x5a: {  	_ =	shalt  }
0x5b: {  	_ =	shalt  }
0x5c: {  	_ =	shalt  }
0x5d: {  	_ =	shalt  }
0x5e: {  	_ =	shalt  }
0x5f: {  	_ =	shalt  }
0x60: {  	_ =	shalt  }
0x61: {  	_ =	shalt  }
0x62: {  	_ =	shalt  }
0x63: {  	_ =	shalt  }
0x64: {  	_ =	shalt  }
0x65: {  	_ =	shalt  }
0x66: {  	_ =	shalt  }
0x67: {  	_ =	shalt  }
0x68: {  	_ =	shalt  }
0x69: {  	_ =	shalt  }
0x6a: {  	_ =	shalt  }
0x6b: {  	_ =	shalt  }
0x6c: {  	_ =	shalt  }
0x6d: {  	_ =	shalt  }
0x6e: {  	_ =	shalt  }
0x6f: {  	_ =	shalt  }
0x70: {  	_ =	shalt  }
0x71: {  	_ =	shalt  }
0x72: {  	_ =	shalt  }
0x73: {  	_ =	shalt  }
0x74: {  	_ =	shalt  }
0x75: {  	_ =	shalt  }
0x76: {  	_ =	shalt  }
0x77: {  	_ =	shalt  }
0x78: {  	_ =	shalt  }
0x79: {  	_ =	shalt  }
0x7a: {  	_ =	shalt  }
0x7b: {  	_ =	shalt  }
0x7c: {  	_ =	shalt  }
0x7d: {  	_ =	shalt  }
0x7e: {  	_ =	shalt  }
0x7f: {  	_ =	shalt  }
0x80: {  	_ =	shalt  }
0x81: {  	_ =	shalt  }
0x82: {  	_ =	shalt  }
0x83: {  	_ =	shalt  }
0x84: {  	_ =	shalt  }
0x85: {  	_ =	shalt  }
0x86: {  	_ =	shalt  }
0x87: {  	_ =	shalt  }
.Lfunc_end0:
.L_simem_size_0:
called_computation_lowered:
.L_overlay_start_0:
0x88: {  	s2 =	sld [smem:$0x3FD9]  }
0x89: {  	s3 =	sld [smem:$0x3FFE];
	_ =	sdelay $0x1  }
0x8a: {  	s1 =	srdreg.scid  }
0x8b: {  	s0 =	sand.u32 $0x1, s1  }
0x8c: {  	s17 =	sshll.u32 s0, $0xA;
	s2 =	sadd.s32 s3, s2  }
0x8d: {  	s2 =	sadd.s32 s2, s17  }
0x8e: {  	[smem:$0x3FC2] =	sst s2  }
0x8f: {  	_ = 	snop  }
0x90: {  	s2 =	sld [smem:$0x3FD0];
	(tm) =	ssettm $0x1  }
0x91: {  	s18 =	sld [smem:$0x3FFB];
	_ =	sdelay $0x3  }
0x92: {  	_ =	strace s18  }
0x93: {  	s3 =	sld [smem:$0x3FFC];
	_ =	sdelay $0x3  }
0x94: {  	_ =	strace s3  }
0x95: {  	s3 =	sld [smem:$0x3FFD];
	_ =	sdelay $0x3  }
0x96: {  	_ =	strace s3  }
0x97: {  	_ =	strace $0x8FFFFFFF  }
0x98: {  	s19 =	sld [smem:$0x3FDB];
	_ =	sdelay $0x1  }
0x99: {  	s4 =	simm.s32 $_scs_section_size  }
0x9a: {  	s5 =	simm.s32 $_size__tile_overlayer_lowered;
	s6 =	simm.s32 $_tile_overlayer_lowered  }
0x9b: {  	s22 =	simm.s32 $0x1BFF;
	s21 =	sshll.u32 s6, $0x1;
	s3 =	sadd.s32 s4, s19  }
0x9c: {  	s7 =	simm.s32 $0x0;
	s20 =	sshll.u32 s5, $0x1;
	s5 =	sadd.s32 s21, s3  }
0x9d: {  	[timem:s7], [sflag:s22] =	dma.local [hbm:s5], s20  }
0x9e: {  	_ =	swait.ge [sflag:s22], s20  }
0x9f: {  	s4 =	ssub.s32 $0x0, s20;
	[sflag:s22] =	ssyncset.done $0x0  }
0xa0: {  	[sflag:s22] =	ssyncadd.s32 s4;
	_ =	sdelay $0x1  }
0xa1: {  	s23 =	simm.s32 $0x1B8B  }
0xa2: {  	_ =	swait.ge [sflag:s23], $0x1  }
0xa3: {  	[sflag:s23] =	ssyncset.done $0x0  }
0xa4: {  	s25 =	simm.s32 $0x1B8E;
	s24 =	sld [smem:$0x3FFE];
	[sflag:s23] =	ssyncadd.s32 $0xFFFFFFFF  }
0xa5: {  	s26 =	simm.s32 $execute0_lowered;
	[smem:$0x3FD2] =	sst s25  }
0xa6: {  	s5 =	sshll.u32 s26, $0x1;
	_ =	strace $0x80000046;
	[dreg:$0x1] =	wrdreg $0xFFFFFFFF  }
0xa7: {  	s28 =	simm.s32 $_size_execute0_lowered;
	s3 =	sadd.s32 s3, s5;
	[dreg:$0x0] =	wrdreg $0x0  }
0xa8: {  	s5 =	sshll.u32 s28, $0x1;
	[dreg:$0x2] =	wrdreg s3  }
0xa9: {  	[dreg:$0x3] =	wrdreg s5  }
0xaa: {  	[dreg:$0x4] =	wrdreg $0xC0  }
0xab: {  	_ =	task [dreg:s7], $0x5FFFF  }
0xac: {  	[dreg:$0x1] =	wrdreg $0xFFFFFFFF  }
0xad: {  	[dreg:$0x0] =	wrdreg $0x60  }
0xae: {  	[dreg:$0x2] =	wrdreg s24  }
0xaf: {  	[dreg:$0x3] =	wrdreg s2  }
0xb0: {  	[dreg:$0x4] =	wrdreg $0x44000  }
0xb1: {  	[dreg:$0x5] =	wrdreg $0x9  }
0xb2: {  	_ =	task.clear_ibuf [dreg:s7], $0x6FFFF;
	_ =	strace $0x90000046  }
0xb3: {  	s29 =	simm.s32 $0x9;
	_ =	strace $0x80000048  }
0xb4: {  	_ =	swait.ge [sflag:s29], $0x1  }
0xb5: {  	[sflag:s29] =	ssyncadd.s32 $0xFFFFFFFF  }
0xb6: {  	_ =	strace $0x90000048  }
0xb7: {  	_ =	sfence  }
0xb8: {  	s30 =	sld [smem:$0x0];
	_ =	sdelay $0x2  }
0xb9: {  	s31 =	sshll.u32 s1, $0xD;
	s1 =	sshrl.u32 s1, $0x2  }
0xba: {  	s3 =	sand.u32 $0x4000, s31;
	s1 =	sadd.s32 s1, s30  }
0xbb: {  	s0 =	sor.u32 s3, s0;
	s1 =	sshll.u32 s1, $0x11  }
0xbc: {  	s0 =	sor.u32 s1, s0  }
0xbd: {  	s0 =	sadd.s32 $0x8F2B, s0  }
0xbe: {  	[sflag:s0] =	ssyncadd.remote.s32 $0x1  }
0xbf: {  	_ =	sfence.sel $0xFFFF  }
0xc0: {  	[dreg:$0x0] =	wrdreg $0xFFFFFFFF;
	(pc) =	sbr.abs _section_cstart, $3  }
0xc1: {  	[dreg:$0x1] =	wrdreg $0xFFFFFFFF  }
0xc2: {  	_ =	task.clear_ibuf [dreg:s7], $0x2FFFF;
	_ =	strace $0x9FFFFFFF  }
0xc3: {  	(tm) =	ssettm $0x7FFFFFFF  }
tec
execute0_lowered:
.L_overlay_start_1:
0x0: {  	(tag) =	ssettag $0x1  }
0x1: {  	s1 =	srdreg.scid;
	s5 =	rddreg [dreg:$0x0]  }
0x2: {  	s0 =	stileid.u32;
	s7 =	rddreg [dreg:$0x1]  }
0x3: {  	s2 =	rddreg [dreg:$0x2];
	s3 =	simm.s32 $0x0;
	s13 =	simm.s32 $0x80  }
0x4: {  	s14 =	simm.s32 $0x2800;
	s15 =	simm.s32 $0x2880;
	s16 =	simm.s32 $0x2900  }
0x5: {  	s17 =	simm.s32 $0x2980;
	s18 =	simm.s32 $0x2A00;
	s19 =	simm.s32 $0x2A80  }
0x6: {  	s20 =	simm.s32 $0x2B00;
	s21 =	simm.s32 $0x2B80;
	s22 =	simm.s32 $0x1  }
0x7: {  	s6 =	sand.u32 $0x1, s1;
	s31 =	sshll.u32 s0, $0x1;
	s8 =	smul.u32 $0x1400, s0  }
0x8: {  	s23 =	simm.s32 $0x0;
	s1 =	sor.u32 s6, s31;
	s9 =	smul.u32 $0x14000, s6  }
0x9: {  	[smem:$0x7FF] =	sst s3;
	s6 =	ssub.s32 $0x2, s6;
	s4 =	smul.u32 $0x500, s1  }
0xa: {  	s1 =	rddreg [dreg:$0x3];
	_ =	strace $0x80000047;
	s11 =	sshrl.u32 s6, $0x1  }
0xb: {  	s12 =	sshrl.u32 s8, $0x3;
	s9 =	sadd.s32 s8, s9;
	s11 =	ssub.s32 s6, s11  }
0xc: {  	s6 =	sadd.s32 s8, s2;
	s10 =	sadd.s32 s4, s5;
	s9 =	sshrl.u32 s9, $0x3  }
0xd: {  	s4 =	sadd.s32 $0x1C00, s5;
	s9 =	sadd.s32 s9, s5;
	s5 =	sadd.s32 s7, s12  }
0xe: {  	s7 =	sadd.s32 $0x1E00, s10;
	s10 =	simm.s32 $0x3000;
	s12 =	simm.s32 $0x2C00  }
0xf: {  	s8 =	sadd.s32 $0xBE00, s9;
	s9 =	smax.u32 s11, $0x1;
	s11 =	simm.s32 $0x2  }
.LBB2_1:
0x10: {  	[tilespmem:s10], [sflag:$0x2] =	stream.linear.gather [hbm4b:s5+s3], $0x1400, $0x38;
	[tilespmem:$0x5800] =	vst v63  }
0x11: {  	_ =	swait.ge [sflag:s11], $0x1400  }
0x12: {  	[sflag:s11] =	ssyncset.done $0x0  }
0x13: {  	[sflag:s11] =	ssyncadd.s32 $0xFFFFEC00  }
0x14: {  	[spmem:s6] =	stream.linear.scatter [tilespmem:s10], [sflag:$0x2], $0x1400, $0x38;
	[tilespmem:$0x5800] =	vst v63  }
0x15: {  	_ =	swait.ge [sflag:s11], $0x1400  }
0x16: {  	[sflag:s11] =	ssyncset.done $0x0  }
0x17: {  	[sflag:s11] =	ssyncadd.s32 $0xFFFFEC00  }
0x18: {  	[tilespmem:s3], [sflag:$0x2] =	stream.linear.gather [hbm4b:s7+s3], $0x2800, $0x38;
	[tilespmem:$0x5800] =	vst v63  }
0x19: {  	_ =	swait.ge [sflag:s11], $0x2800  }
0x1a: {  	[sflag:s11] =	ssyncset.done $0x0  }
0x1b: {  	[sflag:s11] =	ssyncadd.s32 $0xFFFFD800  }
0x1c: {  	[tilespmem:s12], [sflag:$0x2] =	stream.linear.gather [hbm4b:s4+s3], $0x400, $0x38;
	[tilespmem:$0x5800] =	vst v63  }
0x1d: {  	_ =	swait.ge [sflag:s11], $0x400  }
0x1e: {  	[sflag:s11] =	ssyncset.done $0x0  }
0x1f: {  	[sflag:s11] =	ssyncadd.s32 $0xFFFFFC00  }
0x20: {  	s24 =	simm.s32 $0x0;
	[bflag:$0x0] =	sbarrier.arrive $0xFFFF  }
.LBB2_2:
0x21: {  	s25 =	sshra.s32 s24, $0x2  }
0x22: {  	v0 =	vld [tilespmem:s25+$0x0];
	_ =	sdelay $0x4  }
0x23: {  	v0 =	vshra.s32 v0, $0x10  }
0x24: {  	[tilespmem:$0x2800] =	vst v0  }
0x25: {  	v0 =	vld [tilespmem:s25+$0x10];
	_ =	sdelay $0x4  }
0x26: {  	v0 =	vshra.s32 v0, $0x10  }
0x27: {  	[tilespmem:$0x2810] =	vst v0  }
0x28: {  	v0 =	vld [tilespmem:s25+$0x20];
	_ =	sdelay $0x4  }
0x29: {  	v0 =	vshra.s32 v0, $0x10  }
0x2a: {  	[tilespmem:$0x2820] =	vst v0  }
0x2b: {  	v0 =	vld [tilespmem:s25+$0x30];
	_ =	sdelay $0x4  }
0x2c: {  	v0 =	vshra.s32 v0, $0x10  }
0x2d: {  	[tilespmem:$0x2830] =	vst v0  }
0x2e: {  	v0 =	vld [tilespmem:s25+$0x40];
	_ =	sdelay $0x4  }
0x2f: {  	v0 =	vshra.s32 v0, $0x10  }
0x30: {  	[tilespmem:$0x2840] =	vst v0  }
0x31: {  	v0 =	vld [tilespmem:s25+$0x50];
	_ =	sdelay $0x4  }
0x32: {  	v0 =	vshra.s32 v0, $0x10  }
0x33: {  	[tilespmem:$0x2850] =	vst v0  }
0x34: {  	v0 =	vld [tilespmem:s25+$0x60];
	_ =	sdelay $0x4  }
0x35: {  	v0 =	vshra.s32 v0, $0x10  }
0x36: {  	[tilespmem:$0x2860] =	vst v0  }
0x37: {  	v0 =	vld [tilespmem:s25+$0x70];
	_ =	sdelay $0x4  }
0x38: {  	v0 =	vshra.s32 v0, $0x10  }
0x39: {  	[tilespmem:$0x2870] =	vst v0  }
0x3a: {  	[spmem:s2] =	stream.indirect.scatter.add.f32 [tilespmem:s12], [sflag:$0x1], $0x8, s14, s13, $0xb8;
	[tilespmem:$0x5800] =	vst v63  }
0x3b: {  	v0 =	vld [tilespmem:s25+$0x80];
	_ =	sdelay $0x4  }
0x3c: {  	v0 =	vshra.s32 v0, $0x10  }
0x3d: {  	[tilespmem:$0x2880] =	vst v0  }
0x3e: {  	v0 =	vld [tilespmem:s25+$0x90];
	_ =	sdelay $0x4  }
0x3f: {  	v0 =	vshra.s32 v0, $0x10  }
0x40: {  	[tilespmem:$0x2890] =	vst v0  }
0x41: {  	v0 =	vld [tilespmem:s25+$0xA0];
	_ =	sdelay $0x4  }
0x42: {  	v0 =	vshra.s32 v0, $0x10  }
0x43: {  	[tilespmem:$0x28A0] =	vst v0  }
0x44: {  	v0 =	vld [tilespmem:s25+$0xB0];
	_ =	sdelay $0x4  }
0x45: {  	v0 =	vshra.s32 v0, $0x10  }
0x46: {  	[tilespmem:$0x28B0] =	vst v0  }
0x47: {  	v0 =	vld [tilespmem:s25+$0xC0];
	_ =	sdelay $0x4  }
0x48: {  	v0 =	vshra.s32 v0, $0x10  }
0x49: {  	[tilespmem:$0x28C0] =	vst v0  }
0x4a: {  	v0 =	vld [tilespmem:s25+$0xD0];
	_ =	sdelay $0x4  }
0x4b: {  	v0 =	vshra.s32 v0, $0x10  }
0x4c: {  	[tilespmem:$0x28D0] =	vst v0  }
0x4d: {  	v0 =	vld [tilespmem:s25+$0xE0];
	_ =	sdelay $0x4  }
0x4e: {  	v0 =	vshra.s32 v0, $0x10  }
0x4f: {  	[tilespmem:$0x28E0] =	vst v0  }
0x50: {  	v0 =	vld [tilespmem:s25+$0xF0];
	_ =	sdelay $0x4  }
0x51: {  	v0 =	vshra.s32 v0, $0x10  }
0x52: {  	[tilespmem:$0x28F0] =	vst v0  }
0x53: {  	[spmem:s2] =	stream.indirect.scatter.add.f32 [tilespmem:s12], [sflag:$0x1], $0x8, s15, s13, $0xb8;
	[tilespmem:$0x5800] =	vst v63  }
0x54: {  	v0 =	vld [tilespmem:s25+$0x100];
	_ =	sdelay $0x4  }
0x55: {  	v0 =	vshra.s32 v0, $0x10  }
0x56: {  	[tilespmem:$0x2900] =	vst v0  }
0x57: {  	v0 =	vld [tilespmem:s25+$0x110];
	_ =	sdelay $0x4  }
0x58: {  	v0 =	vshra.s32 v0, $0x10  }
0x59: {  	[tilespmem:$0x2910] =	vst v0  }
0x5a: {  	v0 =	vld [tilespmem:s25+$0x120];
	_ =	sdelay $0x4  }
0x5b: {  	v0 =	vshra.s32 v0, $0x10  }
0x5c: {  	[tilespmem:$0x2920] =	vst v0  }
0x5d: {  	v0 =	vld [tilespmem:s25+$0x130];
	_ =	sdelay $0x4  }
0x5e: {  	v0 =	vshra.s32 v0, $0x10  }
0x5f: {  	[tilespmem:$0x2930] =	vst v0  }
0x60: {  	v0 =	vld [tilespmem:s25+$0x140];
	_ =	sdelay $0x4  }
0x61: {  	v0 =	vshra.s32 v0, $0x10  }
0x62: {  	[tilespmem:$0x2940] =	vst v0  }
0x63: {  	v0 =	vld [tilespmem:s25+$0x150];
	_ =	sdelay $0x4  }
0x64: {  	v0 =	vshra.s32 v0, $0x10  }
0x65: {  	[tilespmem:$0x2950] =	vst v0  }
0x66: {  	v0 =	vld [tilespmem:s25+$0x160];
	_ =	sdelay $0x4  }
0x67: {  	v0 =	vshra.s32 v0, $0x10  }
0x68: {  	[tilespmem:$0x2960] =	vst v0  }
0x69: {  	v0 =	vld [tilespmem:s25+$0x170];
	_ =	sdelay $0x4  }
0x6a: {  	v0 =	vshra.s32 v0, $0x10  }
0x6b: {  	[tilespmem:$0x2970] =	vst v0  }
0x6c: {  	[spmem:s2] =	stream.indirect.scatter.add.f32 [tilespmem:s12], [sflag:$0x1], $0x8, s16, s13, $0xb8;
	[tilespmem:$0x5800] =	vst v63  }
0x6d: {  	v0 =	vld [tilespmem:s25+$0x180];
	_ =	sdelay $0x4  }
0x6e: {  	v0 =	vshra.s32 v0, $0x10  }
0x6f: {  	[tilespmem:$0x2980] =	vst v0  }
0x70: {  	v0 =	vld [tilespmem:s25+$0x190];
	_ =	sdelay $0x4  }
0x71: {  	v0 =	vshra.s32 v0, $0x10  }
0x72: {  	[tilespmem:$0x2990] =	vst v0  }
0x73: {  	v0 =	vld [tilespmem:s25+$0x1A0];
	_ =	sdelay $0x4  }
0x74: {  	v0 =	vshra.s32 v0, $0x10  }
0x75: {  	[tilespmem:$0x29A0] =	vst v0  }
0x76: {  	v0 =	vld [tilespmem:s25+$0x1B0];
	_ =	sdelay $0x4  }
0x77: {  	v0 =	vshra.s32 v0, $0x10  }
0x78: {  	[tilespmem:$0x29B0] =	vst v0  }
0x79: {  	v0 =	vld [tilespmem:s25+$0x1C0];
	_ =	sdelay $0x4  }
0x7a: {  	v0 =	vshra.s32 v0, $0x10  }
0x7b: {  	[tilespmem:$0x29C0] =	vst v0  }
0x7c: {  	v0 =	vld [tilespmem:s25+$0x1D0];
	_ =	sdelay $0x4  }
0x7d: {  	v0 =	vshra.s32 v0, $0x10  }
0x7e: {  	[tilespmem:$0x29D0] =	vst v0  }
0x7f: {  	v0 =	vld [tilespmem:s25+$0x1E0];
	_ =	sdelay $0x4  }
0x80: {  	v0 =	vshra.s32 v0, $0x10  }
0x81: {  	[tilespmem:$0x29E0] =	vst v0  }
0x82: {  	v0 =	vld [tilespmem:s25+$0x1F0];
	_ =	sdelay $0x4  }
0x83: {  	v0 =	vshra.s32 v0, $0x10  }
0x84: {  	[tilespmem:$0x29F0] =	vst v0  }
0x85: {  	[spmem:s2] =	stream.indirect.scatter.add.f32 [tilespmem:s12], [sflag:$0x1], $0x8, s17, s13, $0xb8;
	[tilespmem:$0x5800] =	vst v63  }
0x86: {  	v0 =	vld [tilespmem:s25+$0x200];
	_ =	sdelay $0x4  }
0x87: {  	v0 =	vshra.s32 v0, $0x10  }
0x88: {  	[tilespmem:$0x2A00] =	vst v0  }
0x89: {  	v0 =	vld [tilespmem:s25+$0x210];
	_ =	sdelay $0x4  }
0x8a: {  	v0 =	vshra.s32 v0, $0x10  }
0x8b: {  	[tilespmem:$0x2A10] =	vst v0  }
0x8c: {  	v0 =	vld [tilespmem:s25+$0x220];
	_ =	sdelay $0x4  }
0x8d: {  	v0 =	vshra.s32 v0, $0x10  }
0x8e: {  	[tilespmem:$0x2A20] =	vst v0  }
0x8f: {  	v0 =	vld [tilespmem:s25+$0x230];
	_ =	sdelay $0x4  }
0x90: {  	v0 =	vshra.s32 v0, $0x10  }
0x91: {  	[tilespmem:$0x2A30] =	vst v0  }
0x92: {  	v0 =	vld [tilespmem:s25+$0x240];
	_ =	sdelay $0x4  }
0x93: {  	v0 =	vshra.s32 v0, $0x10  }
0x94: {  	[tilespmem:$0x2A40] =	vst v0  }
0x95: {  	v0 =	vld [tilespmem:s25+$0x250];
	_ =	sdelay $0x4  }
0x96: {  	v0 =	vshra.s32 v0, $0x10  }
0x97: {  	[tilespmem:$0x2A50] =	vst v0  }
0x98: {  	v0 =	vld [tilespmem:s25+$0x260];
	_ =	sdelay $0x4  }
0x99: {  	v0 =	vshra.s32 v0, $0x10  }
0x9a: {  	[tilespmem:$0x2A60] =	vst v0  }
0x9b: {  	v0 =	vld [tilespmem:s25+$0x270];
	_ =	sdelay $0x4  }
0x9c: {  	v0 =	vshra.s32 v0, $0x10  }
0x9d: {  	[tilespmem:$0x2A70] =	vst v0  }
0x9e: {  	[spmem:s2] =	stream.indirect.scatter.add.f32 [tilespmem:s12], [sflag:$0x1], $0x8, s18, s13, $0xb8;
	[tilespmem:$0x5800] =	vst v63  }
0x9f: {  	v0 =	vld [tilespmem:s25+$0x280];
	_ =	sdelay $0x4  }
0xa0: {  	v0 =	vshra.s32 v0, $0x10  }
0xa1: {  	[tilespmem:$0x2A80] =	vst v0  }
0xa2: {  	v0 =	vld [tilespmem:s25+$0x290];
	_ =	sdelay $0x4  }
0xa3: {  	v0 =	vshra.s32 v0, $0x10  }
0xa4: {  	[tilespmem:$0x2A90] =	vst v0  }
0xa5: {  	v0 =	vld [tilespmem:s25+$0x2A0];
	_ =	sdelay $0x4  }
0xa6: {  	v0 =	vshra.s32 v0, $0x10  }
0xa7: {  	[tilespmem:$0x2AA0] =	vst v0  }
0xa8: {  	v0 =	vld [tilespmem:s25+$0x2B0];
	_ =	sdelay $0x4  }
0xa9: {  	v0 =	vshra.s32 v0, $0x10  }
0xaa: {  	[tilespmem:$0x2AB0] =	vst v0  }
0xab: {  	v0 =	vld [tilespmem:s25+$0x2C0];
	_ =	sdelay $0x4  }
0xac: {  	v0 =	vshra.s32 v0, $0x10  }
0xad: {  	[tilespmem:$0x2AC0] =	vst v0  }
0xae: {  	v0 =	vld [tilespmem:s25+$0x2D0];
	_ =	sdelay $0x4  }
0xaf: {  	v0 =	vshra.s32 v0, $0x10  }
0xb0: {  	[tilespmem:$0x2AD0] =	vst v0  }
0xb1: {  	v0 =	vld [tilespmem:s25+$0x2E0];
	_ =	sdelay $0x4  }
0xb2: {  	v0 =	vshra.s32 v0, $0x10  }
0xb3: {  	[tilespmem:$0x2AE0] =	vst v0  }
0xb4: {  	v0 =	vld [tilespmem:s25+$0x2F0];
	_ =	sdelay $0x4  }
0xb5: {  	v0 =	vshra.s32 v0, $0x10  }
0xb6: {  	[tilespmem:$0x2AF0] =	vst v0  }
0xb7: {  	[spmem:s2] =	stream.indirect.scatter.add.f32 [tilespmem:s12], [sflag:$0x1], $0x8, s19, s13, $0xb8;
	[tilespmem:$0x5800] =	vst v63  }
0xb8: {  	v0 =	vld [tilespmem:s25+$0x300];
	_ =	sdelay $0x4  }
0xb9: {  	v0 =	vshra.s32 v0, $0x10  }
0xba: {  	[tilespmem:$0x2B00] =	vst v0  }
0xbb: {  	v0 =	vld [tilespmem:s25+$0x310];
	_ =	sdelay $0x4  }
0xbc: {  	v0 =	vshra.s32 v0, $0x10  }
0xbd: {  	[tilespmem:$0x2B10] =	vst v0  }
0xbe: {  	v0 =	vld [tilespmem:s25+$0x320];
	_ =	sdelay $0x4  }
0xbf: {  	v0 =	vshra.s32 v0, $0x10  }
0xc0: {  	[tilespmem:$0x2B20] =	vst v0  }
0xc1: {  	v0 =	vld [tilespmem:s25+$0x330];
	_ =	sdelay $0x4  }
0xc2: {  	v0 =	vshra.s32 v0, $0x10  }
0xc3: {  	[tilespmem:$0x2B30] =	vst v0  }
0xc4: {  	v0 =	vld [tilespmem:s25+$0x340];
	_ =	sdelay $0x4  }
0xc5: {  	v0 =	vshra.s32 v0, $0x10  }
0xc6: {  	[tilespmem:$0x2B40] =	vst v0  }
0xc7: {  	v0 =	vld [tilespmem:s25+$0x350];
	_ =	sdelay $0x4  }
0xc8: {  	v0 =	vshra.s32 v0, $0x10  }
0xc9: {  	[tilespmem:$0x2B50] =	vst v0  }
0xca: {  	v0 =	vld [tilespmem:s25+$0x360];
	_ =	sdelay $0x4  }
0xcb: {  	v0 =	vshra.s32 v0, $0x10  }
0xcc: {  	[tilespmem:$0x2B60] =	vst v0  }
0xcd: {  	v0 =	vld [tilespmem:s25+$0x370];
	_ =	sdelay $0x4  }
0xce: {  	v0 =	vshra.s32 v0, $0x10  }
0xcf: {  	[tilespmem:$0x2B70] =	vst v0  }
0xd0: {  	[spmem:s2] =	stream.indirect.scatter.add.f32 [tilespmem:s12], [sflag:$0x1], $0x8, s20, s13, $0xb8;
	[tilespmem:$0x5800] =	vst v63  }
0xd1: {  	v0 =	vld [tilespmem:s25+$0x380];
	_ =	sdelay $0x4  }
0xd2: {  	v0 =	vshra.s32 v0, $0x10  }
0xd3: {  	[tilespmem:$0x2B80] =	vst v0  }
0xd4: {  	v0 =	vld [tilespmem:s25+$0x390];
	_ =	sdelay $0x4  }
0xd5: {  	v0 =	vshra.s32 v0, $0x10  }
0xd6: {  	[tilespmem:$0x2B90] =	vst v0  }
0xd7: {  	v0 =	vld [tilespmem:s25+$0x3A0];
	_ =	sdelay $0x4  }
0xd8: {  	v0 =	vshra.s32 v0, $0x10  }
0xd9: {  	[tilespmem:$0x2BA0] =	vst v0  }
0xda: {  	v0 =	vld [tilespmem:s25+$0x3B0];
	_ =	sdelay $0x4  }
0xdb: {  	v0 =	vshra.s32 v0, $0x10  }
0xdc: {  	[tilespmem:$0x2BB0] =	vst v0  }
0xdd: {  	v0 =	vld [tilespmem:s25+$0x3C0];
	_ =	sdelay $0x4  }
0xde: {  	v0 =	vshra.s32 v0, $0x10  }
0xdf: {  	[tilespmem:$0x2BC0] =	vst v0  }
0xe0: {  	v0 =	vld [tilespmem:s25+$0x3D0];
	_ =	sdelay $0x4  }
0xe1: {  	v0 =	vshra.s32 v0, $0x10  }
0xe2: {  	[tilespmem:$0x2BD0] =	vst v0  }
0xe3: {  	v0 =	vld [tilespmem:s25+$0x3E0];
	_ =	sdelay $0x4  }
0xe4: {  	v0 =	vshra.s32 v0, $0x10  }
0xe5: {  	[tilespmem:$0x2BE0] =	vst v0  }
0xe6: {  	v0 =	vld [tilespmem:s25+$0x3F0];
	_ =	sdelay $0x4  }
0xe7: {  	v0 =	vshra.s32 v0, $0x10  }
0xe8: {  	[tilespmem:$0x2BF0] =	vst v0  }
0xe9: {  	[spmem:s2] =	stream.indirect.scatter.add.f32 [tilespmem:s12], [sflag:$0x1], $0x8, s21, s13, $0xb8;
	[tilespmem:$0x5800] =	vst v63  }
0xea: {  	_ =	swait.ge [sflag:s22], $0x400  }
0xeb: {  	[sflag:s22] =	ssyncset.done $0x0  }
0xec: {  	[sflag:s22] =	ssyncadd.s32 $0xFFFFFC00  }
0xed: {  	_ =	swait.ge [sflag:s22], $0x400  }
0xee: {  	[sflag:s22] =	ssyncset.done $0x0  }
0xef: {  	[sflag:s22] =	ssyncadd.s32 $0xFFFFFC00  }
0xf0: {  	_ =	swait.ge [sflag:s22], $0x400  }
0xf1: {  	[sflag:s22] =	ssyncset.done $0x0  }
0xf2: {  	[sflag:s22] =	ssyncadd.s32 $0xFFFFFC00  }
0xf3: {  	_ =	swait.ge [sflag:s22], $0x400  }
0xf4: {  	[sflag:s22] =	ssyncset.done $0x0  }
0xf5: {  	[sflag:s22] =	ssyncadd.s32 $0xFFFFFC00  }
0xf6: {  	_ =	swait.ge [sflag:s22], $0x400  }
0xf7: {  	[sflag:s22] =	ssyncset.done $0x0  }
0xf8: {  	[sflag:s22] =	ssyncadd.s32 $0xFFFFFC00  }
0xf9: {  	_ =	swait.ge [sflag:s22], $0x400  }
0xfa: {  	[sflag:s22] =	ssyncset.done $0x0  }
0xfb: {  	[sflag:s22] =	ssyncadd.s32 $0xFFFFFC00  }
0xfc: {  	p0 =	sne.s32 s24, $0x9000;
	_ =	swait.ge [sflag:s22], $0x400  }
.Ltmp0:
0xfd: {  	[sflag:s22] =	ssyncset.done $0x0;
	(pc) =	sbr.rel @p0 .LBB2_2-.Ltmp0, $4  }
0xfe: {  	[sflag:s22] =	ssyncadd.s32 $0xFFFFFC00  }
0xff: {  	_ =	swait.ge [sflag:s22], $0x400  }
0x100: {  	[sflag:s22] =	ssyncset.done $0x0  }
0x101: {  	s24 =	sadd.s32 $0x1000, s24;
	[sflag:s22] =	ssyncadd.s32 $0xFFFFFC00  }
0x102: {  	[bflag:$0x0] =	sbarrier.arrive $0xFFFF  }
0x103: {  	[tilespmem:s10], [sflag:$0x2] =	stream.linear.gather [spmem:s6], $0x1400, $0x38;
	[tilespmem:$0x5800] =	vst v63  }
0x104: {  	s23 =	sadd.s32 $0x1, s23;
	_ =	swait.ge [sflag:s11], $0x1400  }
0x105: {  	p0 =	sne.s32 s23, s9;
	[sflag:s11] =	ssyncset.done $0x0  }
.Ltmp1:
0x106: {  	[sflag:s11] =	ssyncadd.s32 $0xFFFFEC00;
	(pc) =	sbr.rel @p0 .LBB2_1-.Ltmp1, $4  }
0x107: {  	[hbm4b:s8+s3] =	stream.linear.scatter [tilespmem:s10], [sflag:$0x2], $0x1400, $0x38;
	[tilespmem:$0x5800] =	vst v63  }
0x108: {  	_ =	swait.ge [sflag:s11], $0x1400  }
0x109: {  	[sflag:s11] =	ssyncset.done $0x0  }
0x10a: {  	[sflag:s11] =	ssyncadd.s32 $0xFFFFEC00  }
0x10b: {  	_ =	sfence.sel $0x180000  }
0x10c: {  	[bflag:$0x0] =	sbarrier.arrive $0xFFFF  }
0x10d: {  	p0 =	sne.s32 s0, $0x0;
	_ =	strace $0x90000047  }
0x10e: {  	s0 =	sadd.s32 @!p0 $0x100000, s1;
	[bflag:$0x2] =	sbarrier.arrive $0xFFFF  }
0x10f: {  	[sflag:s0] =	ssyncadd.tile.s32 @!p0 $0x1;
	_ =	shalt  }
.Lfunc_end2:
_tile_overlayer_lowered:
.L_overlay_start_2:
0x110: {  	(tag) =	ssettag $0x2  }
0x111: {  	s0 =	rddreg [dreg:$0x0];
	s2 =	stileid.u32  }
0x112: {  	s1 =	rddreg [dreg:$0x1];
	p0 =	sne.s32 s2, $0x0  }
0x113: {  	s3 =	rddreg [dreg:$0x2];
	[bflag:$0x3] =	sbarrier.arrive $0xFFFF;
	s2 =	simm.s32 @!p0 $0x1C02  }
0x114: {  	[timem:s3], [sflag:s2] =	dma.local @!p0 [hbm:s0], s1  }
0x115: {  	s0 =	simm.s32 @!p0 $0x2  }
0x116: {  	_ =	swait.ge @!p0 [sflag:s0], s1  }
0x117: {  	s1 =	ssub.s32 @!p0 $0x0, s1;
	[sflag:s0] =	ssyncset.done @!p0 $0x0  }
0x118: {  	[sflag:s0] =	ssyncadd.s32 @!p0 s1  }
0x119: {  	[bflag:$0x3] =	sbarrier.arrive $0xFFFF  }
0x11a: {  	_ =	shalt  }

</sc_bundles>
